<compile_context>
chip_gen: v7x
topology: tpu7x:2x2x1
jax: 0.10.2.dev20260603
libtpu: 0.0.44.dev20260713+nightly
codegen_flags: <defaults>
</compile_context>

<pallas_src>
import functools

import jax
import jax.numpy as jnp
from jax import lax
from jax.experimental import pallas as pl
from jax.experimental.pallas import tpu as pltpu
from jax.experimental.pallas import tpu_sc as plsc

COORD_DIM = 3
NUM_FREQ = 32
MAX_POS = 10000.0
RADIUS = 0.08
EMB = 2 * NUM_FREQ * COORD_DIM

NQ = 4096
NY = 10000
NYPAD = 10240
NWORD = 640
NSUMW = 48
D = 128

NSUB = 32
QPER = NQ // NSUB
ECAP = 4096
ETOT = NSUB * ECAP
GCH = 256
EB = 1024
EBLKS = ECAP // EB


def _emb_selector():
    freqs = (1.0 / MAX_POS) ** (jnp.arange(NUM_FREQ, dtype=jnp.float32) / NUM_FREQ)
    col = jnp.arange(EMB)
    c = col // (2 * NUM_FREQ)
    f = (col % (2 * NUM_FREQ)) // 2
    S = (jnp.arange(COORD_DIM)[:, None] == c[None, :]).astype(jnp.float32)
    return S * freqs[f][None, :]


def _sinusoid(P):
    par = lax.broadcasted_iota(jnp.int32, P.shape, 1) % 2
    return jnp.where(par == 0, jnp.sin(P), jnp.cos(P))


def _phases(pb, s_ref):
    return (pb[:, 0:1] * s_ref[0:1, :]
            + pb[:, 1:2] * s_ref[1:2, :]
            + pb[:, 2:3] * s_ref[2:3, :])


def _stage_a_body(x_ref, ypb_ref, m_ref, s_ref, wy_ref, wx_ref, b_ref,
                  ax_ref, ay_ref, bits_ref, ssum_ref):
    emb_y = _sinusoid(_phases(ypb_ref[...], s_ref))
    ay_ref[...] = jnp.dot(emb_y, wy_ref[...], preferred_element_type=jnp.float32)
    xb = x_ref[...]
    emb_x = _sinusoid(_phases(xb, s_ref))
    ax_ref[...] = (jnp.dot(emb_x, wx_ref[...], preferred_element_type=jnp.float32)
                   + b_ref[...])
    m = (m_ref[...] != 0).astype(jnp.float32)
    acc = jnp.zeros((xb.shape[0], NWORD), jnp.float32)
    for k in range(16):
        acc = acc + m[:, k * NWORD:(k + 1) * NWORD] * float(1 << k)
    bits_ref[...] = acc.astype(jnp.int32)
    nzf = jnp.where(acc > 0.0, 1.0, 0.0)
    nzp = jnp.concatenate(
        [nzf, jnp.zeros((nzf.shape[0], NSUMW * 16 - NWORD), jnp.float32)], axis=1)
    sacc = jnp.zeros((nzf.shape[0], NSUMW), jnp.float32)
    for b in range(16):
        sacc = sacc + nzp[:, b * NSUMW:(b + 1) * NSUMW] * float(1 << b)
    ssum_ref[...] = sacc.astype(jnp.int32)


def _stage_a(x, ypad, mask8, S, W0y, W0x, b0):
    xblk = NQ // 8
    yblk = NYPAD // 8
    return pl.pallas_call(
        _stage_a_body,
        grid=(8,),
        in_specs=[
            pl.BlockSpec((xblk, COORD_DIM), lambda i: (i, 0)),
            pl.BlockSpec((yblk, COORD_DIM), lambda i: (i, 0)),
            pl.BlockSpec((xblk, NYPAD), lambda i: (i, 0)),
            pl.BlockSpec((COORD_DIM, EMB), lambda i: (0, 0)),
            pl.BlockSpec((EMB, D), lambda i: (0, 0)),
            pl.BlockSpec((EMB, D), lambda i: (0, 0)),
            pl.BlockSpec((1, D), lambda i: (0, 0)),
        ],
        out_specs=[
            pl.BlockSpec((xblk, D), lambda i: (i, 0)),
            pl.BlockSpec((yblk, D), lambda i: (i, 0)),
            pl.BlockSpec((xblk, NWORD), lambda i: (i, 0)),
            pl.BlockSpec((xblk, NSUMW), lambda i: (i, 0)),
        ],
        out_shape=[
            jax.ShapeDtypeStruct((NQ, D), jnp.float32),
            jax.ShapeDtypeStruct((NYPAD, D), jnp.float32),
            jax.ShapeDtypeStruct((NQ, NWORD), jnp.int32),
            jax.ShapeDtypeStruct((NQ, NSUMW), jnp.int32),
        ],
    )(x, ypad, mask8, S, W0y, W0x, b0.reshape(1, D))


def _sc_compact_gather(bits, ssum, ay, fy):
    mesh = plsc.VectorSubcoreMesh(core_axis_name="c", subcore_axis_name="s")

    @functools.partial(
        pl.kernel,
        out_type=(
            jax.ShapeDtypeStruct((ETOT, D), jnp.float32),
            jax.ShapeDtypeStruct((ETOT, D), jnp.float32),
            jax.ShapeDtypeStruct((ETOT,), jnp.int32),
            jax.ShapeDtypeStruct((NSUB, 16), jnp.int32),
        ),
        mesh=mesh,
        compiler_params=pltpu.CompilerParams(needs_layout_passes=False),
        scratch_types=[
            pltpu.VMEM((32 * NWORD + 16,), jnp.int32),
            pltpu.VMEM((32 * NSUMW + 16,), jnp.int32),
            pltpu.VMEM((ECAP + 128,), jnp.int32),
            pltpu.VMEM((ECAP + 128,), jnp.int32),
            pltpu.VMEM((GCH, D), jnp.float32),
            pltpu.VMEM((GCH, D), jnp.float32),
            pltpu.VMEM((16,), jnp.int32),
            pltpu.SemaphoreType.DMA,
            pltpu.SemaphoreType.DMA,
        ],
    )
    def body(bits_hbm, ssum_hbm, ay_hbm, fy_hbm, gay_hbm, gfy_hbm, dst_hbm,
             cnt_hbm, bits_v, ssum_v, src_v, dst_v, rows_a, rows_b, cnt_v,
             sem_a, sem_b):
        wid = lax.axis_index("s") * 2 + lax.axis_index("c")
        q0 = wid * QPER
        lane = lax.iota(jnp.int32, 16)
        zeros16 = jnp.zeros((16,), jnp.int32)

        def zbody(i, carry):
            src_v[pl.ds(i * 16, 16)] = zeros16
            dst_v[pl.ds(i * 16, 16)] = zeros16
            return carry
        lax.fori_loop(0, (ECAP + 128) // 16, zbody, 0)

        def qchunk(qc, ptr):
            pltpu.sync_copy(bits_hbm.at[pl.ds((q0 + qc * 32) * NWORD, 32 * NWORD)],
                            bits_v.at[pl.ds(0, 32 * NWORD)])
            pltpu.sync_copy(ssum_hbm.at[pl.ds((q0 + qc * 32) * NSUMW, 32 * NSUMW)],
                            ssum_v.at[pl.ds(0, 32 * NSUMW)])

            def per_q(li, ptr):
                base = li * NWORD
                base2 = li * NSUMW
                dvec = jnp.broadcast_to(qc * 32 + li, (16,)).astype(jnp.int32)

                def wstep(c):
                    s_w, ptr, sid = c
                    low = s_w & (-s_w)
                    b = (lax.bitcast_convert_type(low.astype(jnp.float32),
                                                  jnp.int32) >> 23) - 127
                    w_idx = b * NSUMW + sid
                    w = bits_v[pl.ds(base + w_idx, 16)][0]
                    m16 = ((w >> lane) & 1) == 1
                    jv = w_idx + NWORD * lane
                    sp = jnp.minimum(ptr, ECAP)
                    plsc.store_compressed(src_v.at[pl.ds(sp, 16)], jv, mask=m16)
                    plsc.store_compressed(dst_v.at[pl.ds(sp, 16)], dvec, mask=m16)
                    return (s_w & (s_w - 1),
                            ptr + plsc.all_reduce_population_count(m16)[0], sid)

                for g in range(NSUMW // 16):
                    sv = ssum_v[pl.ds(base2 + g * 16, 16)]
                    for kk in range(16):
                        _, ptr, _ = lax.while_loop(
                            lambda c: c[0] != 0, wstep,
                            (sv[kk], ptr, g * 16 + kk))
                return ptr
            return lax.fori_loop(0, 32, per_q, ptr)

        nedge = lax.fori_loop(0, QPER // 32, qchunk, 0)
        nedge = jnp.minimum(nedge, ECAP)

        def chunk(c, carry):
            idx = src_v.at[pl.ds(c * GCH, GCH)]
            off = wid * ECAP + c * GCH
            ga = pltpu.async_copy(ay_hbm.at[idx], rows_a, sem_a)
            gb = pltpu.async_copy(fy_hbm.at[idx], rows_b, sem_b)
            ga.wait()
            pltpu.sync_copy(rows_a, gay_hbm.at[pl.ds(off, GCH)])
            gb.wait()
            pltpu.sync_copy(rows_b, gfy_hbm.at[pl.ds(off, GCH)])
            pltpu.sync_copy(dst_v.at[pl.ds(c * GCH, GCH)],
                            dst_hbm.at[pl.ds(off, GCH)])
            return carry
        nch = (nedge + GCH - 1) // GCH
        lax.fori_loop(0, nch, chunk, 0)

        cnt_v[pl.ds(0, 16)] = jnp.broadcast_to(nedge, (16,)).astype(jnp.int32)
        pltpu.sync_copy(cnt_v, cnt_hbm.at[wid])

    return body(bits, ssum, ay, fy)


def _gelu(h):
    return 0.5 * h * (1.0 + lax.erf(h * 0.7071067811865476))


def _mlp_body(cnt_ref, gay_ref, gfy_ref, dst_ref, ax_ref,
              w1_ref, b1_ref, w2_ref, b2_ref, w3_ref, b3_ref, out_ref):
    s = pl.program_id(0)
    e = pl.program_id(1)
    count = cnt_ref[s]

    @pl.when(e == 0)
    def _():
        out_ref[...] = jnp.zeros_like(out_ref)

    @pl.when(e * EB < count)
    def _():
        dst = dst_ref[...].reshape(1, EB)
        ecol = lax.broadcasted_iota(jnp.int32, (1, EB), 1) + e * EB
        vcol = ecol < count
        dstm = jnp.where(vcol, dst, -1)
        qrow = lax.broadcasted_iota(jnp.int32, (QPER, EB), 0)
        oh = (qrow == dstm).astype(jnp.float32)

        gx = lax.dot_general(oh, ax_ref[...], (((0,), (0,)), ((), ())),
                             preferred_element_type=jnp.float32)
        h = _gelu(gay_ref[...] + gx)
        h = _gelu(jnp.dot(h, w1_ref[...], preferred_element_type=jnp.float32)
                  + b1_ref[...])
        h = _gelu(jnp.dot(h, w2_ref[...], preferred_element_type=jnp.float32)
                  + b2_ref[...])
        k = jnp.dot(h, w3_ref[...], preferred_element_type=jnp.float32) + b3_ref[...]
        k = k * gfy_ref[...]
        vrow = (lax.broadcasted_iota(jnp.int32, (EB, 1), 0) + e * EB) < count
        k = jnp.where(vrow, k, 0.0)
        out_ref[...] += lax.dot_general(oh, k, (((1,), (0,)), ((), ())),
                                        preferred_element_type=jnp.float32)


def _mlp_scatter(counts, gay, gfy, dst3, ax, W1, b1, W2, b2, W3, b3):
    grid_spec = pltpu.PrefetchScalarGridSpec(
        num_scalar_prefetch=1,
        grid=(NSUB, EBLKS),
        in_specs=[
            pl.BlockSpec((EB, D), lambda s, e, c: (s * EBLKS + e, 0)),
            pl.BlockSpec((EB, D), lambda s, e, c: (s * EBLKS + e, 0)),
            pl.BlockSpec((1, 1, EB), lambda s, e, c: (s * EBLKS + e, 0, 0)),
            pl.BlockSpec((QPER, D), lambda s, e, c: (s, 0)),
            pl.BlockSpec((D, 256), lambda s, e, c: (0, 0)),
            pl.BlockSpec((1, 256), lambda s, e, c: (0, 0)),
            pl.BlockSpec((256, D), lambda s, e, c: (0, 0)),
            pl.BlockSpec((1, D), lambda s, e, c: (0, 0)),
            pl.BlockSpec((D, D), lambda s, e, c: (0, 0)),
            pl.BlockSpec((1, D), lambda s, e, c: (0, 0)),
        ],
        out_specs=pl.BlockSpec((QPER, D), lambda s, e, c: (s, 0)),
    )
    return pl.pallas_call(
        _mlp_body,
        grid_spec=grid_spec,
        out_shape=jax.ShapeDtypeStruct((NQ, D), jnp.float32),
        compiler_params=pltpu.CompilerParams(
            dimension_semantics=("parallel", "arbitrary")),
    )(counts, gay, gfy, dst3, ax,
      W1, b1.reshape(1, 256), W2, b2.reshape(1, D), W3, b3.reshape(1, D))


def kernel(y, x, f_y, W0, b0, W1, b1, W2, b2, W3, b3):
    S = _emb_selector()
    W0y = W0[:EMB]
    W0x = W0[EMB:]

    ypad = jnp.concatenate(
        [y, jnp.full((NYPAD - NY, COORD_DIM), 100.0, jnp.float32)], axis=0)
    sq = (jnp.sum(x * x, axis=1)[:, None] + jnp.sum(y * y, axis=1)[None, :]
          - 2.0 * (x @ y.T))
    mask8 = jnp.pad((sq <= RADIUS ** 2).astype(jnp.int8),
                    ((0, 0), (0, NYPAD - NY)))
    ax, ay, bits, ssum = _stage_a(x, ypad, mask8, S, W0y, W0x, b0)

    gay, gfy, dst, counts = _sc_compact_gather(
        bits.reshape(-1), ssum.reshape(-1), ay, f_y)

    dst3 = dst.reshape(ETOT // EB, 1, EB)
    return _mlp_scatter(counts[:, 0], gay, gfy, dst3, ax,
                        W1, b1, W2, b2, W3, b3)

# --- scband reference (transcript-rebuilt; emitter-appended) ---
"""Pipeline reference for scband-gnoblock-4990751998524 (READ-ONLY COPY).

The authoritative reference and input builder live on the scoring server;
editing this copy changes nothing except your own understanding.
"""

import jax, jax.numpy as jnp
import numpy as np

COORD_DIM = 3
NUM_FREQ = 32
MAX_POS = 10000.0
RADIUS = 0.08
IN_CH = 128
OUT_CH = 128
# kernel_in_dim = 2 * pos_embedding.out_channels = 2 * (coord_dim * num_freq * 2) = 384
LAYERS = [2 * COORD_DIM * NUM_FREQ * 2, 128, 256, 128, OUT_CH]


def sinusoidal_embedding(p):
    # 'transformer' type SinusoidalEmbedding: out_channels = in_channels * num_frequencies * 2
    freqs = (1.0 / MAX_POS) ** (jnp.arange(NUM_FREQ, dtype=jnp.float32) / NUM_FREQ)
    prod = p[..., None] * freqs  # [n, coord_dim, num_freq]
    emb = jnp.stack([jnp.sin(prod), jnp.cos(prod)], axis=-1)  # [n, coord_dim, num_freq, 2]
    return emb.reshape(p.shape[0], -1)


def channel_mlp(h, params):
    # LinearChannelMLP: Linear layers with non_linearity (gelu) between, none after last
    n = len(params)
    for i, (W, b) in enumerate(params):
        h = h @ W + b
        if i < n - 1:
            h = jax.nn.gelu(h, approximate=False)
    return h


def setup_inputs(seed: int = 0) -> dict:
    key = jax.random.key(seed)
    ks = jax.random.split(key, 8)
    y = jax.random.uniform(ks[0], (10000, COORD_DIM), dtype=jnp.float32)
    x = jax.random.uniform(ks[1], (4096, COORD_DIM), dtype=jnp.float32)
    f_y = jax.random.normal(ks[2], (10000, IN_CH), dtype=jnp.float32)
    inp = {"y": y, "x": x, "f_y": f_y}
    for i in range(4):
        fan_in = LAYERS[i]
        inp[f"W{i}"] = jax.random.normal(ks[3 + i], (LAYERS[i], LAYERS[i + 1]), dtype=jnp.float32) / np.sqrt(fan_in)
        inp[f"b{i}"] = jnp.zeros((LAYERS[i + 1],), dtype=jnp.float32)
    return inp


def reference(y, x, f_y, W0, b0, W1, b1, W2, b2, W3, b3):
    # NeighborSearch (native): all y_j with ||x_i - y_j|| <= radius
    sq = jnp.sum(x * x, axis=1)[:, None] + jnp.sum(y * y, axis=1)[None, :] - 2.0 * (x @ y.T)
    mask = sq <= RADIUS ** 2
    # positional embedding of both coordinate sets
    y_emb = sinusoidal_embedding(y)
    x_emb = sinusoidal_embedding(x)
    # IntegralTransform, transform_type='linear': k(x,y) = MLP(cat(y_emb, x_emb)); out = sum_j k * f(y_j)
    params = [(W0, b0), (W1, b1), (W2, b2), (W3, b3)]

    def body(carry, row):
        x_emb_i, mask_i = row
        agg = jnp.concatenate(
            [y_emb, jnp.broadcast_to(x_emb_i[None, :], (y_emb.shape[0], x_emb_i.shape[0]))],
            axis=-1,
        )
        k = channel_mlp(agg, params)
        k = k * f_y
        out_i = jnp.sum(jnp.where(mask_i[:, None], k, jnp.zeros_like(k)), axis=0)
        return carry, out_i

    _, out = jax.lax.scan(body, None, (x_emb, mask))  # reduction='sum'
    return out

if __name__ == "__main__":
    import jax
    _d = setup_inputs()
    print(jax.jit(kernel)(*tuple(_d.values())))

</pallas_src>

<mosaic_0001>
#map = affine_map<(d0, d1) -> (0)>
#map1 = affine_map<(d0, d1) -> (0, 0)>
module attributes {stable_mosaic.version = 14 : i64} {
  func.func @body(%arg0: i32, %arg1: i32, %arg2: memref<2621440xi32, #tpu.memory_space<hbm>>, %arg3: memref<196608xi32, #tpu.memory_space<hbm>>, %arg4: memref<10240x128xf32, #tpu.memory_space<hbm>>, %arg5: memref<10000x128xf32, #tpu.memory_space<hbm>>, %arg6: memref<131072x128xf32, #tpu.memory_space<hbm>>, %arg7: memref<131072x128xf32, #tpu.memory_space<hbm>>, %arg8: memref<131072xi32, #tpu.memory_space<hbm>>, %arg9: memref<32x16xi32, #tpu.memory_space<hbm>>, %arg10: memref<20496xi32, #tpu.memory_space<vmem>>, %arg11: memref<1552xi32, #tpu.memory_space<vmem>>, %arg12: memref<4224xi32, #tpu.memory_space<vmem>>, %arg13: memref<4224xi32, #tpu.memory_space<vmem>>, %arg14: memref<256x128xf32, #tpu.memory_space<vmem>>, %arg15: memref<256x128xf32, #tpu.memory_space<vmem>>, %arg16: memref<16xi32, #tpu.memory_space<vmem>>, %arg17: memref<!tpu.dma_semaphore, #tpu.memory_space<semaphore_mem>>, %arg18: memref<!tpu.dma_semaphore, #tpu.memory_space<semaphore_mem>>) attributes {dimension_semantics = [#tpu.dimension_semantics<core_parallel>, #tpu.dimension_semantics<subcore_parallel>], iteration_bounds = array<i64: 2, 16>, scalar_prefetch = 0 : i64, scratch_operands = 9 : i64, tpu.core_type = #tpu.core_type<sc_vector_subcore>, window_params = [{transform_indices = #map}, {transform_indices = #map}, {transform_indices = #map1}, {transform_indices = #map1}, {transform_indices = #map1}, {transform_indices = #map1}, {transform_indices = #map}, {transform_indices = #map1}]} {
    %mul3A = arith.constant 2 : i32
    %mul3A_0 = arith.muli %arg1, %mul3A : i32
    %add3A = arith.addi %mul3A_0, %arg0 : i32
    %mul3A_1 = arith.constant 128 : i32
    %mul3A_2 = arith.muli %add3A, %mul3A_1 : i32
    %iota3A = tpu.iota {dimensions = array<i32: 0>} : vector<16xi32>
    %broadcast_in_dim3A = arith.constant 0 : i32
    %broadcast_in_dim3A_3 = vector.broadcast %broadcast_in_dim3A : i32 to vector<16xi32>
    %scan3A = arith.constant 0 : i32
    %scan3A_4 = arith.constant 0 : i32
    %scan3A_5 = arith.constant 264 : i32
    %scan3A_6 = arith.addi %scan3A_4, %scan3A_5 : i32
    %scan3A_7 = arith.constant 1 : i32
    scf.for %scan3A_48 = %scan3A_4 to %scan3A_6 step %scan3A_7  : i32 {
      %mul3A_49 = arith.constant 16 : i32
      %mul3A_50 = arith.muli %scan3A_48, %mul3A_49 : i32
      %swap3A_51 = arith.index_cast %mul3A_50 : i32 to index
      %swap3A_52 = tpu.vector_load %arg12[%swap3A_51] {strides = array<i32>} : memref<4224xi32, #tpu.memory_space<vmem>>, vector<16xi32>,
      tpu.vector_store %arg12[%swap3A_51], %broadcast_in_dim3A_3 {strides = array<i32>} : memref<4224xi32, #tpu.memory_space<vmem>>, vector<16xi32>,
      %mul3A_53 = arith.constant 16 : i32
      %mul3A_54 = arith.muli %scan3A_48, %mul3A_53 : i32
      %swap3A_55 = arith.index_cast %mul3A_54 : i32 to index
      %swap3A_56 = tpu.vector_load %arg13[%swap3A_55] {strides = array<i32>} : memref<4224xi32, #tpu.memory_space<vmem>>, vector<16xi32>,
      tpu.vector_store %arg13[%swap3A_55], %broadcast_in_dim3A_3 {strides = array<i32>} : memref<4224xi32, #tpu.memory_space<vmem>>, vector<16xi32>,
    }
    %scan3A_8 = arith.constant 264 : i32
    %scan3A_9 = arith.constant 0 : i32
    %scan3A_10 = arith.constant 0 : i32
    %scan3A_11 = arith.constant 4 : i32
    %scan3A_12 = arith.addi %scan3A_10, %scan3A_11 : i32
    %scan3A_13 = arith.constant 1 : i32
    %scan3A_14 = scf.for %scan3A_48 = %scan3A_10 to %scan3A_12 step %scan3A_13 iter_args(%scan3A_49 = %scan3A_9) -> (i32)  : i32 {
      %mul3A_50 = arith.constant 32 : i32
      %mul3A_51 = arith.muli %scan3A_48, %mul3A_50 : i32
      %add3A_52 = arith.addi %mul3A_2, %mul3A_51 : i32
      %mul3A_53 = arith.constant 640 : i32
      %mul3A_54 = arith.muli %add3A_52, %mul3A_53 : i32
      "tpu.region"() ({
        %run_scoped3A = tpu.sem_alloc : memref<!tpu.dma_semaphore, #tpu.memory_space<semaphore_mem>>
        %dma_start3A = arith.constant 0 : i32
        %dma_start3A_66 = tpu.memref_slice %arg10[%dma_start3A] : memref<20496xi32, #tpu.memory_space<vmem>> -> memref<20480xi32, #tpu.memory_space<vmem>>
        %dma_start3A_67 = tpu.memref_slice %arg2[%mul3A_54] : memref<2621440xi32, #tpu.memory_space<hbm>> -> memref<20480xi32, #tpu.memory_space<hbm>>
        %dma_start3A_68 = arith.constant 0 : i32
        %dma_start3A_69 = tpu.memref_slice %arg10[%dma_start3A_68] : memref<20496xi32, #tpu.memory_space<vmem>> -> memref<20480xi32, #tpu.memory_space<vmem>>
        %dma_start3A_70 = tpu.memref_slice %arg2[%mul3A_54] : memref<2621440xi32, #tpu.memory_space<hbm>> -> memref<20480xi32, #tpu.memory_space<hbm>>
        tpu.enqueue_dma source(%dma_start3A_70 : memref<20480xi32, #tpu.memory_space<hbm>>) target(%dma_start3A_69 : memref<20480xi32, #tpu.memory_space<vmem>>) target_semaphore(%run_scoped3A : memref<!tpu.dma_semaphore, #tpu.memory_space<semaphore_mem>>)
        %dma_wait3A = arith.constant 0 : i32
        %dma_wait3A_71 = tpu.memref_slice %arg10[%dma_wait3A] : memref<20496xi32, #tpu.memory_space<vmem>> -> memref<20480xi32, #tpu.memory_space<vmem>>
        %dma_wait3A_72 = tpu.memref_slice %arg2[%mul3A_54] : memref<2621440xi32, #tpu.memory_space<hbm>> -> memref<20480xi32, #tpu.memory_space<hbm>>
        %dma_wait3A_73 = arith.constant 0 : i32
        %dma_wait3A_74 = tpu.memref_slice %arg10[%dma_wait3A_73] : memref<20496xi32, #tpu.memory_space<vmem>> -> memref<20480xi32, #tpu.memory_space<vmem>>
        %dma_wait3A_75 = tpu.memref_slice %arg2[%mul3A_54] : memref<2621440xi32, #tpu.memory_space<hbm>> -> memref<20480xi32, #tpu.memory_space<hbm>>
        tpu.wait_dma2 semaphore(%run_scoped3A : memref<!tpu.dma_semaphore, #tpu.memory_space<semaphore_mem>>) src(%dma_wait3A_75 : memref<20480xi32, #tpu.memory_space<hbm>>) dst(%dma_wait3A_74 : memref<20480xi32, #tpu.memory_space<vmem>>)
        tpu.yield
      }) : () -> ()
      %mul3A_55 = arith.constant 32 : i32
      %mul3A_56 = arith.muli %scan3A_48, %mul3A_55 : i32
      %add3A_57 = arith.addi %mul3A_2, %mul3A_56 : i32
      %mul3A_58 = arith.constant 48 : i32
      %mul3A_59 = arith.muli %add3A_57, %mul3A_58 : i32
      "tpu.region"() ({
        %run_scoped3A = tpu.sem_alloc : memref<!tpu.dma_semaphore, #tpu.memory_space<semaphore_mem>>
        %dma_start3A = arith.constant 0 : i32
        %dma_start3A_66 = tpu.memref_slice %arg11[%dma_start3A] : memref<1552xi32, #tpu.memory_space<vmem>> -> memref<1536xi32, #tpu.memory_space<vmem>>
        %dma_start3A_67 = tpu.memref_slice %arg3[%mul3A_59] : memref<196608xi32, #tpu.memory_space<hbm>> -> memref<1536xi32, #tpu.memory_space<hbm>>
        %dma_start3A_68 = arith.constant 0 : i32
        %dma_start3A_69 = tpu.memref_slice %arg11[%dma_start3A_68] : memref<1552xi32, #tpu.memory_space<vmem>> -> memref<1536xi32, #tpu.memory_space<vmem>>
        %dma_start3A_70 = tpu.memref_slice %arg3[%mul3A_59] : memref<196608xi32, #tpu.memory_space<hbm>> -> memref<1536xi32, #tpu.memory_space<hbm>>
        tpu.enqueue_dma source(%dma_start3A_70 : memref<1536xi32, #tpu.memory_space<hbm>>) target(%dma_start3A_69 : memref<1536xi32, #tpu.memory_space<vmem>>) target_semaphore(%run_scoped3A : memref<!tpu.dma_semaphore, #tpu.memory_space<semaphore_mem>>)
        %dma_wait3A = arith.constant 0 : i32
        %dma_wait3A_71 = tpu.memref_slice %arg11[%dma_wait3A] : memref<1552xi32, #tpu.memory_space<vmem>> -> memref<1536xi32, #tpu.memory_space<vmem>>
        %dma_wait3A_72 = tpu.memref_slice %arg3[%mul3A_59] : memref<196608xi32, #tpu.memory_space<hbm>> -> memref<1536xi32, #tpu.memory_space<hbm>>
        %dma_wait3A_73 = arith.constant 0 : i32
        %dma_wait3A_74 = tpu.memref_slice %arg11[%dma_wait3A_73] : memref<1552xi32, #tpu.memory_space<vmem>> -> memref<1536xi32, #tpu.memory_space<vmem>>
        %dma_wait3A_75 = tpu.memref_slice %arg3[%mul3A_59] : memref<196608xi32, #tpu.memory_space<hbm>> -> memref<1536xi32, #tpu.memory_space<hbm>>
        tpu.wait_dma2 semaphore(%run_scoped3A : memref<!tpu.dma_semaphore, #tpu.memory_space<semaphore_mem>>) src(%dma_wait3A_75 : memref<1536xi32, #tpu.memory_space<hbm>>) dst(%dma_wait3A_74 : memref<1536xi32, #tpu.memory_space<vmem>>)
        tpu.yield
      }) : () -> ()
      %scan3A_60 = arith.constant 0 : i32
      %scan3A_61 = arith.constant 32 : i32
      %scan3A_62 = arith.addi %scan3A_60, %scan3A_61 : i32
      %scan3A_63 = arith.constant 1 : i32
      %scan3A_64 = scf.for %scan3A_66 = %scan3A_60 to %scan3A_62 step %scan3A_63 iter_args(%scan3A_67 = %scan3A_49) -> (i32)  : i32 {
        %mul3A_68 = arith.constant 640 : i32
        %mul3A_69 = arith.muli %scan3A_66, %mul3A_68 : i32
        %mul3A_70 = arith.constant 48 : i32
        %mul3A_71 = arith.muli %scan3A_66, %mul3A_70 : i32
        %mul3A_72 = arith.constant 32 : i32
        %mul3A_73 = arith.muli %scan3A_48, %mul3A_72 : i32
        %add3A_74 = arith.addi %mul3A_73, %scan3A_66 : i32
        %broadcast_in_dim3A_75 = vector.broadcast %add3A_74 : i32 to vector<16xi32>
        %add3A_76 = arith.constant 0 : i32
        %add3A_77 = arith.addi %mul3A_71, %add3A_76 : i32
        %get3A = arith.index_cast %add3A_77 : i32 to index
        %get3A_78 = tpu.vector_load %arg11[%get3A] {strides = array<i32>} : memref<1552xi32, #tpu.memory_space<vmem>>, vector<16xi32>,
        %slice3A = vector.extract_strided_slice %get3A_78 {offsets = [0], sizes = [1], strides = [1]} : vector<16xi32> to vector<1xi32>
        %squeeze3A = vector.extract %slice3A[0] : i32 from vector<1xi32>
        %while3A_79 = arith.constant 0 : i32
        %while3A_80:2 = scf.while (%while3A_277 = %squeeze3A, %while3A_278 = %scan3A_67) : (i32, i32) -> (i32, i32) {
          %ne3A_279 = arith.constant 0 : i32
          %ne3A_280 = arith.cmpi ne, %while3A_277, %ne3A_279 : i32
          scf.condition(%ne3A_280) %while3A_277, %while3A_278 : i32, i32
        } do {
        ^bb0(%while3A_277: i32, %while3A_278: i32):
          %neg3A = arith.constant 0 : i32
          %neg3A_279 = arith.subi %neg3A, %while3A_277 : i32
          %and3A_280 = arith.andi %while3A_277, %neg3A_279 : i32
          %convert_element_type3A = arith.sitofp %and3A_280 : i32 to f32
          %bitcast_convert_type3A = arith.bitcast %convert_element_type3A : f32 to i32
          %shift_right_arithmetic3A = arith.constant 23 : i32
          %shift_right_arithmetic3A_281 = arith.shrsi %bitcast_convert_type3A, %shift_right_arithmetic3A : i32
          %sub3A_282 = arith.constant 127 : i32
          %sub3A_283 = arith.subi %shift_right_arithmetic3A_281, %sub3A_282 : i32
          %mul3A_284 = arith.constant 48 : i32
          %mul3A_285 = arith.muli %sub3A_283, %mul3A_284 : i32
          %add3A_286 = arith.addi %mul3A_285, %while3A_79 : i32
          %add3A_287 = arith.addi %mul3A_69, %add3A_286 : i32
          %get3A_288 = arith.index_cast %add3A_287 : i32 to index
          %get3A_289 = tpu.vector_load %arg10[%get3A_288] {strides = array<i32>} : memref<20496xi32, #tpu.memory_space<vmem>>, vector<16xi32>,
          %slice3A_290 = vector.extract_strided_slice %get3A_289 {offsets = [0], sizes = [1], strides = [1]} : vector<16xi32> to vector<1xi32>
          %squeeze3A_291 = vector.extract %slice3A_290[0] : i32 from vector<1xi32>
          %shift_right_arithmetic3A_292 = vector.broadcast %squeeze3A_291 : i32 to vector<16xi32>
          %shift_right_arithmetic3A_293 = arith.shrsi %shift_right_arithmetic3A_292, %iota3A : vector<16xi32>
          %and3A_294 = arith.constant 1 : i32
          %and3A_295 = vector.broadcast %and3A_294 : i32 to vector<16xi32>
          %and3A_296 = arith.andi %shift_right_arithmetic3A_293, %and3A_295 : vector<16xi32>
          %eq3A = arith.constant 1 : i32
          %eq3A_297 = vector.broadcast %eq3A : i32 to vector<16xi32>
          %eq3A_298 = arith.cmpi eq, %and3A_296, %eq3A_297 : vector<16xi32>
          %mul3A_299 = arith.constant 640 : i32
          %mul3A_300 = vector.broadcast %mul3A_299 : i32 to vector<16xi32>
          %mul3A_301 = arith.muli %mul3A_300, %iota3A : vector<16xi32>
          %add3A_302 = vector.broadcast %add3A_286 : i32 to vector<16xi32>
          %add3A_303 = arith.addi %add3A_302, %mul3A_301 : vector<16xi32>
          %min3A_304 = arith.constant 4096 : i32
          %min3A_305 = arith.minsi %while3A_278, %min3A_304 : i32
          %swap3A_306 = arith.index_cast %min3A_305 : i32 to index
          %swap3A_307 = tpu.vector_load %arg12[%swap3A_306] masked %eq3A_298 {strides = array<i32>} : memref<4224xi32, #tpu.memory_space<vmem>>, vector<16xi32>, vector<16xi1>
          tpu.vector_store %arg12[%swap3A_306], %add3A_303 masked %eq3A_298 {strides = array<i32>} : memref<4224xi32, #tpu.memory_space<vmem>>, vector<16xi32>, vector<16xi1>
          %swap3A_308 = arith.index_cast %min3A_305 : i32 to index
          %swap3A_309 = tpu.vector_load %arg13[%swap3A_308] masked %eq3A_298 {strides = array<i32>} : memref<4224xi32, #tpu.memory_space<vmem>>, vector<16xi32>, vector<16xi1>
          tpu.vector_store %arg13[%swap3A_308], %broadcast_in_dim3A_75 masked %eq3A_298 {strides = array<i32>} : memref<4224xi32, #tpu.memory_space<vmem>>, vector<16xi32>, vector<16xi1>
          %sub3A_310 = arith.constant 1 : i32
          %sub3A_311 = arith.subi %while3A_277, %sub3A_310 : i32
          %and3A_312 = arith.andi %while3A_277, %sub3A_311 : i32
          %all_reduce_population_count3A = tpu.all_reduce %eq3A_298 {dim = 0 : i64, kind = #tpu.reduction_kind<sum>} : vector<16xi1> -> vector<16xi32>
          %slice3A_313 = vector.extract_strided_slice %all_reduce_population_count3A {offsets = [0], sizes = [1], strides = [1]} : vector<16xi32> to vector<1xi32>
          %squeeze3A_314 = vector.extract %slice3A_313[0] : i32 from vector<1xi32>
          %add3A_315 = arith.addi %while3A_278, %squeeze3A_314 : i32
          scf.yield %and3A_312, %add3A_315 : i32, i32
        }
        %slice3A_81 = vector.extract_strided_slice %get3A_78 {offsets = [1], sizes = [1], strides = [1]} : vector<16xi32> to vector<1xi32>
        %squeeze3A_82 = vector.extract %slice3A_81[0] : i32 from vector<1xi32>
        %while3A_83 = arith.constant 1 : i32
        %while3A_84:2 = scf.while (%while3A_277 = %squeeze3A_82, %while3A_278 = %while3A_80#1) : (i32, i32) -> (i32, i32) {
          %ne3A_279 = arith.constant 0 : i32
          %ne3A_280 = arith.cmpi ne, %while3A_277, %ne3A_279 : i32
          scf.condition(%ne3A_280) %while3A_277, %while3A_278 : i32, i32
        } do {
        ^bb0(%while3A_277: i32, %while3A_278: i32):
          %neg3A = arith.constant 0 : i32
          %neg3A_279 = arith.subi %neg3A, %while3A_277 : i32
          %and3A_280 = arith.andi %while3A_277, %neg3A_279 : i32
          %convert_element_type3A = arith.sitofp %and3A_280 : i32 to f32
          %bitcast_convert_type3A = arith.bitcast %convert_element_type3A : f32 to i32
          %shift_right_arithmetic3A = arith.constant 23 : i32
          %shift_right_arithmetic3A_281 = arith.shrsi %bitcast_convert_type3A, %shift_right_arithmetic3A : i32
          %sub3A_282 = arith.constant 127 : i32
          %sub3A_283 = arith.subi %shift_right_arithmetic3A_281, %sub3A_282 : i32
          %mul3A_284 = arith.constant 48 : i32
          %mul3A_285 = arith.muli %sub3A_283, %mul3A_284 : i32
          %add3A_286 = arith.addi %mul3A_285, %while3A_83 : i32
          %add3A_287 = arith.addi %mul3A_69, %add3A_286 : i32
          %get3A_288 = arith.index_cast %add3A_287 : i32 to index
          %get3A_289 = tpu.vector_load %arg10[%get3A_288] {strides = array<i32>} : memref<20496xi32, #tpu.memory_space<vmem>>, vector<16xi32>,
          %slice3A_290 = vector.extract_strided_slice %get3A_289 {offsets = [0], sizes = [1], strides = [1]} : vector<16xi32> to vector<1xi32>
          %squeeze3A_291 = vector.extract %slice3A_290[0] : i32 from vector<1xi32>
          %shift_right_arithmetic3A_292 = vector.broadcast %squeeze3A_291 : i32 to vector<16xi32>
          %shift_right_arithmetic3A_293 = arith.shrsi %shift_right_arithmetic3A_292, %iota3A : vector<16xi32>
          %and3A_294 = arith.constant 1 : i32
          %and3A_295 = vector.broadcast %and3A_294 : i32 to vector<16xi32>
          %and3A_296 = arith.andi %shift_right_arithmetic3A_293, %and3A_295 : vector<16xi32>
          %eq3A = arith.constant 1 : i32
          %eq3A_297 = vector.broadcast %eq3A : i32 to vector<16xi32>
          %eq3A_298 = arith.cmpi eq, %and3A_296, %eq3A_297 : vector<16xi32>
          %mul3A_299 = arith.constant 640 : i32
          %mul3A_300 = vector.broadcast %mul3A_299 : i32 to vector<16xi32>
          %mul3A_301 = arith.muli %mul3A_300, %iota3A : vector<16xi32>
          %add3A_302 = vector.broadcast %add3A_286 : i32 to vector<16xi32>
          %add3A_303 = arith.addi %add3A_302, %mul3A_301 : vector<16xi32>
          %min3A_304 = arith.constant 4096 : i32
          %min3A_305 = arith.minsi %while3A_278, %min3A_304 : i32
          %swap3A_306 = arith.index_cast %min3A_305 : i32 to index
          %swap3A_307 = tpu.vector_load %arg12[%swap3A_306] masked %eq3A_298 {strides = array<i32>} : memref<4224xi32, #tpu.memory_space<vmem>>, vector<16xi32>, vector<16xi1>
          tpu.vector_store %arg12[%swap3A_306], %add3A_303 masked %eq3A_298 {strides = array<i32>} : memref<4224xi32, #tpu.memory_space<vmem>>, vector<16xi32>, vector<16xi1>
          %swap3A_308 = arith.index_cast %min3A_305 : i32 to index
          %swap3A_309 = tpu.vector_load %arg13[%swap3A_308] masked %eq3A_298 {strides = array<i32>} : memref<4224xi32, #tpu.memory_space<vmem>>, vector<16xi32>, vector<16xi1>
          tpu.vector_store %arg13[%swap3A_308], %broadcast_in_dim3A_75 masked %eq3A_298 {strides = array<i32>} : memref<4224xi32, #tpu.memory_space<vmem>>, vector<16xi32>, vector<16xi1>
          %sub3A_310 = arith.constant 1 : i32
          %sub3A_311 = arith.subi %while3A_277, %sub3A_310 : i32
          %and3A_312 = arith.andi %while3A_277, %sub3A_311 : i32
          %all_reduce_population_count3A = tpu.all_reduce %eq3A_298 {dim = 0 : i64, kind = #tpu.reduction_kind<sum>} : vector<16xi1> -> vector<16xi32>
          %slice3A_313 = vector.extract_strided_slice %all_reduce_population_count3A {offsets = [0], sizes = [1], strides = [1]} : vector<16xi32> to vector<1xi32>
          %squeeze3A_314 = vector.extract %slice3A_313[0] : i32 from vector<1xi32>
          %add3A_315 = arith.addi %while3A_278, %squeeze3A_314 : i32
          scf.yield %and3A_312, %add3A_315 : i32, i32
        }
        %slice3A_85 = vector.extract_strided_slice %get3A_78 {offsets = [2], sizes = [1], strides = [1]} : vector<16xi32> to vector<1xi32>
        %squeeze3A_86 = vector.extract %slice3A_85[0] : i32 from vector<1xi32>
        %while3A_87 = arith.constant 2 : i32
        %while3A_88:2 = scf.while (%while3A_277 = %squeeze3A_86, %while3A_278 = %while3A_84#1) : (i32, i32) -> (i32, i32) {
          %ne3A_279 = arith.constant 0 : i32
          %ne3A_280 = arith.cmpi ne, %while3A_277, %ne3A_279 : i32
          scf.condition(%ne3A_280) %while3A_277, %while3A_278 : i32, i32
        } do {
        ^bb0(%while3A_277: i32, %while3A_278: i32):
          %neg3A = arith.constant 0 : i32
          %neg3A_279 = arith.subi %neg3A, %while3A_277 : i32
          %and3A_280 = arith.andi %while3A_277, %neg3A_279 : i32
          %convert_element_type3A = arith.sitofp %and3A_280 : i32 to f32
          %bitcast_convert_type3A = arith.bitcast %convert_element_type3A : f32 to i32
          %shift_right_arithmetic3A = arith.constant 23 : i32
          %shift_right_arithmetic3A_281 = arith.shrsi %bitcast_convert_type3A, %shift_right_arithmetic3A : i32
          %sub3A_282 = arith.constant 127 : i32
          %sub3A_283 = arith.subi %shift_right_arithmetic3A_281, %sub3A_282 : i32
          %mul3A_284 = arith.constant 48 : i32
          %mul3A_285 = arith.muli %sub3A_283, %mul3A_284 : i32
          %add3A_286 = arith.addi %mul3A_285, %while3A_87 : i32
          %add3A_287 = arith.addi %mul3A_69, %add3A_286 : i32
          %get3A_288 = arith.index_cast %add3A_287 : i32 to index
          %get3A_289 = tpu.vector_load %arg10[%get3A_288] {strides = array<i32>} : memref<20496xi32, #tpu.memory_space<vmem>>, vector<16xi32>,
          %slice3A_290 = vector.extract_strided_slice %get3A_289 {offsets = [0], sizes = [1], strides = [1]} : vector<16xi32> to vector<1xi32>
          %squeeze3A_291 = vector.extract %slice3A_290[0] : i32 from vector<1xi32>
          %shift_right_arithmetic3A_292 = vector.broadcast %squeeze3A_291 : i32 to vector<16xi32>
          %shift_right_arithmetic3A_293 = arith.shrsi %shift_right_arithmetic3A_292, %iota3A : vector<16xi32>
          %and3A_294 = arith.constant 1 : i32
          %and3A_295 = vector.broadcast %and3A_294 : i32 to vector<16xi32>
          %and3A_296 = arith.andi %shift_right_arithmetic3A_293, %and3A_295 : vector<16xi32>
          %eq3A = arith.constant 1 : i32
          %eq3A_297 = vector.broadcast %eq3A : i32 to vector<16xi32>
          %eq3A_298 = arith.cmpi eq, %and3A_296, %eq3A_297 : vector<16xi32>
          %mul3A_299 = arith.constant 640 : i32
          %mul3A_300 = vector.broadcast %mul3A_299 : i32 to vector<16xi32>
          %mul3A_301 = arith.muli %mul3A_300, %iota3A : vector<16xi32>
          %add3A_302 = vector.broadcast %add3A_286 : i32 to vector<16xi32>
          %add3A_303 = arith.addi %add3A_302, %mul3A_301 : vector<16xi32>
          %min3A_304 = arith.constant 4096 : i32
          %min3A_305 = arith.minsi %while3A_278, %min3A_304 : i32
          %swap3A_306 = arith.index_cast %min3A_305 : i32 to index
          %swap3A_307 = tpu.vector_load %arg12[%swap3A_306] masked %eq3A_298 {strides = array<i32>} : memref<4224xi32, #tpu.memory_space<vmem>>, vector<16xi32>, vector<16xi1>
          tpu.vector_store %arg12[%swap3A_306], %add3A_303 masked %eq3A_298 {strides = array<i32>} : memref<4224xi32, #tpu.memory_space<vmem>>, vector<16xi32>, vector<16xi1>
          %swap3A_308 = arith.index_cast %min3A_305 : i32 to index
          %swap3A_309 = tpu.vector_load %arg13[%swap3A_308] masked %eq3A_298 {strides = array<i32>} : memref<4224xi32, #tpu.memory_space<vmem>>, vector<16xi32>, vector<16xi1>
          tpu.vector_store %arg13[%swap3A_308], %broadcast_in_dim3A_75 masked %eq3A_298 {strides = array<i32>} : memref<4224xi32, #tpu.memory_space<vmem>>, vector<16xi32>, vector<16xi1>
          %sub3A_310 = arith.constant 1 : i32
          %sub3A_311 = arith.subi %while3A_277, %sub3A_310 : i32
          %and3A_312 = arith.andi %while3A_277, %sub3A_311 : i32
          %all_reduce_population_count3A = tpu.all_reduce %eq3A_298 {dim = 0 : i64, kind = #tpu.reduction_kind<sum>} : vector<16xi1> -> vector<16xi32>
          %slice3A_313 = vector.extract_strided_slice %all_reduce_population_count3A {offsets = [0], sizes = [1], strides = [1]} : vector<16xi32> to vector<1xi32>
          %squeeze3A_314 = vector.extract %slice3A_313[0] : i32 from vector<1xi32>
          %add3A_315 = arith.addi %while3A_278, %squeeze3A_314 : i32
          scf.yield %and3A_312, %add3A_315 : i32, i32
        }
        %slice3A_89 = vector.extract_strided_slice %get3A_78 {offsets = [3], sizes = [1], strides = [1]} : vector<16xi32> to vector<1xi32>
        %squeeze3A_90 = vector.extract %slice3A_89[0] : i32 from vector<1xi32>
        %while3A_91 = arith.constant 3 : i32
        %while3A_92:2 = scf.while (%while3A_277 = %squeeze3A_90, %while3A_278 = %while3A_88#1) : (i32, i32) -> (i32, i32) {
          %ne3A_279 = arith.constant 0 : i32
          %ne3A_280 = arith.cmpi ne, %while3A_277, %ne3A_279 : i32
          scf.condition(%ne3A_280) %while3A_277, %while3A_278 : i32, i32
        } do {
        ^bb0(%while3A_277: i32, %while3A_278: i32):
          %neg3A = arith.constant 0 : i32
          %neg3A_279 = arith.subi %neg3A, %while3A_277 : i32
          %and3A_280 = arith.andi %while3A_277, %neg3A_279 : i32
          %convert_element_type3A = arith.sitofp %and3A_280 : i32 to f32
          %bitcast_convert_type3A = arith.bitcast %convert_element_type3A : f32 to i32
          %shift_right_arithmetic3A = arith.constant 23 : i32
          %shift_right_arithmetic3A_281 = arith.shrsi %bitcast_convert_type3A, %shift_right_arithmetic3A : i32
          %sub3A_282 = arith.constant 127 : i32
          %sub3A_283 = arith.subi %shift_right_arithmetic3A_281, %sub3A_282 : i32
          %mul3A_284 = arith.constant 48 : i32
          %mul3A_285 = arith.muli %sub3A_283, %mul3A_284 : i32
          %add3A_286 = arith.addi %mul3A_285, %while3A_91 : i32
          %add3A_287 = arith.addi %mul3A_69, %add3A_286 : i32
          %get3A_288 = arith.index_cast %add3A_287 : i32 to index
          %get3A_289 = tpu.vector_load %arg10[%get3A_288] {strides = array<i32>} : memref<20496xi32, #tpu.memory_space<vmem>>, vector<16xi32>,
          %slice3A_290 = vector.extract_strided_slice %get3A_289 {offsets = [0], sizes = [1], strides = [1]} : vector<16xi32> to vector<1xi32>
          %squeeze3A_291 = vector.extract %slice3A_290[0] : i32 from vector<1xi32>
          %shift_right_arithmetic3A_292 = vector.broadcast %squeeze3A_291 : i32 to vector<16xi32>
          %shift_right_arithmetic3A_293 = arith.shrsi %shift_right_arithmetic3A_292, %iota3A : vector<16xi32>
          %and3A_294 = arith.constant 1 : i32
          %and3A_295 = vector.broadcast %and3A_294 : i32 to vector<16xi32>
          %and3A_296 = arith.andi %shift_right_arithmetic3A_293, %and3A_295 : vector<16xi32>
          %eq3A = arith.constant 1 : i32
          %eq3A_297 = vector.broadcast %eq3A : i32 to vector<16xi32>
          %eq3A_298 = arith.cmpi eq, %and3A_296, %eq3A_297 : vector<16xi32>
          %mul3A_299 = arith.constant 640 : i32
          %mul3A_300 = vector.broadcast %mul3A_299 : i32 to vector<16xi32>
          %mul3A_301 = arith.muli %mul3A_300, %iota3A : vector<16xi32>
          %add3A_302 = vector.broadcast %add3A_286 : i32 to vector<16xi32>
          %add3A_303 = arith.addi %add3A_302, %mul3A_301 : vector<16xi32>
          %min3A_304 = arith.constant 4096 : i32
          %min3A_305 = arith.minsi %while3A_278, %min3A_304 : i32
          %swap3A_306 = arith.index_cast %min3A_305 : i32 to index
          %swap3A_307 = tpu.vector_load %arg12[%swap3A_306] masked %eq3A_298 {strides = array<i32>} : memref<4224xi32, #tpu.memory_space<vmem>>, vector<16xi32>, vector<16xi1>
          tpu.vector_store %arg12[%swap3A_306], %add3A_303 masked %eq3A_298 {strides = array<i32>} : memref<4224xi32, #tpu.memory_space<vmem>>, vector<16xi32>, vector<16xi1>
          %swap3A_308 = arith.index_cast %min3A_305 : i32 to index
          %swap3A_309 = tpu.vector_load %arg13[%swap3A_308] masked %eq3A_298 {strides = array<i32>} : memref<4224xi32, #tpu.memory_space<vmem>>, vector<16xi32>, vector<16xi1>
          tpu.vector_store %arg13[%swap3A_308], %broadcast_in_dim3A_75 masked %eq3A_298 {strides = array<i32>} : memref<4224xi32, #tpu.memory_space<vmem>>, vector<16xi32>, vector<16xi1>
          %sub3A_310 = arith.constant 1 : i32
          %sub3A_311 = arith.subi %while3A_277, %sub3A_310 : i32
          %and3A_312 = arith.andi %while3A_277, %sub3A_311 : i32
          %all_reduce_population_count3A = tpu.all_reduce %eq3A_298 {dim = 0 : i64, kind = #tpu.reduction_kind<sum>} : vector<16xi1> -> vector<16xi32>
          %slice3A_313 = vector.extract_strided_slice %all_reduce_population_count3A {offsets = [0], sizes = [1], strides = [1]} : vector<16xi32> to vector<1xi32>
          %squeeze3A_314 = vector.extract %slice3A_313[0] : i32 from vector<1xi32>
          %add3A_315 = arith.addi %while3A_278, %squeeze3A_314 : i32
          scf.yield %and3A_312, %add3A_315 : i32, i32
        }
        %slice3A_93 = vector.extract_strided_slice %get3A_78 {offsets = [4], sizes = [1], strides = [1]} : vector<16xi32> to vector<1xi32>
        %squeeze3A_94 = vector.extract %slice3A_93[0] : i32 from vector<1xi32>
        %while3A_95 = arith.constant 4 : i32
        %while3A_96:2 = scf.while (%while3A_277 = %squeeze3A_94, %while3A_278 = %while3A_92#1) : (i32, i32) -> (i32, i32) {
          %ne3A_279 = arith.constant 0 : i32
          %ne3A_280 = arith.cmpi ne, %while3A_277, %ne3A_279 : i32
          scf.condition(%ne3A_280) %while3A_277, %while3A_278 : i32, i32
        } do {
        ^bb0(%while3A_277: i32, %while3A_278: i32):
          %neg3A = arith.constant 0 : i32
          %neg3A_279 = arith.subi %neg3A, %while3A_277 : i32
          %and3A_280 = arith.andi %while3A_277, %neg3A_279 : i32
          %convert_element_type3A = arith.sitofp %and3A_280 : i32 to f32
          %bitcast_convert_type3A = arith.bitcast %convert_element_type3A : f32 to i32
          %shift_right_arithmetic3A = arith.constant 23 : i32
          %shift_right_arithmetic3A_281 = arith.shrsi %bitcast_convert_type3A, %shift_right_arithmetic3A : i32
          %sub3A_282 = arith.constant 127 : i32
          %sub3A_283 = arith.subi %shift_right_arithmetic3A_281, %sub3A_282 : i32
          %mul3A_284 = arith.constant 48 : i32
          %mul3A_285 = arith.muli %sub3A_283, %mul3A_284 : i32
          %add3A_286 = arith.addi %mul3A_285, %while3A_95 : i32
          %add3A_287 = arith.addi %mul3A_69, %add3A_286 : i32
          %get3A_288 = arith.index_cast %add3A_287 : i32 to index
          %get3A_289 = tpu.vector_load %arg10[%get3A_288] {strides = array<i32>} : memref<20496xi32, #tpu.memory_space<vmem>>, vector<16xi32>,
          %slice3A_290 = vector.extract_strided_slice %get3A_289 {offsets = [0], sizes = [1], strides = [1]} : vector<16xi32> to vector<1xi32>
          %squeeze3A_291 = vector.extract %slice3A_290[0] : i32 from vector<1xi32>
          %shift_right_arithmetic3A_292 = vector.broadcast %squeeze3A_291 : i32 to vector<16xi32>
          %shift_right_arithmetic3A_293 = arith.shrsi %shift_right_arithmetic3A_292, %iota3A : vector<16xi32>
          %and3A_294 = arith.constant 1 : i32
          %and3A_295 = vector.broadcast %and3A_294 : i32 to vector<16xi32>
          %and3A_296 = arith.andi %shift_right_arithmetic3A_293, %and3A_295 : vector<16xi32>
          %eq3A = arith.constant 1 : i32
          %eq3A_297 = vector.broadcast %eq3A : i32 to vector<16xi32>
          %eq3A_298 = arith.cmpi eq, %and3A_296, %eq3A_297 : vector<16xi32>
          %mul3A_299 = arith.constant 640 : i32
          %mul3A_300 = vector.broadcast %mul3A_299 : i32 to vector<16xi32>
          %mul3A_301 = arith.muli %mul3A_300, %iota3A : vector<16xi32>
          %add3A_302 = vector.broadcast %add3A_286 : i32 to vector<16xi32>
          %add3A_303 = arith.addi %add3A_302, %mul3A_301 : vector<16xi32>
          %min3A_304 = arith.constant 4096 : i32
          %min3A_305 = arith.minsi %while3A_278, %min3A_304 : i32
          %swap3A_306 = arith.index_cast %min3A_305 : i32 to index
          %swap3A_307 = tpu.vector_load %arg12[%swap3A_306] masked %eq3A_298 {strides = array<i32>} : memref<4224xi32, #tpu.memory_space<vmem>>, vector<16xi32>, vector<16xi1>
          tpu.vector_store %arg12[%swap3A_306], %add3A_303 masked %eq3A_298 {strides = array<i32>} : memref<4224xi32, #tpu.memory_space<vmem>>, vector<16xi32>, vector<16xi1>
          %swap3A_308 = arith.index_cast %min3A_305 : i32 to index
          %swap3A_309 = tpu.vector_load %arg13[%swap3A_308] masked %eq3A_298 {strides = array<i32>} : memref<4224xi32, #tpu.memory_space<vmem>>, vector<16xi32>, vector<16xi1>
          tpu.vector_store %arg13[%swap3A_308], %broadcast_in_dim3A_75 masked %eq3A_298 {strides = array<i32>} : memref<4224xi32, #tpu.memory_space<vmem>>, vector<16xi32>, vector<16xi1>
          %sub3A_310 = arith.constant 1 : i32
          %sub3A_311 = arith.subi %while3A_277, %sub3A_310 : i32
          %and3A_312 = arith.andi %while3A_277, %sub3A_311 : i32
          %all_reduce_population_count3A = tpu.all_reduce %eq3A_298 {dim = 0 : i64, kind = #tpu.reduction_kind<sum>} : vector<16xi1> -> vector<16xi32>
          %slice3A_313 = vector.extract_strided_slice %all_reduce_population_count3A {offsets = [0], sizes = [1], strides = [1]} : vector<16xi32> to vector<1xi32>
          %squeeze3A_314 = vector.extract %slice3A_313[0] : i32 from vector<1xi32>
          %add3A_315 = arith.addi %while3A_278, %squeeze3A_314 : i32
          scf.yield %and3A_312, %add3A_315 : i32, i32
        }
        %slice3A_97 = vector.extract_strided_slice %get3A_78 {offsets = [5], sizes = [1], strides = [1]} : vector<16xi32> to vector<1xi32>
        %squeeze3A_98 = vector.extract %slice3A_97[0] : i32 from vector<1xi32>
        %while3A_99 = arith.constant 5 : i32
        %while3A_100:2 = scf.while (%while3A_277 = %squeeze3A_98, %while3A_278 = %while3A_96#1) : (i32, i32) -> (i32, i32) {
          %ne3A_279 = arith.constant 0 : i32
          %ne3A_280 = arith.cmpi ne, %while3A_277, %ne3A_279 : i32
          scf.condition(%ne3A_280) %while3A_277, %while3A_278 : i32, i32
        } do {
        ^bb0(%while3A_277: i32, %while3A_278: i32):
          %neg3A = arith.constant 0 : i32
          %neg3A_279 = arith.subi %neg3A, %while3A_277 : i32
          %and3A_280 = arith.andi %while3A_277, %neg3A_279 : i32
          %convert_element_type3A = arith.sitofp %and3A_280 : i32 to f32
          %bitcast_convert_type3A = arith.bitcast %convert_element_type3A : f32 to i32
          %shift_right_arithmetic3A = arith.constant 23 : i32
          %shift_right_arithmetic3A_281 = arith.shrsi %bitcast_convert_type3A, %shift_right_arithmetic3A : i32
          %sub3A_282 = arith.constant 127 : i32
          %sub3A_283 = arith.subi %shift_right_arithmetic3A_281, %sub3A_282 : i32
          %mul3A_284 = arith.constant 48 : i32
          %mul3A_285 = arith.muli %sub3A_283, %mul3A_284 : i32
          %add3A_286 = arith.addi %mul3A_285, %while3A_99 : i32
          %add3A_287 = arith.addi %mul3A_69, %add3A_286 : i32
          %get3A_288 = arith.index_cast %add3A_287 : i32 to index
          %get3A_289 = tpu.vector_load %arg10[%get3A_288] {strides = array<i32>} : memref<20496xi32, #tpu.memory_space<vmem>>, vector<16xi32>,
          %slice3A_290 = vector.extract_strided_slice %get3A_289 {offsets = [0], sizes = [1], strides = [1]} : vector<16xi32> to vector<1xi32>
          %squeeze3A_291 = vector.extract %slice3A_290[0] : i32 from vector<1xi32>
          %shift_right_arithmetic3A_292 = vector.broadcast %squeeze3A_291 : i32 to vector<16xi32>
          %shift_right_arithmetic3A_293 = arith.shrsi %shift_right_arithmetic3A_292, %iota3A : vector<16xi32>
          %and3A_294 = arith.constant 1 : i32
          %and3A_295 = vector.broadcast %and3A_294 : i32 to vector<16xi32>
          %and3A_296 = arith.andi %shift_right_arithmetic3A_293, %and3A_295 : vector<16xi32>
          %eq3A = arith.constant 1 : i32
          %eq3A_297 = vector.broadcast %eq3A : i32 to vector<16xi32>
          %eq3A_298 = arith.cmpi eq, %and3A_296, %eq3A_297 : vector<16xi32>
          %mul3A_299 = arith.constant 640 : i32
          %mul3A_300 = vector.broadcast %mul3A_299 : i32 to vector<16xi32>
          %mul3A_301 = arith.muli %mul3A_300, %iota3A : vector<16xi32>
          %add3A_302 = vector.broadcast %add3A_286 : i32 to vector<16xi32>
          %add3A_303 = arith.addi %add3A_302, %mul3A_301 : vector<16xi32>
          %min3A_304 = arith.constant 4096 : i32
          %min3A_305 = arith.minsi %while3A_278, %min3A_304 : i32
          %swap3A_306 = arith.index_cast %min3A_305 : i32 to index
          %swap3A_307 = tpu.vector_load %arg12[%swap3A_306] masked %eq3A_298 {strides = array<i32>} : memref<4224xi32, #tpu.memory_space<vmem>>, vector<16xi32>, vector<16xi1>
          tpu.vector_store %arg12[%swap3A_306], %add3A_303 masked %eq3A_298 {strides = array<i32>} : memref<4224xi32, #tpu.memory_space<vmem>>, vector<16xi32>, vector<16xi1>
          %swap3A_308 = arith.index_cast %min3A_305 : i32 to index
          %swap3A_309 = tpu.vector_load %arg13[%swap3A_308] masked %eq3A_298 {strides = array<i32>} : memref<4224xi32, #tpu.memory_space<vmem>>, vector<16xi32>, vector<16xi1>
          tpu.vector_store %arg13[%swap3A_308], %broadcast_in_dim3A_75 masked %eq3A_298 {strides = array<i32>} : memref<4224xi32, #tpu.memory_space<vmem>>, vector<16xi32>, vector<16xi1>
          %sub3A_310 = arith.constant 1 : i32
          %sub3A_311 = arith.subi %while3A_277, %sub3A_310 : i32
          %and3A_312 = arith.andi %while3A_277, %sub3A_311 : i32
          %all_reduce_population_count3A = tpu.all_reduce %eq3A_298 {dim = 0 : i64, kind = #tpu.reduction_kind<sum>} : vector<16xi1> -> vector<16xi32>
          %slice3A_313 = vector.extract_strided_slice %all_reduce_population_count3A {offsets = [0], sizes = [1], strides = [1]} : vector<16xi32> to vector<1xi32>
          %squeeze3A_314 = vector.extract %slice3A_313[0] : i32 from vector<1xi32>
          %add3A_315 = arith.addi %while3A_278, %squeeze3A_314 : i32
          scf.yield %and3A_312, %add3A_315 : i32, i32
        }
        %slice3A_101 = vector.extract_strided_slice %get3A_78 {offsets = [6], sizes = [1], strides = [1]} : vector<16xi32> to vector<1xi32>
        %squeeze3A_102 = vector.extract %slice3A_101[0] : i32 from vector<1xi32>
        %while3A_103 = arith.constant 6 : i32
        %while3A_104:2 = scf.while (%while3A_277 = %squeeze3A_102, %while3A_278 = %while3A_100#1) : (i32, i32) -> (i32, i32) {
          %ne3A_279 = arith.constant 0 : i32
          %ne3A_280 = arith.cmpi ne, %while3A_277, %ne3A_279 : i32
          scf.condition(%ne3A_280) %while3A_277, %while3A_278 : i32, i32
        } do {
        ^bb0(%while3A_277: i32, %while3A_278: i32):
          %neg3A = arith.constant 0 : i32
          %neg3A_279 = arith.subi %neg3A, %while3A_277 : i32
          %and3A_280 = arith.andi %while3A_277, %neg3A_279 : i32
          %convert_element_type3A = arith.sitofp %and3A_280 : i32 to f32
          %bitcast_convert_type3A = arith.bitcast %convert_element_type3A : f32 to i32
          %shift_right_arithmetic3A = arith.constant 23 : i32
          %shift_right_arithmetic3A_281 = arith.shrsi %bitcast_convert_type3A, %shift_right_arithmetic3A : i32
          %sub3A_282 = arith.constant 127 : i32
          %sub3A_283 = arith.subi %shift_right_arithmetic3A_281, %sub3A_282 : i32
          %mul3A_284 = arith.constant 48 : i32
          %mul3A_285 = arith.muli %sub3A_283, %mul3A_284 : i32
          %add3A_286 = arith.addi %mul3A_285, %while3A_103 : i32
          %add3A_287 = arith.addi %mul3A_69, %add3A_286 : i32
          %get3A_288 = arith.index_cast %add3A_287 : i32 to index
          %get3A_289 = tpu.vector_load %arg10[%get3A_288] {strides = array<i32>} : memref<20496xi32, #tpu.memory_space<vmem>>, vector<16xi32>,
          %slice3A_290 = vector.extract_strided_slice %get3A_289 {offsets = [0], sizes = [1], strides = [1]} : vector<16xi32> to vector<1xi32>
          %squeeze3A_291 = vector.extract %slice3A_290[0] : i32 from vector<1xi32>
          %shift_right_arithmetic3A_292 = vector.broadcast %squeeze3A_291 : i32 to vector<16xi32>
          %shift_right_arithmetic3A_293 = arith.shrsi %shift_right_arithmetic3A_292, %iota3A : vector<16xi32>
          %and3A_294 = arith.constant 1 : i32
          %and3A_295 = vector.broadcast %and3A_294 : i32 to vector<16xi32>
          %and3A_296 = arith.andi %shift_right_arithmetic3A_293, %and3A_295 : vector<16xi32>
          %eq3A = arith.constant 1 : i32
          %eq3A_297 = vector.broadcast %eq3A : i32 to vector<16xi32>
          %eq3A_298 = arith.cmpi eq, %and3A_296, %eq3A_297 : vector<16xi32>
          %mul3A_299 = arith.constant 640 : i32
          %mul3A_300 = vector.broadcast %mul3A_299 : i32 to vector<16xi32>
          %mul3A_301 = arith.muli %mul3A_300, %iota3A : vector<16xi32>
          %add3A_302 = vector.broadcast %add3A_286 : i32 to vector<16xi32>
          %add3A_303 = arith.addi %add3A_302, %mul3A_301 : vector<16xi32>
          %min3A_304 = arith.constant 4096 : i32
          %min3A_305 = arith.minsi %while3A_278, %min3A_304 : i32
          %swap3A_306 = arith.index_cast %min3A_305 : i32 to index
          %swap3A_307 = tpu.vector_load %arg12[%swap3A_306] masked %eq3A_298 {strides = array<i32>} : memref<4224xi32, #tpu.memory_space<vmem>>, vector<16xi32>, vector<16xi1>
          tpu.vector_store %arg12[%swap3A_306], %add3A_303 masked %eq3A_298 {strides = array<i32>} : memref<4224xi32, #tpu.memory_space<vmem>>, vector<16xi32>, vector<16xi1>
          %swap3A_308 = arith.index_cast %min3A_305 : i32 to index
          %swap3A_309 = tpu.vector_load %arg13[%swap3A_308] masked %eq3A_298 {strides = array<i32>} : memref<4224xi32, #tpu.memory_space<vmem>>, vector<16xi32>, vector<16xi1>
          tpu.vector_store %arg13[%swap3A_308], %broadcast_in_dim3A_75 masked %eq3A_298 {strides = array<i32>} : memref<4224xi32, #tpu.memory_space<vmem>>, vector<16xi32>, vector<16xi1>
          %sub3A_310 = arith.constant 1 : i32
          %sub3A_311 = arith.subi %while3A_277, %sub3A_310 : i32
          %and3A_312 = arith.andi %while3A_277, %sub3A_311 : i32
          %all_reduce_population_count3A = tpu.all_reduce %eq3A_298 {dim = 0 : i64, kind = #tpu.reduction_kind<sum>} : vector<16xi1> -> vector<16xi32>
          %slice3A_313 = vector.extract_strided_slice %all_reduce_population_count3A {offsets = [0], sizes = [1], strides = [1]} : vector<16xi32> to vector<1xi32>
          %squeeze3A_314 = vector.extract %slice3A_313[0] : i32 from vector<1xi32>
          %add3A_315 = arith.addi %while3A_278, %squeeze3A_314 : i32
          scf.yield %and3A_312, %add3A_315 : i32, i32
        }
        %slice3A_105 = vector.extract_strided_slice %get3A_78 {offsets = [7], sizes = [1], strides = [1]} : vector<16xi32> to vector<1xi32>
        %squeeze3A_106 = vector.extract %slice3A_105[0] : i32 from vector<1xi32>
        %while3A_107 = arith.constant 7 : i32
        %while3A_108:2 = scf.while (%while3A_277 = %squeeze3A_106, %while3A_278 = %while3A_104#1) : (i32, i32) -> (i32, i32) {
          %ne3A_279 = arith.constant 0 : i32
          %ne3A_280 = arith.cmpi ne, %while3A_277, %ne3A_279 : i32
          scf.condition(%ne3A_280) %while3A_277, %while3A_278 : i32, i32
        } do {
        ^bb0(%while3A_277: i32, %while3A_278: i32):
          %neg3A = arith.constant 0 : i32
          %neg3A_279 = arith.subi %neg3A, %while3A_277 : i32
          %and3A_280 = arith.andi %while3A_277, %neg3A_279 : i32
          %convert_element_type3A = arith.sitofp %and3A_280 : i32 to f32
          %bitcast_convert_type3A = arith.bitcast %convert_element_type3A : f32 to i32
          %shift_right_arithmetic3A = arith.constant 23 : i32
          %shift_right_arithmetic3A_281 = arith.shrsi %bitcast_convert_type3A, %shift_right_arithmetic3A : i32
          %sub3A_282 = arith.constant 127 : i32
          %sub3A_283 = arith.subi %shift_right_arithmetic3A_281, %sub3A_282 : i32
          %mul3A_284 = arith.constant 48 : i32
          %mul3A_285 = arith.muli %sub3A_283, %mul3A_284 : i32
          %add3A_286 = arith.addi %mul3A_285, %while3A_107 : i32
          %add3A_287 = arith.addi %mul3A_69, %add3A_286 : i32
          %get3A_288 = arith.index_cast %add3A_287 : i32 to index
          %get3A_289 = tpu.vector_load %arg10[%get3A_288] {strides = array<i32>} : memref<20496xi32, #tpu.memory_space<vmem>>, vector<16xi32>,
          %slice3A_290 = vector.extract_strided_slice %get3A_289 {offsets = [0], sizes = [1], strides = [1]} : vector<16xi32> to vector<1xi32>
          %squeeze3A_291 = vector.extract %slice3A_290[0] : i32 from vector<1xi32>
          %shift_right_arithmetic3A_292 = vector.broadcast %squeeze3A_291 : i32 to vector<16xi32>
          %shift_right_arithmetic3A_293 = arith.shrsi %shift_right_arithmetic3A_292, %iota3A : vector<16xi32>
          %and3A_294 = arith.constant 1 : i32
          %and3A_295 = vector.broadcast %and3A_294 : i32 to vector<16xi32>
          %and3A_296 = arith.andi %shift_right_arithmetic3A_293, %and3A_295 : vector<16xi32>
          %eq3A = arith.constant 1 : i32
          %eq3A_297 = vector.broadcast %eq3A : i32 to vector<16xi32>
          %eq3A_298 = arith.cmpi eq, %and3A_296, %eq3A_297 : vector<16xi32>
          %mul3A_299 = arith.constant 640 : i32
          %mul3A_300 = vector.broadcast %mul3A_299 : i32 to vector<16xi32>
          %mul3A_301 = arith.muli %mul3A_300, %iota3A : vector<16xi32>
          %add3A_302 = vector.broadcast %add3A_286 : i32 to vector<16xi32>
          %add3A_303 = arith.addi %add3A_302, %mul3A_301 : vector<16xi32>
          %min3A_304 = arith.constant 4096 : i32
          %min3A_305 = arith.minsi %while3A_278, %min3A_304 : i32
          %swap3A_306 = arith.index_cast %min3A_305 : i32 to index
          %swap3A_307 = tpu.vector_load %arg12[%swap3A_306] masked %eq3A_298 {strides = array<i32>} : memref<4224xi32, #tpu.memory_space<vmem>>, vector<16xi32>, vector<16xi1>
          tpu.vector_store %arg12[%swap3A_306], %add3A_303 masked %eq3A_298 {strides = array<i32>} : memref<4224xi32, #tpu.memory_space<vmem>>, vector<16xi32>, vector<16xi1>
          %swap3A_308 = arith.index_cast %min3A_305 : i32 to index
          %swap3A_309 = tpu.vector_load %arg13[%swap3A_308] masked %eq3A_298 {strides = array<i32>} : memref<4224xi32, #tpu.memory_space<vmem>>, vector<16xi32>, vector<16xi1>
          tpu.vector_store %arg13[%swap3A_308], %broadcast_in_dim3A_75 masked %eq3A_298 {strides = array<i32>} : memref<4224xi32, #tpu.memory_space<vmem>>, vector<16xi32>, vector<16xi1>
          %sub3A_310 = arith.constant 1 : i32
          %sub3A_311 = arith.subi %while3A_277, %sub3A_310 : i32
          %and3A_312 = arith.andi %while3A_277, %sub3A_311 : i32
          %all_reduce_population_count3A = tpu.all_reduce %eq3A_298 {dim = 0 : i64, kind = #tpu.reduction_kind<sum>} : vector<16xi1> -> vector<16xi32>
          %slice3A_313 = vector.extract_strided_slice %all_reduce_population_count3A {offsets = [0], sizes = [1], strides = [1]} : vector<16xi32> to vector<1xi32>
          %squeeze3A_314 = vector.extract %slice3A_313[0] : i32 from vector<1xi32>
          %add3A_315 = arith.addi %while3A_278, %squeeze3A_314 : i32
          scf.yield %and3A_312, %add3A_315 : i32, i32
        }
        %slice3A_109 = vector.extract_strided_slice %get3A_78 {offsets = [8], sizes = [1], strides = [1]} : vector<16xi32> to vector<1xi32>
        %squeeze3A_110 = vector.extract %slice3A_109[0] : i32 from vector<1xi32>
        %while3A_111 = arith.constant 8 : i32
        %while3A_112:2 = scf.while (%while3A_277 = %squeeze3A_110, %while3A_278 = %while3A_108#1) : (i32, i32) -> (i32, i32) {
          %ne3A_279 = arith.constant 0 : i32
          %ne3A_280 = arith.cmpi ne, %while3A_277, %ne3A_279 : i32
          scf.condition(%ne3A_280) %while3A_277, %while3A_278 : i32, i32
        } do {
        ^bb0(%while3A_277: i32, %while3A_278: i32):
          %neg3A = arith.constant 0 : i32
          %neg3A_279 = arith.subi %neg3A, %while3A_277 : i32
          %and3A_280 = arith.andi %while3A_277, %neg3A_279 : i32
          %convert_element_type3A = arith.sitofp %and3A_280 : i32 to f32
          %bitcast_convert_type3A = arith.bitcast %convert_element_type3A : f32 to i32
          %shift_right_arithmetic3A = arith.constant 23 : i32
          %shift_right_arithmetic3A_281 = arith.shrsi %bitcast_convert_type3A, %shift_right_arithmetic3A : i32
          %sub3A_282 = arith.constant 127 : i32
          %sub3A_283 = arith.subi %shift_right_arithmetic3A_281, %sub3A_282 : i32
          %mul3A_284 = arith.constant 48 : i32
          %mul3A_285 = arith.muli %sub3A_283, %mul3A_284 : i32
          %add3A_286 = arith.addi %mul3A_285, %while3A_111 : i32
          %add3A_287 = arith.addi %mul3A_69, %add3A_286 : i32
          %get3A_288 = arith.index_cast %add3A_287 : i32 to index
          %get3A_289 = tpu.vector_load %arg10[%get3A_288] {strides = array<i32>} : memref<20496xi32, #tpu.memory_space<vmem>>, vector<16xi32>,
          %slice3A_290 = vector.extract_strided_slice %get3A_289 {offsets = [0], sizes = [1], strides = [1]} : vector<16xi32> to vector<1xi32>
          %squeeze3A_291 = vector.extract %slice3A_290[0] : i32 from vector<1xi32>
          %shift_right_arithmetic3A_292 = vector.broadcast %squeeze3A_291 : i32 to vector<16xi32>
          %shift_right_arithmetic3A_293 = arith.shrsi %shift_right_arithmetic3A_292, %iota3A : vector<16xi32>
          %and3A_294 = arith.constant 1 : i32
          %and3A_295 = vector.broadcast %and3A_294 : i32 to vector<16xi32>
          %and3A_296 = arith.andi %shift_right_arithmetic3A_293, %and3A_295 : vector<16xi32>
          %eq3A = arith.constant 1 : i32
          %eq3A_297 = vector.broadcast %eq3A : i32 to vector<16xi32>
          %eq3A_298 = arith.cmpi eq, %and3A_296, %eq3A_297 : vector<16xi32>
          %mul3A_299 = arith.constant 640 : i32
          %mul3A_300 = vector.broadcast %mul3A_299 : i32 to vector<16xi32>
          %mul3A_301 = arith.muli %mul3A_300, %iota3A : vector<16xi32>
          %add3A_302 = vector.broadcast %add3A_286 : i32 to vector<16xi32>
          %add3A_303 = arith.addi %add3A_302, %mul3A_301 : vector<16xi32>
          %min3A_304 = arith.constant 4096 : i32
          %min3A_305 = arith.minsi %while3A_278, %min3A_304 : i32
          %swap3A_306 = arith.index_cast %min3A_305 : i32 to index
          %swap3A_307 = tpu.vector_load %arg12[%swap3A_306] masked %eq3A_298 {strides = array<i32>} : memref<4224xi32, #tpu.memory_space<vmem>>, vector<16xi32>, vector<16xi1>
          tpu.vector_store %arg12[%swap3A_306], %add3A_303 masked %eq3A_298 {strides = array<i32>} : memref<4224xi32, #tpu.memory_space<vmem>>, vector<16xi32>, vector<16xi1>
          %swap3A_308 = arith.index_cast %min3A_305 : i32 to index
          %swap3A_309 = tpu.vector_load %arg13[%swap3A_308] masked %eq3A_298 {strides = array<i32>} : memref<4224xi32, #tpu.memory_space<vmem>>, vector<16xi32>, vector<16xi1>
          tpu.vector_store %arg13[%swap3A_308], %broadcast_in_dim3A_75 masked %eq3A_298 {strides = array<i32>} : memref<4224xi32, #tpu.memory_space<vmem>>, vector<16xi32>, vector<16xi1>
          %sub3A_310 = arith.constant 1 : i32
          %sub3A_311 = arith.subi %while3A_277, %sub3A_310 : i32
          %and3A_312 = arith.andi %while3A_277, %sub3A_311 : i32
          %all_reduce_population_count3A = tpu.all_reduce %eq3A_298 {dim = 0 : i64, kind = #tpu.reduction_kind<sum>} : vector<16xi1> -> vector<16xi32>
          %slice3A_313 = vector.extract_strided_slice %all_reduce_population_count3A {offsets = [0], sizes = [1], strides = [1]} : vector<16xi32> to vector<1xi32>
          %squeeze3A_314 = vector.extract %slice3A_313[0] : i32 from vector<1xi32>
          %add3A_315 = arith.addi %while3A_278, %squeeze3A_314 : i32
          scf.yield %and3A_312, %add3A_315 : i32, i32
        }
        %slice3A_113 = vector.extract_strided_slice %get3A_78 {offsets = [9], sizes = [1], strides = [1]} : vector<16xi32> to vector<1xi32>
        %squeeze3A_114 = vector.extract %slice3A_113[0] : i32 from vector<1xi32>
        %while3A_115 = arith.constant 9 : i32
        %while3A_116:2 = scf.while (%while3A_277 = %squeeze3A_114, %while3A_278 = %while3A_112#1) : (i32, i32) -> (i32, i32) {
          %ne3A_279 = arith.constant 0 : i32
          %ne3A_280 = arith.cmpi ne, %while3A_277, %ne3A_279 : i32
          scf.condition(%ne3A_280) %while3A_277, %while3A_278 : i32, i32
        } do {
        ^bb0(%while3A_277: i32, %while3A_278: i32):
          %neg3A = arith.constant 0 : i32
          %neg3A_279 = arith.subi %neg3A, %while3A_277 : i32
          %and3A_280 = arith.andi %while3A_277, %neg3A_279 : i32
          %convert_element_type3A = arith.sitofp %and3A_280 : i32 to f32
          %bitcast_convert_type3A = arith.bitcast %convert_element_type3A : f32 to i32
          %shift_right_arithmetic3A = arith.constant 23 : i32
          %shift_right_arithmetic3A_281 = arith.shrsi %bitcast_convert_type3A, %shift_right_arithmetic3A : i32
          %sub3A_282 = arith.constant 127 : i32
          %sub3A_283 = arith.subi %shift_right_arithmetic3A_281, %sub3A_282 : i32
          %mul3A_284 = arith.constant 48 : i32
          %mul3A_285 = arith.muli %sub3A_283, %mul3A_284 : i32
          %add3A_286 = arith.addi %mul3A_285, %while3A_115 : i32
          %add3A_287 = arith.addi %mul3A_69, %add3A_286 : i32
          %get3A_288 = arith.index_cast %add3A_287 : i32 to index
          %get3A_289 = tpu.vector_load %arg10[%get3A_288] {strides = array<i32>} : memref<20496xi32, #tpu.memory_space<vmem>>, vector<16xi32>,
          %slice3A_290 = vector.extract_strided_slice %get3A_289 {offsets = [0], sizes = [1], strides = [1]} : vector<16xi32> to vector<1xi32>
          %squeeze3A_291 = vector.extract %slice3A_290[0] : i32 from vector<1xi32>
          %shift_right_arithmetic3A_292 = vector.broadcast %squeeze3A_291 : i32 to vector<16xi32>
          %shift_right_arithmetic3A_293 = arith.shrsi %shift_right_arithmetic3A_292, %iota3A : vector<16xi32>
          %and3A_294 = arith.constant 1 : i32
          %and3A_295 = vector.broadcast %and3A_294 : i32 to vector<16xi32>
          %and3A_296 = arith.andi %shift_right_arithmetic3A_293, %and3A_295 : vector<16xi32>
          %eq3A = arith.constant 1 : i32
          %eq3A_297 = vector.broadcast %eq3A : i32 to vector<16xi32>
          %eq3A_298 = arith.cmpi eq, %and3A_296, %eq3A_297 : vector<16xi32>
          %mul3A_299 = arith.constant 640 : i32
          %mul3A_300 = vector.broadcast %mul3A_299 : i32 to vector<16xi32>
          %mul3A_301 = arith.muli %mul3A_300, %iota3A : vector<16xi32>
          %add3A_302 = vector.broadcast %add3A_286 : i32 to vector<16xi32>
          %add3A_303 = arith.addi %add3A_302, %mul3A_301 : vector<16xi32>
          %min3A_304 = arith.constant 4096 : i32
          %min3A_305 = arith.minsi %while3A_278, %min3A_304 : i32
          %swap3A_306 = arith.index_cast %min3A_305 : i32 to index
          %swap3A_307 = tpu.vector_load %arg12[%swap3A_306] masked %eq3A_298 {strides = array<i32>} : memref<4224xi32, #tpu.memory_space<vmem>>, vector<16xi32>, vector<16xi1>
          tpu.vector_store %arg12[%swap3A_306], %add3A_303 masked %eq3A_298 {strides = array<i32>} : memref<4224xi32, #tpu.memory_space<vmem>>, vector<16xi32>, vector<16xi1>
          %swap3A_308 = arith.index_cast %min3A_305 : i32 to index
          %swap3A_309 = tpu.vector_load %arg13[%swap3A_308] masked %eq3A_298 {strides = array<i32>} : memref<4224xi32, #tpu.memory_space<vmem>>, vector<16xi32>, vector<16xi1>
          tpu.vector_store %arg13[%swap3A_308], %broadcast_in_dim3A_75 masked %eq3A_298 {strides = array<i32>} : memref<4224xi32, #tpu.memory_space<vmem>>, vector<16xi32>, vector<16xi1>
          %sub3A_310 = arith.constant 1 : i32
          %sub3A_311 = arith.subi %while3A_277, %sub3A_310 : i32
          %and3A_312 = arith.andi %while3A_277, %sub3A_311 : i32
          %all_reduce_population_count3A = tpu.all_reduce %eq3A_298 {dim = 0 : i64, kind = #tpu.reduction_kind<sum>} : vector<16xi1> -> vector<16xi32>
          %slice3A_313 = vector.extract_strided_slice %all_reduce_population_count3A {offsets = [0], sizes = [1], strides = [1]} : vector<16xi32> to vector<1xi32>
          %squeeze3A_314 = vector.extract %slice3A_313[0] : i32 from vector<1xi32>
          %add3A_315 = arith.addi %while3A_278, %squeeze3A_314 : i32
          scf.yield %and3A_312, %add3A_315 : i32, i32
        }
        %slice3A_117 = vector.extract_strided_slice %get3A_78 {offsets = [10], sizes = [1], strides = [1]} : vector<16xi32> to vector<1xi32>
        %squeeze3A_118 = vector.extract %slice3A_117[0] : i32 from vector<1xi32>
        %while3A_119 = arith.constant 10 : i32
        %while3A_120:2 = scf.while (%while3A_277 = %squeeze3A_118, %while3A_278 = %while3A_116#1) : (i32, i32) -> (i32, i32) {
          %ne3A_279 = arith.constant 0 : i32
          %ne3A_280 = arith.cmpi ne, %while3A_277, %ne3A_279 : i32
          scf.condition(%ne3A_280) %while3A_277, %while3A_278 : i32, i32
        } do {
        ^bb0(%while3A_277: i32, %while3A_278: i32):
          %neg3A = arith.constant 0 : i32
          %neg3A_279 = arith.subi %neg3A, %while3A_277 : i32
          %and3A_280 = arith.andi %while3A_277, %neg3A_279 : i32
          %convert_element_type3A = arith.sitofp %and3A_280 : i32 to f32
          %bitcast_convert_type3A = arith.bitcast %convert_element_type3A : f32 to i32
          %shift_right_arithmetic3A = arith.constant 23 : i32
          %shift_right_arithmetic3A_281 = arith.shrsi %bitcast_convert_type3A, %shift_right_arithmetic3A : i32
          %sub3A_282 = arith.constant 127 : i32
          %sub3A_283 = arith.subi %shift_right_arithmetic3A_281, %sub3A_282 : i32
          %mul3A_284 = arith.constant 48 : i32
          %mul3A_285 = arith.muli %sub3A_283, %mul3A_284 : i32
          %add3A_286 = arith.addi %mul3A_285, %while3A_119 : i32
          %add3A_287 = arith.addi %mul3A_69, %add3A_286 : i32
          %get3A_288 = arith.index_cast %add3A_287 : i32 to index
          %get3A_289 = tpu.vector_load %arg10[%get3A_288] {strides = array<i32>} : memref<20496xi32, #tpu.memory_space<vmem>>, vector<16xi32>,
          %slice3A_290 = vector.extract_strided_slice %get3A_289 {offsets = [0], sizes = [1], strides = [1]} : vector<16xi32> to vector<1xi32>
          %squeeze3A_291 = vector.extract %slice3A_290[0] : i32 from vector<1xi32>
          %shift_right_arithmetic3A_292 = vector.broadcast %squeeze3A_291 : i32 to vector<16xi32>
          %shift_right_arithmetic3A_293 = arith.shrsi %shift_right_arithmetic3A_292, %iota3A : vector<16xi32>
          %and3A_294 = arith.constant 1 : i32
          %and3A_295 = vector.broadcast %and3A_294 : i32 to vector<16xi32>
          %and3A_296 = arith.andi %shift_right_arithmetic3A_293, %and3A_295 : vector<16xi32>
          %eq3A = arith.constant 1 : i32
          %eq3A_297 = vector.broadcast %eq3A : i32 to vector<16xi32>
          %eq3A_298 = arith.cmpi eq, %and3A_296, %eq3A_297 : vector<16xi32>
          %mul3A_299 = arith.constant 640 : i32
          %mul3A_300 = vector.broadcast %mul3A_299 : i32 to vector<16xi32>
          %mul3A_301 = arith.muli %mul3A_300, %iota3A : vector<16xi32>
          %add3A_302 = vector.broadcast %add3A_286 : i32 to vector<16xi32>
          %add3A_303 = arith.addi %add3A_302, %mul3A_301 : vector<16xi32>
          %min3A_304 = arith.constant 4096 : i32
          %min3A_305 = arith.minsi %while3A_278, %min3A_304 : i32
          %swap3A_306 = arith.index_cast %min3A_305 : i32 to index
          %swap3A_307 = tpu.vector_load %arg12[%swap3A_306] masked %eq3A_298 {strides = array<i32>} : memref<4224xi32, #tpu.memory_space<vmem>>, vector<16xi32>, vector<16xi1>
          tpu.vector_store %arg12[%swap3A_306], %add3A_303 masked %eq3A_298 {strides = array<i32>} : memref<4224xi32, #tpu.memory_space<vmem>>, vector<16xi32>, vector<16xi1>
          %swap3A_308 = arith.index_cast %min3A_305 : i32 to index
          %swap3A_309 = tpu.vector_load %arg13[%swap3A_308] masked %eq3A_298 {strides = array<i32>} : memref<4224xi32, #tpu.memory_space<vmem>>, vector<16xi32>, vector<16xi1>
          tpu.vector_store %arg13[%swap3A_308], %broadcast_in_dim3A_75 masked %eq3A_298 {strides = array<i32>} : memref<4224xi32, #tpu.memory_space<vmem>>, vector<16xi32>, vector<16xi1>
          %sub3A_310 = arith.constant 1 : i32
          %sub3A_311 = arith.subi %while3A_277, %sub3A_310 : i32
          %and3A_312 = arith.andi %while3A_277, %sub3A_311 : i32
          %all_reduce_population_count3A = tpu.all_reduce %eq3A_298 {dim = 0 : i64, kind = #tpu.reduction_kind<sum>} : vector<16xi1> -> vector<16xi32>
          %slice3A_313 = vector.extract_strided_slice %all_reduce_population_count3A {offsets = [0], sizes = [1], strides = [1]} : vector<16xi32> to vector<1xi32>
          %squeeze3A_314 = vector.extract %slice3A_313[0] : i32 from vector<1xi32>
          %add3A_315 = arith.addi %while3A_278, %squeeze3A_314 : i32
          scf.yield %and3A_312, %add3A_315 : i32, i32
        }
        %slice3A_121 = vector.extract_strided_slice %get3A_78 {offsets = [11], sizes = [1], strides = [1]} : vector<16xi32> to vector<1xi32>
        %squeeze3A_122 = vector.extract %slice3A_121[0] : i32 from vector<1xi32>
        %while3A_123 = arith.constant 11 : i32
        %while3A_124:2 = scf.while (%while3A_277 = %squeeze3A_122, %while3A_278 = %while3A_120#1) : (i32, i32) -> (i32, i32) {
          %ne3A_279 = arith.constant 0 : i32
          %ne3A_280 = arith.cmpi ne, %while3A_277, %ne3A_279 : i32
          scf.condition(%ne3A_280) %while3A_277, %while3A_278 : i32, i32
        } do {
        ^bb0(%while3A_277: i32, %while3A_278: i32):
          %neg3A = arith.constant 0 : i32
          %neg3A_279 = arith.subi %neg3A, %while3A_277 : i32
          %and3A_280 = arith.andi %while3A_277, %neg3A_279 : i32
          %convert_element_type3A = arith.sitofp %and3A_280 : i32 to f32
          %bitcast_convert_type3A = arith.bitcast %convert_element_type3A : f32 to i32
          %shift_right_arithmetic3A = arith.constant 23 : i32
          %shift_right_arithmetic3A_281 = arith.shrsi %bitcast_convert_type3A, %shift_right_arithmetic3A : i32
          %sub3A_282 = arith.constant 127 : i32
          %sub3A_283 = arith.subi %shift_right_arithmetic3A_281, %sub3A_282 : i32
          %mul3A_284 = arith.constant 48 : i32
          %mul3A_285 = arith.muli %sub3A_283, %mul3A_284 : i32
          %add3A_286 = arith.addi %mul3A_285, %while3A_123 : i32
          %add3A_287 = arith.addi %mul3A_69, %add3A_286 : i32
          %get3A_288 = arith.index_cast %add3A_287 : i32 to index
          %get3A_289 = tpu.vector_load %arg10[%get3A_288] {strides = array<i32>} : memref<20496xi32, #tpu.memory_space<vmem>>, vector<16xi32>,
          %slice3A_290 = vector.extract_strided_slice %get3A_289 {offsets = [0], sizes = [1], strides = [1]} : vector<16xi32> to vector<1xi32>
          %squeeze3A_291 = vector.extract %slice3A_290[0] : i32 from vector<1xi32>
          %shift_right_arithmetic3A_292 = vector.broadcast %squeeze3A_291 : i32 to vector<16xi32>
          %shift_right_arithmetic3A_293 = arith.shrsi %shift_right_arithmetic3A_292, %iota3A : vector<16xi32>
          %and3A_294 = arith.constant 1 : i32
          %and3A_295 = vector.broadcast %and3A_294 : i32 to vector<16xi32>
          %and3A_296 = arith.andi %shift_right_arithmetic3A_293, %and3A_295 : vector<16xi32>
          %eq3A = arith.constant 1 : i32
          %eq3A_297 = vector.broadcast %eq3A : i32 to vector<16xi32>
          %eq3A_298 = arith.cmpi eq, %and3A_296, %eq3A_297 : vector<16xi32>
          %mul3A_299 = arith.constant 640 : i32
          %mul3A_300 = vector.broadcast %mul3A_299 : i32 to vector<16xi32>
          %mul3A_301 = arith.muli %mul3A_300, %iota3A : vector<16xi32>
          %add3A_302 = vector.broadcast %add3A_286 : i32 to vector<16xi32>
          %add3A_303 = arith.addi %add3A_302, %mul3A_301 : vector<16xi32>
          %min3A_304 = arith.constant 4096 : i32
          %min3A_305 = arith.minsi %while3A_278, %min3A_304 : i32
          %swap3A_306 = arith.index_cast %min3A_305 : i32 to index
          %swap3A_307 = tpu.vector_load %arg12[%swap3A_306] masked %eq3A_298 {strides = array<i32>} : memref<4224xi32, #tpu.memory_space<vmem>>, vector<16xi32>, vector<16xi1>
          tpu.vector_store %arg12[%swap3A_306], %add3A_303 masked %eq3A_298 {strides = array<i32>} : memref<4224xi32, #tpu.memory_space<vmem>>, vector<16xi32>, vector<16xi1>
          %swap3A_308 = arith.index_cast %min3A_305 : i32 to index
          %swap3A_309 = tpu.vector_load %arg13[%swap3A_308] masked %eq3A_298 {strides = array<i32>} : memref<4224xi32, #tpu.memory_space<vmem>>, vector<16xi32>, vector<16xi1>
          tpu.vector_store %arg13[%swap3A_308], %broadcast_in_dim3A_75 masked %eq3A_298 {strides = array<i32>} : memref<4224xi32, #tpu.memory_space<vmem>>, vector<16xi32>, vector<16xi1>
          %sub3A_310 = arith.constant 1 : i32
          %sub3A_311 = arith.subi %while3A_277, %sub3A_310 : i32
          %and3A_312 = arith.andi %while3A_277, %sub3A_311 : i32
          %all_reduce_population_count3A = tpu.all_reduce %eq3A_298 {dim = 0 : i64, kind = #tpu.reduction_kind<sum>} : vector<16xi1> -> vector<16xi32>
          %slice3A_313 = vector.extract_strided_slice %all_reduce_population_count3A {offsets = [0], sizes = [1], strides = [1]} : vector<16xi32> to vector<1xi32>
          %squeeze3A_314 = vector.extract %slice3A_313[0] : i32 from vector<1xi32>
          %add3A_315 = arith.addi %while3A_278, %squeeze3A_314 : i32
          scf.yield %and3A_312, %add3A_315 : i32, i32
        }
        %slice3A_125 = vector.extract_strided_slice %get3A_78 {offsets = [12], sizes = [1], strides = [1]} : vector<16xi32> to vector<1xi32>
        %squeeze3A_126 = vector.extract %slice3A_125[0] : i32 from vector<1xi32>
        %while3A_127 = arith.constant 12 : i32
        %while3A_128:2 = scf.while (%while3A_277 = %squeeze3A_126, %while3A_278 = %while3A_124#1) : (i32, i32) -> (i32, i32) {
          %ne3A_279 = arith.constant 0 : i32
          %ne3A_280 = arith.cmpi ne, %while3A_277, %ne3A_279 : i32
          scf.condition(%ne3A_280) %while3A_277, %while3A_278 : i32, i32
        } do {
        ^bb0(%while3A_277: i32, %while3A_278: i32):
          %neg3A = arith.constant 0 : i32
          %neg3A_279 = arith.subi %neg3A, %while3A_277 : i32
          %and3A_280 = arith.andi %while3A_277, %neg3A_279 : i32
          %convert_element_type3A = arith.sitofp %and3A_280 : i32 to f32
          %bitcast_convert_type3A = arith.bitcast %convert_element_type3A : f32 to i32
          %shift_right_arithmetic3A = arith.constant 23 : i32
          %shift_right_arithmetic3A_281 = arith.shrsi %bitcast_convert_type3A, %shift_right_arithmetic3A : i32
          %sub3A_282 = arith.constant 127 : i32
          %sub3A_283 = arith.subi %shift_right_arithmetic3A_281, %sub3A_282 : i32
          %mul3A_284 = arith.constant 48 : i32
          %mul3A_285 = arith.muli %sub3A_283, %mul3A_284 : i32
          %add3A_286 = arith.addi %mul3A_285, %while3A_127 : i32
          %add3A_287 = arith.addi %mul3A_69, %add3A_286 : i32
          %get3A_288 = arith.index_cast %add3A_287 : i32 to index
          %get3A_289 = tpu.vector_load %arg10[%get3A_288] {strides = array<i32>} : memref<20496xi32, #tpu.memory_space<vmem>>, vector<16xi32>,
          %slice3A_290 = vector.extract_strided_slice %get3A_289 {offsets = [0], sizes = [1], strides = [1]} : vector<16xi32> to vector<1xi32>
          %squeeze3A_291 = vector.extract %slice3A_290[0] : i32 from vector<1xi32>
          %shift_right_arithmetic3A_292 = vector.broadcast %squeeze3A_291 : i32 to vector<16xi32>
          %shift_right_arithmetic3A_293 = arith.shrsi %shift_right_arithmetic3A_292, %iota3A : vector<16xi32>
          %and3A_294 = arith.constant 1 : i32
          %and3A_295 = vector.broadcast %and3A_294 : i32 to vector<16xi32>
          %and3A_296 = arith.andi %shift_right_arithmetic3A_293, %and3A_295 : vector<16xi32>
          %eq3A = arith.constant 1 : i32
          %eq3A_297 = vector.broadcast %eq3A : i32 to vector<16xi32>
          %eq3A_298 = arith.cmpi eq, %and3A_296, %eq3A_297 : vector<16xi32>
          %mul3A_299 = arith.constant 640 : i32
          %mul3A_300 = vector.broadcast %mul3A_299 : i32 to vector<16xi32>
          %mul3A_301 = arith.muli %mul3A_300, %iota3A : vector<16xi32>
          %add3A_302 = vector.broadcast %add3A_286 : i32 to vector<16xi32>
          %add3A_303 = arith.addi %add3A_302, %mul3A_301 : vector<16xi32>
          %min3A_304 = arith.constant 4096 : i32
          %min3A_305 = arith.minsi %while3A_278, %min3A_304 : i32
          %swap3A_306 = arith.index_cast %min3A_305 : i32 to index
          %swap3A_307 = tpu.vector_load %arg12[%swap3A_306] masked %eq3A_298 {strides = array<i32>} : memref<4224xi32, #tpu.memory_space<vmem>>, vector<16xi32>, vector<16xi1>
          tpu.vector_store %arg12[%swap3A_306], %add3A_303 masked %eq3A_298 {strides = array<i32>} : memref<4224xi32, #tpu.memory_space<vmem>>, vector<16xi32>, vector<16xi1>
          %swap3A_308 = arith.index_cast %min3A_305 : i32 to index
          %swap3A_309 = tpu.vector_load %arg13[%swap3A_308] masked %eq3A_298 {strides = array<i32>} : memref<4224xi32, #tpu.memory_space<vmem>>, vector<16xi32>, vector<16xi1>
          tpu.vector_store %arg13[%swap3A_308], %broadcast_in_dim3A_75 masked %eq3A_298 {strides = array<i32>} : memref<4224xi32, #tpu.memory_space<vmem>>, vector<16xi32>, vector<16xi1>
          %sub3A_310 = arith.constant 1 : i32
          %sub3A_311 = arith.subi %while3A_277, %sub3A_310 : i32
          %and3A_312 = arith.andi %while3A_277, %sub3A_311 : i32
          %all_reduce_population_count3A = tpu.all_reduce %eq3A_298 {dim = 0 : i64, kind = #tpu.reduction_kind<sum>} : vector<16xi1> -> vector<16xi32>
          %slice3A_313 = vector.extract_strided_slice %all_reduce_population_count3A {offsets = [0], sizes = [1], strides = [1]} : vector<16xi32> to vector<1xi32>
          %squeeze3A_314 = vector.extract %slice3A_313[0] : i32 from vector<1xi32>
          %add3A_315 = arith.addi %while3A_278, %squeeze3A_314 : i32
          scf.yield %and3A_312, %add3A_315 : i32, i32
        }
        %slice3A_129 = vector.extract_strided_slice %get3A_78 {offsets = [13], sizes = [1], strides = [1]} : vector<16xi32> to vector<1xi32>
        %squeeze3A_130 = vector.extract %slice3A_129[0] : i32 from vector<1xi32>
        %while3A_131 = arith.constant 13 : i32
        %while3A_132:2 = scf.while (%while3A_277 = %squeeze3A_130, %while3A_278 = %while3A_128#1) : (i32, i32) -> (i32, i32) {
          %ne3A_279 = arith.constant 0 : i32
          %ne3A_280 = arith.cmpi ne, %while3A_277, %ne3A_279 : i32
          scf.condition(%ne3A_280) %while3A_277, %while3A_278 : i32, i32
        } do {
        ^bb0(%while3A_277: i32, %while3A_278: i32):
          %neg3A = arith.constant 0 : i32
          %neg3A_279 = arith.subi %neg3A, %while3A_277 : i32
          %and3A_280 = arith.andi %while3A_277, %neg3A_279 : i32
          %convert_element_type3A = arith.sitofp %and3A_280 : i32 to f32
          %bitcast_convert_type3A = arith.bitcast %convert_element_type3A : f32 to i32
          %shift_right_arithmetic3A = arith.constant 23 : i32
          %shift_right_arithmetic3A_281 = arith.shrsi %bitcast_convert_type3A, %shift_right_arithmetic3A : i32
          %sub3A_282 = arith.constant 127 : i32
          %sub3A_283 = arith.subi %shift_right_arithmetic3A_281, %sub3A_282 : i32
          %mul3A_284 = arith.constant 48 : i32
          %mul3A_285 = arith.muli %sub3A_283, %mul3A_284 : i32
          %add3A_286 = arith.addi %mul3A_285, %while3A_131 : i32
          %add3A_287 = arith.addi %mul3A_69, %add3A_286 : i32
          %get3A_288 = arith.index_cast %add3A_287 : i32 to index
          %get3A_289 = tpu.vector_load %arg10[%get3A_288] {strides = array<i32>} : memref<20496xi32, #tpu.memory_space<vmem>>, vector<16xi32>,
          %slice3A_290 = vector.extract_strided_slice %get3A_289 {offsets = [0], sizes = [1], strides = [1]} : vector<16xi32> to vector<1xi32>
          %squeeze3A_291 = vector.extract %slice3A_290[0] : i32 from vector<1xi32>
          %shift_right_arithmetic3A_292 = vector.broadcast %squeeze3A_291 : i32 to vector<16xi32>
          %shift_right_arithmetic3A_293 = arith.shrsi %shift_right_arithmetic3A_292, %iota3A : vector<16xi32>
          %and3A_294 = arith.constant 1 : i32
          %and3A_295 = vector.broadcast %and3A_294 : i32 to vector<16xi32>
          %and3A_296 = arith.andi %shift_right_arithmetic3A_293, %and3A_295 : vector<16xi32>
          %eq3A = arith.constant 1 : i32
          %eq3A_297 = vector.broadcast %eq3A : i32 to vector<16xi32>
          %eq3A_298 = arith.cmpi eq, %and3A_296, %eq3A_297 : vector<16xi32>
          %mul3A_299 = arith.constant 640 : i32
          %mul3A_300 = vector.broadcast %mul3A_299 : i32 to vector<16xi32>
          %mul3A_301 = arith.muli %mul3A_300, %iota3A : vector<16xi32>
          %add3A_302 = vector.broadcast %add3A_286 : i32 to vector<16xi32>
          %add3A_303 = arith.addi %add3A_302, %mul3A_301 : vector<16xi32>
          %min3A_304 = arith.constant 4096 : i32
          %min3A_305 = arith.minsi %while3A_278, %min3A_304 : i32
          %swap3A_306 = arith.index_cast %min3A_305 : i32 to index
          %swap3A_307 = tpu.vector_load %arg12[%swap3A_306] masked %eq3A_298 {strides = array<i32>} : memref<4224xi32, #tpu.memory_space<vmem>>, vector<16xi32>, vector<16xi1>
          tpu.vector_store %arg12[%swap3A_306], %add3A_303 masked %eq3A_298 {strides = array<i32>} : memref<4224xi32, #tpu.memory_space<vmem>>, vector<16xi32>, vector<16xi1>
          %swap3A_308 = arith.index_cast %min3A_305 : i32 to index
          %swap3A_309 = tpu.vector_load %arg13[%swap3A_308] masked %eq3A_298 {strides = array<i32>} : memref<4224xi32, #tpu.memory_space<vmem>>, vector<16xi32>, vector<16xi1>
          tpu.vector_store %arg13[%swap3A_308], %broadcast_in_dim3A_75 masked %eq3A_298 {strides = array<i32>} : memref<4224xi32, #tpu.memory_space<vmem>>, vector<16xi32>, vector<16xi1>
          %sub3A_310 = arith.constant 1 : i32
          %sub3A_311 = arith.subi %while3A_277, %sub3A_310 : i32
          %and3A_312 = arith.andi %while3A_277, %sub3A_311 : i32
          %all_reduce_population_count3A = tpu.all_reduce %eq3A_298 {dim = 0 : i64, kind = #tpu.reduction_kind<sum>} : vector<16xi1> -> vector<16xi32>
          %slice3A_313 = vector.extract_strided_slice %all_reduce_population_count3A {offsets = [0], sizes = [1], strides = [1]} : vector<16xi32> to vector<1xi32>
          %squeeze3A_314 = vector.extract %slice3A_313[0] : i32 from vector<1xi32>
          %add3A_315 = arith.addi %while3A_278, %squeeze3A_314 : i32
          scf.yield %and3A_312, %add3A_315 : i32, i32
        }
        %slice3A_133 = vector.extract_strided_slice %get3A_78 {offsets = [14], sizes = [1], strides = [1]} : vector<16xi32> to vector<1xi32>
        %squeeze3A_134 = vector.extract %slice3A_133[0] : i32 from vector<1xi32>
        %while3A_135 = arith.constant 14 : i32
        %while3A_136:2 = scf.while (%while3A_277 = %squeeze3A_134, %while3A_278 = %while3A_132#1) : (i32, i32) -> (i32, i32) {
          %ne3A_279 = arith.constant 0 : i32
          %ne3A_280 = arith.cmpi ne, %while3A_277, %ne3A_279 : i32
          scf.condition(%ne3A_280) %while3A_277, %while3A_278 : i32, i32
        } do {
        ^bb0(%while3A_277: i32, %while3A_278: i32):
          %neg3A = arith.constant 0 : i32
          %neg3A_279 = arith.subi %neg3A, %while3A_277 : i32
          %and3A_280 = arith.andi %while3A_277, %neg3A_279 : i32
          %convert_element_type3A = arith.sitofp %and3A_280 : i32 to f32
          %bitcast_convert_type3A = arith.bitcast %convert_element_type3A : f32 to i32
          %shift_right_arithmetic3A = arith.constant 23 : i32
          %shift_right_arithmetic3A_281 = arith.shrsi %bitcast_convert_type3A, %shift_right_arithmetic3A : i32
          %sub3A_282 = arith.constant 127 : i32
          %sub3A_283 = arith.subi %shift_right_arithmetic3A_281, %sub3A_282 : i32
          %mul3A_284 = arith.constant 48 : i32
          %mul3A_285 = arith.muli %sub3A_283, %mul3A_284 : i32
          %add3A_286 = arith.addi %mul3A_285, %while3A_135 : i32
          %add3A_287 = arith.addi %mul3A_69, %add3A_286 : i32
          %get3A_288 = arith.index_cast %add3A_287 : i32 to index
          %get3A_289 = tpu.vector_load %arg10[%get3A_288] {strides = array<i32>} : memref<20496xi32, #tpu.memory_space<vmem>>, vector<16xi32>,
          %slice3A_290 = vector.extract_strided_slice %get3A_289 {offsets = [0], sizes = [1], strides = [1]} : vector<16xi32> to vector<1xi32>
          %squeeze3A_291 = vector.extract %slice3A_290[0] : i32 from vector<1xi32>
          %shift_right_arithmetic3A_292 = vector.broadcast %squeeze3A_291 : i32 to vector<16xi32>
          %shift_right_arithmetic3A_293 = arith.shrsi %shift_right_arithmetic3A_292, %iota3A : vector<16xi32>
          %and3A_294 = arith.constant 1 : i32
          %and3A_295 = vector.broadcast %and3A_294 : i32 to vector<16xi32>
          %and3A_296 = arith.andi %shift_right_arithmetic3A_293, %and3A_295 : vector<16xi32>
          %eq3A = arith.constant 1 : i32
          %eq3A_297 = vector.broadcast %eq3A : i32 to vector<16xi32>
          %eq3A_298 = arith.cmpi eq, %and3A_296, %eq3A_297 : vector<16xi32>
          %mul3A_299 = arith.constant 640 : i32
          %mul3A_300 = vector.broadcast %mul3A_299 : i32 to vector<16xi32>
          %mul3A_301 = arith.muli %mul3A_300, %iota3A : vector<16xi32>
          %add3A_302 = vector.broadcast %add3A_286 : i32 to vector<16xi32>
          %add3A_303 = arith.addi %add3A_302, %mul3A_301 : vector<16xi32>
          %min3A_304 = arith.constant 4096 : i32
          %min3A_305 = arith.minsi %while3A_278, %min3A_304 : i32
          %swap3A_306 = arith.index_cast %min3A_305 : i32 to index
          %swap3A_307 = tpu.vector_load %arg12[%swap3A_306] masked %eq3A_298 {strides = array<i32>} : memref<4224xi32, #tpu.memory_space<vmem>>, vector<16xi32>, vector<16xi1>
          tpu.vector_store %arg12[%swap3A_306], %add3A_303 masked %eq3A_298 {strides = array<i32>} : memref<4224xi32, #tpu.memory_space<vmem>>, vector<16xi32>, vector<16xi1>
          %swap3A_308 = arith.index_cast %min3A_305 : i32 to index
          %swap3A_309 = tpu.vector_load %arg13[%swap3A_308] masked %eq3A_298 {strides = array<i32>} : memref<4224xi32, #tpu.memory_space<vmem>>, vector<16xi32>, vector<16xi1>
          tpu.vector_store %arg13[%swap3A_308], %broadcast_in_dim3A_75 masked %eq3A_298 {strides = array<i32>} : memref<4224xi32, #tpu.memory_space<vmem>>, vector<16xi32>, vector<16xi1>
          %sub3A_310 = arith.constant 1 : i32
          %sub3A_311 = arith.subi %while3A_277, %sub3A_310 : i32
          %and3A_312 = arith.andi %while3A_277, %sub3A_311 : i32
          %all_reduce_population_count3A = tpu.all_reduce %eq3A_298 {dim = 0 : i64, kind = #tpu.reduction_kind<sum>} : vector<16xi1> -> vector<16xi32>
          %slice3A_313 = vector.extract_strided_slice %all_reduce_population_count3A {offsets = [0], sizes = [1], strides = [1]} : vector<16xi32> to vector<1xi32>
          %squeeze3A_314 = vector.extract %slice3A_313[0] : i32 from vector<1xi32>
          %add3A_315 = arith.addi %while3A_278, %squeeze3A_314 : i32
          scf.yield %and3A_312, %add3A_315 : i32, i32
        }
        %slice3A_137 = vector.extract_strided_slice %get3A_78 {offsets = [15], sizes = [1], strides = [1]} : vector<16xi32> to vector<1xi32>
        %squeeze3A_138 = vector.extract %slice3A_137[0] : i32 from vector<1xi32>
        %while3A_139 = arith.constant 15 : i32
        %while3A_140:2 = scf.while (%while3A_277 = %squeeze3A_138, %while3A_278 = %while3A_136#1) : (i32, i32) -> (i32, i32) {
          %ne3A_279 = arith.constant 0 : i32
          %ne3A_280 = arith.cmpi ne, %while3A_277, %ne3A_279 : i32
          scf.condition(%ne3A_280) %while3A_277, %while3A_278 : i32, i32
        } do {
        ^bb0(%while3A_277: i32, %while3A_278: i32):
          %neg3A = arith.constant 0 : i32
          %neg3A_279 = arith.subi %neg3A, %while3A_277 : i32
          %and3A_280 = arith.andi %while3A_277, %neg3A_279 : i32
          %convert_element_type3A = arith.sitofp %and3A_280 : i32 to f32
          %bitcast_convert_type3A = arith.bitcast %convert_element_type3A : f32 to i32
          %shift_right_arithmetic3A = arith.constant 23 : i32
          %shift_right_arithmetic3A_281 = arith.shrsi %bitcast_convert_type3A, %shift_right_arithmetic3A : i32
          %sub3A_282 = arith.constant 127 : i32
          %sub3A_283 = arith.subi %shift_right_arithmetic3A_281, %sub3A_282 : i32
          %mul3A_284 = arith.constant 48 : i32
          %mul3A_285 = arith.muli %sub3A_283, %mul3A_284 : i32
          %add3A_286 = arith.addi %mul3A_285, %while3A_139 : i32
          %add3A_287 = arith.addi %mul3A_69, %add3A_286 : i32
          %get3A_288 = arith.index_cast %add3A_287 : i32 to index
          %get3A_289 = tpu.vector_load %arg10[%get3A_288] {strides = array<i32>} : memref<20496xi32, #tpu.memory_space<vmem>>, vector<16xi32>,
          %slice3A_290 = vector.extract_strided_slice %get3A_289 {offsets = [0], sizes = [1], strides = [1]} : vector<16xi32> to vector<1xi32>
          %squeeze3A_291 = vector.extract %slice3A_290[0] : i32 from vector<1xi32>
          %shift_right_arithmetic3A_292 = vector.broadcast %squeeze3A_291 : i32 to vector<16xi32>
          %shift_right_arithmetic3A_293 = arith.shrsi %shift_right_arithmetic3A_292, %iota3A : vector<16xi32>
          %and3A_294 = arith.constant 1 : i32
          %and3A_295 = vector.broadcast %and3A_294 : i32 to vector<16xi32>
          %and3A_296 = arith.andi %shift_right_arithmetic3A_293, %and3A_295 : vector<16xi32>
          %eq3A = arith.constant 1 : i32
          %eq3A_297 = vector.broadcast %eq3A : i32 to vector<16xi32>
          %eq3A_298 = arith.cmpi eq, %and3A_296, %eq3A_297 : vector<16xi32>
          %mul3A_299 = arith.constant 640 : i32
          %mul3A_300 = vector.broadcast %mul3A_299 : i32 to vector<16xi32>
          %mul3A_301 = arith.muli %mul3A_300, %iota3A : vector<16xi32>
          %add3A_302 = vector.broadcast %add3A_286 : i32 to vector<16xi32>
          %add3A_303 = arith.addi %add3A_302, %mul3A_301 : vector<16xi32>
          %min3A_304 = arith.constant 4096 : i32
          %min3A_305 = arith.minsi %while3A_278, %min3A_304 : i32
          %swap3A_306 = arith.index_cast %min3A_305 : i32 to index
          %swap3A_307 = tpu.vector_load %arg12[%swap3A_306] masked %eq3A_298 {strides = array<i32>} : memref<4224xi32, #tpu.memory_space<vmem>>, vector<16xi32>, vector<16xi1>
          tpu.vector_store %arg12[%swap3A_306], %add3A_303 masked %eq3A_298 {strides = array<i32>} : memref<4224xi32, #tpu.memory_space<vmem>>, vector<16xi32>, vector<16xi1>
          %swap3A_308 = arith.index_cast %min3A_305 : i32 to index
          %swap3A_309 = tpu.vector_load %arg13[%swap3A_308] masked %eq3A_298 {strides = array<i32>} : memref<4224xi32, #tpu.memory_space<vmem>>, vector<16xi32>, vector<16xi1>
          tpu.vector_store %arg13[%swap3A_308], %broadcast_in_dim3A_75 masked %eq3A_298 {strides = array<i32>} : memref<4224xi32, #tpu.memory_space<vmem>>, vector<16xi32>, vector<16xi1>
          %sub3A_310 = arith.constant 1 : i32
          %sub3A_311 = arith.subi %while3A_277, %sub3A_310 : i32
          %and3A_312 = arith.andi %while3A_277, %sub3A_311 : i32
          %all_reduce_population_count3A = tpu.all_reduce %eq3A_298 {dim = 0 : i64, kind = #tpu.reduction_kind<sum>} : vector<16xi1> -> vector<16xi32>
          %slice3A_313 = vector.extract_strided_slice %all_reduce_population_count3A {offsets = [0], sizes = [1], strides = [1]} : vector<16xi32> to vector<1xi32>
          %squeeze3A_314 = vector.extract %slice3A_313[0] : i32 from vector<1xi32>
          %add3A_315 = arith.addi %while3A_278, %squeeze3A_314 : i32
          scf.yield %and3A_312, %add3A_315 : i32, i32
        }
        %add3A_141 = arith.constant 16 : i32
        %add3A_142 = arith.addi %mul3A_71, %add3A_141 : i32
        %get3A_143 = arith.index_cast %add3A_142 : i32 to index
        %get3A_144 = tpu.vector_load %arg11[%get3A_143] {strides = array<i32>} : memref<1552xi32, #tpu.memory_space<vmem>>, vector<16xi32>,
        %slice3A_145 = vector.extract_strided_slice %get3A_144 {offsets = [0], sizes = [1], strides = [1]} : vector<16xi32> to vector<1xi32>
        %squeeze3A_146 = vector.extract %slice3A_145[0] : i32 from vector<1xi32>
        %while3A_147 = arith.constant 16 : i32
        %while3A_148:2 = scf.while (%while3A_277 = %squeeze3A_146, %while3A_278 = %while3A_140#1) : (i32, i32) -> (i32, i32) {
          %ne3A_279 = arith.constant 0 : i32
          %ne3A_280 = arith.cmpi ne, %while3A_277, %ne3A_279 : i32
          scf.condition(%ne3A_280) %while3A_277, %while3A_278 : i32, i32
        } do {
        ^bb0(%while3A_277: i32, %while3A_278: i32):
          %neg3A = arith.constant 0 : i32
          %neg3A_279 = arith.subi %neg3A, %while3A_277 : i32
          %and3A_280 = arith.andi %while3A_277, %neg3A_279 : i32
          %convert_element_type3A = arith.sitofp %and3A_280 : i32 to f32
          %bitcast_convert_type3A = arith.bitcast %convert_element_type3A : f32 to i32
          %shift_right_arithmetic3A = arith.constant 23 : i32
          %shift_right_arithmetic3A_281 = arith.shrsi %bitcast_convert_type3A, %shift_right_arithmetic3A : i32
          %sub3A_282 = arith.constant 127 : i32
          %sub3A_283 = arith.subi %shift_right_arithmetic3A_281, %sub3A_282 : i32
          %mul3A_284 = arith.constant 48 : i32
          %mul3A_285 = arith.muli %sub3A_283, %mul3A_284 : i32
          %add3A_286 = arith.addi %mul3A_285, %while3A_147 : i32
          %add3A_287 = arith.addi %mul3A_69, %add3A_286 : i32
          %get3A_288 = arith.index_cast %add3A_287 : i32 to index
          %get3A_289 = tpu.vector_load %arg10[%get3A_288] {strides = array<i32>} : memref<20496xi32, #tpu.memory_space<vmem>>, vector<16xi32>,
          %slice3A_290 = vector.extract_strided_slice %get3A_289 {offsets = [0], sizes = [1], strides = [1]} : vector<16xi32> to vector<1xi32>
          %squeeze3A_291 = vector.extract %slice3A_290[0] : i32 from vector<1xi32>
          %shift_right_arithmetic3A_292 = vector.broadcast %squeeze3A_291 : i32 to vector<16xi32>
          %shift_right_arithmetic3A_293 = arith.shrsi %shift_right_arithmetic3A_292, %iota3A : vector<16xi32>
          %and3A_294 = arith.constant 1 : i32
          %and3A_295 = vector.broadcast %and3A_294 : i32 to vector<16xi32>
          %and3A_296 = arith.andi %shift_right_arithmetic3A_293, %and3A_295 : vector<16xi32>
          %eq3A = arith.constant 1 : i32
          %eq3A_297 = vector.broadcast %eq3A : i32 to vector<16xi32>
          %eq3A_298 = arith.cmpi eq, %and3A_296, %eq3A_297 : vector<16xi32>
          %mul3A_299 = arith.constant 640 : i32
          %mul3A_300 = vector.broadcast %mul3A_299 : i32 to vector<16xi32>
          %mul3A_301 = arith.muli %mul3A_300, %iota3A : vector<16xi32>
          %add3A_302 = vector.broadcast %add3A_286 : i32 to vector<16xi32>
          %add3A_303 = arith.addi %add3A_302, %mul3A_301 : vector<16xi32>
          %min3A_304 = arith.constant 4096 : i32
          %min3A_305 = arith.minsi %while3A_278, %min3A_304 : i32
          %swap3A_306 = arith.index_cast %min3A_305 : i32 to index
          %swap3A_307 = tpu.vector_load %arg12[%swap3A_306] masked %eq3A_298 {strides = array<i32>} : memref<4224xi32, #tpu.memory_space<vmem>>, vector<16xi32>, vector<16xi1>
          tpu.vector_store %arg12[%swap3A_306], %add3A_303 masked %eq3A_298 {strides = array<i32>} : memref<4224xi32, #tpu.memory_space<vmem>>, vector<16xi32>, vector<16xi1>
          %swap3A_308 = arith.index_cast %min3A_305 : i32 to index
          %swap3A_309 = tpu.vector_load %arg13[%swap3A_308] masked %eq3A_298 {strides = array<i32>} : memref<4224xi32, #tpu.memory_space<vmem>>, vector<16xi32>, vector<16xi1>
          tpu.vector_store %arg13[%swap3A_308], %broadcast_in_dim3A_75 masked %eq3A_298 {strides = array<i32>} : memref<4224xi32, #tpu.memory_space<vmem>>, vector<16xi32>, vector<16xi1>
          %sub3A_310 = arith.constant 1 : i32
          %sub3A_311 = arith.subi %while3A_277, %sub3A_310 : i32
          %and3A_312 = arith.andi %while3A_277, %sub3A_311 : i32
          %all_reduce_population_count3A = tpu.all_reduce %eq3A_298 {dim = 0 : i64, kind = #tpu.reduction_kind<sum>} : vector<16xi1> -> vector<16xi32>
          %slice3A_313 = vector.extract_strided_slice %all_reduce_population_count3A {offsets = [0], sizes = [1], strides = [1]} : vector<16xi32> to vector<1xi32>
          %squeeze3A_314 = vector.extract %slice3A_313[0] : i32 from vector<1xi32>
          %add3A_315 = arith.addi %while3A_278, %squeeze3A_314 : i32
          scf.yield %and3A_312, %add3A_315 : i32, i32
        }
        %slice3A_149 = vector.extract_strided_slice %get3A_144 {offsets = [1], sizes = [1], strides = [1]} : vector<16xi32> to vector<1xi32>
        %squeeze3A_150 = vector.extract %slice3A_149[0] : i32 from vector<1xi32>
        %while3A_151 = arith.constant 17 : i32
        %while3A_152:2 = scf.while (%while3A_277 = %squeeze3A_150, %while3A_278 = %while3A_148#1) : (i32, i32) -> (i32, i32) {
          %ne3A_279 = arith.constant 0 : i32
          %ne3A_280 = arith.cmpi ne, %while3A_277, %ne3A_279 : i32
          scf.condition(%ne3A_280) %while3A_277, %while3A_278 : i32, i32
        } do {
        ^bb0(%while3A_277: i32, %while3A_278: i32):
          %neg3A = arith.constant 0 : i32
          %neg3A_279 = arith.subi %neg3A, %while3A_277 : i32
          %and3A_280 = arith.andi %while3A_277, %neg3A_279 : i32
          %convert_element_type3A = arith.sitofp %and3A_280 : i32 to f32
          %bitcast_convert_type3A = arith.bitcast %convert_element_type3A : f32 to i32
          %shift_right_arithmetic3A = arith.constant 23 : i32
          %shift_right_arithmetic3A_281 = arith.shrsi %bitcast_convert_type3A, %shift_right_arithmetic3A : i32
          %sub3A_282 = arith.constant 127 : i32
          %sub3A_283 = arith.subi %shift_right_arithmetic3A_281, %sub3A_282 : i32
          %mul3A_284 = arith.constant 48 : i32
          %mul3A_285 = arith.muli %sub3A_283, %mul3A_284 : i32
          %add3A_286 = arith.addi %mul3A_285, %while3A_151 : i32
          %add3A_287 = arith.addi %mul3A_69, %add3A_286 : i32
          %get3A_288 = arith.index_cast %add3A_287 : i32 to index
          %get3A_289 = tpu.vector_load %arg10[%get3A_288] {strides = array<i32>} : memref<20496xi32, #tpu.memory_space<vmem>>, vector<16xi32>,
          %slice3A_290 = vector.extract_strided_slice %get3A_289 {offsets = [0], sizes = [1], strides = [1]} : vector<16xi32> to vector<1xi32>
          %squeeze3A_291 = vector.extract %slice3A_290[0] : i32 from vector<1xi32>
          %shift_right_arithmetic3A_292 = vector.broadcast %squeeze3A_291 : i32 to vector<16xi32>
          %shift_right_arithmetic3A_293 = arith.shrsi %shift_right_arithmetic3A_292, %iota3A : vector<16xi32>
          %and3A_294 = arith.constant 1 : i32
          %and3A_295 = vector.broadcast %and3A_294 : i32 to vector<16xi32>
          %and3A_296 = arith.andi %shift_right_arithmetic3A_293, %and3A_295 : vector<16xi32>
          %eq3A = arith.constant 1 : i32
          %eq3A_297 = vector.broadcast %eq3A : i32 to vector<16xi32>
          %eq3A_298 = arith.cmpi eq, %and3A_296, %eq3A_297 : vector<16xi32>
          %mul3A_299 = arith.constant 640 : i32
          %mul3A_300 = vector.broadcast %mul3A_299 : i32 to vector<16xi32>
          %mul3A_301 = arith.muli %mul3A_300, %iota3A : vector<16xi32>
          %add3A_302 = vector.broadcast %add3A_286 : i32 to vector<16xi32>
          %add3A_303 = arith.addi %add3A_302, %mul3A_301 : vector<16xi32>
          %min3A_304 = arith.constant 4096 : i32
          %min3A_305 = arith.minsi %while3A_278, %min3A_304 : i32
          %swap3A_306 = arith.index_cast %min3A_305 : i32 to index
          %swap3A_307 = tpu.vector_load %arg12[%swap3A_306] masked %eq3A_298 {strides = array<i32>} : memref<4224xi32, #tpu.memory_space<vmem>>, vector<16xi32>, vector<16xi1>
          tpu.vector_store %arg12[%swap3A_306], %add3A_303 masked %eq3A_298 {strides = array<i32>} : memref<4224xi32, #tpu.memory_space<vmem>>, vector<16xi32>, vector<16xi1>
          %swap3A_308 = arith.index_cast %min3A_305 : i32 to index
          %swap3A_309 = tpu.vector_load %arg13[%swap3A_308] masked %eq3A_298 {strides = array<i32>} : memref<4224xi32, #tpu.memory_space<vmem>>, vector<16xi32>, vector<16xi1>
          tpu.vector_store %arg13[%swap3A_308], %broadcast_in_dim3A_75 masked %eq3A_298 {strides = array<i32>} : memref<4224xi32, #tpu.memory_space<vmem>>, vector<16xi32>, vector<16xi1>
          %sub3A_310 = arith.constant 1 : i32
          %sub3A_311 = arith.subi %while3A_277, %sub3A_310 : i32
          %and3A_312 = arith.andi %while3A_277, %sub3A_311 : i32
          %all_reduce_population_count3A = tpu.all_reduce %eq3A_298 {dim = 0 : i64, kind = #tpu.reduction_kind<sum>} : vector<16xi1> -> vector<16xi32>
          %slice3A_313 = vector.extract_strided_slice %all_reduce_population_count3A {offsets = [0], sizes = [1], strides = [1]} : vector<16xi32> to vector<1xi32>
          %squeeze3A_314 = vector.extract %slice3A_313[0] : i32 from vector<1xi32>
          %add3A_315 = arith.addi %while3A_278, %squeeze3A_314 : i32
          scf.yield %and3A_312, %add3A_315 : i32, i32
        }
        %slice3A_153 = vector.extract_strided_slice %get3A_144 {offsets = [2], sizes = [1], strides = [1]} : vector<16xi32> to vector<1xi32>
        %squeeze3A_154 = vector.extract %slice3A_153[0] : i32 from vector<1xi32>
        %while3A_155 = arith.constant 18 : i32
        %while3A_156:2 = scf.while (%while3A_277 = %squeeze3A_154, %while3A_278 = %while3A_152#1) : (i32, i32) -> (i32, i32) {
          %ne3A_279 = arith.constant 0 : i32
          %ne3A_280 = arith.cmpi ne, %while3A_277, %ne3A_279 : i32
          scf.condition(%ne3A_280) %while3A_277, %while3A_278 : i32, i32
        } do {
        ^bb0(%while3A_277: i32, %while3A_278: i32):
          %neg3A = arith.constant 0 : i32
          %neg3A_279 = arith.subi %neg3A, %while3A_277 : i32
          %and3A_280 = arith.andi %while3A_277, %neg3A_279 : i32
          %convert_element_type3A = arith.sitofp %and3A_280 : i32 to f32
          %bitcast_convert_type3A = arith.bitcast %convert_element_type3A : f32 to i32
          %shift_right_arithmetic3A = arith.constant 23 : i32
          %shift_right_arithmetic3A_281 = arith.shrsi %bitcast_convert_type3A, %shift_right_arithmetic3A : i32
          %sub3A_282 = arith.constant 127 : i32
          %sub3A_283 = arith.subi %shift_right_arithmetic3A_281, %sub3A_282 : i32
          %mul3A_284 = arith.constant 48 : i32
          %mul3A_285 = arith.muli %sub3A_283, %mul3A_284 : i32
          %add3A_286 = arith.addi %mul3A_285, %while3A_155 : i32
          %add3A_287 = arith.addi %mul3A_69, %add3A_286 : i32
          %get3A_288 = arith.index_cast %add3A_287 : i32 to index
          %get3A_289 = tpu.vector_load %arg10[%get3A_288] {strides = array<i32>} : memref<20496xi32, #tpu.memory_space<vmem>>, vector<16xi32>,
          %slice3A_290 = vector.extract_strided_slice %get3A_289 {offsets = [0], sizes = [1], strides = [1]} : vector<16xi32> to vector<1xi32>
          %squeeze3A_291 = vector.extract %slice3A_290[0] : i32 from vector<1xi32>
          %shift_right_arithmetic3A_292 = vector.broadcast %squeeze3A_291 : i32 to vector<16xi32>
          %shift_right_arithmetic3A_293 = arith.shrsi %shift_right_arithmetic3A_292, %iota3A : vector<16xi32>
          %and3A_294 = arith.constant 1 : i32
          %and3A_295 = vector.broadcast %and3A_294 : i32 to vector<16xi32>
          %and3A_296 = arith.andi %shift_right_arithmetic3A_293, %and3A_295 : vector<16xi32>
          %eq3A = arith.constant 1 : i32
          %eq3A_297 = vector.broadcast %eq3A : i32 to vector<16xi32>
          %eq3A_298 = arith.cmpi eq, %and3A_296, %eq3A_297 : vector<16xi32>
          %mul3A_299 = arith.constant 640 : i32
          %mul3A_300 = vector.broadcast %mul3A_299 : i32 to vector<16xi32>
          %mul3A_301 = arith.muli %mul3A_300, %iota3A : vector<16xi32>
          %add3A_302 = vector.broadcast %add3A_286 : i32 to vector<16xi32>
          %add3A_303 = arith.addi %add3A_302, %mul3A_301 : vector<16xi32>
          %min3A_304 = arith.constant 4096 : i32
          %min3A_305 = arith.minsi %while3A_278, %min3A_304 : i32
          %swap3A_306 = arith.index_cast %min3A_305 : i32 to index
          %swap3A_307 = tpu.vector_load %arg12[%swap3A_306] masked %eq3A_298 {strides = array<i32>} : memref<4224xi32, #tpu.memory_space<vmem>>, vector<16xi32>, vector<16xi1>
          tpu.vector_store %arg12[%swap3A_306], %add3A_303 masked %eq3A_298 {strides = array<i32>} : memref<4224xi32, #tpu.memory_space<vmem>>, vector<16xi32>, vector<16xi1>
          %swap3A_308 = arith.index_cast %min3A_305 : i32 to index
          %swap3A_309 = tpu.vector_load %arg13[%swap3A_308] masked %eq3A_298 {strides = array<i32>} : memref<4224xi32, #tpu.memory_space<vmem>>, vector<16xi32>, vector<16xi1>
          tpu.vector_store %arg13[%swap3A_308], %broadcast_in_dim3A_75 masked %eq3A_298 {strides = array<i32>} : memref<4224xi32, #tpu.memory_space<vmem>>, vector<16xi32>, vector<16xi1>
          %sub3A_310 = arith.constant 1 : i32
          %sub3A_311 = arith.subi %while3A_277, %sub3A_310 : i32
          %and3A_312 = arith.andi %while3A_277, %sub3A_311 : i32
          %all_reduce_population_count3A = tpu.all_reduce %eq3A_298 {dim = 0 : i64, kind = #tpu.reduction_kind<sum>} : vector<16xi1> -> vector<16xi32>
          %slice3A_313 = vector.extract_strided_slice %all_reduce_population_count3A {offsets = [0], sizes = [1], strides = [1]} : vector<16xi32> to vector<1xi32>
          %squeeze3A_314 = vector.extract %slice3A_313[0] : i32 from vector<1xi32>
          %add3A_315 = arith.addi %while3A_278, %squeeze3A_314 : i32
          scf.yield %and3A_312, %add3A_315 : i32, i32
        }
        %slice3A_157 = vector.extract_strided_slice %get3A_144 {offsets = [3], sizes = [1], strides = [1]} : vector<16xi32> to vector<1xi32>
        %squeeze3A_158 = vector.extract %slice3A_157[0] : i32 from vector<1xi32>
        %while3A_159 = arith.constant 19 : i32
        %while3A_160:2 = scf.while (%while3A_277 = %squeeze3A_158, %while3A_278 = %while3A_156#1) : (i32, i32) -> (i32, i32) {
          %ne3A_279 = arith.constant 0 : i32
          %ne3A_280 = arith.cmpi ne, %while3A_277, %ne3A_279 : i32
          scf.condition(%ne3A_280) %while3A_277, %while3A_278 : i32, i32
        } do {
        ^bb0(%while3A_277: i32, %while3A_278: i32):
          %neg3A = arith.constant 0 : i32
          %neg3A_279 = arith.subi %neg3A, %while3A_277 : i32
          %and3A_280 = arith.andi %while3A_277, %neg3A_279 : i32
          %convert_element_type3A = arith.sitofp %and3A_280 : i32 to f32
          %bitcast_convert_type3A = arith.bitcast %convert_element_type3A : f32 to i32
          %shift_right_arithmetic3A = arith.constant 23 : i32
          %shift_right_arithmetic3A_281 = arith.shrsi %bitcast_convert_type3A, %shift_right_arithmetic3A : i32
          %sub3A_282 = arith.constant 127 : i32
          %sub3A_283 = arith.subi %shift_right_arithmetic3A_281, %sub3A_282 : i32
          %mul3A_284 = arith.constant 48 : i32
          %mul3A_285 = arith.muli %sub3A_283, %mul3A_284 : i32
          %add3A_286 = arith.addi %mul3A_285, %while3A_159 : i32
          %add3A_287 = arith.addi %mul3A_69, %add3A_286 : i32
          %get3A_288 = arith.index_cast %add3A_287 : i32 to index
          %get3A_289 = tpu.vector_load %arg10[%get3A_288] {strides = array<i32>} : memref<20496xi32, #tpu.memory_space<vmem>>, vector<16xi32>,
          %slice3A_290 = vector.extract_strided_slice %get3A_289 {offsets = [0], sizes = [1], strides = [1]} : vector<16xi32> to vector<1xi32>
          %squeeze3A_291 = vector.extract %slice3A_290[0] : i32 from vector<1xi32>
          %shift_right_arithmetic3A_292 = vector.broadcast %squeeze3A_291 : i32 to vector<16xi32>
          %shift_right_arithmetic3A_293 = arith.shrsi %shift_right_arithmetic3A_292, %iota3A : vector<16xi32>
          %and3A_294 = arith.constant 1 : i32
          %and3A_295 = vector.broadcast %and3A_294 : i32 to vector<16xi32>
          %and3A_296 = arith.andi %shift_right_arithmetic3A_293, %and3A_295 : vector<16xi32>
          %eq3A = arith.constant 1 : i32
          %eq3A_297 = vector.broadcast %eq3A : i32 to vector<16xi32>
          %eq3A_298 = arith.cmpi eq, %and3A_296, %eq3A_297 : vector<16xi32>
          %mul3A_299 = arith.constant 640 : i32
          %mul3A_300 = vector.broadcast %mul3A_299 : i32 to vector<16xi32>
          %mul3A_301 = arith.muli %mul3A_300, %iota3A : vector<16xi32>
          %add3A_302 = vector.broadcast %add3A_286 : i32 to vector<16xi32>
          %add3A_303 = arith.addi %add3A_302, %mul3A_301 : vector<16xi32>
          %min3A_304 = arith.constant 4096 : i32
          %min3A_305 = arith.minsi %while3A_278, %min3A_304 : i32
          %swap3A_306 = arith.index_cast %min3A_305 : i32 to index
          %swap3A_307 = tpu.vector_load %arg12[%swap3A_306] masked %eq3A_298 {strides = array<i32>} : memref<4224xi32, #tpu.memory_space<vmem>>, vector<16xi32>, vector<16xi1>
          tpu.vector_store %arg12[%swap3A_306], %add3A_303 masked %eq3A_298 {strides = array<i32>} : memref<4224xi32, #tpu.memory_space<vmem>>, vector<16xi32>, vector<16xi1>
          %swap3A_308 = arith.index_cast %min3A_305 : i32 to index
          %swap3A_309 = tpu.vector_load %arg13[%swap3A_308] masked %eq3A_298 {strides = array<i32>} : memref<4224xi32, #tpu.memory_space<vmem>>, vector<16xi32>, vector<16xi1>
          tpu.vector_store %arg13[%swap3A_308], %broadcast_in_dim3A_75 masked %eq3A_298 {strides = array<i32>} : memref<4224xi32, #tpu.memory_space<vmem>>, vector<16xi32>, vector<16xi1>
          %sub3A_310 = arith.constant 1 : i32
          %sub3A_311 = arith.subi %while3A_277, %sub3A_310 : i32
          %and3A_312 = arith.andi %while3A_277, %sub3A_311 : i32
          %all_reduce_population_count3A = tpu.all_reduce %eq3A_298 {dim = 0 : i64, kind = #tpu.reduction_kind<sum>} : vector<16xi1> -> vector<16xi32>
          %slice3A_313 = vector.extract_strided_slice %all_reduce_population_count3A {offsets = [0], sizes = [1], strides = [1]} : vector<16xi32> to vector<1xi32>
          %squeeze3A_314 = vector.extract %slice3A_313[0] : i32 from vector<1xi32>
          %add3A_315 = arith.addi %while3A_278, %squeeze3A_314 : i32
          scf.yield %and3A_312, %add3A_315 : i32, i32
        }
        %slice3A_161 = vector.extract_strided_slice %get3A_144 {offsets = [4], sizes = [1], strides = [1]} : vector<16xi32> to vector<1xi32>
        %squeeze3A_162 = vector.extract %slice3A_161[0] : i32 from vector<1xi32>
        %while3A_163 = arith.constant 20 : i32
        %while3A_164:2 = scf.while (%while3A_277 = %squeeze3A_162, %while3A_278 = %while3A_160#1) : (i32, i32) -> (i32, i32) {
          %ne3A_279 = arith.constant 0 : i32
          %ne3A_280 = arith.cmpi ne, %while3A_277, %ne3A_279 : i32
          scf.condition(%ne3A_280) %while3A_277, %while3A_278 : i32, i32
        } do {
        ^bb0(%while3A_277: i32, %while3A_278: i32):
          %neg3A = arith.constant 0 : i32
          %neg3A_279 = arith.subi %neg3A, %while3A_277 : i32
          %and3A_280 = arith.andi %while3A_277, %neg3A_279 : i32
          %convert_element_type3A = arith.sitofp %and3A_280 : i32 to f32
          %bitcast_convert_type3A = arith.bitcast %convert_element_type3A : f32 to i32
          %shift_right_arithmetic3A = arith.constant 23 : i32
          %shift_right_arithmetic3A_281 = arith.shrsi %bitcast_convert_type3A, %shift_right_arithmetic3A : i32
          %sub3A_282 = arith.constant 127 : i32
          %sub3A_283 = arith.subi %shift_right_arithmetic3A_281, %sub3A_282 : i32
          %mul3A_284 = arith.constant 48 : i32
          %mul3A_285 = arith.muli %sub3A_283, %mul3A_284 : i32
          %add3A_286 = arith.addi %mul3A_285, %while3A_163 : i32
          %add3A_287 = arith.addi %mul3A_69, %add3A_286 : i32
          %get3A_288 = arith.index_cast %add3A_287 : i32 to index
          %get3A_289 = tpu.vector_load %arg10[%get3A_288] {strides = array<i32>} : memref<20496xi32, #tpu.memory_space<vmem>>, vector<16xi32>,
          %slice3A_290 = vector.extract_strided_slice %get3A_289 {offsets = [0], sizes = [1], strides = [1]} : vector<16xi32> to vector<1xi32>
          %squeeze3A_291 = vector.extract %slice3A_290[0] : i32 from vector<1xi32>
          %shift_right_arithmetic3A_292 = vector.broadcast %squeeze3A_291 : i32 to vector<16xi32>
          %shift_right_arithmetic3A_293 = arith.shrsi %shift_right_arithmetic3A_292, %iota3A : vector<16xi32>
          %and3A_294 = arith.constant 1 : i32
          %and3A_295 = vector.broadcast %and3A_294 : i32 to vector<16xi32>
          %and3A_296 = arith.andi %shift_right_arithmetic3A_293, %and3A_295 : vector<16xi32>
          %eq3A = arith.constant 1 : i32
          %eq3A_297 = vector.broadcast %eq3A : i32 to vector<16xi32>
          %eq3A_298 = arith.cmpi eq, %and3A_296, %eq3A_297 : vector<16xi32>
          %mul3A_299 = arith.constant 640 : i32
          %mul3A_300 = vector.broadcast %mul3A_299 : i32 to vector<16xi32>
          %mul3A_301 = arith.muli %mul3A_300, %iota3A : vector<16xi32>
          %add3A_302 = vector.broadcast %add3A_286 : i32 to vector<16xi32>
          %add3A_303 = arith.addi %add3A_302, %mul3A_301 : vector<16xi32>
          %min3A_304 = arith.constant 4096 : i32
          %min3A_305 = arith.minsi %while3A_278, %min3A_304 : i32
          %swap3A_306 = arith.index_cast %min3A_305 : i32 to index
          %swap3A_307 = tpu.vector_load %arg12[%swap3A_306] masked %eq3A_298 {strides = array<i32>} : memref<4224xi32, #tpu.memory_space<vmem>>, vector<16xi32>, vector<16xi1>
          tpu.vector_store %arg12[%swap3A_306], %add3A_303 masked %eq3A_298 {strides = array<i32>} : memref<4224xi32, #tpu.memory_space<vmem>>, vector<16xi32>, vector<16xi1>
          %swap3A_308 = arith.index_cast %min3A_305 : i32 to index
          %swap3A_309 = tpu.vector_load %arg13[%swap3A_308] masked %eq3A_298 {strides = array<i32>} : memref<4224xi32, #tpu.memory_space<vmem>>, vector<16xi32>, vector<16xi1>
          tpu.vector_store %arg13[%swap3A_308], %broadcast_in_dim3A_75 masked %eq3A_298 {strides = array<i32>} : memref<4224xi32, #tpu.memory_space<vmem>>, vector<16xi32>, vector<16xi1>
          %sub3A_310 = arith.constant 1 : i32
          %sub3A_311 = arith.subi %while3A_277, %sub3A_310 : i32
          %and3A_312 = arith.andi %while3A_277, %sub3A_311 : i32
          %all_reduce_population_count3A = tpu.all_reduce %eq3A_298 {dim = 0 : i64, kind = #tpu.reduction_kind<sum>} : vector<16xi1> -> vector<16xi32>
          %slice3A_313 = vector.extract_strided_slice %all_reduce_population_count3A {offsets = [0], sizes = [1], strides = [1]} : vector<16xi32> to vector<1xi32>
          %squeeze3A_314 = vector.extract %slice3A_313[0] : i32 from vector<1xi32>
          %add3A_315 = arith.addi %while3A_278, %squeeze3A_314 : i32
          scf.yield %and3A_312, %add3A_315 : i32, i32
        }
        %slice3A_165 = vector.extract_strided_slice %get3A_144 {offsets = [5], sizes = [1], strides = [1]} : vector<16xi32> to vector<1xi32>
        %squeeze3A_166 = vector.extract %slice3A_165[0] : i32 from vector<1xi32>
        %while3A_167 = arith.constant 21 : i32
        %while3A_168:2 = scf.while (%while3A_277 = %squeeze3A_166, %while3A_278 = %while3A_164#1) : (i32, i32) -> (i32, i32) {
          %ne3A_279 = arith.constant 0 : i32
          %ne3A_280 = arith.cmpi ne, %while3A_277, %ne3A_279 : i32
          scf.condition(%ne3A_280) %while3A_277, %while3A_278 : i32, i32
        } do {
        ^bb0(%while3A_277: i32, %while3A_278: i32):
          %neg3A = arith.constant 0 : i32
          %neg3A_279 = arith.subi %neg3A, %while3A_277 : i32
          %and3A_280 = arith.andi %while3A_277, %neg3A_279 : i32
          %convert_element_type3A = arith.sitofp %and3A_280 : i32 to f32
          %bitcast_convert_type3A = arith.bitcast %convert_element_type3A : f32 to i32
          %shift_right_arithmetic3A = arith.constant 23 : i32
          %shift_right_arithmetic3A_281 = arith.shrsi %bitcast_convert_type3A, %shift_right_arithmetic3A : i32
          %sub3A_282 = arith.constant 127 : i32
          %sub3A_283 = arith.subi %shift_right_arithmetic3A_281, %sub3A_282 : i32
          %mul3A_284 = arith.constant 48 : i32
          %mul3A_285 = arith.muli %sub3A_283, %mul3A_284 : i32
          %add3A_286 = arith.addi %mul3A_285, %while3A_167 : i32
          %add3A_287 = arith.addi %mul3A_69, %add3A_286 : i32
          %get3A_288 = arith.index_cast %add3A_287 : i32 to index
          %get3A_289 = tpu.vector_load %arg10[%get3A_288] {strides = array<i32>} : memref<20496xi32, #tpu.memory_space<vmem>>, vector<16xi32>,
          %slice3A_290 = vector.extract_strided_slice %get3A_289 {offsets = [0], sizes = [1], strides = [1]} : vector<16xi32> to vector<1xi32>
          %squeeze3A_291 = vector.extract %slice3A_290[0] : i32 from vector<1xi32>
          %shift_right_arithmetic3A_292 = vector.broadcast %squeeze3A_291 : i32 to vector<16xi32>
          %shift_right_arithmetic3A_293 = arith.shrsi %shift_right_arithmetic3A_292, %iota3A : vector<16xi32>
          %and3A_294 = arith.constant 1 : i32
          %and3A_295 = vector.broadcast %and3A_294 : i32 to vector<16xi32>
          %and3A_296 = arith.andi %shift_right_arithmetic3A_293, %and3A_295 : vector<16xi32>
          %eq3A = arith.constant 1 : i32
          %eq3A_297 = vector.broadcast %eq3A : i32 to vector<16xi32>
          %eq3A_298 = arith.cmpi eq, %and3A_296, %eq3A_297 : vector<16xi32>
          %mul3A_299 = arith.constant 640 : i32
          %mul3A_300 = vector.broadcast %mul3A_299 : i32 to vector<16xi32>
          %mul3A_301 = arith.muli %mul3A_300, %iota3A : vector<16xi32>
          %add3A_302 = vector.broadcast %add3A_286 : i32 to vector<16xi32>
          %add3A_303 = arith.addi %add3A_302, %mul3A_301 : vector<16xi32>
          %min3A_304 = arith.constant 4096 : i32
          %min3A_305 = arith.minsi %while3A_278, %min3A_304 : i32
          %swap3A_306 = arith.index_cast %min3A_305 : i32 to index
          %swap3A_307 = tpu.vector_load %arg12[%swap3A_306] masked %eq3A_298 {strides = array<i32>} : memref<4224xi32, #tpu.memory_space<vmem>>, vector<16xi32>, vector<16xi1>
          tpu.vector_store %arg12[%swap3A_306], %add3A_303 masked %eq3A_298 {strides = array<i32>} : memref<4224xi32, #tpu.memory_space<vmem>>, vector<16xi32>, vector<16xi1>
          %swap3A_308 = arith.index_cast %min3A_305 : i32 to index
          %swap3A_309 = tpu.vector_load %arg13[%swap3A_308] masked %eq3A_298 {strides = array<i32>} : memref<4224xi32, #tpu.memory_space<vmem>>, vector<16xi32>, vector<16xi1>
          tpu.vector_store %arg13[%swap3A_308], %broadcast_in_dim3A_75 masked %eq3A_298 {strides = array<i32>} : memref<4224xi32, #tpu.memory_space<vmem>>, vector<16xi32>, vector<16xi1>
          %sub3A_310 = arith.constant 1 : i32
          %sub3A_311 = arith.subi %while3A_277, %sub3A_310 : i32
          %and3A_312 = arith.andi %while3A_277, %sub3A_311 : i32
          %all_reduce_population_count3A = tpu.all_reduce %eq3A_298 {dim = 0 : i64, kind = #tpu.reduction_kind<sum>} : vector<16xi1> -> vector<16xi32>
          %slice3A_313 = vector.extract_strided_slice %all_reduce_population_count3A {offsets = [0], sizes = [1], strides = [1]} : vector<16xi32> to vector<1xi32>
          %squeeze3A_314 = vector.extract %slice3A_313[0] : i32 from vector<1xi32>
          %add3A_315 = arith.addi %while3A_278, %squeeze3A_314 : i32
          scf.yield %and3A_312, %add3A_315 : i32, i32
        }
        %slice3A_169 = vector.extract_strided_slice %get3A_144 {offsets = [6], sizes = [1], strides = [1]} : vector<16xi32> to vector<1xi32>
        %squeeze3A_170 = vector.extract %slice3A_169[0] : i32 from vector<1xi32>
        %while3A_171 = arith.constant 22 : i32
        %while3A_172:2 = scf.while (%while3A_277 = %squeeze3A_170, %while3A_278 = %while3A_168#1) : (i32, i32) -> (i32, i32) {
          %ne3A_279 = arith.constant 0 : i32
          %ne3A_280 = arith.cmpi ne, %while3A_277, %ne3A_279 : i32
          scf.condition(%ne3A_280) %while3A_277, %while3A_278 : i32, i32
        } do {
        ^bb0(%while3A_277: i32, %while3A_278: i32):
          %neg3A = arith.constant 0 : i32
          %neg3A_279 = arith.subi %neg3A, %while3A_277 : i32
          %and3A_280 = arith.andi %while3A_277, %neg3A_279 : i32
          %convert_element_type3A = arith.sitofp %and3A_280 : i32 to f32
          %bitcast_convert_type3A = arith.bitcast %convert_element_type3A : f32 to i32
          %shift_right_arithmetic3A = arith.constant 23 : i32
          %shift_right_arithmetic3A_281 = arith.shrsi %bitcast_convert_type3A, %shift_right_arithmetic3A : i32
          %sub3A_282 = arith.constant 127 : i32
          %sub3A_283 = arith.subi %shift_right_arithmetic3A_281, %sub3A_282 : i32
          %mul3A_284 = arith.constant 48 : i32
          %mul3A_285 = arith.muli %sub3A_283, %mul3A_284 : i32
          %add3A_286 = arith.addi %mul3A_285, %while3A_171 : i32
          %add3A_287 = arith.addi %mul3A_69, %add3A_286 : i32
          %get3A_288 = arith.index_cast %add3A_287 : i32 to index
          %get3A_289 = tpu.vector_load %arg10[%get3A_288] {strides = array<i32>} : memref<20496xi32, #tpu.memory_space<vmem>>, vector<16xi32>,
          %slice3A_290 = vector.extract_strided_slice %get3A_289 {offsets = [0], sizes = [1], strides = [1]} : vector<16xi32> to vector<1xi32>
          %squeeze3A_291 = vector.extract %slice3A_290[0] : i32 from vector<1xi32>
          %shift_right_arithmetic3A_292 = vector.broadcast %squeeze3A_291 : i32 to vector<16xi32>
          %shift_right_arithmetic3A_293 = arith.shrsi %shift_right_arithmetic3A_292, %iota3A : vector<16xi32>
          %and3A_294 = arith.constant 1 : i32
          %and3A_295 = vector.broadcast %and3A_294 : i32 to vector<16xi32>
          %and3A_296 = arith.andi %shift_right_arithmetic3A_293, %and3A_295 : vector<16xi32>
          %eq3A = arith.constant 1 : i32
          %eq3A_297 = vector.broadcast %eq3A : i32 to vector<16xi32>
          %eq3A_298 = arith.cmpi eq, %and3A_296, %eq3A_297 : vector<16xi32>
          %mul3A_299 = arith.constant 640 : i32
          %mul3A_300 = vector.broadcast %mul3A_299 : i32 to vector<16xi32>
          %mul3A_301 = arith.muli %mul3A_300, %iota3A : vector<16xi32>
          %add3A_302 = vector.broadcast %add3A_286 : i32 to vector<16xi32>
          %add3A_303 = arith.addi %add3A_302, %mul3A_301 : vector<16xi32>
          %min3A_304 = arith.constant 4096 : i32
          %min3A_305 = arith.minsi %while3A_278, %min3A_304 : i32
          %swap3A_306 = arith.index_cast %min3A_305 : i32 to index
          %swap3A_307 = tpu.vector_load %arg12[%swap3A_306] masked %eq3A_298 {strides = array<i32>} : memref<4224xi32, #tpu.memory_space<vmem>>, vector<16xi32>, vector<16xi1>
          tpu.vector_store %arg12[%swap3A_306], %add3A_303 masked %eq3A_298 {strides = array<i32>} : memref<4224xi32, #tpu.memory_space<vmem>>, vector<16xi32>, vector<16xi1>
          %swap3A_308 = arith.index_cast %min3A_305 : i32 to index
          %swap3A_309 = tpu.vector_load %arg13[%swap3A_308] masked %eq3A_298 {strides = array<i32>} : memref<4224xi32, #tpu.memory_space<vmem>>, vector<16xi32>, vector<16xi1>
          tpu.vector_store %arg13[%swap3A_308], %broadcast_in_dim3A_75 masked %eq3A_298 {strides = array<i32>} : memref<4224xi32, #tpu.memory_space<vmem>>, vector<16xi32>, vector<16xi1>
          %sub3A_310 = arith.constant 1 : i32
          %sub3A_311 = arith.subi %while3A_277, %sub3A_310 : i32
          %and3A_312 = arith.andi %while3A_277, %sub3A_311 : i32
          %all_reduce_population_count3A = tpu.all_reduce %eq3A_298 {dim = 0 : i64, kind = #tpu.reduction_kind<sum>} : vector<16xi1> -> vector<16xi32>
          %slice3A_313 = vector.extract_strided_slice %all_reduce_population_count3A {offsets = [0], sizes = [1], strides = [1]} : vector<16xi32> to vector<1xi32>
          %squeeze3A_314 = vector.extract %slice3A_313[0] : i32 from vector<1xi32>
          %add3A_315 = arith.addi %while3A_278, %squeeze3A_314 : i32
          scf.yield %and3A_312, %add3A_315 : i32, i32
        }
        %slice3A_173 = vector.extract_strided_slice %get3A_144 {offsets = [7], sizes = [1], strides = [1]} : vector<16xi32> to vector<1xi32>
        %squeeze3A_174 = vector.extract %slice3A_173[0] : i32 from vector<1xi32>
        %while3A_175 = arith.constant 23 : i32
        %while3A_176:2 = scf.while (%while3A_277 = %squeeze3A_174, %while3A_278 = %while3A_172#1) : (i32, i32) -> (i32, i32) {
          %ne3A_279 = arith.constant 0 : i32
          %ne3A_280 = arith.cmpi ne, %while3A_277, %ne3A_279 : i32
          scf.condition(%ne3A_280) %while3A_277, %while3A_278 : i32, i32
        } do {
        ^bb0(%while3A_277: i32, %while3A_278: i32):
          %neg3A = arith.constant 0 : i32
          %neg3A_279 = arith.subi %neg3A, %while3A_277 : i32
          %and3A_280 = arith.andi %while3A_277, %neg3A_279 : i32
          %convert_element_type3A = arith.sitofp %and3A_280 : i32 to f32
          %bitcast_convert_type3A = arith.bitcast %convert_element_type3A : f32 to i32
          %shift_right_arithmetic3A = arith.constant 23 : i32
          %shift_right_arithmetic3A_281 = arith.shrsi %bitcast_convert_type3A, %shift_right_arithmetic3A : i32
          %sub3A_282 = arith.constant 127 : i32
          %sub3A_283 = arith.subi %shift_right_arithmetic3A_281, %sub3A_282 : i32
          %mul3A_284 = arith.constant 48 : i32
          %mul3A_285 = arith.muli %sub3A_283, %mul3A_284 : i32
          %add3A_286 = arith.addi %mul3A_285, %while3A_175 : i32
          %add3A_287 = arith.addi %mul3A_69, %add3A_286 : i32
          %get3A_288 = arith.index_cast %add3A_287 : i32 to index
          %get3A_289 = tpu.vector_load %arg10[%get3A_288] {strides = array<i32>} : memref<20496xi32, #tpu.memory_space<vmem>>, vector<16xi32>,
          %slice3A_290 = vector.extract_strided_slice %get3A_289 {offsets = [0], sizes = [1], strides = [1]} : vector<16xi32> to vector<1xi32>
          %squeeze3A_291 = vector.extract %slice3A_290[0] : i32 from vector<1xi32>
          %shift_right_arithmetic3A_292 = vector.broadcast %squeeze3A_291 : i32 to vector<16xi32>
          %shift_right_arithmetic3A_293 = arith.shrsi %shift_right_arithmetic3A_292, %iota3A : vector<16xi32>
          %and3A_294 = arith.constant 1 : i32
          %and3A_295 = vector.broadcast %and3A_294 : i32 to vector<16xi32>
          %and3A_296 = arith.andi %shift_right_arithmetic3A_293, %and3A_295 : vector<16xi32>
          %eq3A = arith.constant 1 : i32
          %eq3A_297 = vector.broadcast %eq3A : i32 to vector<16xi32>
          %eq3A_298 = arith.cmpi eq, %and3A_296, %eq3A_297 : vector<16xi32>
          %mul3A_299 = arith.constant 640 : i32
          %mul3A_300 = vector.broadcast %mul3A_299 : i32 to vector<16xi32>
          %mul3A_301 = arith.muli %mul3A_300, %iota3A : vector<16xi32>
          %add3A_302 = vector.broadcast %add3A_286 : i32 to vector<16xi32>
          %add3A_303 = arith.addi %add3A_302, %mul3A_301 : vector<16xi32>
          %min3A_304 = arith.constant 4096 : i32
          %min3A_305 = arith.minsi %while3A_278, %min3A_304 : i32
          %swap3A_306 = arith.index_cast %min3A_305 : i32 to index
          %swap3A_307 = tpu.vector_load %arg12[%swap3A_306] masked %eq3A_298 {strides = array<i32>} : memref<4224xi32, #tpu.memory_space<vmem>>, vector<16xi32>, vector<16xi1>
          tpu.vector_store %arg12[%swap3A_306], %add3A_303 masked %eq3A_298 {strides = array<i32>} : memref<4224xi32, #tpu.memory_space<vmem>>, vector<16xi32>, vector<16xi1>
          %swap3A_308 = arith.index_cast %min3A_305 : i32 to index
          %swap3A_309 = tpu.vector_load %arg13[%swap3A_308] masked %eq3A_298 {strides = array<i32>} : memref<4224xi32, #tpu.memory_space<vmem>>, vector<16xi32>, vector<16xi1>
          tpu.vector_store %arg13[%swap3A_308], %broadcast_in_dim3A_75 masked %eq3A_298 {strides = array<i32>} : memref<4224xi32, #tpu.memory_space<vmem>>, vector<16xi32>, vector<16xi1>
          %sub3A_310 = arith.constant 1 : i32
          %sub3A_311 = arith.subi %while3A_277, %sub3A_310 : i32
          %and3A_312 = arith.andi %while3A_277, %sub3A_311 : i32
          %all_reduce_population_count3A = tpu.all_reduce %eq3A_298 {dim = 0 : i64, kind = #tpu.reduction_kind<sum>} : vector<16xi1> -> vector<16xi32>
          %slice3A_313 = vector.extract_strided_slice %all_reduce_population_count3A {offsets = [0], sizes = [1], strides = [1]} : vector<16xi32> to vector<1xi32>
          %squeeze3A_314 = vector.extract %slice3A_313[0] : i32 from vector<1xi32>
          %add3A_315 = arith.addi %while3A_278, %squeeze3A_314 : i32
          scf.yield %and3A_312, %add3A_315 : i32, i32
        }
        %slice3A_177 = vector.extract_strided_slice %get3A_144 {offsets = [8], sizes = [1], strides = [1]} : vector<16xi32> to vector<1xi32>
        %squeeze3A_178 = vector.extract %slice3A_177[0] : i32 from vector<1xi32>
        %while3A_179 = arith.constant 24 : i32
        %while3A_180:2 = scf.while (%while3A_277 = %squeeze3A_178, %while3A_278 = %while3A_176#1) : (i32, i32) -> (i32, i32) {
          %ne3A_279 = arith.constant 0 : i32
          %ne3A_280 = arith.cmpi ne, %while3A_277, %ne3A_279 : i32
          scf.condition(%ne3A_280) %while3A_277, %while3A_278 : i32, i32
        } do {
        ^bb0(%while3A_277: i32, %while3A_278: i32):
          %neg3A = arith.constant 0 : i32
          %neg3A_279 = arith.subi %neg3A, %while3A_277 : i32
          %and3A_280 = arith.andi %while3A_277, %neg3A_279 : i32
          %convert_element_type3A = arith.sitofp %and3A_280 : i32 to f32
          %bitcast_convert_type3A = arith.bitcast %convert_element_type3A : f32 to i32
          %shift_right_arithmetic3A = arith.constant 23 : i32
          %shift_right_arithmetic3A_281 = arith.shrsi %bitcast_convert_type3A, %shift_right_arithmetic3A : i32
          %sub3A_282 = arith.constant 127 : i32
          %sub3A_283 = arith.subi %shift_right_arithmetic3A_281, %sub3A_282 : i32
          %mul3A_284 = arith.constant 48 : i32
          %mul3A_285 = arith.muli %sub3A_283, %mul3A_284 : i32
          %add3A_286 = arith.addi %mul3A_285, %while3A_179 : i32
          %add3A_287 = arith.addi %mul3A_69, %add3A_286 : i32
          %get3A_288 = arith.index_cast %add3A_287 : i32 to index
          %get3A_289 = tpu.vector_load %arg10[%get3A_288] {strides = array<i32>} : memref<20496xi32, #tpu.memory_space<vmem>>, vector<16xi32>,
          %slice3A_290 = vector.extract_strided_slice %get3A_289 {offsets = [0], sizes = [1], strides = [1]} : vector<16xi32> to vector<1xi32>
          %squeeze3A_291 = vector.extract %slice3A_290[0] : i32 from vector<1xi32>
          %shift_right_arithmetic3A_292 = vector.broadcast %squeeze3A_291 : i32 to vector<16xi32>
          %shift_right_arithmetic3A_293 = arith.shrsi %shift_right_arithmetic3A_292, %iota3A : vector<16xi32>
          %and3A_294 = arith.constant 1 : i32
          %and3A_295 = vector.broadcast %and3A_294 : i32 to vector<16xi32>
          %and3A_296 = arith.andi %shift_right_arithmetic3A_293, %and3A_295 : vector<16xi32>
          %eq3A = arith.constant 1 : i32
          %eq3A_297 = vector.broadcast %eq3A : i32 to vector<16xi32>
          %eq3A_298 = arith.cmpi eq, %and3A_296, %eq3A_297 : vector<16xi32>
          %mul3A_299 = arith.constant 640 : i32
          %mul3A_300 = vector.broadcast %mul3A_299 : i32 to vector<16xi32>
          %mul3A_301 = arith.muli %mul3A_300, %iota3A : vector<16xi32>
          %add3A_302 = vector.broadcast %add3A_286 : i32 to vector<16xi32>
          %add3A_303 = arith.addi %add3A_302, %mul3A_301 : vector<16xi32>
          %min3A_304 = arith.constant 4096 : i32
          %min3A_305 = arith.minsi %while3A_278, %min3A_304 : i32
          %swap3A_306 = arith.index_cast %min3A_305 : i32 to index
          %swap3A_307 = tpu.vector_load %arg12[%swap3A_306] masked %eq3A_298 {strides = array<i32>} : memref<4224xi32, #tpu.memory_space<vmem>>, vector<16xi32>, vector<16xi1>
          tpu.vector_store %arg12[%swap3A_306], %add3A_303 masked %eq3A_298 {strides = array<i32>} : memref<4224xi32, #tpu.memory_space<vmem>>, vector<16xi32>, vector<16xi1>
          %swap3A_308 = arith.index_cast %min3A_305 : i32 to index
          %swap3A_309 = tpu.vector_load %arg13[%swap3A_308] masked %eq3A_298 {strides = array<i32>} : memref<4224xi32, #tpu.memory_space<vmem>>, vector<16xi32>, vector<16xi1>
          tpu.vector_store %arg13[%swap3A_308], %broadcast_in_dim3A_75 masked %eq3A_298 {strides = array<i32>} : memref<4224xi32, #tpu.memory_space<vmem>>, vector<16xi32>, vector<16xi1>
          %sub3A_310 = arith.constant 1 : i32
          %sub3A_311 = arith.subi %while3A_277, %sub3A_310 : i32
          %and3A_312 = arith.andi %while3A_277, %sub3A_311 : i32
          %all_reduce_population_count3A = tpu.all_reduce %eq3A_298 {dim = 0 : i64, kind = #tpu.reduction_kind<sum>} : vector<16xi1> -> vector<16xi32>
          %slice3A_313 = vector.extract_strided_slice %all_reduce_population_count3A {offsets = [0], sizes = [1], strides = [1]} : vector<16xi32> to vector<1xi32>
          %squeeze3A_314 = vector.extract %slice3A_313[0] : i32 from vector<1xi32>
          %add3A_315 = arith.addi %while3A_278, %squeeze3A_314 : i32
          scf.yield %and3A_312, %add3A_315 : i32, i32
        }
        %slice3A_181 = vector.extract_strided_slice %get3A_144 {offsets = [9], sizes = [1], strides = [1]} : vector<16xi32> to vector<1xi32>
        %squeeze3A_182 = vector.extract %slice3A_181[0] : i32 from vector<1xi32>
        %while3A_183 = arith.constant 25 : i32
        %while3A_184:2 = scf.while (%while3A_277 = %squeeze3A_182, %while3A_278 = %while3A_180#1) : (i32, i32) -> (i32, i32) {
          %ne3A_279 = arith.constant 0 : i32
          %ne3A_280 = arith.cmpi ne, %while3A_277, %ne3A_279 : i32
          scf.condition(%ne3A_280) %while3A_277, %while3A_278 : i32, i32
        } do {
        ^bb0(%while3A_277: i32, %while3A_278: i32):
          %neg3A = arith.constant 0 : i32
          %neg3A_279 = arith.subi %neg3A, %while3A_277 : i32
          %and3A_280 = arith.andi %while3A_277, %neg3A_279 : i32
          %convert_element_type3A = arith.sitofp %and3A_280 : i32 to f32
          %bitcast_convert_type3A = arith.bitcast %convert_element_type3A : f32 to i32
          %shift_right_arithmetic3A = arith.constant 23 : i32
          %shift_right_arithmetic3A_281 = arith.shrsi %bitcast_convert_type3A, %shift_right_arithmetic3A : i32
          %sub3A_282 = arith.constant 127 : i32
          %sub3A_283 = arith.subi %shift_right_arithmetic3A_281, %sub3A_282 : i32
          %mul3A_284 = arith.constant 48 : i32
          %mul3A_285 = arith.muli %sub3A_283, %mul3A_284 : i32
          %add3A_286 = arith.addi %mul3A_285, %while3A_183 : i32
          %add3A_287 = arith.addi %mul3A_69, %add3A_286 : i32
          %get3A_288 = arith.index_cast %add3A_287 : i32 to index
          %get3A_289 = tpu.vector_load %arg10[%get3A_288] {strides = array<i32>} : memref<20496xi32, #tpu.memory_space<vmem>>, vector<16xi32>,
          %slice3A_290 = vector.extract_strided_slice %get3A_289 {offsets = [0], sizes = [1], strides = [1]} : vector<16xi32> to vector<1xi32>
          %squeeze3A_291 = vector.extract %slice3A_290[0] : i32 from vector<1xi32>
          %shift_right_arithmetic3A_292 = vector.broadcast %squeeze3A_291 : i32 to vector<16xi32>
          %shift_right_arithmetic3A_293 = arith.shrsi %shift_right_arithmetic3A_292, %iota3A : vector<16xi32>
          %and3A_294 = arith.constant 1 : i32
          %and3A_295 = vector.broadcast %and3A_294 : i32 to vector<16xi32>
          %and3A_296 = arith.andi %shift_right_arithmetic3A_293, %and3A_295 : vector<16xi32>
          %eq3A = arith.constant 1 : i32
          %eq3A_297 = vector.broadcast %eq3A : i32 to vector<16xi32>
          %eq3A_298 = arith.cmpi eq, %and3A_296, %eq3A_297 : vector<16xi32>
          %mul3A_299 = arith.constant 640 : i32
          %mul3A_300 = vector.broadcast %mul3A_299 : i32 to vector<16xi32>
          %mul3A_301 = arith.muli %mul3A_300, %iota3A : vector<16xi32>
          %add3A_302 = vector.broadcast %add3A_286 : i32 to vector<16xi32>
          %add3A_303 = arith.addi %add3A_302, %mul3A_301 : vector<16xi32>
          %min3A_304 = arith.constant 4096 : i32
          %min3A_305 = arith.minsi %while3A_278, %min3A_304 : i32
          %swap3A_306 = arith.index_cast %min3A_305 : i32 to index
          %swap3A_307 = tpu.vector_load %arg12[%swap3A_306] masked %eq3A_298 {strides = array<i32>} : memref<4224xi32, #tpu.memory_space<vmem>>, vector<16xi32>, vector<16xi1>
          tpu.vector_store %arg12[%swap3A_306], %add3A_303 masked %eq3A_298 {strides = array<i32>} : memref<4224xi32, #tpu.memory_space<vmem>>, vector<16xi32>, vector<16xi1>
          %swap3A_308 = arith.index_cast %min3A_305 : i32 to index
          %swap3A_309 = tpu.vector_load %arg13[%swap3A_308] masked %eq3A_298 {strides = array<i32>} : memref<4224xi32, #tpu.memory_space<vmem>>, vector<16xi32>, vector<16xi1>
          tpu.vector_store %arg13[%swap3A_308], %broadcast_in_dim3A_75 masked %eq3A_298 {strides = array<i32>} : memref<4224xi32, #tpu.memory_space<vmem>>, vector<16xi32>, vector<16xi1>
          %sub3A_310 = arith.constant 1 : i32
          %sub3A_311 = arith.subi %while3A_277, %sub3A_310 : i32
          %and3A_312 = arith.andi %while3A_277, %sub3A_311 : i32
          %all_reduce_population_count3A = tpu.all_reduce %eq3A_298 {dim = 0 : i64, kind = #tpu.reduction_kind<sum>} : vector<16xi1> -> vector<16xi32>
          %slice3A_313 = vector.extract_strided_slice %all_reduce_population_count3A {offsets = [0], sizes = [1], strides = [1]} : vector<16xi32> to vector<1xi32>
          %squeeze3A_314 = vector.extract %slice3A_313[0] : i32 from vector<1xi32>
          %add3A_315 = arith.addi %while3A_278, %squeeze3A_314 : i32
          scf.yield %and3A_312, %add3A_315 : i32, i32
        }
        %slice3A_185 = vector.extract_strided_slice %get3A_144 {offsets = [10], sizes = [1], strides = [1]} : vector<16xi32> to vector<1xi32>
        %squeeze3A_186 = vector.extract %slice3A_185[0] : i32 from vector<1xi32>
        %while3A_187 = arith.constant 26 : i32
        %while3A_188:2 = scf.while (%while3A_277 = %squeeze3A_186, %while3A_278 = %while3A_184#1) : (i32, i32) -> (i32, i32) {
          %ne3A_279 = arith.constant 0 : i32
          %ne3A_280 = arith.cmpi ne, %while3A_277, %ne3A_279 : i32
          scf.condition(%ne3A_280) %while3A_277, %while3A_278 : i32, i32
        } do {
        ^bb0(%while3A_277: i32, %while3A_278: i32):
          %neg3A = arith.constant 0 : i32
          %neg3A_279 = arith.subi %neg3A, %while3A_277 : i32
          %and3A_280 = arith.andi %while3A_277, %neg3A_279 : i32
          %convert_element_type3A = arith.sitofp %and3A_280 : i32 to f32
          %bitcast_convert_type3A = arith.bitcast %convert_element_type3A : f32 to i32
          %shift_right_arithmetic3A = arith.constant 23 : i32
          %shift_right_arithmetic3A_281 = arith.shrsi %bitcast_convert_type3A, %shift_right_arithmetic3A : i32
          %sub3A_282 = arith.constant 127 : i32
          %sub3A_283 = arith.subi %shift_right_arithmetic3A_281, %sub3A_282 : i32
          %mul3A_284 = arith.constant 48 : i32
          %mul3A_285 = arith.muli %sub3A_283, %mul3A_284 : i32
          %add3A_286 = arith.addi %mul3A_285, %while3A_187 : i32
          %add3A_287 = arith.addi %mul3A_69, %add3A_286 : i32
          %get3A_288 = arith.index_cast %add3A_287 : i32 to index
          %get3A_289 = tpu.vector_load %arg10[%get3A_288] {strides = array<i32>} : memref<20496xi32, #tpu.memory_space<vmem>>, vector<16xi32>,
          %slice3A_290 = vector.extract_strided_slice %get3A_289 {offsets = [0], sizes = [1], strides = [1]} : vector<16xi32> to vector<1xi32>
          %squeeze3A_291 = vector.extract %slice3A_290[0] : i32 from vector<1xi32>
          %shift_right_arithmetic3A_292 = vector.broadcast %squeeze3A_291 : i32 to vector<16xi32>
          %shift_right_arithmetic3A_293 = arith.shrsi %shift_right_arithmetic3A_292, %iota3A : vector<16xi32>
          %and3A_294 = arith.constant 1 : i32
          %and3A_295 = vector.broadcast %and3A_294 : i32 to vector<16xi32>
          %and3A_296 = arith.andi %shift_right_arithmetic3A_293, %and3A_295 : vector<16xi32>
          %eq3A = arith.constant 1 : i32
          %eq3A_297 = vector.broadcast %eq3A : i32 to vector<16xi32>
          %eq3A_298 = arith.cmpi eq, %and3A_296, %eq3A_297 : vector<16xi32>
          %mul3A_299 = arith.constant 640 : i32
          %mul3A_300 = vector.broadcast %mul3A_299 : i32 to vector<16xi32>
          %mul3A_301 = arith.muli %mul3A_300, %iota3A : vector<16xi32>
          %add3A_302 = vector.broadcast %add3A_286 : i32 to vector<16xi32>
          %add3A_303 = arith.addi %add3A_302, %mul3A_301 : vector<16xi32>
          %min3A_304 = arith.constant 4096 : i32
          %min3A_305 = arith.minsi %while3A_278, %min3A_304 : i32
          %swap3A_306 = arith.index_cast %min3A_305 : i32 to index
          %swap3A_307 = tpu.vector_load %arg12[%swap3A_306] masked %eq3A_298 {strides = array<i32>} : memref<4224xi32, #tpu.memory_space<vmem>>, vector<16xi32>, vector<16xi1>
          tpu.vector_store %arg12[%swap3A_306], %add3A_303 masked %eq3A_298 {strides = array<i32>} : memref<4224xi32, #tpu.memory_space<vmem>>, vector<16xi32>, vector<16xi1>
          %swap3A_308 = arith.index_cast %min3A_305 : i32 to index
          %swap3A_309 = tpu.vector_load %arg13[%swap3A_308] masked %eq3A_298 {strides = array<i32>} : memref<4224xi32, #tpu.memory_space<vmem>>, vector<16xi32>, vector<16xi1>
          tpu.vector_store %arg13[%swap3A_308], %broadcast_in_dim3A_75 masked %eq3A_298 {strides = array<i32>} : memref<4224xi32, #tpu.memory_space<vmem>>, vector<16xi32>, vector<16xi1>
          %sub3A_310 = arith.constant 1 : i32
          %sub3A_311 = arith.subi %while3A_277, %sub3A_310 : i32
          %and3A_312 = arith.andi %while3A_277, %sub3A_311 : i32
          %all_reduce_population_count3A = tpu.all_reduce %eq3A_298 {dim = 0 : i64, kind = #tpu.reduction_kind<sum>} : vector<16xi1> -> vector<16xi32>
          %slice3A_313 = vector.extract_strided_slice %all_reduce_population_count3A {offsets = [0], sizes = [1], strides = [1]} : vector<16xi32> to vector<1xi32>
          %squeeze3A_314 = vector.extract %slice3A_313[0] : i32 from vector<1xi32>
          %add3A_315 = arith.addi %while3A_278, %squeeze3A_314 : i32
          scf.yield %and3A_312, %add3A_315 : i32, i32
        }
        %slice3A_189 = vector.extract_strided_slice %get3A_144 {offsets = [11], sizes = [1], strides = [1]} : vector<16xi32> to vector<1xi32>
        %squeeze3A_190 = vector.extract %slice3A_189[0] : i32 from vector<1xi32>
        %while3A_191 = arith.constant 27 : i32
        %while3A_192:2 = scf.while (%while3A_277 = %squeeze3A_190, %while3A_278 = %while3A_188#1) : (i32, i32) -> (i32, i32) {
          %ne3A_279 = arith.constant 0 : i32
          %ne3A_280 = arith.cmpi ne, %while3A_277, %ne3A_279 : i32
          scf.condition(%ne3A_280) %while3A_277, %while3A_278 : i32, i32
        } do {
        ^bb0(%while3A_277: i32, %while3A_278: i32):
          %neg3A = arith.constant 0 : i32
          %neg3A_279 = arith.subi %neg3A, %while3A_277 : i32
          %and3A_280 = arith.andi %while3A_277, %neg3A_279 : i32
          %convert_element_type3A = arith.sitofp %and3A_280 : i32 to f32
          %bitcast_convert_type3A = arith.bitcast %convert_element_type3A : f32 to i32
          %shift_right_arithmetic3A = arith.constant 23 : i32
          %shift_right_arithmetic3A_281 = arith.shrsi %bitcast_convert_type3A, %shift_right_arithmetic3A : i32
          %sub3A_282 = arith.constant 127 : i32
          %sub3A_283 = arith.subi %shift_right_arithmetic3A_281, %sub3A_282 : i32
          %mul3A_284 = arith.constant 48 : i32
          %mul3A_285 = arith.muli %sub3A_283, %mul3A_284 : i32
          %add3A_286 = arith.addi %mul3A_285, %while3A_191 : i32
          %add3A_287 = arith.addi %mul3A_69, %add3A_286 : i32
          %get3A_288 = arith.index_cast %add3A_287 : i32 to index
          %get3A_289 = tpu.vector_load %arg10[%get3A_288] {strides = array<i32>} : memref<20496xi32, #tpu.memory_space<vmem>>, vector<16xi32>,
          %slice3A_290 = vector.extract_strided_slice %get3A_289 {offsets = [0], sizes = [1], strides = [1]} : vector<16xi32> to vector<1xi32>
          %squeeze3A_291 = vector.extract %slice3A_290[0] : i32 from vector<1xi32>
          %shift_right_arithmetic3A_292 = vector.broadcast %squeeze3A_291 : i32 to vector<16xi32>
          %shift_right_arithmetic3A_293 = arith.shrsi %shift_right_arithmetic3A_292, %iota3A : vector<16xi32>
          %and3A_294 = arith.constant 1 : i32
          %and3A_295 = vector.broadcast %and3A_294 : i32 to vector<16xi32>
          %and3A_296 = arith.andi %shift_right_arithmetic3A_293, %and3A_295 : vector<16xi32>
          %eq3A = arith.constant 1 : i32
          %eq3A_297 = vector.broadcast %eq3A : i32 to vector<16xi32>
          %eq3A_298 = arith.cmpi eq, %and3A_296, %eq3A_297 : vector<16xi32>
          %mul3A_299 = arith.constant 640 : i32
          %mul3A_300 = vector.broadcast %mul3A_299 : i32 to vector<16xi32>
          %mul3A_301 = arith.muli %mul3A_300, %iota3A : vector<16xi32>
          %add3A_302 = vector.broadcast %add3A_286 : i32 to vector<16xi32>
          %add3A_303 = arith.addi %add3A_302, %mul3A_301 : vector<16xi32>
          %min3A_304 = arith.constant 4096 : i32
          %min3A_305 = arith.minsi %while3A_278, %min3A_304 : i32
          %swap3A_306 = arith.index_cast %min3A_305 : i32 to index
          %swap3A_307 = tpu.vector_load %arg12[%swap3A_306] masked %eq3A_298 {strides = array<i32>} : memref<4224xi32, #tpu.memory_space<vmem>>, vector<16xi32>, vector<16xi1>
          tpu.vector_store %arg12[%swap3A_306], %add3A_303 masked %eq3A_298 {strides = array<i32>} : memref<4224xi32, #tpu.memory_space<vmem>>, vector<16xi32>, vector<16xi1>
          %swap3A_308 = arith.index_cast %min3A_305 : i32 to index
          %swap3A_309 = tpu.vector_load %arg13[%swap3A_308] masked %eq3A_298 {strides = array<i32>} : memref<4224xi32, #tpu.memory_space<vmem>>, vector<16xi32>, vector<16xi1>
          tpu.vector_store %arg13[%swap3A_308], %broadcast_in_dim3A_75 masked %eq3A_298 {strides = array<i32>} : memref<4224xi32, #tpu.memory_space<vmem>>, vector<16xi32>, vector<16xi1>
          %sub3A_310 = arith.constant 1 : i32
          %sub3A_311 = arith.subi %while3A_277, %sub3A_310 : i32
          %and3A_312 = arith.andi %while3A_277, %sub3A_311 : i32
          %all_reduce_population_count3A = tpu.all_reduce %eq3A_298 {dim = 0 : i64, kind = #tpu.reduction_kind<sum>} : vector<16xi1> -> vector<16xi32>
          %slice3A_313 = vector.extract_strided_slice %all_reduce_population_count3A {offsets = [0], sizes = [1], strides = [1]} : vector<16xi32> to vector<1xi32>
          %squeeze3A_314 = vector.extract %slice3A_313[0] : i32 from vector<1xi32>
          %add3A_315 = arith.addi %while3A_278, %squeeze3A_314 : i32
          scf.yield %and3A_312, %add3A_315 : i32, i32
        }
        %slice3A_193 = vector.extract_strided_slice %get3A_144 {offsets = [12], sizes = [1], strides = [1]} : vector<16xi32> to vector<1xi32>
        %squeeze3A_194 = vector.extract %slice3A_193[0] : i32 from vector<1xi32>
        %while3A_195 = arith.constant 28 : i32
        %while3A_196:2 = scf.while (%while3A_277 = %squeeze3A_194, %while3A_278 = %while3A_192#1) : (i32, i32) -> (i32, i32) {
          %ne3A_279 = arith.constant 0 : i32
          %ne3A_280 = arith.cmpi ne, %while3A_277, %ne3A_279 : i32
          scf.condition(%ne3A_280) %while3A_277, %while3A_278 : i32, i32
        } do {
        ^bb0(%while3A_277: i32, %while3A_278: i32):
          %neg3A = arith.constant 0 : i32
          %neg3A_279 = arith.subi %neg3A, %while3A_277 : i32
          %and3A_280 = arith.andi %while3A_277, %neg3A_279 : i32
          %convert_element_type3A = arith.sitofp %and3A_280 : i32 to f32
          %bitcast_convert_type3A = arith.bitcast %convert_element_type3A : f32 to i32
          %shift_right_arithmetic3A = arith.constant 23 : i32
          %shift_right_arithmetic3A_281 = arith.shrsi %bitcast_convert_type3A, %shift_right_arithmetic3A : i32
          %sub3A_282 = arith.constant 127 : i32
          %sub3A_283 = arith.subi %shift_right_arithmetic3A_281, %sub3A_282 : i32
          %mul3A_284 = arith.constant 48 : i32
          %mul3A_285 = arith.muli %sub3A_283, %mul3A_284 : i32
          %add3A_286 = arith.addi %mul3A_285, %while3A_195 : i32
          %add3A_287 = arith.addi %mul3A_69, %add3A_286 : i32
          %get3A_288 = arith.index_cast %add3A_287 : i32 to index
          %get3A_289 = tpu.vector_load %arg10[%get3A_288] {strides = array<i32>} : memref<20496xi32, #tpu.memory_space<vmem>>, vector<16xi32>,
          %slice3A_290 = vector.extract_strided_slice %get3A_289 {offsets = [0], sizes = [1], strides = [1]} : vector<16xi32> to vector<1xi32>
          %squeeze3A_291 = vector.extract %slice3A_290[0] : i32 from vector<1xi32>
          %shift_right_arithmetic3A_292 = vector.broadcast %squeeze3A_291 : i32 to vector<16xi32>
          %shift_right_arithmetic3A_293 = arith.shrsi %shift_right_arithmetic3A_292, %iota3A : vector<16xi32>
          %and3A_294 = arith.constant 1 : i32
          %and3A_295 = vector.broadcast %and3A_294 : i32 to vector<16xi32>
          %and3A_296 = arith.andi %shift_right_arithmetic3A_293, %and3A_295 : vector<16xi32>
          %eq3A = arith.constant 1 : i32
          %eq3A_297 = vector.broadcast %eq3A : i32 to vector<16xi32>
          %eq3A_298 = arith.cmpi eq, %and3A_296, %eq3A_297 : vector<16xi32>
          %mul3A_299 = arith.constant 640 : i32
          %mul3A_300 = vector.broadcast %mul3A_299 : i32 to vector<16xi32>
          %mul3A_301 = arith.muli %mul3A_300, %iota3A : vector<16xi32>
          %add3A_302 = vector.broadcast %add3A_286 : i32 to vector<16xi32>
          %add3A_303 = arith.addi %add3A_302, %mul3A_301 : vector<16xi32>
          %min3A_304 = arith.constant 4096 : i32
          %min3A_305 = arith.minsi %while3A_278, %min3A_304 : i32
          %swap3A_306 = arith.index_cast %min3A_305 : i32 to index
          %swap3A_307 = tpu.vector_load %arg12[%swap3A_306] masked %eq3A_298 {strides = array<i32>} : memref<4224xi32, #tpu.memory_space<vmem>>, vector<16xi32>, vector<16xi1>
          tpu.vector_store %arg12[%swap3A_306], %add3A_303 masked %eq3A_298 {strides = array<i32>} : memref<4224xi32, #tpu.memory_space<vmem>>, vector<16xi32>, vector<16xi1>
          %swap3A_308 = arith.index_cast %min3A_305 : i32 to index
          %swap3A_309 = tpu.vector_load %arg13[%swap3A_308] masked %eq3A_298 {strides = array<i32>} : memref<4224xi32, #tpu.memory_space<vmem>>, vector<16xi32>, vector<16xi1>
          tpu.vector_store %arg13[%swap3A_308], %broadcast_in_dim3A_75 masked %eq3A_298 {strides = array<i32>} : memref<4224xi32, #tpu.memory_space<vmem>>, vector<16xi32>, vector<16xi1>
          %sub3A_310 = arith.constant 1 : i32
          %sub3A_311 = arith.subi %while3A_277, %sub3A_310 : i32
          %and3A_312 = arith.andi %while3A_277, %sub3A_311 : i32
          %all_reduce_population_count3A = tpu.all_reduce %eq3A_298 {dim = 0 : i64, kind = #tpu.reduction_kind<sum>} : vector<16xi1> -> vector<16xi32>
          %slice3A_313 = vector.extract_strided_slice %all_reduce_population_count3A {offsets = [0], sizes = [1], strides = [1]} : vector<16xi32> to vector<1xi32>
          %squeeze3A_314 = vector.extract %slice3A_313[0] : i32 from vector<1xi32>
          %add3A_315 = arith.addi %while3A_278, %squeeze3A_314 : i32
          scf.yield %and3A_312, %add3A_315 : i32, i32
        }
        %slice3A_197 = vector.extract_strided_slice %get3A_144 {offsets = [13], sizes = [1], strides = [1]} : vector<16xi32> to vector<1xi32>
        %squeeze3A_198 = vector.extract %slice3A_197[0] : i32 from vector<1xi32>
        %while3A_199 = arith.constant 29 : i32
        %while3A_200:2 = scf.while (%while3A_277 = %squeeze3A_198, %while3A_278 = %while3A_196#1) : (i32, i32) -> (i32, i32) {
          %ne3A_279 = arith.constant 0 : i32
          %ne3A_280 = arith.cmpi ne, %while3A_277, %ne3A_279 : i32
          scf.condition(%ne3A_280) %while3A_277, %while3A_278 : i32, i32
        } do {
        ^bb0(%while3A_277: i32, %while3A_278: i32):
          %neg3A = arith.constant 0 : i32
          %neg3A_279 = arith.subi %neg3A, %while3A_277 : i32
          %and3A_280 = arith.andi %while3A_277, %neg3A_279 : i32
          %convert_element_type3A = arith.sitofp %and3A_280 : i32 to f32
          %bitcast_convert_type3A = arith.bitcast %convert_element_type3A : f32 to i32
          %shift_right_arithmetic3A = arith.constant 23 : i32
          %shift_right_arithmetic3A_281 = arith.shrsi %bitcast_convert_type3A, %shift_right_arithmetic3A : i32
          %sub3A_282 = arith.constant 127 : i32
          %sub3A_283 = arith.subi %shift_right_arithmetic3A_281, %sub3A_282 : i32
          %mul3A_284 = arith.constant 48 : i32
          %mul3A_285 = arith.muli %sub3A_283, %mul3A_284 : i32
          %add3A_286 = arith.addi %mul3A_285, %while3A_199 : i32
          %add3A_287 = arith.addi %mul3A_69, %add3A_286 : i32
          %get3A_288 = arith.index_cast %add3A_287 : i32 to index
          %get3A_289 = tpu.vector_load %arg10[%get3A_288] {strides = array<i32>} : memref<20496xi32, #tpu.memory_space<vmem>>, vector<16xi32>,
          %slice3A_290 = vector.extract_strided_slice %get3A_289 {offsets = [0], sizes = [1], strides = [1]} : vector<16xi32> to vector<1xi32>
          %squeeze3A_291 = vector.extract %slice3A_290[0] : i32 from vector<1xi32>
          %shift_right_arithmetic3A_292 = vector.broadcast %squeeze3A_291 : i32 to vector<16xi32>
          %shift_right_arithmetic3A_293 = arith.shrsi %shift_right_arithmetic3A_292, %iota3A : vector<16xi32>
          %and3A_294 = arith.constant 1 : i32
          %and3A_295 = vector.broadcast %and3A_294 : i32 to vector<16xi32>
          %and3A_296 = arith.andi %shift_right_arithmetic3A_293, %and3A_295 : vector<16xi32>
          %eq3A = arith.constant 1 : i32
          %eq3A_297 = vector.broadcast %eq3A : i32 to vector<16xi32>
          %eq3A_298 = arith.cmpi eq, %and3A_296, %eq3A_297 : vector<16xi32>
          %mul3A_299 = arith.constant 640 : i32
          %mul3A_300 = vector.broadcast %mul3A_299 : i32 to vector<16xi32>
          %mul3A_301 = arith.muli %mul3A_300, %iota3A : vector<16xi32>
          %add3A_302 = vector.broadcast %add3A_286 : i32 to vector<16xi32>
          %add3A_303 = arith.addi %add3A_302, %mul3A_301 : vector<16xi32>
          %min3A_304 = arith.constant 4096 : i32
          %min3A_305 = arith.minsi %while3A_278, %min3A_304 : i32
          %swap3A_306 = arith.index_cast %min3A_305 : i32 to index
          %swap3A_307 = tpu.vector_load %arg12[%swap3A_306] masked %eq3A_298 {strides = array<i32>} : memref<4224xi32, #tpu.memory_space<vmem>>, vector<16xi32>, vector<16xi1>
          tpu.vector_store %arg12[%swap3A_306], %add3A_303 masked %eq3A_298 {strides = array<i32>} : memref<4224xi32, #tpu.memory_space<vmem>>, vector<16xi32>, vector<16xi1>
          %swap3A_308 = arith.index_cast %min3A_305 : i32 to index
          %swap3A_309 = tpu.vector_load %arg13[%swap3A_308] masked %eq3A_298 {strides = array<i32>} : memref<4224xi32, #tpu.memory_space<vmem>>, vector<16xi32>, vector<16xi1>
          tpu.vector_store %arg13[%swap3A_308], %broadcast_in_dim3A_75 masked %eq3A_298 {strides = array<i32>} : memref<4224xi32, #tpu.memory_space<vmem>>, vector<16xi32>, vector<16xi1>
          %sub3A_310 = arith.constant 1 : i32
          %sub3A_311 = arith.subi %while3A_277, %sub3A_310 : i32
          %and3A_312 = arith.andi %while3A_277, %sub3A_311 : i32
          %all_reduce_population_count3A = tpu.all_reduce %eq3A_298 {dim = 0 : i64, kind = #tpu.reduction_kind<sum>} : vector<16xi1> -> vector<16xi32>
          %slice3A_313 = vector.extract_strided_slice %all_reduce_population_count3A {offsets = [0], sizes = [1], strides = [1]} : vector<16xi32> to vector<1xi32>
          %squeeze3A_314 = vector.extract %slice3A_313[0] : i32 from vector<1xi32>
          %add3A_315 = arith.addi %while3A_278, %squeeze3A_314 : i32
          scf.yield %and3A_312, %add3A_315 : i32, i32
        }
        %slice3A_201 = vector.extract_strided_slice %get3A_144 {offsets = [14], sizes = [1], strides = [1]} : vector<16xi32> to vector<1xi32>
        %squeeze3A_202 = vector.extract %slice3A_201[0] : i32 from vector<1xi32>
        %while3A_203 = arith.constant 30 : i32
        %while3A_204:2 = scf.while (%while3A_277 = %squeeze3A_202, %while3A_278 = %while3A_200#1) : (i32, i32) -> (i32, i32) {
          %ne3A_279 = arith.constant 0 : i32
          %ne3A_280 = arith.cmpi ne, %while3A_277, %ne3A_279 : i32
          scf.condition(%ne3A_280) %while3A_277, %while3A_278 : i32, i32
        } do {
        ^bb0(%while3A_277: i32, %while3A_278: i32):
          %neg3A = arith.constant 0 : i32
          %neg3A_279 = arith.subi %neg3A, %while3A_277 : i32
          %and3A_280 = arith.andi %while3A_277, %neg3A_279 : i32
          %convert_element_type3A = arith.sitofp %and3A_280 : i32 to f32
          %bitcast_convert_type3A = arith.bitcast %convert_element_type3A : f32 to i32
          %shift_right_arithmetic3A = arith.constant 23 : i32
          %shift_right_arithmetic3A_281 = arith.shrsi %bitcast_convert_type3A, %shift_right_arithmetic3A : i32
          %sub3A_282 = arith.constant 127 : i32
          %sub3A_283 = arith.subi %shift_right_arithmetic3A_281, %sub3A_282 : i32
          %mul3A_284 = arith.constant 48 : i32
          %mul3A_285 = arith.muli %sub3A_283, %mul3A_284 : i32
          %add3A_286 = arith.addi %mul3A_285, %while3A_203 : i32
          %add3A_287 = arith.addi %mul3A_69, %add3A_286 : i32
          %get3A_288 = arith.index_cast %add3A_287 : i32 to index
          %get3A_289 = tpu.vector_load %arg10[%get3A_288] {strides = array<i32>} : memref<20496xi32, #tpu.memory_space<vmem>>, vector<16xi32>,
          %slice3A_290 = vector.extract_strided_slice %get3A_289 {offsets = [0], sizes = [1], strides = [1]} : vector<16xi32> to vector<1xi32>
          %squeeze3A_291 = vector.extract %slice3A_290[0] : i32 from vector<1xi32>
          %shift_right_arithmetic3A_292 = vector.broadcast %squeeze3A_291 : i32 to vector<16xi32>
          %shift_right_arithmetic3A_293 = arith.shrsi %shift_right_arithmetic3A_292, %iota3A : vector<16xi32>
          %and3A_294 = arith.constant 1 : i32
          %and3A_295 = vector.broadcast %and3A_294 : i32 to vector<16xi32>
          %and3A_296 = arith.andi %shift_right_arithmetic3A_293, %and3A_295 : vector<16xi32>
          %eq3A = arith.constant 1 : i32
          %eq3A_297 = vector.broadcast %eq3A : i32 to vector<16xi32>
          %eq3A_298 = arith.cmpi eq, %and3A_296, %eq3A_297 : vector<16xi32>
          %mul3A_299 = arith.constant 640 : i32
          %mul3A_300 = vector.broadcast %mul3A_299 : i32 to vector<16xi32>
          %mul3A_301 = arith.muli %mul3A_300, %iota3A : vector<16xi32>
          %add3A_302 = vector.broadcast %add3A_286 : i32 to vector<16xi32>
          %add3A_303 = arith.addi %add3A_302, %mul3A_301 : vector<16xi32>
          %min3A_304 = arith.constant 4096 : i32
          %min3A_305 = arith.minsi %while3A_278, %min3A_304 : i32
          %swap3A_306 = arith.index_cast %min3A_305 : i32 to index
          %swap3A_307 = tpu.vector_load %arg12[%swap3A_306] masked %eq3A_298 {strides = array<i32>} : memref<4224xi32, #tpu.memory_space<vmem>>, vector<16xi32>, vector<16xi1>
          tpu.vector_store %arg12[%swap3A_306], %add3A_303 masked %eq3A_298 {strides = array<i32>} : memref<4224xi32, #tpu.memory_space<vmem>>, vector<16xi32>, vector<16xi1>
          %swap3A_308 = arith.index_cast %min3A_305 : i32 to index
          %swap3A_309 = tpu.vector_load %arg13[%swap3A_308] masked %eq3A_298 {strides = array<i32>} : memref<4224xi32, #tpu.memory_space<vmem>>, vector<16xi32>, vector<16xi1>
          tpu.vector_store %arg13[%swap3A_308], %broadcast_in_dim3A_75 masked %eq3A_298 {strides = array<i32>} : memref<4224xi32, #tpu.memory_space<vmem>>, vector<16xi32>, vector<16xi1>
          %sub3A_310 = arith.constant 1 : i32
          %sub3A_311 = arith.subi %while3A_277, %sub3A_310 : i32
          %and3A_312 = arith.andi %while3A_277, %sub3A_311 : i32
          %all_reduce_population_count3A = tpu.all_reduce %eq3A_298 {dim = 0 : i64, kind = #tpu.reduction_kind<sum>} : vector<16xi1> -> vector<16xi32>
          %slice3A_313 = vector.extract_strided_slice %all_reduce_population_count3A {offsets = [0], sizes = [1], strides = [1]} : vector<16xi32> to vector<1xi32>
          %squeeze3A_314 = vector.extract %slice3A_313[0] : i32 from vector<1xi32>
          %add3A_315 = arith.addi %while3A_278, %squeeze3A_314 : i32
          scf.yield %and3A_312, %add3A_315 : i32, i32
        }
        %slice3A_205 = vector.extract_strided_slice %get3A_144 {offsets = [15], sizes = [1], strides = [1]} : vector<16xi32> to vector<1xi32>
        %squeeze3A_206 = vector.extract %slice3A_205[0] : i32 from vector<1xi32>
        %while3A_207 = arith.constant 31 : i32
        %while3A_208:2 = scf.while (%while3A_277 = %squeeze3A_206, %while3A_278 = %while3A_204#1) : (i32, i32) -> (i32, i32) {
          %ne3A_279 = arith.constant 0 : i32
          %ne3A_280 = arith.cmpi ne, %while3A_277, %ne3A_279 : i32
          scf.condition(%ne3A_280) %while3A_277, %while3A_278 : i32, i32
        } do {
        ^bb0(%while3A_277: i32, %while3A_278: i32):
          %neg3A = arith.constant 0 : i32
          %neg3A_279 = arith.subi %neg3A, %while3A_277 : i32
          %and3A_280 = arith.andi %while3A_277, %neg3A_279 : i32
          %convert_element_type3A = arith.sitofp %and3A_280 : i32 to f32
          %bitcast_convert_type3A = arith.bitcast %convert_element_type3A : f32 to i32
          %shift_right_arithmetic3A = arith.constant 23 : i32
          %shift_right_arithmetic3A_281 = arith.shrsi %bitcast_convert_type3A, %shift_right_arithmetic3A : i32
          %sub3A_282 = arith.constant 127 : i32
          %sub3A_283 = arith.subi %shift_right_arithmetic3A_281, %sub3A_282 : i32
          %mul3A_284 = arith.constant 48 : i32
          %mul3A_285 = arith.muli %sub3A_283, %mul3A_284 : i32
          %add3A_286 = arith.addi %mul3A_285, %while3A_207 : i32
          %add3A_287 = arith.addi %mul3A_69, %add3A_286 : i32
          %get3A_288 = arith.index_cast %add3A_287 : i32 to index
          %get3A_289 = tpu.vector_load %arg10[%get3A_288] {strides = array<i32>} : memref<20496xi32, #tpu.memory_space<vmem>>, vector<16xi32>,
          %slice3A_290 = vector.extract_strided_slice %get3A_289 {offsets = [0], sizes = [1], strides = [1]} : vector<16xi32> to vector<1xi32>
          %squeeze3A_291 = vector.extract %slice3A_290[0] : i32 from vector<1xi32>
          %shift_right_arithmetic3A_292 = vector.broadcast %squeeze3A_291 : i32 to vector<16xi32>
          %shift_right_arithmetic3A_293 = arith.shrsi %shift_right_arithmetic3A_292, %iota3A : vector<16xi32>
          %and3A_294 = arith.constant 1 : i32
          %and3A_295 = vector.broadcast %and3A_294 : i32 to vector<16xi32>
          %and3A_296 = arith.andi %shift_right_arithmetic3A_293, %and3A_295 : vector<16xi32>
          %eq3A = arith.constant 1 : i32
          %eq3A_297 = vector.broadcast %eq3A : i32 to vector<16xi32>
          %eq3A_298 = arith.cmpi eq, %and3A_296, %eq3A_297 : vector<16xi32>
          %mul3A_299 = arith.constant 640 : i32
          %mul3A_300 = vector.broadcast %mul3A_299 : i32 to vector<16xi32>
          %mul3A_301 = arith.muli %mul3A_300, %iota3A : vector<16xi32>
          %add3A_302 = vector.broadcast %add3A_286 : i32 to vector<16xi32>
          %add3A_303 = arith.addi %add3A_302, %mul3A_301 : vector<16xi32>
          %min3A_304 = arith.constant 4096 : i32
          %min3A_305 = arith.minsi %while3A_278, %min3A_304 : i32
          %swap3A_306 = arith.index_cast %min3A_305 : i32 to index
          %swap3A_307 = tpu.vector_load %arg12[%swap3A_306] masked %eq3A_298 {strides = array<i32>} : memref<4224xi32, #tpu.memory_space<vmem>>, vector<16xi32>, vector<16xi1>
          tpu.vector_store %arg12[%swap3A_306], %add3A_303 masked %eq3A_298 {strides = array<i32>} : memref<4224xi32, #tpu.memory_space<vmem>>, vector<16xi32>, vector<16xi1>
          %swap3A_308 = arith.index_cast %min3A_305 : i32 to index
          %swap3A_309 = tpu.vector_load %arg13[%swap3A_308] masked %eq3A_298 {strides = array<i32>} : memref<4224xi32, #tpu.memory_space<vmem>>, vector<16xi32>, vector<16xi1>
          tpu.vector_store %arg13[%swap3A_308], %broadcast_in_dim3A_75 masked %eq3A_298 {strides = array<i32>} : memref<4224xi32, #tpu.memory_space<vmem>>, vector<16xi32>, vector<16xi1>
          %sub3A_310 = arith.constant 1 : i32
          %sub3A_311 = arith.subi %while3A_277, %sub3A_310 : i32
          %and3A_312 = arith.andi %while3A_277, %sub3A_311 : i32
          %all_reduce_population_count3A = tpu.all_reduce %eq3A_298 {dim = 0 : i64, kind = #tpu.reduction_kind<sum>} : vector<16xi1> -> vector<16xi32>
          %slice3A_313 = vector.extract_strided_slice %all_reduce_population_count3A {offsets = [0], sizes = [1], strides = [1]} : vector<16xi32> to vector<1xi32>
          %squeeze3A_314 = vector.extract %slice3A_313[0] : i32 from vector<1xi32>
          %add3A_315 = arith.addi %while3A_278, %squeeze3A_314 : i32
          scf.yield %and3A_312, %add3A_315 : i32, i32
        }
        %add3A_209 = arith.constant 32 : i32
        %add3A_210 = arith.addi %mul3A_71, %add3A_209 : i32
        %get3A_211 = arith.index_cast %add3A_210 : i32 to index
        %get3A_212 = tpu.vector_load %arg11[%get3A_211] {strides = array<i32>} : memref<1552xi32, #tpu.memory_space<vmem>>, vector<16xi32>,
        %slice3A_213 = vector.extract_strided_slice %get3A_212 {offsets = [0], sizes = [1], strides = [1]} : vector<16xi32> to vector<1xi32>
        %squeeze3A_214 = vector.extract %slice3A_213[0] : i32 from vector<1xi32>
        %while3A_215 = arith.constant 32 : i32
        %while3A_216:2 = scf.while (%while3A_277 = %squeeze3A_214, %while3A_278 = %while3A_208#1) : (i32, i32) -> (i32, i32) {
          %ne3A_279 = arith.constant 0 : i32
          %ne3A_280 = arith.cmpi ne, %while3A_277, %ne3A_279 : i32
          scf.condition(%ne3A_280) %while3A_277, %while3A_278 : i32, i32
        } do {
        ^bb0(%while3A_277: i32, %while3A_278: i32):
          %neg3A = arith.constant 0 : i32
          %neg3A_279 = arith.subi %neg3A, %while3A_277 : i32
          %and3A_280 = arith.andi %while3A_277, %neg3A_279 : i32
          %convert_element_type3A = arith.sitofp %and3A_280 : i32 to f32
          %bitcast_convert_type3A = arith.bitcast %convert_element_type3A : f32 to i32
          %shift_right_arithmetic3A = arith.constant 23 : i32
          %shift_right_arithmetic3A_281 = arith.shrsi %bitcast_convert_type3A, %shift_right_arithmetic3A : i32
          %sub3A_282 = arith.constant 127 : i32
          %sub3A_283 = arith.subi %shift_right_arithmetic3A_281, %sub3A_282 : i32
          %mul3A_284 = arith.constant 48 : i32
          %mul3A_285 = arith.muli %sub3A_283, %mul3A_284 : i32
          %add3A_286 = arith.addi %mul3A_285, %while3A_215 : i32
          %add3A_287 = arith.addi %mul3A_69, %add3A_286 : i32
          %get3A_288 = arith.index_cast %add3A_287 : i32 to index
          %get3A_289 = tpu.vector_load %arg10[%get3A_288] {strides = array<i32>} : memref<20496xi32, #tpu.memory_space<vmem>>, vector<16xi32>,
          %slice3A_290 = vector.extract_strided_slice %get3A_289 {offsets = [0], sizes = [1], strides = [1]} : vector<16xi32> to vector<1xi32>
          %squeeze3A_291 = vector.extract %slice3A_290[0] : i32 from vector<1xi32>
          %shift_right_arithmetic3A_292 = vector.broadcast %squeeze3A_291 : i32 to vector<16xi32>
          %shift_right_arithmetic3A_293 = arith.shrsi %shift_right_arithmetic3A_292, %iota3A : vector<16xi32>
          %and3A_294 = arith.constant 1 : i32
          %and3A_295 = vector.broadcast %and3A_294 : i32 to vector<16xi32>
          %and3A_296 = arith.andi %shift_right_arithmetic3A_293, %and3A_295 : vector<16xi32>
          %eq3A = arith.constant 1 : i32
          %eq3A_297 = vector.broadcast %eq3A : i32 to vector<16xi32>
          %eq3A_298 = arith.cmpi eq, %and3A_296, %eq3A_297 : vector<16xi32>
          %mul3A_299 = arith.constant 640 : i32
          %mul3A_300 = vector.broadcast %mul3A_299 : i32 to vector<16xi32>
          %mul3A_301 = arith.muli %mul3A_300, %iota3A : vector<16xi32>
          %add3A_302 = vector.broadcast %add3A_286 : i32 to vector<16xi32>
          %add3A_303 = arith.addi %add3A_302, %mul3A_301 : vector<16xi32>
          %min3A_304 = arith.constant 4096 : i32
          %min3A_305 = arith.minsi %while3A_278, %min3A_304 : i32
          %swap3A_306 = arith.index_cast %min3A_305 : i32 to index
          %swap3A_307 = tpu.vector_load %arg12[%swap3A_306] masked %eq3A_298 {strides = array<i32>} : memref<4224xi32, #tpu.memory_space<vmem>>, vector<16xi32>, vector<16xi1>
          tpu.vector_store %arg12[%swap3A_306], %add3A_303 masked %eq3A_298 {strides = array<i32>} : memref<4224xi32, #tpu.memory_space<vmem>>, vector<16xi32>, vector<16xi1>
          %swap3A_308 = arith.index_cast %min3A_305 : i32 to index
          %swap3A_309 = tpu.vector_load %arg13[%swap3A_308] masked %eq3A_298 {strides = array<i32>} : memref<4224xi32, #tpu.memory_space<vmem>>, vector<16xi32>, vector<16xi1>
          tpu.vector_store %arg13[%swap3A_308], %broadcast_in_dim3A_75 masked %eq3A_298 {strides = array<i32>} : memref<4224xi32, #tpu.memory_space<vmem>>, vector<16xi32>, vector<16xi1>
          %sub3A_310 = arith.constant 1 : i32
          %sub3A_311 = arith.subi %while3A_277, %sub3A_310 : i32
          %and3A_312 = arith.andi %while3A_277, %sub3A_311 : i32
          %all_reduce_population_count3A = tpu.all_reduce %eq3A_298 {dim = 0 : i64, kind = #tpu.reduction_kind<sum>} : vector<16xi1> -> vector<16xi32>
          %slice3A_313 = vector.extract_strided_slice %all_reduce_population_count3A {offsets = [0], sizes = [1], strides = [1]} : vector<16xi32> to vector<1xi32>
          %squeeze3A_314 = vector.extract %slice3A_313[0] : i32 from vector<1xi32>
          %add3A_315 = arith.addi %while3A_278, %squeeze3A_314 : i32
          scf.yield %and3A_312, %add3A_315 : i32, i32
        }
        %slice3A_217 = vector.extract_strided_slice %get3A_212 {offsets = [1], sizes = [1], strides = [1]} : vector<16xi32> to vector<1xi32>
        %squeeze3A_218 = vector.extract %slice3A_217[0] : i32 from vector<1xi32>
        %while3A_219 = arith.constant 33 : i32
        %while3A_220:2 = scf.while (%while3A_277 = %squeeze3A_218, %while3A_278 = %while3A_216#1) : (i32, i32) -> (i32, i32) {
          %ne3A_279 = arith.constant 0 : i32
          %ne3A_280 = arith.cmpi ne, %while3A_277, %ne3A_279 : i32
          scf.condition(%ne3A_280) %while3A_277, %while3A_278 : i32, i32
        } do {
        ^bb0(%while3A_277: i32, %while3A_278: i32):
          %neg3A = arith.constant 0 : i32
          %neg3A_279 = arith.subi %neg3A, %while3A_277 : i32
          %and3A_280 = arith.andi %while3A_277, %neg3A_279 : i32
          %convert_element_type3A = arith.sitofp %and3A_280 : i32 to f32
          %bitcast_convert_type3A = arith.bitcast %convert_element_type3A : f32 to i32
          %shift_right_arithmetic3A = arith.constant 23 : i32
          %shift_right_arithmetic3A_281 = arith.shrsi %bitcast_convert_type3A, %shift_right_arithmetic3A : i32
          %sub3A_282 = arith.constant 127 : i32
          %sub3A_283 = arith.subi %shift_right_arithmetic3A_281, %sub3A_282 : i32
          %mul3A_284 = arith.constant 48 : i32
          %mul3A_285 = arith.muli %sub3A_283, %mul3A_284 : i32
          %add3A_286 = arith.addi %mul3A_285, %while3A_219 : i32
          %add3A_287 = arith.addi %mul3A_69, %add3A_286 : i32
          %get3A_288 = arith.index_cast %add3A_287 : i32 to index
          %get3A_289 = tpu.vector_load %arg10[%get3A_288] {strides = array<i32>} : memref<20496xi32, #tpu.memory_space<vmem>>, vector<16xi32>,
          %slice3A_290 = vector.extract_strided_slice %get3A_289 {offsets = [0], sizes = [1], strides = [1]} : vector<16xi32> to vector<1xi32>
          %squeeze3A_291 = vector.extract %slice3A_290[0] : i32 from vector<1xi32>
          %shift_right_arithmetic3A_292 = vector.broadcast %squeeze3A_291 : i32 to vector<16xi32>
          %shift_right_arithmetic3A_293 = arith.shrsi %shift_right_arithmetic3A_292, %iota3A : vector<16xi32>
          %and3A_294 = arith.constant 1 : i32
          %and3A_295 = vector.broadcast %and3A_294 : i32 to vector<16xi32>
          %and3A_296 = arith.andi %shift_right_arithmetic3A_293, %and3A_295 : vector<16xi32>
          %eq3A = arith.constant 1 : i32
          %eq3A_297 = vector.broadcast %eq3A : i32 to vector<16xi32>
          %eq3A_298 = arith.cmpi eq, %and3A_296, %eq3A_297 : vector<16xi32>
          %mul3A_299 = arith.constant 640 : i32
          %mul3A_300 = vector.broadcast %mul3A_299 : i32 to vector<16xi32>
          %mul3A_301 = arith.muli %mul3A_300, %iota3A : vector<16xi32>
          %add3A_302 = vector.broadcast %add3A_286 : i32 to vector<16xi32>
          %add3A_303 = arith.addi %add3A_302, %mul3A_301 : vector<16xi32>
          %min3A_304 = arith.constant 4096 : i32
          %min3A_305 = arith.minsi %while3A_278, %min3A_304 : i32
          %swap3A_306 = arith.index_cast %min3A_305 : i32 to index
          %swap3A_307 = tpu.vector_load %arg12[%swap3A_306] masked %eq3A_298 {strides = array<i32>} : memref<4224xi32, #tpu.memory_space<vmem>>, vector<16xi32>, vector<16xi1>
          tpu.vector_store %arg12[%swap3A_306], %add3A_303 masked %eq3A_298 {strides = array<i32>} : memref<4224xi32, #tpu.memory_space<vmem>>, vector<16xi32>, vector<16xi1>
          %swap3A_308 = arith.index_cast %min3A_305 : i32 to index
          %swap3A_309 = tpu.vector_load %arg13[%swap3A_308] masked %eq3A_298 {strides = array<i32>} : memref<4224xi32, #tpu.memory_space<vmem>>, vector<16xi32>, vector<16xi1>
          tpu.vector_store %arg13[%swap3A_308], %broadcast_in_dim3A_75 masked %eq3A_298 {strides = array<i32>} : memref<4224xi32, #tpu.memory_space<vmem>>, vector<16xi32>, vector<16xi1>
          %sub3A_310 = arith.constant 1 : i32
          %sub3A_311 = arith.subi %while3A_277, %sub3A_310 : i32
          %and3A_312 = arith.andi %while3A_277, %sub3A_311 : i32
          %all_reduce_population_count3A = tpu.all_reduce %eq3A_298 {dim = 0 : i64, kind = #tpu.reduction_kind<sum>} : vector<16xi1> -> vector<16xi32>
          %slice3A_313 = vector.extract_strided_slice %all_reduce_population_count3A {offsets = [0], sizes = [1], strides = [1]} : vector<16xi32> to vector<1xi32>
          %squeeze3A_314 = vector.extract %slice3A_313[0] : i32 from vector<1xi32>
          %add3A_315 = arith.addi %while3A_278, %squeeze3A_314 : i32
          scf.yield %and3A_312, %add3A_315 : i32, i32
        }
        %slice3A_221 = vector.extract_strided_slice %get3A_212 {offsets = [2], sizes = [1], strides = [1]} : vector<16xi32> to vector<1xi32>
        %squeeze3A_222 = vector.extract %slice3A_221[0] : i32 from vector<1xi32>
        %while3A_223 = arith.constant 34 : i32
        %while3A_224:2 = scf.while (%while3A_277 = %squeeze3A_222, %while3A_278 = %while3A_220#1) : (i32, i32) -> (i32, i32) {
          %ne3A_279 = arith.constant 0 : i32
          %ne3A_280 = arith.cmpi ne, %while3A_277, %ne3A_279 : i32
          scf.condition(%ne3A_280) %while3A_277, %while3A_278 : i32, i32
        } do {
        ^bb0(%while3A_277: i32, %while3A_278: i32):
          %neg3A = arith.constant 0 : i32
          %neg3A_279 = arith.subi %neg3A, %while3A_277 : i32
          %and3A_280 = arith.andi %while3A_277, %neg3A_279 : i32
          %convert_element_type3A = arith.sitofp %and3A_280 : i32 to f32
          %bitcast_convert_type3A = arith.bitcast %convert_element_type3A : f32 to i32
          %shift_right_arithmetic3A = arith.constant 23 : i32
          %shift_right_arithmetic3A_281 = arith.shrsi %bitcast_convert_type3A, %shift_right_arithmetic3A : i32
          %sub3A_282 = arith.constant 127 : i32
          %sub3A_283 = arith.subi %shift_right_arithmetic3A_281, %sub3A_282 : i32
          %mul3A_284 = arith.constant 48 : i32
          %mul3A_285 = arith.muli %sub3A_283, %mul3A_284 : i32
          %add3A_286 = arith.addi %mul3A_285, %while3A_223 : i32
          %add3A_287 = arith.addi %mul3A_69, %add3A_286 : i32
          %get3A_288 = arith.index_cast %add3A_287 : i32 to index
          %get3A_289 = tpu.vector_load %arg10[%get3A_288] {strides = array<i32>} : memref<20496xi32, #tpu.memory_space<vmem>>, vector<16xi32>,
          %slice3A_290 = vector.extract_strided_slice %get3A_289 {offsets = [0], sizes = [1], strides = [1]} : vector<16xi32> to vector<1xi32>
          %squeeze3A_291 = vector.extract %slice3A_290[0] : i32 from vector<1xi32>
          %shift_right_arithmetic3A_292 = vector.broadcast %squeeze3A_291 : i32 to vector<16xi32>
          %shift_right_arithmetic3A_293 = arith.shrsi %shift_right_arithmetic3A_292, %iota3A : vector<16xi32>
          %and3A_294 = arith.constant 1 : i32
          %and3A_295 = vector.broadcast %and3A_294 : i32 to vector<16xi32>
          %and3A_296 = arith.andi %shift_right_arithmetic3A_293, %and3A_295 : vector<16xi32>
          %eq3A = arith.constant 1 : i32
          %eq3A_297 = vector.broadcast %eq3A : i32 to vector<16xi32>
          %eq3A_298 = arith.cmpi eq, %and3A_296, %eq3A_297 : vector<16xi32>
          %mul3A_299 = arith.constant 640 : i32
          %mul3A_300 = vector.broadcast %mul3A_299 : i32 to vector<16xi32>
          %mul3A_301 = arith.muli %mul3A_300, %iota3A : vector<16xi32>
          %add3A_302 = vector.broadcast %add3A_286 : i32 to vector<16xi32>
          %add3A_303 = arith.addi %add3A_302, %mul3A_301 : vector<16xi32>
          %min3A_304 = arith.constant 4096 : i32
          %min3A_305 = arith.minsi %while3A_278, %min3A_304 : i32
          %swap3A_306 = arith.index_cast %min3A_305 : i32 to index
          %swap3A_307 = tpu.vector_load %arg12[%swap3A_306] masked %eq3A_298 {strides = array<i32>} : memref<4224xi32, #tpu.memory_space<vmem>>, vector<16xi32>, vector<16xi1>
          tpu.vector_store %arg12[%swap3A_306], %add3A_303 masked %eq3A_298 {strides = array<i32>} : memref<4224xi32, #tpu.memory_space<vmem>>, vector<16xi32>, vector<16xi1>
          %swap3A_308 = arith.index_cast %min3A_305 : i32 to index
          %swap3A_309 = tpu.vector_load %arg13[%swap3A_308] masked %eq3A_298 {strides = array<i32>} : memref<4224xi32, #tpu.memory_space<vmem>>, vector<16xi32>, vector<16xi1>
          tpu.vector_store %arg13[%swap3A_308], %broadcast_in_dim3A_75 masked %eq3A_298 {strides = array<i32>} : memref<4224xi32, #tpu.memory_space<vmem>>, vector<16xi32>, vector<16xi1>
          %sub3A_310 = arith.constant 1 : i32
          %sub3A_311 = arith.subi %while3A_277, %sub3A_310 : i32
          %and3A_312 = arith.andi %while3A_277, %sub3A_311 : i32
          %all_reduce_population_count3A = tpu.all_reduce %eq3A_298 {dim = 0 : i64, kind = #tpu.reduction_kind<sum>} : vector<16xi1> -> vector<16xi32>
          %slice3A_313 = vector.extract_strided_slice %all_reduce_population_count3A {offsets = [0], sizes = [1], strides = [1]} : vector<16xi32> to vector<1xi32>
          %squeeze3A_314 = vector.extract %slice3A_313[0] : i32 from vector<1xi32>
          %add3A_315 = arith.addi %while3A_278, %squeeze3A_314 : i32
          scf.yield %and3A_312, %add3A_315 : i32, i32
        }
        %slice3A_225 = vector.extract_strided_slice %get3A_212 {offsets = [3], sizes = [1], strides = [1]} : vector<16xi32> to vector<1xi32>
        %squeeze3A_226 = vector.extract %slice3A_225[0] : i32 from vector<1xi32>
        %while3A_227 = arith.constant 35 : i32
        %while3A_228:2 = scf.while (%while3A_277 = %squeeze3A_226, %while3A_278 = %while3A_224#1) : (i32, i32) -> (i32, i32) {
          %ne3A_279 = arith.constant 0 : i32
          %ne3A_280 = arith.cmpi ne, %while3A_277, %ne3A_279 : i32
          scf.condition(%ne3A_280) %while3A_277, %while3A_278 : i32, i32
        } do {
        ^bb0(%while3A_277: i32, %while3A_278: i32):
          %neg3A = arith.constant 0 : i32
          %neg3A_279 = arith.subi %neg3A, %while3A_277 : i32
          %and3A_280 = arith.andi %while3A_277, %neg3A_279 : i32
          %convert_element_type3A = arith.sitofp %and3A_280 : i32 to f32
          %bitcast_convert_type3A = arith.bitcast %convert_element_type3A : f32 to i32
          %shift_right_arithmetic3A = arith.constant 23 : i32
          %shift_right_arithmetic3A_281 = arith.shrsi %bitcast_convert_type3A, %shift_right_arithmetic3A : i32
          %sub3A_282 = arith.constant 127 : i32
          %sub3A_283 = arith.subi %shift_right_arithmetic3A_281, %sub3A_282 : i32
          %mul3A_284 = arith.constant 48 : i32
          %mul3A_285 = arith.muli %sub3A_283, %mul3A_284 : i32
          %add3A_286 = arith.addi %mul3A_285, %while3A_227 : i32
          %add3A_287 = arith.addi %mul3A_69, %add3A_286 : i32
          %get3A_288 = arith.index_cast %add3A_287 : i32 to index
          %get3A_289 = tpu.vector_load %arg10[%get3A_288] {strides = array<i32>} : memref<20496xi32, #tpu.memory_space<vmem>>, vector<16xi32>,
          %slice3A_290 = vector.extract_strided_slice %get3A_289 {offsets = [0], sizes = [1], strides = [1]} : vector<16xi32> to vector<1xi32>
          %squeeze3A_291 = vector.extract %slice3A_290[0] : i32 from vector<1xi32>
          %shift_right_arithmetic3A_292 = vector.broadcast %squeeze3A_291 : i32 to vector<16xi32>
          %shift_right_arithmetic3A_293 = arith.shrsi %shift_right_arithmetic3A_292, %iota3A : vector<16xi32>
          %and3A_294 = arith.constant 1 : i32
          %and3A_295 = vector.broadcast %and3A_294 : i32 to vector<16xi32>
          %and3A_296 = arith.andi %shift_right_arithmetic3A_293, %and3A_295 : vector<16xi32>
          %eq3A = arith.constant 1 : i32
          %eq3A_297 = vector.broadcast %eq3A : i32 to vector<16xi32>
          %eq3A_298 = arith.cmpi eq, %and3A_296, %eq3A_297 : vector<16xi32>
          %mul3A_299 = arith.constant 640 : i32
          %mul3A_300 = vector.broadcast %mul3A_299 : i32 to vector<16xi32>
          %mul3A_301 = arith.muli %mul3A_300, %iota3A : vector<16xi32>
          %add3A_302 = vector.broadcast %add3A_286 : i32 to vector<16xi32>
          %add3A_303 = arith.addi %add3A_302, %mul3A_301 : vector<16xi32>
          %min3A_304 = arith.constant 4096 : i32
          %min3A_305 = arith.minsi %while3A_278, %min3A_304 : i32
          %swap3A_306 = arith.index_cast %min3A_305 : i32 to index
          %swap3A_307 = tpu.vector_load %arg12[%swap3A_306] masked %eq3A_298 {strides = array<i32>} : memref<4224xi32, #tpu.memory_space<vmem>>, vector<16xi32>, vector<16xi1>
          tpu.vector_store %arg12[%swap3A_306], %add3A_303 masked %eq3A_298 {strides = array<i32>} : memref<4224xi32, #tpu.memory_space<vmem>>, vector<16xi32>, vector<16xi1>
          %swap3A_308 = arith.index_cast %min3A_305 : i32 to index
          %swap3A_309 = tpu.vector_load %arg13[%swap3A_308] masked %eq3A_298 {strides = array<i32>} : memref<4224xi32, #tpu.memory_space<vmem>>, vector<16xi32>, vector<16xi1>
          tpu.vector_store %arg13[%swap3A_308], %broadcast_in_dim3A_75 masked %eq3A_298 {strides = array<i32>} : memref<4224xi32, #tpu.memory_space<vmem>>, vector<16xi32>, vector<16xi1>
          %sub3A_310 = arith.constant 1 : i32
          %sub3A_311 = arith.subi %while3A_277, %sub3A_310 : i32
          %and3A_312 = arith.andi %while3A_277, %sub3A_311 : i32
          %all_reduce_population_count3A = tpu.all_reduce %eq3A_298 {dim = 0 : i64, kind = #tpu.reduction_kind<sum>} : vector<16xi1> -> vector<16xi32>
          %slice3A_313 = vector.extract_strided_slice %all_reduce_population_count3A {offsets = [0], sizes = [1], strides = [1]} : vector<16xi32> to vector<1xi32>
          %squeeze3A_314 = vector.extract %slice3A_313[0] : i32 from vector<1xi32>
          %add3A_315 = arith.addi %while3A_278, %squeeze3A_314 : i32
          scf.yield %and3A_312, %add3A_315 : i32, i32
        }
        %slice3A_229 = vector.extract_strided_slice %get3A_212 {offsets = [4], sizes = [1], strides = [1]} : vector<16xi32> to vector<1xi32>
        %squeeze3A_230 = vector.extract %slice3A_229[0] : i32 from vector<1xi32>
        %while3A_231 = arith.constant 36 : i32
        %while3A_232:2 = scf.while (%while3A_277 = %squeeze3A_230, %while3A_278 = %while3A_228#1) : (i32, i32) -> (i32, i32) {
          %ne3A_279 = arith.constant 0 : i32
          %ne3A_280 = arith.cmpi ne, %while3A_277, %ne3A_279 : i32
          scf.condition(%ne3A_280) %while3A_277, %while3A_278 : i32, i32
        } do {
        ^bb0(%while3A_277: i32, %while3A_278: i32):
          %neg3A = arith.constant 0 : i32
          %neg3A_279 = arith.subi %neg3A, %while3A_277 : i32
          %and3A_280 = arith.andi %while3A_277, %neg3A_279 : i32
          %convert_element_type3A = arith.sitofp %and3A_280 : i32 to f32
          %bitcast_convert_type3A = arith.bitcast %convert_element_type3A : f32 to i32
          %shift_right_arithmetic3A = arith.constant 23 : i32
          %shift_right_arithmetic3A_281 = arith.shrsi %bitcast_convert_type3A, %shift_right_arithmetic3A : i32
          %sub3A_282 = arith.constant 127 : i32
          %sub3A_283 = arith.subi %shift_right_arithmetic3A_281, %sub3A_282 : i32
          %mul3A_284 = arith.constant 48 : i32
          %mul3A_285 = arith.muli %sub3A_283, %mul3A_284 : i32
          %add3A_286 = arith.addi %mul3A_285, %while3A_231 : i32
          %add3A_287 = arith.addi %mul3A_69, %add3A_286 : i32
          %get3A_288 = arith.index_cast %add3A_287 : i32 to index
          %get3A_289 = tpu.vector_load %arg10[%get3A_288] {strides = array<i32>} : memref<20496xi32, #tpu.memory_space<vmem>>, vector<16xi32>,
          %slice3A_290 = vector.extract_strided_slice %get3A_289 {offsets = [0], sizes = [1], strides = [1]} : vector<16xi32> to vector<1xi32>
          %squeeze3A_291 = vector.extract %slice3A_290[0] : i32 from vector<1xi32>
          %shift_right_arithmetic3A_292 = vector.broadcast %squeeze3A_291 : i32 to vector<16xi32>
          %shift_right_arithmetic3A_293 = arith.shrsi %shift_right_arithmetic3A_292, %iota3A : vector<16xi32>
          %and3A_294 = arith.constant 1 : i32
          %and3A_295 = vector.broadcast %and3A_294 : i32 to vector<16xi32>
          %and3A_296 = arith.andi %shift_right_arithmetic3A_293, %and3A_295 : vector<16xi32>
          %eq3A = arith.constant 1 : i32
          %eq3A_297 = vector.broadcast %eq3A : i32 to vector<16xi32>
          %eq3A_298 = arith.cmpi eq, %and3A_296, %eq3A_297 : vector<16xi32>
          %mul3A_299 = arith.constant 640 : i32
          %mul3A_300 = vector.broadcast %mul3A_299 : i32 to vector<16xi32>
          %mul3A_301 = arith.muli %mul3A_300, %iota3A : vector<16xi32>
          %add3A_302 = vector.broadcast %add3A_286 : i32 to vector<16xi32>
          %add3A_303 = arith.addi %add3A_302, %mul3A_301 : vector<16xi32>
          %min3A_304 = arith.constant 4096 : i32
          %min3A_305 = arith.minsi %while3A_278, %min3A_304 : i32
          %swap3A_306 = arith.index_cast %min3A_305 : i32 to index
          %swap3A_307 = tpu.vector_load %arg12[%swap3A_306] masked %eq3A_298 {strides = array<i32>} : memref<4224xi32, #tpu.memory_space<vmem>>, vector<16xi32>, vector<16xi1>
          tpu.vector_store %arg12[%swap3A_306], %add3A_303 masked %eq3A_298 {strides = array<i32>} : memref<4224xi32, #tpu.memory_space<vmem>>, vector<16xi32>, vector<16xi1>
          %swap3A_308 = arith.index_cast %min3A_305 : i32 to index
          %swap3A_309 = tpu.vector_load %arg13[%swap3A_308] masked %eq3A_298 {strides = array<i32>} : memref<4224xi32, #tpu.memory_space<vmem>>, vector<16xi32>, vector<16xi1>
          tpu.vector_store %arg13[%swap3A_308], %broadcast_in_dim3A_75 masked %eq3A_298 {strides = array<i32>} : memref<4224xi32, #tpu.memory_space<vmem>>, vector<16xi32>, vector<16xi1>
          %sub3A_310 = arith.constant 1 : i32
          %sub3A_311 = arith.subi %while3A_277, %sub3A_310 : i32
          %and3A_312 = arith.andi %while3A_277, %sub3A_311 : i32
          %all_reduce_population_count3A = tpu.all_reduce %eq3A_298 {dim = 0 : i64, kind = #tpu.reduction_kind<sum>} : vector<16xi1> -> vector<16xi32>
          %slice3A_313 = vector.extract_strided_slice %all_reduce_population_count3A {offsets = [0], sizes = [1], strides = [1]} : vector<16xi32> to vector<1xi32>
          %squeeze3A_314 = vector.extract %slice3A_313[0] : i32 from vector<1xi32>
          %add3A_315 = arith.addi %while3A_278, %squeeze3A_314 : i32
          scf.yield %and3A_312, %add3A_315 : i32, i32
        }
        %slice3A_233 = vector.extract_strided_slice %get3A_212 {offsets = [5], sizes = [1], strides = [1]} : vector<16xi32> to vector<1xi32>
        %squeeze3A_234 = vector.extract %slice3A_233[0] : i32 from vector<1xi32>
        %while3A_235 = arith.constant 37 : i32
        %while3A_236:2 = scf.while (%while3A_277 = %squeeze3A_234, %while3A_278 = %while3A_232#1) : (i32, i32) -> (i32, i32) {
          %ne3A_279 = arith.constant 0 : i32
          %ne3A_280 = arith.cmpi ne, %while3A_277, %ne3A_279 : i32
          scf.condition(%ne3A_280) %while3A_277, %while3A_278 : i32, i32
        } do {
        ^bb0(%while3A_277: i32, %while3A_278: i32):
          %neg3A = arith.constant 0 : i32
          %neg3A_279 = arith.subi %neg3A, %while3A_277 : i32
          %and3A_280 = arith.andi %while3A_277, %neg3A_279 : i32
          %convert_element_type3A = arith.sitofp %and3A_280 : i32 to f32
          %bitcast_convert_type3A = arith.bitcast %convert_element_type3A : f32 to i32
          %shift_right_arithmetic3A = arith.constant 23 : i32
          %shift_right_arithmetic3A_281 = arith.shrsi %bitcast_convert_type3A, %shift_right_arithmetic3A : i32
          %sub3A_282 = arith.constant 127 : i32
          %sub3A_283 = arith.subi %shift_right_arithmetic3A_281, %sub3A_282 : i32
          %mul3A_284 = arith.constant 48 : i32
          %mul3A_285 = arith.muli %sub3A_283, %mul3A_284 : i32
          %add3A_286 = arith.addi %mul3A_285, %while3A_235 : i32
          %add3A_287 = arith.addi %mul3A_69, %add3A_286 : i32
          %get3A_288 = arith.index_cast %add3A_287 : i32 to index
          %get3A_289 = tpu.vector_load %arg10[%get3A_288] {strides = array<i32>} : memref<20496xi32, #tpu.memory_space<vmem>>, vector<16xi32>,
          %slice3A_290 = vector.extract_strided_slice %get3A_289 {offsets = [0], sizes = [1], strides = [1]} : vector<16xi32> to vector<1xi32>
          %squeeze3A_291 = vector.extract %slice3A_290[0] : i32 from vector<1xi32>
          %shift_right_arithmetic3A_292 = vector.broadcast %squeeze3A_291 : i32 to vector<16xi32>
          %shift_right_arithmetic3A_293 = arith.shrsi %shift_right_arithmetic3A_292, %iota3A : vector<16xi32>
          %and3A_294 = arith.constant 1 : i32
          %and3A_295 = vector.broadcast %and3A_294 : i32 to vector<16xi32>
          %and3A_296 = arith.andi %shift_right_arithmetic3A_293, %and3A_295 : vector<16xi32>
          %eq3A = arith.constant 1 : i32
          %eq3A_297 = vector.broadcast %eq3A : i32 to vector<16xi32>
          %eq3A_298 = arith.cmpi eq, %and3A_296, %eq3A_297 : vector<16xi32>
          %mul3A_299 = arith.constant 640 : i32
          %mul3A_300 = vector.broadcast %mul3A_299 : i32 to vector<16xi32>
          %mul3A_301 = arith.muli %mul3A_300, %iota3A : vector<16xi32>
          %add3A_302 = vector.broadcast %add3A_286 : i32 to vector<16xi32>
          %add3A_303 = arith.addi %add3A_302, %mul3A_301 : vector<16xi32>
          %min3A_304 = arith.constant 4096 : i32
          %min3A_305 = arith.minsi %while3A_278, %min3A_304 : i32
          %swap3A_306 = arith.index_cast %min3A_305 : i32 to index
          %swap3A_307 = tpu.vector_load %arg12[%swap3A_306] masked %eq3A_298 {strides = array<i32>} : memref<4224xi32, #tpu.memory_space<vmem>>, vector<16xi32>, vector<16xi1>
          tpu.vector_store %arg12[%swap3A_306], %add3A_303 masked %eq3A_298 {strides = array<i32>} : memref<4224xi32, #tpu.memory_space<vmem>>, vector<16xi32>, vector<16xi1>
          %swap3A_308 = arith.index_cast %min3A_305 : i32 to index
          %swap3A_309 = tpu.vector_load %arg13[%swap3A_308] masked %eq3A_298 {strides = array<i32>} : memref<4224xi32, #tpu.memory_space<vmem>>, vector<16xi32>, vector<16xi1>
          tpu.vector_store %arg13[%swap3A_308], %broadcast_in_dim3A_75 masked %eq3A_298 {strides = array<i32>} : memref<4224xi32, #tpu.memory_space<vmem>>, vector<16xi32>, vector<16xi1>
          %sub3A_310 = arith.constant 1 : i32
          %sub3A_311 = arith.subi %while3A_277, %sub3A_310 : i32
          %and3A_312 = arith.andi %while3A_277, %sub3A_311 : i32
          %all_reduce_population_count3A = tpu.all_reduce %eq3A_298 {dim = 0 : i64, kind = #tpu.reduction_kind<sum>} : vector<16xi1> -> vector<16xi32>
          %slice3A_313 = vector.extract_strided_slice %all_reduce_population_count3A {offsets = [0], sizes = [1], strides = [1]} : vector<16xi32> to vector<1xi32>
          %squeeze3A_314 = vector.extract %slice3A_313[0] : i32 from vector<1xi32>
          %add3A_315 = arith.addi %while3A_278, %squeeze3A_314 : i32
          scf.yield %and3A_312, %add3A_315 : i32, i32
        }
        %slice3A_237 = vector.extract_strided_slice %get3A_212 {offsets = [6], sizes = [1], strides = [1]} : vector<16xi32> to vector<1xi32>
        %squeeze3A_238 = vector.extract %slice3A_237[0] : i32 from vector<1xi32>
        %while3A_239 = arith.constant 38 : i32
        %while3A_240:2 = scf.while (%while3A_277 = %squeeze3A_238, %while3A_278 = %while3A_236#1) : (i32, i32) -> (i32, i32) {
          %ne3A_279 = arith.constant 0 : i32
          %ne3A_280 = arith.cmpi ne, %while3A_277, %ne3A_279 : i32
          scf.condition(%ne3A_280) %while3A_277, %while3A_278 : i32, i32
        } do {
        ^bb0(%while3A_277: i32, %while3A_278: i32):
          %neg3A = arith.constant 0 : i32
          %neg3A_279 = arith.subi %neg3A, %while3A_277 : i32
          %and3A_280 = arith.andi %while3A_277, %neg3A_279 : i32
          %convert_element_type3A = arith.sitofp %and3A_280 : i32 to f32
          %bitcast_convert_type3A = arith.bitcast %convert_element_type3A : f32 to i32
          %shift_right_arithmetic3A = arith.constant 23 : i32
          %shift_right_arithmetic3A_281 = arith.shrsi %bitcast_convert_type3A, %shift_right_arithmetic3A : i32
          %sub3A_282 = arith.constant 127 : i32
          %sub3A_283 = arith.subi %shift_right_arithmetic3A_281, %sub3A_282 : i32
          %mul3A_284 = arith.constant 48 : i32
          %mul3A_285 = arith.muli %sub3A_283, %mul3A_284 : i32
          %add3A_286 = arith.addi %mul3A_285, %while3A_239 : i32
          %add3A_287 = arith.addi %mul3A_69, %add3A_286 : i32
          %get3A_288 = arith.index_cast %add3A_287 : i32 to index
          %get3A_289 = tpu.vector_load %arg10[%get3A_288] {strides = array<i32>} : memref<20496xi32, #tpu.memory_space<vmem>>, vector<16xi32>,
          %slice3A_290 = vector.extract_strided_slice %get3A_289 {offsets = [0], sizes = [1], strides = [1]} : vector<16xi32> to vector<1xi32>
          %squeeze3A_291 = vector.extract %slice3A_290[0] : i32 from vector<1xi32>
          %shift_right_arithmetic3A_292 = vector.broadcast %squeeze3A_291 : i32 to vector<16xi32>
          %shift_right_arithmetic3A_293 = arith.shrsi %shift_right_arithmetic3A_292, %iota3A : vector<16xi32>
          %and3A_294 = arith.constant 1 : i32
          %and3A_295 = vector.broadcast %and3A_294 : i32 to vector<16xi32>
          %and3A_296 = arith.andi %shift_right_arithmetic3A_293, %and3A_295 : vector<16xi32>
          %eq3A = arith.constant 1 : i32
          %eq3A_297 = vector.broadcast %eq3A : i32 to vector<16xi32>
          %eq3A_298 = arith.cmpi eq, %and3A_296, %eq3A_297 : vector<16xi32>
          %mul3A_299 = arith.constant 640 : i32
          %mul3A_300 = vector.broadcast %mul3A_299 : i32 to vector<16xi32>
          %mul3A_301 = arith.muli %mul3A_300, %iota3A : vector<16xi32>
          %add3A_302 = vector.broadcast %add3A_286 : i32 to vector<16xi32>
          %add3A_303 = arith.addi %add3A_302, %mul3A_301 : vector<16xi32>
          %min3A_304 = arith.constant 4096 : i32
          %min3A_305 = arith.minsi %while3A_278, %min3A_304 : i32
          %swap3A_306 = arith.index_cast %min3A_305 : i32 to index
          %swap3A_307 = tpu.vector_load %arg12[%swap3A_306] masked %eq3A_298 {strides = array<i32>} : memref<4224xi32, #tpu.memory_space<vmem>>, vector<16xi32>, vector<16xi1>
          tpu.vector_store %arg12[%swap3A_306], %add3A_303 masked %eq3A_298 {strides = array<i32>} : memref<4224xi32, #tpu.memory_space<vmem>>, vector<16xi32>, vector<16xi1>
          %swap3A_308 = arith.index_cast %min3A_305 : i32 to index
          %swap3A_309 = tpu.vector_load %arg13[%swap3A_308] masked %eq3A_298 {strides = array<i32>} : memref<4224xi32, #tpu.memory_space<vmem>>, vector<16xi32>, vector<16xi1>
          tpu.vector_store %arg13[%swap3A_308], %broadcast_in_dim3A_75 masked %eq3A_298 {strides = array<i32>} : memref<4224xi32, #tpu.memory_space<vmem>>, vector<16xi32>, vector<16xi1>
          %sub3A_310 = arith.constant 1 : i32
          %sub3A_311 = arith.subi %while3A_277, %sub3A_310 : i32
          %and3A_312 = arith.andi %while3A_277, %sub3A_311 : i32
          %all_reduce_population_count3A = tpu.all_reduce %eq3A_298 {dim = 0 : i64, kind = #tpu.reduction_kind<sum>} : vector<16xi1> -> vector<16xi32>
          %slice3A_313 = vector.extract_strided_slice %all_reduce_population_count3A {offsets = [0], sizes = [1], strides = [1]} : vector<16xi32> to vector<1xi32>
          %squeeze3A_314 = vector.extract %slice3A_313[0] : i32 from vector<1xi32>
          %add3A_315 = arith.addi %while3A_278, %squeeze3A_314 : i32
          scf.yield %and3A_312, %add3A_315 : i32, i32
        }
        %slice3A_241 = vector.extract_strided_slice %get3A_212 {offsets = [7], sizes = [1], strides = [1]} : vector<16xi32> to vector<1xi32>
        %squeeze3A_242 = vector.extract %slice3A_241[0] : i32 from vector<1xi32>
        %while3A_243 = arith.constant 39 : i32
        %while3A_244:2 = scf.while (%while3A_277 = %squeeze3A_242, %while3A_278 = %while3A_240#1) : (i32, i32) -> (i32, i32) {
          %ne3A_279 = arith.constant 0 : i32
          %ne3A_280 = arith.cmpi ne, %while3A_277, %ne3A_279 : i32
          scf.condition(%ne3A_280) %while3A_277, %while3A_278 : i32, i32
        } do {
        ^bb0(%while3A_277: i32, %while3A_278: i32):
          %neg3A = arith.constant 0 : i32
          %neg3A_279 = arith.subi %neg3A, %while3A_277 : i32
          %and3A_280 = arith.andi %while3A_277, %neg3A_279 : i32
          %convert_element_type3A = arith.sitofp %and3A_280 : i32 to f32
          %bitcast_convert_type3A = arith.bitcast %convert_element_type3A : f32 to i32
          %shift_right_arithmetic3A = arith.constant 23 : i32
          %shift_right_arithmetic3A_281 = arith.shrsi %bitcast_convert_type3A, %shift_right_arithmetic3A : i32
          %sub3A_282 = arith.constant 127 : i32
          %sub3A_283 = arith.subi %shift_right_arithmetic3A_281, %sub3A_282 : i32
          %mul3A_284 = arith.constant 48 : i32
          %mul3A_285 = arith.muli %sub3A_283, %mul3A_284 : i32
          %add3A_286 = arith.addi %mul3A_285, %while3A_243 : i32
          %add3A_287 = arith.addi %mul3A_69, %add3A_286 : i32
          %get3A_288 = arith.index_cast %add3A_287 : i32 to index
          %get3A_289 = tpu.vector_load %arg10[%get3A_288] {strides = array<i32>} : memref<20496xi32, #tpu.memory_space<vmem>>, vector<16xi32>,
          %slice3A_290 = vector.extract_strided_slice %get3A_289 {offsets = [0], sizes = [1], strides = [1]} : vector<16xi32> to vector<1xi32>
          %squeeze3A_291 = vector.extract %slice3A_290[0] : i32 from vector<1xi32>
          %shift_right_arithmetic3A_292 = vector.broadcast %squeeze3A_291 : i32 to vector<16xi32>
          %shift_right_arithmetic3A_293 = arith.shrsi %shift_right_arithmetic3A_292, %iota3A : vector<16xi32>
          %and3A_294 = arith.constant 1 : i32
          %and3A_295 = vector.broadcast %and3A_294 : i32 to vector<16xi32>
          %and3A_296 = arith.andi %shift_right_arithmetic3A_293, %and3A_295 : vector<16xi32>
          %eq3A = arith.constant 1 : i32
          %eq3A_297 = vector.broadcast %eq3A : i32 to vector<16xi32>
          %eq3A_298 = arith.cmpi eq, %and3A_296, %eq3A_297 : vector<16xi32>
          %mul3A_299 = arith.constant 640 : i32
          %mul3A_300 = vector.broadcast %mul3A_299 : i32 to vector<16xi32>
          %mul3A_301 = arith.muli %mul3A_300, %iota3A : vector<16xi32>
          %add3A_302 = vector.broadcast %add3A_286 : i32 to vector<16xi32>
          %add3A_303 = arith.addi %add3A_302, %mul3A_301 : vector<16xi32>
          %min3A_304 = arith.constant 4096 : i32
          %min3A_305 = arith.minsi %while3A_278, %min3A_304 : i32
          %swap3A_306 = arith.index_cast %min3A_305 : i32 to index
          %swap3A_307 = tpu.vector_load %arg12[%swap3A_306] masked %eq3A_298 {strides = array<i32>} : memref<4224xi32, #tpu.memory_space<vmem>>, vector<16xi32>, vector<16xi1>
          tpu.vector_store %arg12[%swap3A_306], %add3A_303 masked %eq3A_298 {strides = array<i32>} : memref<4224xi32, #tpu.memory_space<vmem>>, vector<16xi32>, vector<16xi1>
          %swap3A_308 = arith.index_cast %min3A_305 : i32 to index
          %swap3A_309 = tpu.vector_load %arg13[%swap3A_308] masked %eq3A_298 {strides = array<i32>} : memref<4224xi32, #tpu.memory_space<vmem>>, vector<16xi32>, vector<16xi1>
          tpu.vector_store %arg13[%swap3A_308], %broadcast_in_dim3A_75 masked %eq3A_298 {strides = array<i32>} : memref<4224xi32, #tpu.memory_space<vmem>>, vector<16xi32>, vector<16xi1>
          %sub3A_310 = arith.constant 1 : i32
          %sub3A_311 = arith.subi %while3A_277, %sub3A_310 : i32
          %and3A_312 = arith.andi %while3A_277, %sub3A_311 : i32
          %all_reduce_population_count3A = tpu.all_reduce %eq3A_298 {dim = 0 : i64, kind = #tpu.reduction_kind<sum>} : vector<16xi1> -> vector<16xi32>
          %slice3A_313 = vector.extract_strided_slice %all_reduce_population_count3A {offsets = [0], sizes = [1], strides = [1]} : vector<16xi32> to vector<1xi32>
          %squeeze3A_314 = vector.extract %slice3A_313[0] : i32 from vector<1xi32>
          %add3A_315 = arith.addi %while3A_278, %squeeze3A_314 : i32
          scf.yield %and3A_312, %add3A_315 : i32, i32
        }
        %slice3A_245 = vector.extract_strided_slice %get3A_212 {offsets = [8], sizes = [1], strides = [1]} : vector<16xi32> to vector<1xi32>
        %squeeze3A_246 = vector.extract %slice3A_245[0] : i32 from vector<1xi32>
        %while3A_247 = arith.constant 40 : i32
        %while3A_248:2 = scf.while (%while3A_277 = %squeeze3A_246, %while3A_278 = %while3A_244#1) : (i32, i32) -> (i32, i32) {
          %ne3A_279 = arith.constant 0 : i32
          %ne3A_280 = arith.cmpi ne, %while3A_277, %ne3A_279 : i32
          scf.condition(%ne3A_280) %while3A_277, %while3A_278 : i32, i32
        } do {
        ^bb0(%while3A_277: i32, %while3A_278: i32):
          %neg3A = arith.constant 0 : i32
          %neg3A_279 = arith.subi %neg3A, %while3A_277 : i32
          %and3A_280 = arith.andi %while3A_277, %neg3A_279 : i32
          %convert_element_type3A = arith.sitofp %and3A_280 : i32 to f32
          %bitcast_convert_type3A = arith.bitcast %convert_element_type3A : f32 to i32
          %shift_right_arithmetic3A = arith.constant 23 : i32
          %shift_right_arithmetic3A_281 = arith.shrsi %bitcast_convert_type3A, %shift_right_arithmetic3A : i32
          %sub3A_282 = arith.constant 127 : i32
          %sub3A_283 = arith.subi %shift_right_arithmetic3A_281, %sub3A_282 : i32
          %mul3A_284 = arith.constant 48 : i32
          %mul3A_285 = arith.muli %sub3A_283, %mul3A_284 : i32
          %add3A_286 = arith.addi %mul3A_285, %while3A_247 : i32
          %add3A_287 = arith.addi %mul3A_69, %add3A_286 : i32
          %get3A_288 = arith.index_cast %add3A_287 : i32 to index
          %get3A_289 = tpu.vector_load %arg10[%get3A_288] {strides = array<i32>} : memref<20496xi32, #tpu.memory_space<vmem>>, vector<16xi32>,
          %slice3A_290 = vector.extract_strided_slice %get3A_289 {offsets = [0], sizes = [1], strides = [1]} : vector<16xi32> to vector<1xi32>
          %squeeze3A_291 = vector.extract %slice3A_290[0] : i32 from vector<1xi32>
          %shift_right_arithmetic3A_292 = vector.broadcast %squeeze3A_291 : i32 to vector<16xi32>
          %shift_right_arithmetic3A_293 = arith.shrsi %shift_right_arithmetic3A_292, %iota3A : vector<16xi32>
          %and3A_294 = arith.constant 1 : i32
          %and3A_295 = vector.broadcast %and3A_294 : i32 to vector<16xi32>
          %and3A_296 = arith.andi %shift_right_arithmetic3A_293, %and3A_295 : vector<16xi32>
          %eq3A = arith.constant 1 : i32
          %eq3A_297 = vector.broadcast %eq3A : i32 to vector<16xi32>
          %eq3A_298 = arith.cmpi eq, %and3A_296, %eq3A_297 : vector<16xi32>
          %mul3A_299 = arith.constant 640 : i32
          %mul3A_300 = vector.broadcast %mul3A_299 : i32 to vector<16xi32>
          %mul3A_301 = arith.muli %mul3A_300, %iota3A : vector<16xi32>
          %add3A_302 = vector.broadcast %add3A_286 : i32 to vector<16xi32>
          %add3A_303 = arith.addi %add3A_302, %mul3A_301 : vector<16xi32>
          %min3A_304 = arith.constant 4096 : i32
          %min3A_305 = arith.minsi %while3A_278, %min3A_304 : i32
          %swap3A_306 = arith.index_cast %min3A_305 : i32 to index
          %swap3A_307 = tpu.vector_load %arg12[%swap3A_306] masked %eq3A_298 {strides = array<i32>} : memref<4224xi32, #tpu.memory_space<vmem>>, vector<16xi32>, vector<16xi1>
          tpu.vector_store %arg12[%swap3A_306], %add3A_303 masked %eq3A_298 {strides = array<i32>} : memref<4224xi32, #tpu.memory_space<vmem>>, vector<16xi32>, vector<16xi1>
          %swap3A_308 = arith.index_cast %min3A_305 : i32 to index
          %swap3A_309 = tpu.vector_load %arg13[%swap3A_308] masked %eq3A_298 {strides = array<i32>} : memref<4224xi32, #tpu.memory_space<vmem>>, vector<16xi32>, vector<16xi1>
          tpu.vector_store %arg13[%swap3A_308], %broadcast_in_dim3A_75 masked %eq3A_298 {strides = array<i32>} : memref<4224xi32, #tpu.memory_space<vmem>>, vector<16xi32>, vector<16xi1>
          %sub3A_310 = arith.constant 1 : i32
          %sub3A_311 = arith.subi %while3A_277, %sub3A_310 : i32
          %and3A_312 = arith.andi %while3A_277, %sub3A_311 : i32
          %all_reduce_population_count3A = tpu.all_reduce %eq3A_298 {dim = 0 : i64, kind = #tpu.reduction_kind<sum>} : vector<16xi1> -> vector<16xi32>
          %slice3A_313 = vector.extract_strided_slice %all_reduce_population_count3A {offsets = [0], sizes = [1], strides = [1]} : vector<16xi32> to vector<1xi32>
          %squeeze3A_314 = vector.extract %slice3A_313[0] : i32 from vector<1xi32>
          %add3A_315 = arith.addi %while3A_278, %squeeze3A_314 : i32
          scf.yield %and3A_312, %add3A_315 : i32, i32
        }
        %slice3A_249 = vector.extract_strided_slice %get3A_212 {offsets = [9], sizes = [1], strides = [1]} : vector<16xi32> to vector<1xi32>
        %squeeze3A_250 = vector.extract %slice3A_249[0] : i32 from vector<1xi32>
        %while3A_251 = arith.constant 41 : i32
        %while3A_252:2 = scf.while (%while3A_277 = %squeeze3A_250, %while3A_278 = %while3A_248#1) : (i32, i32) -> (i32, i32) {
          %ne3A_279 = arith.constant 0 : i32
          %ne3A_280 = arith.cmpi ne, %while3A_277, %ne3A_279 : i32
          scf.condition(%ne3A_280) %while3A_277, %while3A_278 : i32, i32
        } do {
        ^bb0(%while3A_277: i32, %while3A_278: i32):
          %neg3A = arith.constant 0 : i32
          %neg3A_279 = arith.subi %neg3A, %while3A_277 : i32
          %and3A_280 = arith.andi %while3A_277, %neg3A_279 : i32
          %convert_element_type3A = arith.sitofp %and3A_280 : i32 to f32
          %bitcast_convert_type3A = arith.bitcast %convert_element_type3A : f32 to i32
          %shift_right_arithmetic3A = arith.constant 23 : i32
          %shift_right_arithmetic3A_281 = arith.shrsi %bitcast_convert_type3A, %shift_right_arithmetic3A : i32
          %sub3A_282 = arith.constant 127 : i32
          %sub3A_283 = arith.subi %shift_right_arithmetic3A_281, %sub3A_282 : i32
          %mul3A_284 = arith.constant 48 : i32
          %mul3A_285 = arith.muli %sub3A_283, %mul3A_284 : i32
          %add3A_286 = arith.addi %mul3A_285, %while3A_251 : i32
          %add3A_287 = arith.addi %mul3A_69, %add3A_286 : i32
          %get3A_288 = arith.index_cast %add3A_287 : i32 to index
          %get3A_289 = tpu.vector_load %arg10[%get3A_288] {strides = array<i32>} : memref<20496xi32, #tpu.memory_space<vmem>>, vector<16xi32>,
          %slice3A_290 = vector.extract_strided_slice %get3A_289 {offsets = [0], sizes = [1], strides = [1]} : vector<16xi32> to vector<1xi32>
          %squeeze3A_291 = vector.extract %slice3A_290[0] : i32 from vector<1xi32>
          %shift_right_arithmetic3A_292 = vector.broadcast %squeeze3A_291 : i32 to vector<16xi32>
          %shift_right_arithmetic3A_293 = arith.shrsi %shift_right_arithmetic3A_292, %iota3A : vector<16xi32>
          %and3A_294 = arith.constant 1 : i32
          %and3A_295 = vector.broadcast %and3A_294 : i32 to vector<16xi32>
          %and3A_296 = arith.andi %shift_right_arithmetic3A_293, %and3A_295 : vector<16xi32>
          %eq3A = arith.constant 1 : i32
          %eq3A_297 = vector.broadcast %eq3A : i32 to vector<16xi32>
          %eq3A_298 = arith.cmpi eq, %and3A_296, %eq3A_297 : vector<16xi32>
          %mul3A_299 = arith.constant 640 : i32
          %mul3A_300 = vector.broadcast %mul3A_299 : i32 to vector<16xi32>
          %mul3A_301 = arith.muli %mul3A_300, %iota3A : vector<16xi32>
          %add3A_302 = vector.broadcast %add3A_286 : i32 to vector<16xi32>
          %add3A_303 = arith.addi %add3A_302, %mul3A_301 : vector<16xi32>
          %min3A_304 = arith.constant 4096 : i32
          %min3A_305 = arith.minsi %while3A_278, %min3A_304 : i32
          %swap3A_306 = arith.index_cast %min3A_305 : i32 to index
          %swap3A_307 = tpu.vector_load %arg12[%swap3A_306] masked %eq3A_298 {strides = array<i32>} : memref<4224xi32, #tpu.memory_space<vmem>>, vector<16xi32>, vector<16xi1>
          tpu.vector_store %arg12[%swap3A_306], %add3A_303 masked %eq3A_298 {strides = array<i32>} : memref<4224xi32, #tpu.memory_space<vmem>>, vector<16xi32>, vector<16xi1>
          %swap3A_308 = arith.index_cast %min3A_305 : i32 to index
          %swap3A_309 = tpu.vector_load %arg13[%swap3A_308] masked %eq3A_298 {strides = array<i32>} : memref<4224xi32, #tpu.memory_space<vmem>>, vector<16xi32>, vector<16xi1>
          tpu.vector_store %arg13[%swap3A_308], %broadcast_in_dim3A_75 masked %eq3A_298 {strides = array<i32>} : memref<4224xi32, #tpu.memory_space<vmem>>, vector<16xi32>, vector<16xi1>
          %sub3A_310 = arith.constant 1 : i32
          %sub3A_311 = arith.subi %while3A_277, %sub3A_310 : i32
          %and3A_312 = arith.andi %while3A_277, %sub3A_311 : i32
          %all_reduce_population_count3A = tpu.all_reduce %eq3A_298 {dim = 0 : i64, kind = #tpu.reduction_kind<sum>} : vector<16xi1> -> vector<16xi32>
          %slice3A_313 = vector.extract_strided_slice %all_reduce_population_count3A {offsets = [0], sizes = [1], strides = [1]} : vector<16xi32> to vector<1xi32>
          %squeeze3A_314 = vector.extract %slice3A_313[0] : i32 from vector<1xi32>
          %add3A_315 = arith.addi %while3A_278, %squeeze3A_314 : i32
          scf.yield %and3A_312, %add3A_315 : i32, i32
        }
        %slice3A_253 = vector.extract_strided_slice %get3A_212 {offsets = [10], sizes = [1], strides = [1]} : vector<16xi32> to vector<1xi32>
        %squeeze3A_254 = vector.extract %slice3A_253[0] : i32 from vector<1xi32>
        %while3A_255 = arith.constant 42 : i32
        %while3A_256:2 = scf.while (%while3A_277 = %squeeze3A_254, %while3A_278 = %while3A_252#1) : (i32, i32) -> (i32, i32) {
          %ne3A_279 = arith.constant 0 : i32
          %ne3A_280 = arith.cmpi ne, %while3A_277, %ne3A_279 : i32
          scf.condition(%ne3A_280) %while3A_277, %while3A_278 : i32, i32
        } do {
        ^bb0(%while3A_277: i32, %while3A_278: i32):
          %neg3A = arith.constant 0 : i32
          %neg3A_279 = arith.subi %neg3A, %while3A_277 : i32
          %and3A_280 = arith.andi %while3A_277, %neg3A_279 : i32
          %convert_element_type3A = arith.sitofp %and3A_280 : i32 to f32
          %bitcast_convert_type3A = arith.bitcast %convert_element_type3A : f32 to i32
          %shift_right_arithmetic3A = arith.constant 23 : i32
          %shift_right_arithmetic3A_281 = arith.shrsi %bitcast_convert_type3A, %shift_right_arithmetic3A : i32
          %sub3A_282 = arith.constant 127 : i32
          %sub3A_283 = arith.subi %shift_right_arithmetic3A_281, %sub3A_282 : i32
          %mul3A_284 = arith.constant 48 : i32
          %mul3A_285 = arith.muli %sub3A_283, %mul3A_284 : i32
          %add3A_286 = arith.addi %mul3A_285, %while3A_255 : i32
          %add3A_287 = arith.addi %mul3A_69, %add3A_286 : i32
          %get3A_288 = arith.index_cast %add3A_287 : i32 to index
          %get3A_289 = tpu.vector_load %arg10[%get3A_288] {strides = array<i32>} : memref<20496xi32, #tpu.memory_space<vmem>>, vector<16xi32>,
          %slice3A_290 = vector.extract_strided_slice %get3A_289 {offsets = [0], sizes = [1], strides = [1]} : vector<16xi32> to vector<1xi32>
          %squeeze3A_291 = vector.extract %slice3A_290[0] : i32 from vector<1xi32>
          %shift_right_arithmetic3A_292 = vector.broadcast %squeeze3A_291 : i32 to vector<16xi32>
          %shift_right_arithmetic3A_293 = arith.shrsi %shift_right_arithmetic3A_292, %iota3A : vector<16xi32>
          %and3A_294 = arith.constant 1 : i32
          %and3A_295 = vector.broadcast %and3A_294 : i32 to vector<16xi32>
          %and3A_296 = arith.andi %shift_right_arithmetic3A_293, %and3A_295 : vector<16xi32>
          %eq3A = arith.constant 1 : i32
          %eq3A_297 = vector.broadcast %eq3A : i32 to vector<16xi32>
          %eq3A_298 = arith.cmpi eq, %and3A_296, %eq3A_297 : vector<16xi32>
          %mul3A_299 = arith.constant 640 : i32
          %mul3A_300 = vector.broadcast %mul3A_299 : i32 to vector<16xi32>
          %mul3A_301 = arith.muli %mul3A_300, %iota3A : vector<16xi32>
          %add3A_302 = vector.broadcast %add3A_286 : i32 to vector<16xi32>
          %add3A_303 = arith.addi %add3A_302, %mul3A_301 : vector<16xi32>
          %min3A_304 = arith.constant 4096 : i32
          %min3A_305 = arith.minsi %while3A_278, %min3A_304 : i32
          %swap3A_306 = arith.index_cast %min3A_305 : i32 to index
          %swap3A_307 = tpu.vector_load %arg12[%swap3A_306] masked %eq3A_298 {strides = array<i32>} : memref<4224xi32, #tpu.memory_space<vmem>>, vector<16xi32>, vector<16xi1>
          tpu.vector_store %arg12[%swap3A_306], %add3A_303 masked %eq3A_298 {strides = array<i32>} : memref<4224xi32, #tpu.memory_space<vmem>>, vector<16xi32>, vector<16xi1>
          %swap3A_308 = arith.index_cast %min3A_305 : i32 to index
          %swap3A_309 = tpu.vector_load %arg13[%swap3A_308] masked %eq3A_298 {strides = array<i32>} : memref<4224xi32, #tpu.memory_space<vmem>>, vector<16xi32>, vector<16xi1>
          tpu.vector_store %arg13[%swap3A_308], %broadcast_in_dim3A_75 masked %eq3A_298 {strides = array<i32>} : memref<4224xi32, #tpu.memory_space<vmem>>, vector<16xi32>, vector<16xi1>
          %sub3A_310 = arith.constant 1 : i32
          %sub3A_311 = arith.subi %while3A_277, %sub3A_310 : i32
          %and3A_312 = arith.andi %while3A_277, %sub3A_311 : i32
          %all_reduce_population_count3A = tpu.all_reduce %eq3A_298 {dim = 0 : i64, kind = #tpu.reduction_kind<sum>} : vector<16xi1> -> vector<16xi32>
          %slice3A_313 = vector.extract_strided_slice %all_reduce_population_count3A {offsets = [0], sizes = [1], strides = [1]} : vector<16xi32> to vector<1xi32>
          %squeeze3A_314 = vector.extract %slice3A_313[0] : i32 from vector<1xi32>
          %add3A_315 = arith.addi %while3A_278, %squeeze3A_314 : i32
          scf.yield %and3A_312, %add3A_315 : i32, i32
        }
        %slice3A_257 = vector.extract_strided_slice %get3A_212 {offsets = [11], sizes = [1], strides = [1]} : vector<16xi32> to vector<1xi32>
        %squeeze3A_258 = vector.extract %slice3A_257[0] : i32 from vector<1xi32>
        %while3A_259 = arith.constant 43 : i32
        %while3A_260:2 = scf.while (%while3A_277 = %squeeze3A_258, %while3A_278 = %while3A_256#1) : (i32, i32) -> (i32, i32) {
          %ne3A_279 = arith.constant 0 : i32
          %ne3A_280 = arith.cmpi ne, %while3A_277, %ne3A_279 : i32
          scf.condition(%ne3A_280) %while3A_277, %while3A_278 : i32, i32
        } do {
        ^bb0(%while3A_277: i32, %while3A_278: i32):
          %neg3A = arith.constant 0 : i32
          %neg3A_279 = arith.subi %neg3A, %while3A_277 : i32
          %and3A_280 = arith.andi %while3A_277, %neg3A_279 : i32
          %convert_element_type3A = arith.sitofp %and3A_280 : i32 to f32
          %bitcast_convert_type3A = arith.bitcast %convert_element_type3A : f32 to i32
          %shift_right_arithmetic3A = arith.constant 23 : i32
          %shift_right_arithmetic3A_281 = arith.shrsi %bitcast_convert_type3A, %shift_right_arithmetic3A : i32
          %sub3A_282 = arith.constant 127 : i32
          %sub3A_283 = arith.subi %shift_right_arithmetic3A_281, %sub3A_282 : i32
          %mul3A_284 = arith.constant 48 : i32
          %mul3A_285 = arith.muli %sub3A_283, %mul3A_284 : i32
          %add3A_286 = arith.addi %mul3A_285, %while3A_259 : i32
          %add3A_287 = arith.addi %mul3A_69, %add3A_286 : i32
          %get3A_288 = arith.index_cast %add3A_287 : i32 to index
          %get3A_289 = tpu.vector_load %arg10[%get3A_288] {strides = array<i32>} : memref<20496xi32, #tpu.memory_space<vmem>>, vector<16xi32>,
          %slice3A_290 = vector.extract_strided_slice %get3A_289 {offsets = [0], sizes = [1], strides = [1]} : vector<16xi32> to vector<1xi32>
          %squeeze3A_291 = vector.extract %slice3A_290[0] : i32 from vector<1xi32>
          %shift_right_arithmetic3A_292 = vector.broadcast %squeeze3A_291 : i32 to vector<16xi32>
          %shift_right_arithmetic3A_293 = arith.shrsi %shift_right_arithmetic3A_292, %iota3A : vector<16xi32>
          %and3A_294 = arith.constant 1 : i32
          %and3A_295 = vector.broadcast %and3A_294 : i32 to vector<16xi32>
          %and3A_296 = arith.andi %shift_right_arithmetic3A_293, %and3A_295 : vector<16xi32>
          %eq3A = arith.constant 1 : i32
          %eq3A_297 = vector.broadcast %eq3A : i32 to vector<16xi32>
          %eq3A_298 = arith.cmpi eq, %and3A_296, %eq3A_297 : vector<16xi32>
          %mul3A_299 = arith.constant 640 : i32
          %mul3A_300 = vector.broadcast %mul3A_299 : i32 to vector<16xi32>
          %mul3A_301 = arith.muli %mul3A_300, %iota3A : vector<16xi32>
          %add3A_302 = vector.broadcast %add3A_286 : i32 to vector<16xi32>
          %add3A_303 = arith.addi %add3A_302, %mul3A_301 : vector<16xi32>
          %min3A_304 = arith.constant 4096 : i32
          %min3A_305 = arith.minsi %while3A_278, %min3A_304 : i32
          %swap3A_306 = arith.index_cast %min3A_305 : i32 to index
          %swap3A_307 = tpu.vector_load %arg12[%swap3A_306] masked %eq3A_298 {strides = array<i32>} : memref<4224xi32, #tpu.memory_space<vmem>>, vector<16xi32>, vector<16xi1>
          tpu.vector_store %arg12[%swap3A_306], %add3A_303 masked %eq3A_298 {strides = array<i32>} : memref<4224xi32, #tpu.memory_space<vmem>>, vector<16xi32>, vector<16xi1>
          %swap3A_308 = arith.index_cast %min3A_305 : i32 to index
          %swap3A_309 = tpu.vector_load %arg13[%swap3A_308] masked %eq3A_298 {strides = array<i32>} : memref<4224xi32, #tpu.memory_space<vmem>>, vector<16xi32>, vector<16xi1>
          tpu.vector_store %arg13[%swap3A_308], %broadcast_in_dim3A_75 masked %eq3A_298 {strides = array<i32>} : memref<4224xi32, #tpu.memory_space<vmem>>, vector<16xi32>, vector<16xi1>
          %sub3A_310 = arith.constant 1 : i32
          %sub3A_311 = arith.subi %while3A_277, %sub3A_310 : i32
          %and3A_312 = arith.andi %while3A_277, %sub3A_311 : i32
          %all_reduce_population_count3A = tpu.all_reduce %eq3A_298 {dim = 0 : i64, kind = #tpu.reduction_kind<sum>} : vector<16xi1> -> vector<16xi32>
          %slice3A_313 = vector.extract_strided_slice %all_reduce_population_count3A {offsets = [0], sizes = [1], strides = [1]} : vector<16xi32> to vector<1xi32>
          %squeeze3A_314 = vector.extract %slice3A_313[0] : i32 from vector<1xi32>
          %add3A_315 = arith.addi %while3A_278, %squeeze3A_314 : i32
          scf.yield %and3A_312, %add3A_315 : i32, i32
        }
        %slice3A_261 = vector.extract_strided_slice %get3A_212 {offsets = [12], sizes = [1], strides = [1]} : vector<16xi32> to vector<1xi32>
        %squeeze3A_262 = vector.extract %slice3A_261[0] : i32 from vector<1xi32>
        %while3A_263 = arith.constant 44 : i32
        %while3A_264:2 = scf.while (%while3A_277 = %squeeze3A_262, %while3A_278 = %while3A_260#1) : (i32, i32) -> (i32, i32) {
          %ne3A_279 = arith.constant 0 : i32
          %ne3A_280 = arith.cmpi ne, %while3A_277, %ne3A_279 : i32
          scf.condition(%ne3A_280) %while3A_277, %while3A_278 : i32, i32
        } do {
        ^bb0(%while3A_277: i32, %while3A_278: i32):
          %neg3A = arith.constant 0 : i32
          %neg3A_279 = arith.subi %neg3A, %while3A_277 : i32
          %and3A_280 = arith.andi %while3A_277, %neg3A_279 : i32
          %convert_element_type3A = arith.sitofp %and3A_280 : i32 to f32
          %bitcast_convert_type3A = arith.bitcast %convert_element_type3A : f32 to i32
          %shift_right_arithmetic3A = arith.constant 23 : i32
          %shift_right_arithmetic3A_281 = arith.shrsi %bitcast_convert_type3A, %shift_right_arithmetic3A : i32
          %sub3A_282 = arith.constant 127 : i32
          %sub3A_283 = arith.subi %shift_right_arithmetic3A_281, %sub3A_282 : i32
          %mul3A_284 = arith.constant 48 : i32
          %mul3A_285 = arith.muli %sub3A_283, %mul3A_284 : i32
          %add3A_286 = arith.addi %mul3A_285, %while3A_263 : i32
          %add3A_287 = arith.addi %mul3A_69, %add3A_286 : i32
          %get3A_288 = arith.index_cast %add3A_287 : i32 to index
          %get3A_289 = tpu.vector_load %arg10[%get3A_288] {strides = array<i32>} : memref<20496xi32, #tpu.memory_space<vmem>>, vector<16xi32>,
          %slice3A_290 = vector.extract_strided_slice %get3A_289 {offsets = [0], sizes = [1], strides = [1]} : vector<16xi32> to vector<1xi32>
          %squeeze3A_291 = vector.extract %slice3A_290[0] : i32 from vector<1xi32>
          %shift_right_arithmetic3A_292 = vector.broadcast %squeeze3A_291 : i32 to vector<16xi32>
          %shift_right_arithmetic3A_293 = arith.shrsi %shift_right_arithmetic3A_292, %iota3A : vector<16xi32>
          %and3A_294 = arith.constant 1 : i32
          %and3A_295 = vector.broadcast %and3A_294 : i32 to vector<16xi32>
          %and3A_296 = arith.andi %shift_right_arithmetic3A_293, %and3A_295 : vector<16xi32>
          %eq3A = arith.constant 1 : i32
          %eq3A_297 = vector.broadcast %eq3A : i32 to vector<16xi32>
          %eq3A_298 = arith.cmpi eq, %and3A_296, %eq3A_297 : vector<16xi32>
          %mul3A_299 = arith.constant 640 : i32
          %mul3A_300 = vector.broadcast %mul3A_299 : i32 to vector<16xi32>
          %mul3A_301 = arith.muli %mul3A_300, %iota3A : vector<16xi32>
          %add3A_302 = vector.broadcast %add3A_286 : i32 to vector<16xi32>
          %add3A_303 = arith.addi %add3A_302, %mul3A_301 : vector<16xi32>
          %min3A_304 = arith.constant 4096 : i32
          %min3A_305 = arith.minsi %while3A_278, %min3A_304 : i32
          %swap3A_306 = arith.index_cast %min3A_305 : i32 to index
          %swap3A_307 = tpu.vector_load %arg12[%swap3A_306] masked %eq3A_298 {strides = array<i32>} : memref<4224xi32, #tpu.memory_space<vmem>>, vector<16xi32>, vector<16xi1>
          tpu.vector_store %arg12[%swap3A_306], %add3A_303 masked %eq3A_298 {strides = array<i32>} : memref<4224xi32, #tpu.memory_space<vmem>>, vector<16xi32>, vector<16xi1>
          %swap3A_308 = arith.index_cast %min3A_305 : i32 to index
          %swap3A_309 = tpu.vector_load %arg13[%swap3A_308] masked %eq3A_298 {strides = array<i32>} : memref<4224xi32, #tpu.memory_space<vmem>>, vector<16xi32>, vector<16xi1>
          tpu.vector_store %arg13[%swap3A_308], %broadcast_in_dim3A_75 masked %eq3A_298 {strides = array<i32>} : memref<4224xi32, #tpu.memory_space<vmem>>, vector<16xi32>, vector<16xi1>
          %sub3A_310 = arith.constant 1 : i32
          %sub3A_311 = arith.subi %while3A_277, %sub3A_310 : i32
          %and3A_312 = arith.andi %while3A_277, %sub3A_311 : i32
          %all_reduce_population_count3A = tpu.all_reduce %eq3A_298 {dim = 0 : i64, kind = #tpu.reduction_kind<sum>} : vector<16xi1> -> vector<16xi32>
          %slice3A_313 = vector.extract_strided_slice %all_reduce_population_count3A {offsets = [0], sizes = [1], strides = [1]} : vector<16xi32> to vector<1xi32>
          %squeeze3A_314 = vector.extract %slice3A_313[0] : i32 from vector<1xi32>
          %add3A_315 = arith.addi %while3A_278, %squeeze3A_314 : i32
          scf.yield %and3A_312, %add3A_315 : i32, i32
        }
        %slice3A_265 = vector.extract_strided_slice %get3A_212 {offsets = [13], sizes = [1], strides = [1]} : vector<16xi32> to vector<1xi32>
        %squeeze3A_266 = vector.extract %slice3A_265[0] : i32 from vector<1xi32>
        %while3A_267 = arith.constant 45 : i32
        %while3A_268:2 = scf.while (%while3A_277 = %squeeze3A_266, %while3A_278 = %while3A_264#1) : (i32, i32) -> (i32, i32) {
          %ne3A_279 = arith.constant 0 : i32
          %ne3A_280 = arith.cmpi ne, %while3A_277, %ne3A_279 : i32
          scf.condition(%ne3A_280) %while3A_277, %while3A_278 : i32, i32
        } do {
        ^bb0(%while3A_277: i32, %while3A_278: i32):
          %neg3A = arith.constant 0 : i32
          %neg3A_279 = arith.subi %neg3A, %while3A_277 : i32
          %and3A_280 = arith.andi %while3A_277, %neg3A_279 : i32
          %convert_element_type3A = arith.sitofp %and3A_280 : i32 to f32
          %bitcast_convert_type3A = arith.bitcast %convert_element_type3A : f32 to i32
          %shift_right_arithmetic3A = arith.constant 23 : i32
          %shift_right_arithmetic3A_281 = arith.shrsi %bitcast_convert_type3A, %shift_right_arithmetic3A : i32
          %sub3A_282 = arith.constant 127 : i32
          %sub3A_283 = arith.subi %shift_right_arithmetic3A_281, %sub3A_282 : i32
          %mul3A_284 = arith.constant 48 : i32
          %mul3A_285 = arith.muli %sub3A_283, %mul3A_284 : i32
          %add3A_286 = arith.addi %mul3A_285, %while3A_267 : i32
          %add3A_287 = arith.addi %mul3A_69, %add3A_286 : i32
          %get3A_288 = arith.index_cast %add3A_287 : i32 to index
          %get3A_289 = tpu.vector_load %arg10[%get3A_288] {strides = array<i32>} : memref<20496xi32, #tpu.memory_space<vmem>>, vector<16xi32>,
          %slice3A_290 = vector.extract_strided_slice %get3A_289 {offsets = [0], sizes = [1], strides = [1]} : vector<16xi32> to vector<1xi32>
          %squeeze3A_291 = vector.extract %slice3A_290[0] : i32 from vector<1xi32>
          %shift_right_arithmetic3A_292 = vector.broadcast %squeeze3A_291 : i32 to vector<16xi32>
          %shift_right_arithmetic3A_293 = arith.shrsi %shift_right_arithmetic3A_292, %iota3A : vector<16xi32>
          %and3A_294 = arith.constant 1 : i32
          %and3A_295 = vector.broadcast %and3A_294 : i32 to vector<16xi32>
          %and3A_296 = arith.andi %shift_right_arithmetic3A_293, %and3A_295 : vector<16xi32>
          %eq3A = arith.constant 1 : i32
          %eq3A_297 = vector.broadcast %eq3A : i32 to vector<16xi32>
          %eq3A_298 = arith.cmpi eq, %and3A_296, %eq3A_297 : vector<16xi32>
          %mul3A_299 = arith.constant 640 : i32
          %mul3A_300 = vector.broadcast %mul3A_299 : i32 to vector<16xi32>
          %mul3A_301 = arith.muli %mul3A_300, %iota3A : vector<16xi32>
          %add3A_302 = vector.broadcast %add3A_286 : i32 to vector<16xi32>
          %add3A_303 = arith.addi %add3A_302, %mul3A_301 : vector<16xi32>
          %min3A_304 = arith.constant 4096 : i32
          %min3A_305 = arith.minsi %while3A_278, %min3A_304 : i32
          %swap3A_306 = arith.index_cast %min3A_305 : i32 to index
          %swap3A_307 = tpu.vector_load %arg12[%swap3A_306] masked %eq3A_298 {strides = array<i32>} : memref<4224xi32, #tpu.memory_space<vmem>>, vector<16xi32>, vector<16xi1>
          tpu.vector_store %arg12[%swap3A_306], %add3A_303 masked %eq3A_298 {strides = array<i32>} : memref<4224xi32, #tpu.memory_space<vmem>>, vector<16xi32>, vector<16xi1>
          %swap3A_308 = arith.index_cast %min3A_305 : i32 to index
          %swap3A_309 = tpu.vector_load %arg13[%swap3A_308] masked %eq3A_298 {strides = array<i32>} : memref<4224xi32, #tpu.memory_space<vmem>>, vector<16xi32>, vector<16xi1>
          tpu.vector_store %arg13[%swap3A_308], %broadcast_in_dim3A_75 masked %eq3A_298 {strides = array<i32>} : memref<4224xi32, #tpu.memory_space<vmem>>, vector<16xi32>, vector<16xi1>
          %sub3A_310 = arith.constant 1 : i32
          %sub3A_311 = arith.subi %while3A_277, %sub3A_310 : i32
          %and3A_312 = arith.andi %while3A_277, %sub3A_311 : i32
          %all_reduce_population_count3A = tpu.all_reduce %eq3A_298 {dim = 0 : i64, kind = #tpu.reduction_kind<sum>} : vector<16xi1> -> vector<16xi32>
          %slice3A_313 = vector.extract_strided_slice %all_reduce_population_count3A {offsets = [0], sizes = [1], strides = [1]} : vector<16xi32> to vector<1xi32>
          %squeeze3A_314 = vector.extract %slice3A_313[0] : i32 from vector<1xi32>
          %add3A_315 = arith.addi %while3A_278, %squeeze3A_314 : i32
          scf.yield %and3A_312, %add3A_315 : i32, i32
        }
        %slice3A_269 = vector.extract_strided_slice %get3A_212 {offsets = [14], sizes = [1], strides = [1]} : vector<16xi32> to vector<1xi32>
        %squeeze3A_270 = vector.extract %slice3A_269[0] : i32 from vector<1xi32>
        %while3A_271 = arith.constant 46 : i32
        %while3A_272:2 = scf.while (%while3A_277 = %squeeze3A_270, %while3A_278 = %while3A_268#1) : (i32, i32) -> (i32, i32) {
          %ne3A_279 = arith.constant 0 : i32
          %ne3A_280 = arith.cmpi ne, %while3A_277, %ne3A_279 : i32
          scf.condition(%ne3A_280) %while3A_277, %while3A_278 : i32, i32
        } do {
        ^bb0(%while3A_277: i32, %while3A_278: i32):
          %neg3A = arith.constant 0 : i32
          %neg3A_279 = arith.subi %neg3A, %while3A_277 : i32
          %and3A_280 = arith.andi %while3A_277, %neg3A_279 : i32
          %convert_element_type3A = arith.sitofp %and3A_280 : i32 to f32
          %bitcast_convert_type3A = arith.bitcast %convert_element_type3A : f32 to i32
          %shift_right_arithmetic3A = arith.constant 23 : i32
          %shift_right_arithmetic3A_281 = arith.shrsi %bitcast_convert_type3A, %shift_right_arithmetic3A : i32
          %sub3A_282 = arith.constant 127 : i32
          %sub3A_283 = arith.subi %shift_right_arithmetic3A_281, %sub3A_282 : i32
          %mul3A_284 = arith.constant 48 : i32
          %mul3A_285 = arith.muli %sub3A_283, %mul3A_284 : i32
          %add3A_286 = arith.addi %mul3A_285, %while3A_271 : i32
          %add3A_287 = arith.addi %mul3A_69, %add3A_286 : i32
          %get3A_288 = arith.index_cast %add3A_287 : i32 to index
          %get3A_289 = tpu.vector_load %arg10[%get3A_288] {strides = array<i32>} : memref<20496xi32, #tpu.memory_space<vmem>>, vector<16xi32>,
          %slice3A_290 = vector.extract_strided_slice %get3A_289 {offsets = [0], sizes = [1], strides = [1]} : vector<16xi32> to vector<1xi32>
          %squeeze3A_291 = vector.extract %slice3A_290[0] : i32 from vector<1xi32>
          %shift_right_arithmetic3A_292 = vector.broadcast %squeeze3A_291 : i32 to vector<16xi32>
          %shift_right_arithmetic3A_293 = arith.shrsi %shift_right_arithmetic3A_292, %iota3A : vector<16xi32>
          %and3A_294 = arith.constant 1 : i32
          %and3A_295 = vector.broadcast %and3A_294 : i32 to vector<16xi32>
          %and3A_296 = arith.andi %shift_right_arithmetic3A_293, %and3A_295 : vector<16xi32>
          %eq3A = arith.constant 1 : i32
          %eq3A_297 = vector.broadcast %eq3A : i32 to vector<16xi32>
          %eq3A_298 = arith.cmpi eq, %and3A_296, %eq3A_297 : vector<16xi32>
          %mul3A_299 = arith.constant 640 : i32
          %mul3A_300 = vector.broadcast %mul3A_299 : i32 to vector<16xi32>
          %mul3A_301 = arith.muli %mul3A_300, %iota3A : vector<16xi32>
          %add3A_302 = vector.broadcast %add3A_286 : i32 to vector<16xi32>
          %add3A_303 = arith.addi %add3A_302, %mul3A_301 : vector<16xi32>
          %min3A_304 = arith.constant 4096 : i32
          %min3A_305 = arith.minsi %while3A_278, %min3A_304 : i32
          %swap3A_306 = arith.index_cast %min3A_305 : i32 to index
          %swap3A_307 = tpu.vector_load %arg12[%swap3A_306] masked %eq3A_298 {strides = array<i32>} : memref<4224xi32, #tpu.memory_space<vmem>>, vector<16xi32>, vector<16xi1>
          tpu.vector_store %arg12[%swap3A_306], %add3A_303 masked %eq3A_298 {strides = array<i32>} : memref<4224xi32, #tpu.memory_space<vmem>>, vector<16xi32>, vector<16xi1>
          %swap3A_308 = arith.index_cast %min3A_305 : i32 to index
          %swap3A_309 = tpu.vector_load %arg13[%swap3A_308] masked %eq3A_298 {strides = array<i32>} : memref<4224xi32, #tpu.memory_space<vmem>>, vector<16xi32>, vector<16xi1>
          tpu.vector_store %arg13[%swap3A_308], %broadcast_in_dim3A_75 masked %eq3A_298 {strides = array<i32>} : memref<4224xi32, #tpu.memory_space<vmem>>, vector<16xi32>, vector<16xi1>
          %sub3A_310 = arith.constant 1 : i32
          %sub3A_311 = arith.subi %while3A_277, %sub3A_310 : i32
          %and3A_312 = arith.andi %while3A_277, %sub3A_311 : i32
          %all_reduce_population_count3A = tpu.all_reduce %eq3A_298 {dim = 0 : i64, kind = #tpu.reduction_kind<sum>} : vector<16xi1> -> vector<16xi32>
          %slice3A_313 = vector.extract_strided_slice %all_reduce_population_count3A {offsets = [0], sizes = [1], strides = [1]} : vector<16xi32> to vector<1xi32>
          %squeeze3A_314 = vector.extract %slice3A_313[0] : i32 from vector<1xi32>
          %add3A_315 = arith.addi %while3A_278, %squeeze3A_314 : i32
          scf.yield %and3A_312, %add3A_315 : i32, i32
        }
        %slice3A_273 = vector.extract_strided_slice %get3A_212 {offsets = [15], sizes = [1], strides = [1]} : vector<16xi32> to vector<1xi32>
        %squeeze3A_274 = vector.extract %slice3A_273[0] : i32 from vector<1xi32>
        %while3A_275 = arith.constant 47 : i32
        %while3A_276:2 = scf.while (%while3A_277 = %squeeze3A_274, %while3A_278 = %while3A_272#1) : (i32, i32) -> (i32, i32) {
          %ne3A_279 = arith.constant 0 : i32
          %ne3A_280 = arith.cmpi ne, %while3A_277, %ne3A_279 : i32
          scf.condition(%ne3A_280) %while3A_277, %while3A_278 : i32, i32
        } do {
        ^bb0(%while3A_277: i32, %while3A_278: i32):
          %neg3A = arith.constant 0 : i32
          %neg3A_279 = arith.subi %neg3A, %while3A_277 : i32
          %and3A_280 = arith.andi %while3A_277, %neg3A_279 : i32
          %convert_element_type3A = arith.sitofp %and3A_280 : i32 to f32
          %bitcast_convert_type3A = arith.bitcast %convert_element_type3A : f32 to i32
          %shift_right_arithmetic3A = arith.constant 23 : i32
          %shift_right_arithmetic3A_281 = arith.shrsi %bitcast_convert_type3A, %shift_right_arithmetic3A : i32
          %sub3A_282 = arith.constant 127 : i32
          %sub3A_283 = arith.subi %shift_right_arithmetic3A_281, %sub3A_282 : i32
          %mul3A_284 = arith.constant 48 : i32
          %mul3A_285 = arith.muli %sub3A_283, %mul3A_284 : i32
          %add3A_286 = arith.addi %mul3A_285, %while3A_275 : i32
          %add3A_287 = arith.addi %mul3A_69, %add3A_286 : i32
          %get3A_288 = arith.index_cast %add3A_287 : i32 to index
          %get3A_289 = tpu.vector_load %arg10[%get3A_288] {strides = array<i32>} : memref<20496xi32, #tpu.memory_space<vmem>>, vector<16xi32>,
          %slice3A_290 = vector.extract_strided_slice %get3A_289 {offsets = [0], sizes = [1], strides = [1]} : vector<16xi32> to vector<1xi32>
          %squeeze3A_291 = vector.extract %slice3A_290[0] : i32 from vector<1xi32>
          %shift_right_arithmetic3A_292 = vector.broadcast %squeeze3A_291 : i32 to vector<16xi32>
          %shift_right_arithmetic3A_293 = arith.shrsi %shift_right_arithmetic3A_292, %iota3A : vector<16xi32>
          %and3A_294 = arith.constant 1 : i32
          %and3A_295 = vector.broadcast %and3A_294 : i32 to vector<16xi32>
          %and3A_296 = arith.andi %shift_right_arithmetic3A_293, %and3A_295 : vector<16xi32>
          %eq3A = arith.constant 1 : i32
          %eq3A_297 = vector.broadcast %eq3A : i32 to vector<16xi32>
          %eq3A_298 = arith.cmpi eq, %and3A_296, %eq3A_297 : vector<16xi32>
          %mul3A_299 = arith.constant 640 : i32
          %mul3A_300 = vector.broadcast %mul3A_299 : i32 to vector<16xi32>
          %mul3A_301 = arith.muli %mul3A_300, %iota3A : vector<16xi32>
          %add3A_302 = vector.broadcast %add3A_286 : i32 to vector<16xi32>
          %add3A_303 = arith.addi %add3A_302, %mul3A_301 : vector<16xi32>
          %min3A_304 = arith.constant 4096 : i32
          %min3A_305 = arith.minsi %while3A_278, %min3A_304 : i32
          %swap3A_306 = arith.index_cast %min3A_305 : i32 to index
          %swap3A_307 = tpu.vector_load %arg12[%swap3A_306] masked %eq3A_298 {strides = array<i32>} : memref<4224xi32, #tpu.memory_space<vmem>>, vector<16xi32>, vector<16xi1>
          tpu.vector_store %arg12[%swap3A_306], %add3A_303 masked %eq3A_298 {strides = array<i32>} : memref<4224xi32, #tpu.memory_space<vmem>>, vector<16xi32>, vector<16xi1>
          %swap3A_308 = arith.index_cast %min3A_305 : i32 to index
          %swap3A_309 = tpu.vector_load %arg13[%swap3A_308] masked %eq3A_298 {strides = array<i32>} : memref<4224xi32, #tpu.memory_space<vmem>>, vector<16xi32>, vector<16xi1>
          tpu.vector_store %arg13[%swap3A_308], %broadcast_in_dim3A_75 masked %eq3A_298 {strides = array<i32>} : memref<4224xi32, #tpu.memory_space<vmem>>, vector<16xi32>, vector<16xi1>
          %sub3A_310 = arith.constant 1 : i32
          %sub3A_311 = arith.subi %while3A_277, %sub3A_310 : i32
          %and3A_312 = arith.andi %while3A_277, %sub3A_311 : i32
          %all_reduce_population_count3A = tpu.all_reduce %eq3A_298 {dim = 0 : i64, kind = #tpu.reduction_kind<sum>} : vector<16xi1> -> vector<16xi32>
          %slice3A_313 = vector.extract_strided_slice %all_reduce_population_count3A {offsets = [0], sizes = [1], strides = [1]} : vector<16xi32> to vector<1xi32>
          %squeeze3A_314 = vector.extract %slice3A_313[0] : i32 from vector<1xi32>
          %add3A_315 = arith.addi %while3A_278, %squeeze3A_314 : i32
          scf.yield %and3A_312, %add3A_315 : i32, i32
        }
        scf.yield %while3A_276#1 : i32
      }
      %scan3A_65 = arith.constant 32 : i32
      scf.yield %scan3A_64 : i32
    }
    %scan3A_15 = arith.constant 4 : i32
    %min3A = arith.constant 4096 : i32
    %min3A_16 = arith.minsi %scan3A_14, %min3A : i32
    %add3A_17 = arith.constant 256 : i32
    %add3A_18 = arith.addi %min3A_16, %add3A_17 : i32
    %sub3A = arith.constant 1 : i32
    %sub3A_19 = arith.subi %add3A_18, %sub3A : i32
    %jit3A = arith.constant 256 : i32
    %div3A = arith.divsi %sub3A_19, %jit3A : i32
    %sign3A = arith.constant 0 : i32
    %sign3A_20 = arith.cmpi sgt, %sub3A_19, %sign3A : i32
    %sign3A_21 = arith.extui %sign3A_20 : i1 to i32
    %sign3A_22 = arith.constant 0 : i32
    %sign3A_23 = arith.cmpi slt, %sub3A_19, %sign3A_22 : i32
    %sign3A_24 = arith.extui %sign3A_23 : i1 to i32
    %sign3A_25 = arith.subi %sign3A_21, %sign3A_24 : i32
    %sign3A_26 = arith.constant 0 : i32
    %sign3A_27 = arith.cmpi sgt, %jit3A, %sign3A_26 : i32
    %sign3A_28 = arith.extui %sign3A_27 : i1 to i32
    %sign3A_29 = arith.constant 0 : i32
    %sign3A_30 = arith.cmpi slt, %jit3A, %sign3A_29 : i32
    %sign3A_31 = arith.extui %sign3A_30 : i1 to i32
    %sign3A_32 = arith.subi %sign3A_28, %sign3A_31 : i32
    %ne3A = arith.cmpi ne, %sign3A_25, %sign3A_32 : i32
    %rem3A = arith.remsi %sub3A_19, %jit3A : i32
    %ne3A_33 = arith.constant 0 : i32
    %ne3A_34 = arith.cmpi ne, %rem3A, %ne3A_33 : i32
    %and3A = arith.andi %ne3A, %ne3A_34 : i1
    %sub3A_35 = arith.constant 1 : i32
    %sub3A_36 = arith.subi %div3A, %sub3A_35 : i32
    %select_n3A = arith.select %and3A, %sub3A_36, %div3A : i32
    %while3A = arith.constant 0 : i32
    %while3A_37 = arith.constant 0 : i32
    %while3A_38 = arith.subi %select_n3A, %while3A_37 : i32
    %while3A_39 = arith.addi %while3A_37, %while3A_38 : i32
    %while3A_40 = arith.constant 1 : i32
    %while3A_41 = arith.divsi %while3A_38, %while3A_40 : i32
    %while3A_42 = arith.muli %while3A_41, %while3A_40 : i32
    %while3A_43 = arith.addi %while3A_37, %while3A_42 : i32
    %while3A_44 = arith.constant 1 : i32
    scf.for %while3A_48 = %while3A_37 to %while3A_43 step %while3A_44  : i32 {
      %mul3A_49 = arith.constant 256 : i32
      %mul3A_50 = arith.muli %while3A_48, %mul3A_49 : i32
      %mul3A_51 = arith.constant 4096 : i32
      %mul3A_52 = arith.muli %add3A, %mul3A_51 : i32
      %mul3A_53 = arith.constant 256 : i32
      %mul3A_54 = arith.muli %while3A_48, %mul3A_53 : i32
      %add3A_55 = arith.addi %mul3A_52, %mul3A_54 : i32
      %dma_start3A = tpu.memref_slice %arg12[%mul3A_50] : memref<4224xi32, #tpu.memory_space<vmem>> -> memref<256xi32, #tpu.memory_space<vmem>>
      %dma_start3A_56 = arith.constant 0 : i32
      %dma_start3A_57 = arith.constant 0 : i32
      %dma_start3A_58 = tpu.memref_slice %arg4[%dma_start3A_56, %dma_start3A_57] : memref<10240x128xf32, #tpu.memory_space<hbm>> -> memref<10240x128xf32, #tpu.memory_space<hbm>>
      tpu.enqueue_indirect_dma source(%dma_start3A_58 : memref<10240x128xf32, #tpu.memory_space<hbm>>) target(%arg14 : memref<256x128xf32, #tpu.memory_space<vmem>>) offsets(%dma_start3A : memref<256xi32, #tpu.memory_space<vmem>>) semaphore(%arg17 : memref<!tpu.dma_semaphore, #tpu.memory_space<semaphore_mem>>)
      %dma_start3A_59 = tpu.memref_slice %arg12[%mul3A_50] : memref<4224xi32, #tpu.memory_space<vmem>> -> memref<256xi32, #tpu.memory_space<vmem>>
      %dma_start3A_60 = arith.constant 0 : i32
      %dma_start3A_61 = arith.constant 0 : i32
      %dma_start3A_62 = tpu.memref_slice %arg5[%dma_start3A_60, %dma_start3A_61] : memref<10000x128xf32, #tpu.memory_space<hbm>> -> memref<10000x128xf32, #tpu.memory_space<hbm>>
      tpu.enqueue_indirect_dma source(%dma_start3A_62 : memref<10000x128xf32, #tpu.memory_space<hbm>>) target(%arg15 : memref<256x128xf32, #tpu.memory_space<vmem>>) offsets(%dma_start3A_59 : memref<256xi32, #tpu.memory_space<vmem>>) semaphore(%arg18 : memref<!tpu.dma_semaphore, #tpu.memory_space<semaphore_mem>>)
      %dma_wait3A = tpu.memref_slice %arg12[%mul3A_50] : memref<4224xi32, #tpu.memory_space<vmem>> -> memref<256xi32, #tpu.memory_space<vmem>>
      %dma_wait3A_63 = arith.constant 0 : i32
      %dma_wait3A_64 = arith.constant 0 : i32
      %dma_wait3A_65 = tpu.memref_slice %arg4[%dma_wait3A_63, %dma_wait3A_64] : memref<10240x128xf32, #tpu.memory_space<hbm>> -> memref<10240x128xf32, #tpu.memory_space<hbm>>
      tpu.wait_indirect_dma semaphore(%arg17 : memref<!tpu.dma_semaphore, #tpu.memory_space<semaphore_mem>>) src(%dma_wait3A_65 : memref<10240x128xf32, #tpu.memory_space<hbm>>) dst(%arg14 : memref<256x128xf32, #tpu.memory_space<vmem>>)
      "tpu.region"() ({
        %run_scoped3A = tpu.sem_alloc : memref<!tpu.dma_semaphore, #tpu.memory_space<semaphore_mem>>
        %dma_start3A_72 = arith.constant 0 : i32
        %dma_start3A_73 = tpu.memref_slice %arg6[%add3A_55, %dma_start3A_72] : memref<131072x128xf32, #tpu.memory_space<hbm>> -> memref<256x128xf32, #tpu.memory_space<hbm>>
        %dma_start3A_74 = arith.constant 0 : i32
        %dma_start3A_75 = tpu.memref_slice %arg6[%add3A_55, %dma_start3A_74] : memref<131072x128xf32, #tpu.memory_space<hbm>> -> memref<256x128xf32, #tpu.memory_space<hbm>>
        tpu.enqueue_dma source(%arg14 : memref<256x128xf32, #tpu.memory_space<vmem>>) target(%dma_start3A_75 : memref<256x128xf32, #tpu.memory_space<hbm>>) target_semaphore(%run_scoped3A : memref<!tpu.dma_semaphore, #tpu.memory_space<semaphore_mem>>)
        %dma_wait3A_76 = arith.constant 0 : i32
        %dma_wait3A_77 = tpu.memref_slice %arg6[%add3A_55, %dma_wait3A_76] : memref<131072x128xf32, #tpu.memory_space<hbm>> -> memref<256x128xf32, #tpu.memory_space<hbm>>
        %dma_wait3A_78 = arith.constant 0 : i32
        %dma_wait3A_79 = tpu.memref_slice %arg6[%add3A_55, %dma_wait3A_78] : memref<131072x128xf32, #tpu.memory_space<hbm>> -> memref<256x128xf32, #tpu.memory_space<hbm>>
        tpu.wait_dma2 semaphore(%run_scoped3A : memref<!tpu.dma_semaphore, #tpu.memory_space<semaphore_mem>>) src(%arg14 : memref<256x128xf32, #tpu.memory_space<vmem>>) dst(%dma_wait3A_79 : memref<256x128xf32, #tpu.memory_space<hbm>>)
        tpu.yield
      }) : () -> ()
      %dma_wait3A_66 = tpu.memref_slice %arg12[%mul3A_50] : memref<4224xi32, #tpu.memory_space<vmem>> -> memref<256xi32, #tpu.memory_space<vmem>>
      %dma_wait3A_67 = arith.constant 0 : i32
      %dma_wait3A_68 = arith.constant 0 : i32
      %dma_wait3A_69 = tpu.memref_slice %arg5[%dma_wait3A_67, %dma_wait3A_68] : memref<10000x128xf32, #tpu.memory_space<hbm>> -> memref<10000x128xf32, #tpu.memory_space<hbm>>
      tpu.wait_indirect_dma semaphore(%arg18 : memref<!tpu.dma_semaphore, #tpu.memory_space<semaphore_mem>>) src(%dma_wait3A_69 : memref<10000x128xf32, #tpu.memory_space<hbm>>) dst(%arg15 : memref<256x128xf32, #tpu.memory_space<vmem>>)
      "tpu.region"() ({
        %run_scoped3A = tpu.sem_alloc : memref<!tpu.dma_semaphore, #tpu.memory_space<semaphore_mem>>
        %dma_start3A_72 = arith.constant 0 : i32
        %dma_start3A_73 = tpu.memref_slice %arg7[%add3A_55, %dma_start3A_72] : memref<131072x128xf32, #tpu.memory_space<hbm>> -> memref<256x128xf32, #tpu.memory_space<hbm>>
        %dma_start3A_74 = arith.constant 0 : i32
        %dma_start3A_75 = tpu.memref_slice %arg7[%add3A_55, %dma_start3A_74] : memref<131072x128xf32, #tpu.memory_space<hbm>> -> memref<256x128xf32, #tpu.memory_space<hbm>>
        tpu.enqueue_dma source(%arg15 : memref<256x128xf32, #tpu.memory_space<vmem>>) target(%dma_start3A_75 : memref<256x128xf32, #tpu.memory_space<hbm>>) target_semaphore(%run_scoped3A : memref<!tpu.dma_semaphore, #tpu.memory_space<semaphore_mem>>)
        %dma_wait3A_76 = arith.constant 0 : i32
        %dma_wait3A_77 = tpu.memref_slice %arg7[%add3A_55, %dma_wait3A_76] : memref<131072x128xf32, #tpu.memory_space<hbm>> -> memref<256x128xf32, #tpu.memory_space<hbm>>
        %dma_wait3A_78 = arith.constant 0 : i32
        %dma_wait3A_79 = tpu.memref_slice %arg7[%add3A_55, %dma_wait3A_78] : memref<131072x128xf32, #tpu.memory_space<hbm>> -> memref<256x128xf32, #tpu.memory_space<hbm>>
        tpu.wait_dma2 semaphore(%run_scoped3A : memref<!tpu.dma_semaphore, #tpu.memory_space<semaphore_mem>>) src(%arg15 : memref<256x128xf32, #tpu.memory_space<vmem>>) dst(%dma_wait3A_79 : memref<256x128xf32, #tpu.memory_space<hbm>>)
        tpu.yield
      }) : () -> ()
      %mul3A_70 = arith.constant 256 : i32
      %mul3A_71 = arith.muli %while3A_48, %mul3A_70 : i32
      "tpu.region"() ({
        %run_scoped3A = tpu.sem_alloc : memref<!tpu.dma_semaphore, #tpu.memory_space<semaphore_mem>>
        %dma_start3A_72 = tpu.memref_slice %arg13[%mul3A_71] : memref<4224xi32, #tpu.memory_space<vmem>> -> memref<256xi32, #tpu.memory_space<vmem>>
        %dma_start3A_73 = tpu.memref_slice %arg8[%add3A_55] : memref<131072xi32, #tpu.memory_space<hbm>> -> memref<256xi32, #tpu.memory_space<hbm>>
        %dma_start3A_74 = tpu.memref_slice %arg8[%add3A_55] : memref<131072xi32, #tpu.memory_space<hbm>> -> memref<256xi32, #tpu.memory_space<hbm>>
        %dma_start3A_75 = tpu.memref_slice %arg13[%mul3A_71] : memref<4224xi32, #tpu.memory_space<vmem>> -> memref<256xi32, #tpu.memory_space<vmem>>
        tpu.enqueue_dma source(%dma_start3A_75 : memref<256xi32, #tpu.memory_space<vmem>>) target(%dma_start3A_74 : memref<256xi32, #tpu.memory_space<hbm>>) target_semaphore(%run_scoped3A : memref<!tpu.dma_semaphore, #tpu.memory_space<semaphore_mem>>)
        %dma_wait3A_76 = tpu.memref_slice %arg13[%mul3A_71] : memref<4224xi32, #tpu.memory_space<vmem>> -> memref<256xi32, #tpu.memory_space<vmem>>
        %dma_wait3A_77 = tpu.memref_slice %arg8[%add3A_55] : memref<131072xi32, #tpu.memory_space<hbm>> -> memref<256xi32, #tpu.memory_space<hbm>>
        %dma_wait3A_78 = tpu.memref_slice %arg8[%add3A_55] : memref<131072xi32, #tpu.memory_space<hbm>> -> memref<256xi32, #tpu.memory_space<hbm>>
        %dma_wait3A_79 = tpu.memref_slice %arg13[%mul3A_71] : memref<4224xi32, #tpu.memory_space<vmem>> -> memref<256xi32, #tpu.memory_space<vmem>>
        tpu.wait_dma2 semaphore(%run_scoped3A : memref<!tpu.dma_semaphore, #tpu.memory_space<semaphore_mem>>) src(%dma_wait3A_79 : memref<256xi32, #tpu.memory_space<vmem>>) dst(%dma_wait3A_78 : memref<256xi32, #tpu.memory_space<hbm>>)
        tpu.yield
      }) : () -> ()
    }
    %while3A_45 = arith.constant 1 : i32
    scf.for %while3A_48 = %while3A_43 to %while3A_39 step %while3A_45  : i32 {
      %mul3A_49 = arith.constant 256 : i32
      %mul3A_50 = arith.muli %while3A_48, %mul3A_49 : i32
      %mul3A_51 = arith.constant 4096 : i32
      %mul3A_52 = arith.muli %add3A, %mul3A_51 : i32
      %mul3A_53 = arith.constant 256 : i32
      %mul3A_54 = arith.muli %while3A_48, %mul3A_53 : i32
      %add3A_55 = arith.addi %mul3A_52, %mul3A_54 : i32
      %dma_start3A = tpu.memref_slice %arg12[%mul3A_50] : memref<4224xi32, #tpu.memory_space<vmem>> -> memref<256xi32, #tpu.memory_space<vmem>>
      %dma_start3A_56 = arith.constant 0 : i32
      %dma_start3A_57 = arith.constant 0 : i32
      %dma_start3A_58 = tpu.memref_slice %arg4[%dma_start3A_56, %dma_start3A_57] : memref<10240x128xf32, #tpu.memory_space<hbm>> -> memref<10240x128xf32, #tpu.memory_space<hbm>>
      tpu.enqueue_indirect_dma source(%dma_start3A_58 : memref<10240x128xf32, #tpu.memory_space<hbm>>) target(%arg14 : memref<256x128xf32, #tpu.memory_space<vmem>>) offsets(%dma_start3A : memref<256xi32, #tpu.memory_space<vmem>>) semaphore(%arg17 : memref<!tpu.dma_semaphore, #tpu.memory_space<semaphore_mem>>)
      %dma_start3A_59 = tpu.memref_slice %arg12[%mul3A_50] : memref<4224xi32, #tpu.memory_space<vmem>> -> memref<256xi32, #tpu.memory_space<vmem>>
      %dma_start3A_60 = arith.constant 0 : i32
      %dma_start3A_61 = arith.constant 0 : i32
      %dma_start3A_62 = tpu.memref_slice %arg5[%dma_start3A_60, %dma_start3A_61] : memref<10000x128xf32, #tpu.memory_space<hbm>> -> memref<10000x128xf32, #tpu.memory_space<hbm>>
      tpu.enqueue_indirect_dma source(%dma_start3A_62 : memref<10000x128xf32, #tpu.memory_space<hbm>>) target(%arg15 : memref<256x128xf32, #tpu.memory_space<vmem>>) offsets(%dma_start3A_59 : memref<256xi32, #tpu.memory_space<vmem>>) semaphore(%arg18 : memref<!tpu.dma_semaphore, #tpu.memory_space<semaphore_mem>>)
      %dma_wait3A = tpu.memref_slice %arg12[%mul3A_50] : memref<4224xi32, #tpu.memory_space<vmem>> -> memref<256xi32, #tpu.memory_space<vmem>>
      %dma_wait3A_63 = arith.constant 0 : i32
      %dma_wait3A_64 = arith.constant 0 : i32
      %dma_wait3A_65 = tpu.memref_slice %arg4[%dma_wait3A_63, %dma_wait3A_64] : memref<10240x128xf32, #tpu.memory_space<hbm>> -> memref<10240x128xf32, #tpu.memory_space<hbm>>
      tpu.wait_indirect_dma semaphore(%arg17 : memref<!tpu.dma_semaphore, #tpu.memory_space<semaphore_mem>>) src(%dma_wait3A_65 : memref<10240x128xf32, #tpu.memory_space<hbm>>) dst(%arg14 : memref<256x128xf32, #tpu.memory_space<vmem>>)
      "tpu.region"() ({
        %run_scoped3A = tpu.sem_alloc : memref<!tpu.dma_semaphore, #tpu.memory_space<semaphore_mem>>
        %dma_start3A_72 = arith.constant 0 : i32
        %dma_start3A_73 = tpu.memref_slice %arg6[%add3A_55, %dma_start3A_72] : memref<131072x128xf32, #tpu.memory_space<hbm>> -> memref<256x128xf32, #tpu.memory_space<hbm>>
        %dma_start3A_74 = arith.constant 0 : i32
        %dma_start3A_75 = tpu.memref_slice %arg6[%add3A_55, %dma_start3A_74] : memref<131072x128xf32, #tpu.memory_space<hbm>> -> memref<256x128xf32, #tpu.memory_space<hbm>>
        tpu.enqueue_dma source(%arg14 : memref<256x128xf32, #tpu.memory_space<vmem>>) target(%dma_start3A_75 : memref<256x128xf32, #tpu.memory_space<hbm>>) target_semaphore(%run_scoped3A : memref<!tpu.dma_semaphore, #tpu.memory_space<semaphore_mem>>)
        %dma_wait3A_76 = arith.constant 0 : i32
        %dma_wait3A_77 = tpu.memref_slice %arg6[%add3A_55, %dma_wait3A_76] : memref<131072x128xf32, #tpu.memory_space<hbm>> -> memref<256x128xf32, #tpu.memory_space<hbm>>
        %dma_wait3A_78 = arith.constant 0 : i32
        %dma_wait3A_79 = tpu.memref_slice %arg6[%add3A_55, %dma_wait3A_78] : memref<131072x128xf32, #tpu.memory_space<hbm>> -> memref<256x128xf32, #tpu.memory_space<hbm>>
        tpu.wait_dma2 semaphore(%run_scoped3A : memref<!tpu.dma_semaphore, #tpu.memory_space<semaphore_mem>>) src(%arg14 : memref<256x128xf32, #tpu.memory_space<vmem>>) dst(%dma_wait3A_79 : memref<256x128xf32, #tpu.memory_space<hbm>>)
        tpu.yield
      }) : () -> ()
      %dma_wait3A_66 = tpu.memref_slice %arg12[%mul3A_50] : memref<4224xi32, #tpu.memory_space<vmem>> -> memref<256xi32, #tpu.memory_space<vmem>>
      %dma_wait3A_67 = arith.constant 0 : i32
      %dma_wait3A_68 = arith.constant 0 : i32
      %dma_wait3A_69 = tpu.memref_slice %arg5[%dma_wait3A_67, %dma_wait3A_68] : memref<10000x128xf32, #tpu.memory_space<hbm>> -> memref<10000x128xf32, #tpu.memory_space<hbm>>
      tpu.wait_indirect_dma semaphore(%arg18 : memref<!tpu.dma_semaphore, #tpu.memory_space<semaphore_mem>>) src(%dma_wait3A_69 : memref<10000x128xf32, #tpu.memory_space<hbm>>) dst(%arg15 : memref<256x128xf32, #tpu.memory_space<vmem>>)
      "tpu.region"() ({
        %run_scoped3A = tpu.sem_alloc : memref<!tpu.dma_semaphore, #tpu.memory_space<semaphore_mem>>
        %dma_start3A_72 = arith.constant 0 : i32
        %dma_start3A_73 = tpu.memref_slice %arg7[%add3A_55, %dma_start3A_72] : memref<131072x128xf32, #tpu.memory_space<hbm>> -> memref<256x128xf32, #tpu.memory_space<hbm>>
        %dma_start3A_74 = arith.constant 0 : i32
        %dma_start3A_75 = tpu.memref_slice %arg7[%add3A_55, %dma_start3A_74] : memref<131072x128xf32, #tpu.memory_space<hbm>> -> memref<256x128xf32, #tpu.memory_space<hbm>>
        tpu.enqueue_dma source(%arg15 : memref<256x128xf32, #tpu.memory_space<vmem>>) target(%dma_start3A_75 : memref<256x128xf32, #tpu.memory_space<hbm>>) target_semaphore(%run_scoped3A : memref<!tpu.dma_semaphore, #tpu.memory_space<semaphore_mem>>)
        %dma_wait3A_76 = arith.constant 0 : i32
        %dma_wait3A_77 = tpu.memref_slice %arg7[%add3A_55, %dma_wait3A_76] : memref<131072x128xf32, #tpu.memory_space<hbm>> -> memref<256x128xf32, #tpu.memory_space<hbm>>
        %dma_wait3A_78 = arith.constant 0 : i32
        %dma_wait3A_79 = tpu.memref_slice %arg7[%add3A_55, %dma_wait3A_78] : memref<131072x128xf32, #tpu.memory_space<hbm>> -> memref<256x128xf32, #tpu.memory_space<hbm>>
        tpu.wait_dma2 semaphore(%run_scoped3A : memref<!tpu.dma_semaphore, #tpu.memory_space<semaphore_mem>>) src(%arg15 : memref<256x128xf32, #tpu.memory_space<vmem>>) dst(%dma_wait3A_79 : memref<256x128xf32, #tpu.memory_space<hbm>>)
        tpu.yield
      }) : () -> ()
      %mul3A_70 = arith.constant 256 : i32
      %mul3A_71 = arith.muli %while3A_48, %mul3A_70 : i32
      "tpu.region"() ({
        %run_scoped3A = tpu.sem_alloc : memref<!tpu.dma_semaphore, #tpu.memory_space<semaphore_mem>>
        %dma_start3A_72 = tpu.memref_slice %arg13[%mul3A_71] : memref<4224xi32, #tpu.memory_space<vmem>> -> memref<256xi32, #tpu.memory_space<vmem>>
        %dma_start3A_73 = tpu.memref_slice %arg8[%add3A_55] : memref<131072xi32, #tpu.memory_space<hbm>> -> memref<256xi32, #tpu.memory_space<hbm>>
        %dma_start3A_74 = tpu.memref_slice %arg8[%add3A_55] : memref<131072xi32, #tpu.memory_space<hbm>> -> memref<256xi32, #tpu.memory_space<hbm>>
        %dma_start3A_75 = tpu.memref_slice %arg13[%mul3A_71] : memref<4224xi32, #tpu.memory_space<vmem>> -> memref<256xi32, #tpu.memory_space<vmem>>
        tpu.enqueue_dma source(%dma_start3A_75 : memref<256xi32, #tpu.memory_space<vmem>>) target(%dma_start3A_74 : memref<256xi32, #tpu.memory_space<hbm>>) target_semaphore(%run_scoped3A : memref<!tpu.dma_semaphore, #tpu.memory_space<semaphore_mem>>)
        %dma_wait3A_76 = tpu.memref_slice %arg13[%mul3A_71] : memref<4224xi32, #tpu.memory_space<vmem>> -> memref<256xi32, #tpu.memory_space<vmem>>
        %dma_wait3A_77 = tpu.memref_slice %arg8[%add3A_55] : memref<131072xi32, #tpu.memory_space<hbm>> -> memref<256xi32, #tpu.memory_space<hbm>>
        %dma_wait3A_78 = tpu.memref_slice %arg8[%add3A_55] : memref<131072xi32, #tpu.memory_space<hbm>> -> memref<256xi32, #tpu.memory_space<hbm>>
        %dma_wait3A_79 = tpu.memref_slice %arg13[%mul3A_71] : memref<4224xi32, #tpu.memory_space<vmem>> -> memref<256xi32, #tpu.memory_space<vmem>>
        tpu.wait_dma2 semaphore(%run_scoped3A : memref<!tpu.dma_semaphore, #tpu.memory_space<semaphore_mem>>) src(%dma_wait3A_79 : memref<256xi32, #tpu.memory_space<vmem>>) dst(%dma_wait3A_78 : memref<256xi32, #tpu.memory_space<hbm>>)
        tpu.yield
      }) : () -> ()
    }
    %broadcast_in_dim3A_46 = vector.broadcast %min3A_16 : i32 to vector<16xi32>
    %swap3A = arith.constant 0 : index
    %swap3A_47 = tpu.vector_load %arg16[%swap3A] {strides = array<i32>} : memref<16xi32, #tpu.memory_space<vmem>>, vector<16xi32>,
    tpu.vector_store %arg16[%swap3A], %broadcast_in_dim3A_46 {strides = array<i32>} : memref<16xi32, #tpu.memory_space<vmem>>, vector<16xi32>,
    "tpu.region"() ({
      %run_scoped3A = tpu.sem_alloc : memref<!tpu.dma_semaphore, #tpu.memory_space<semaphore_mem>>
      %dma_start3A = arith.constant 0 : i32
      %dma_start3A_48 = tpu.memref_slice %arg9[%add3A, %dma_start3A] : memref<32x16xi32, #tpu.memory_space<hbm>> -> memref<1x16xi32, #tpu.memory_space<hbm>>
      %dma_start3A_49 = tpu.memref_squeeze %dma_start3A_48 : memref<1x16xi32, #tpu.memory_space<hbm>> -> memref<16xi32, #tpu.memory_space<hbm>>
      %dma_start3A_50 = arith.constant 0 : i32
      %dma_start3A_51 = tpu.memref_slice %arg9[%add3A, %dma_start3A_50] : memref<32x16xi32, #tpu.memory_space<hbm>> -> memref<1x16xi32, #tpu.memory_space<hbm>>
      %dma_start3A_52 = tpu.memref_squeeze %dma_start3A_51 : memref<1x16xi32, #tpu.memory_space<hbm>> -> memref<16xi32, #tpu.memory_space<hbm>>
      tpu.enqueue_dma source(%arg16 : memref<16xi32, #tpu.memory_space<vmem>>) target(%dma_start3A_52 : memref<16xi32, #tpu.memory_space<hbm>>) target_semaphore(%run_scoped3A : memref<!tpu.dma_semaphore, #tpu.memory_space<semaphore_mem>>)
      %dma_wait3A = arith.constant 0 : i32
      %dma_wait3A_53 = tpu.memref_slice %arg9[%add3A, %dma_wait3A] : memref<32x16xi32, #tpu.memory_space<hbm>> -> memref<1x16xi32, #tpu.memory_space<hbm>>
      %dma_wait3A_54 = tpu.memref_squeeze %dma_wait3A_53 : memref<1x16xi32, #tpu.memory_space<hbm>> -> memref<16xi32, #tpu.memory_space<hbm>>
      %dma_wait3A_55 = arith.constant 0 : i32
      %dma_wait3A_56 = tpu.memref_slice %arg9[%add3A, %dma_wait3A_55] : memref<32x16xi32, #tpu.memory_space<hbm>> -> memref<1x16xi32, #tpu.memory_space<hbm>>
      %dma_wait3A_57 = tpu.memref_squeeze %dma_wait3A_56 : memref<1x16xi32, #tpu.memory_space<hbm>> -> memref<16xi32, #tpu.memory_space<hbm>>
      tpu.wait_dma2 semaphore(%run_scoped3A : memref<!tpu.dma_semaphore, #tpu.memory_space<semaphore_mem>>) src(%arg16 : memref<16xi32, #tpu.memory_space<vmem>>) dst(%dma_wait3A_57 : memref<16xi32, #tpu.memory_space<hbm>>)
      tpu.yield
    }) : () -> ()
    return
  }
}

module attributes {stable_mosaic.version = 14 : i64} {
  func.func @_stage_a_body(%arg0: i32, %arg1: memref<512x3xf32, #tpu.memory_space<vmem>>, %arg2: memref<1280x3xf32, #tpu.memory_space<vmem>>, %arg3: memref<512x10240xi8, #tpu.memory_space<vmem>>, %arg4: memref<3x192xf32, #tpu.memory_space<vmem>>, %arg5: memref<192x128xf32, #tpu.memory_space<vmem>>, %arg6: memref<192x128xf32, #tpu.memory_space<vmem>>, %arg7: memref<1x128xf32, #tpu.memory_space<vmem>>, %arg8: memref<512x128xf32, #tpu.memory_space<vmem>>, %arg9: memref<1280x128xf32, #tpu.memory_space<vmem>>, %arg10: memref<512x640xi32, #tpu.memory_space<vmem>>, %arg11: memref<512x48xi32, #tpu.memory_space<vmem>>) attributes {dimension_semantics = [#tpu.dimension_semantics<arbitrary>], iteration_bounds = array<i64: 8>, scalar_prefetch = 0 : i64, scratch_operands = 0 : i64, tpu.core_type = #tpu.core_type<tc>, window_params = [{transform_indices = @transform_0, window_bounds = array<i64: 512, 3>}, {transform_indices = @transform_1, window_bounds = array<i64: 1280, 3>}, {transform_indices = @transform_2, window_bounds = array<i64: 512, 10240>}, {pipeline_mode = #tpu.pipeline_mode<synchronous>, transform_indices = @transform_3, window_bounds = array<i64: 3, 192>}, {pipeline_mode = #tpu.pipeline_mode<synchronous>, transform_indices = @transform_4, window_bounds = array<i64: 192, 128>}, {pipeline_mode = #tpu.pipeline_mode<synchronous>, transform_indices = @transform_5, window_bounds = array<i64: 192, 128>}, {pipeline_mode = #tpu.pipeline_mode<synchronous>, transform_indices = @transform_6, window_bounds = array<i64: 1, 128>}, {transform_indices = @transform_7, window_bounds = array<i64: 512, 128>}, {transform_indices = @transform_8, window_bounds = array<i64: 1280, 128>}, {transform_indices = @transform_9, window_bounds = array<i64: 512, 640>}, {transform_indices = @transform_10, window_bounds = array<i64: 512, 48>}]} {
    %get3A = arith.constant 0 : index
    %get3A_0 = arith.constant 0 : index
    %get3A_1 = vector.load %arg2[%get3A, %get3A_0] : memref<1280x3xf32, #tpu.memory_space<vmem>>, vector<1280x3xf32>
    %slice3A = vector.extract_strided_slice %get3A_1 {offsets = [0, 0], sizes = [1280, 1], strides = [1, 1]} : vector<1280x3xf32> to vector<1280x1xf32>
    %get3A_2 = arith.constant 0 : index
    %get3A_3 = arith.constant 0 : index
    %get3A_4 = vector.load %arg4[%get3A_2, %get3A_3] : memref<3x192xf32, #tpu.memory_space<vmem>>, vector<1x192xf32>
    %mul3A = vector.broadcast %slice3A : vector<1280x1xf32> to vector<1280x192xf32>
    %mul3A_5 = vector.broadcast %get3A_4 : vector<1x192xf32> to vector<1280x192xf32>
    %mul3A_6 = arith.mulf %mul3A, %mul3A_5 : vector<1280x192xf32>
    %slice3A_7 = vector.extract_strided_slice %get3A_1 {offsets = [0, 1], sizes = [1280, 1], strides = [1, 1]} : vector<1280x3xf32> to vector<1280x1xf32>
    %get3A_8 = arith.constant 1 : index
    %get3A_9 = arith.constant 0 : index
    %get3A_10 = vector.load %arg4[%get3A_8, %get3A_9] : memref<3x192xf32, #tpu.memory_space<vmem>>, vector<1x192xf32>
    %mul3A_11 = vector.broadcast %slice3A_7 : vector<1280x1xf32> to vector<1280x192xf32>
    %mul3A_12 = vector.broadcast %get3A_10 : vector<1x192xf32> to vector<1280x192xf32>
    %mul3A_13 = arith.mulf %mul3A_11, %mul3A_12 : vector<1280x192xf32>
    %add3A = arith.addf %mul3A_6, %mul3A_13 : vector<1280x192xf32>
    %slice3A_14 = vector.extract_strided_slice %get3A_1 {offsets = [0, 2], sizes = [1280, 1], strides = [1, 1]} : vector<1280x3xf32> to vector<1280x1xf32>
    %get3A_15 = arith.constant 2 : index
    %get3A_16 = arith.constant 0 : index
    %get3A_17 = vector.load %arg4[%get3A_15, %get3A_16] : memref<3x192xf32, #tpu.memory_space<vmem>>, vector<1x192xf32>
    %mul3A_18 = vector.broadcast %slice3A_14 : vector<1280x1xf32> to vector<1280x192xf32>
    %mul3A_19 = vector.broadcast %get3A_17 : vector<1x192xf32> to vector<1280x192xf32>
    %mul3A_20 = arith.mulf %mul3A_18, %mul3A_19 : vector<1280x192xf32>
    %add3A_21 = arith.addf %add3A, %mul3A_20 : vector<1280x192xf32>
    %iota3A = tpu.iota {dimensions = array<i32: 1>} : vector<1280x192xi32>
    %jit3A = arith.constant 2 : i32
    %eq3A = arith.constant 0 : i32
    %eq3A_22 = arith.cmpi eq, %jit3A, %eq3A : i32
    %jit3A_23 = arith.constant 1 : i32
    %select_n3A = arith.select %eq3A_22, %jit3A_23, %jit3A : i32
    %rem3A = vector.broadcast %select_n3A : i32 to vector<1280x192xi32>
    %rem3A_24 = arith.remsi %iota3A, %rem3A : vector<1280x192xi32>
    %ne3A = arith.constant 0 : i32
    %ne3A_25 = vector.broadcast %ne3A : i32 to vector<1280x192xi32>
    %ne3A_26 = arith.cmpi ne, %rem3A_24, %ne3A_25 : vector<1280x192xi32>
    %lt3A = arith.constant 0 : i32
    %lt3A_27 = vector.broadcast %lt3A : i32 to vector<1280x192xi32>
    %lt3A_28 = arith.cmpi slt, %rem3A_24, %lt3A_27 : vector<1280x192xi32>
    %lt3A_29 = arith.constant 0 : i32
    %lt3A_30 = arith.cmpi slt, %select_n3A, %lt3A_29 : i32
    %ne3A_31 = vector.broadcast %lt3A_30 : i1 to vector<1280x192xi1>
    %ne3A_32 = vector.broadcast %ne3A_31 : vector<1280x192xi1> to vector<1280x192xi1>
    %ne3A_33 = arith.xori %lt3A_28, %ne3A_32 : vector<1280x192xi1>
    %and3A = arith.andi %ne3A_33, %ne3A_26 : vector<1280x192xi1>
    %add3A_34 = vector.broadcast %select_n3A : i32 to vector<1280x192xi32>
    %add3A_35 = arith.addi %rem3A_24, %add3A_34 : vector<1280x192xi32>
    %select_n3A_36 = arith.select %and3A, %add3A_35, %rem3A_24 : vector<1280x192xi1>, vector<1280x192xi32>
    %eq3A_37 = arith.constant 0 : i32
    %eq3A_38 = vector.broadcast %eq3A_37 : i32 to vector<1280x192xi32>
    %eq3A_39 = arith.cmpi eq, %select_n3A_36, %eq3A_38 : vector<1280x192xi32>
    %sin3A = math.sin %add3A_21 : vector<1280x192xf32>
    %cos3A = math.cos %add3A_21 : vector<1280x192xf32>
    %select_n3A_40 = arith.select %eq3A_39, %sin3A, %cos3A : vector<1280x192xi1>, vector<1280x192xf32>
    %get3A_41 = arith.constant 0 : index
    %get3A_42 = arith.constant 0 : index
    %get3A_43 = vector.load %arg5[%get3A_41, %get3A_42] : memref<192x128xf32, #tpu.memory_space<vmem>>, vector<192x128xf32>
    %dot_general3A = arith.constant dense<0.000000e+00> : vector<1280x128xf32>
    %dot_general3A_44 = tpu.matmul %select_n3A_40, %get3A_43, %dot_general3A {dimension_numbers = #tpu.dot_dimension_numbers<[1], [0], [0], [1], [0, 0, 1, 1], [], []>, transpose_lhs_hint = false} : vector<1280x192xf32>, vector<192x128xf32>, vector<1280x128xf32> -> vector<1280x128xf32>
    %swap3A = arith.constant 0 : index
    %swap3A_45 = arith.constant 0 : index
    %swap3A_46 = vector.load %arg9[%swap3A, %swap3A_45] : memref<1280x128xf32, #tpu.memory_space<vmem>>, vector<1280x128xf32>
    tpu.vector_store %arg9[%swap3A, %swap3A_45], %dot_general3A_44 {strides = array<i32>} : memref<1280x128xf32, #tpu.memory_space<vmem>>, vector<1280x128xf32>,
    %get3A_47 = arith.constant 0 : index
    %get3A_48 = arith.constant 0 : index
    %get3A_49 = vector.load %arg1[%get3A_47, %get3A_48] : memref<512x3xf32, #tpu.memory_space<vmem>>, vector<512x3xf32>
    %slice3A_50 = vector.extract_strided_slice %get3A_49 {offsets = [0, 0], sizes = [512, 1], strides = [1, 1]} : vector<512x3xf32> to vector<512x1xf32>
    %get3A_51 = arith.constant 0 : index
    %get3A_52 = arith.constant 0 : index
    %get3A_53 = vector.load %arg4[%get3A_51, %get3A_52] : memref<3x192xf32, #tpu.memory_space<vmem>>, vector<1x192xf32>
    %mul3A_54 = vector.broadcast %slice3A_50 : vector<512x1xf32> to vector<512x192xf32>
    %mul3A_55 = vector.broadcast %get3A_53 : vector<1x192xf32> to vector<512x192xf32>
    %mul3A_56 = arith.mulf %mul3A_54, %mul3A_55 : vector<512x192xf32>
    %slice3A_57 = vector.extract_strided_slice %get3A_49 {offsets = [0, 1], sizes = [512, 1], strides = [1, 1]} : vector<512x3xf32> to vector<512x1xf32>
    %get3A_58 = arith.constant 1 : index
    %get3A_59 = arith.constant 0 : index
    %get3A_60 = vector.load %arg4[%get3A_58, %get3A_59] : memref<3x192xf32, #tpu.memory_space<vmem>>, vector<1x192xf32>
    %mul3A_61 = vector.broadcast %slice3A_57 : vector<512x1xf32> to vector<512x192xf32>
    %mul3A_62 = vector.broadcast %get3A_60 : vector<1x192xf32> to vector<512x192xf32>
    %mul3A_63 = arith.mulf %mul3A_61, %mul3A_62 : vector<512x192xf32>
    %add3A_64 = arith.addf %mul3A_56, %mul3A_63 : vector<512x192xf32>
    %slice3A_65 = vector.extract_strided_slice %get3A_49 {offsets = [0, 2], sizes = [512, 1], strides = [1, 1]} : vector<512x3xf32> to vector<512x1xf32>
    %get3A_66 = arith.constant 2 : index
    %get3A_67 = arith.constant 0 : index
    %get3A_68 = vector.load %arg4[%get3A_66, %get3A_67] : memref<3x192xf32, #tpu.memory_space<vmem>>, vector<1x192xf32>
    %mul3A_69 = vector.broadcast %slice3A_65 : vector<512x1xf32> to vector<512x192xf32>
    %mul3A_70 = vector.broadcast %get3A_68 : vector<1x192xf32> to vector<512x192xf32>
    %mul3A_71 = arith.mulf %mul3A_69, %mul3A_70 : vector<512x192xf32>
    %add3A_72 = arith.addf %add3A_64, %mul3A_71 : vector<512x192xf32>
    %iota3A_73 = tpu.iota {dimensions = array<i32: 1>} : vector<512x192xi32>
    %jit3A_74 = arith.constant 2 : i32
    %eq3A_75 = arith.constant 0 : i32
    %eq3A_76 = arith.cmpi eq, %jit3A_74, %eq3A_75 : i32
    %jit3A_77 = arith.constant 1 : i32
    %select_n3A_78 = arith.select %eq3A_76, %jit3A_77, %jit3A_74 : i32
    %rem3A_79 = vector.broadcast %select_n3A_78 : i32 to vector<512x192xi32>
    %rem3A_80 = arith.remsi %iota3A_73, %rem3A_79 : vector<512x192xi32>
    %ne3A_81 = arith.constant 0 : i32
    %ne3A_82 = vector.broadcast %ne3A_81 : i32 to vector<512x192xi32>
    %ne3A_83 = arith.cmpi ne, %rem3A_80, %ne3A_82 : vector<512x192xi32>
    %lt3A_84 = arith.constant 0 : i32
    %lt3A_85 = vector.broadcast %lt3A_84 : i32 to vector<512x192xi32>
    %lt3A_86 = arith.cmpi slt, %rem3A_80, %lt3A_85 : vector<512x192xi32>
    %lt3A_87 = arith.constant 0 : i32
    %lt3A_88 = arith.cmpi slt, %select_n3A_78, %lt3A_87 : i32
    %ne3A_89 = vector.broadcast %lt3A_88 : i1 to vector<512x192xi1>
    %ne3A_90 = vector.broadcast %ne3A_89 : vector<512x192xi1> to vector<512x192xi1>
    %ne3A_91 = arith.xori %lt3A_86, %ne3A_90 : vector<512x192xi1>
    %and3A_92 = arith.andi %ne3A_91, %ne3A_83 : vector<512x192xi1>
    %add3A_93 = vector.broadcast %select_n3A_78 : i32 to vector<512x192xi32>
    %add3A_94 = arith.addi %rem3A_80, %add3A_93 : vector<512x192xi32>
    %select_n3A_95 = arith.select %and3A_92, %add3A_94, %rem3A_80 : vector<512x192xi1>, vector<512x192xi32>
    %eq3A_96 = arith.constant 0 : i32
    %eq3A_97 = vector.broadcast %eq3A_96 : i32 to vector<512x192xi32>
    %eq3A_98 = arith.cmpi eq, %select_n3A_95, %eq3A_97 : vector<512x192xi32>
    %sin3A_99 = math.sin %add3A_72 : vector<512x192xf32>
    %cos3A_100 = math.cos %add3A_72 : vector<512x192xf32>
    %select_n3A_101 = arith.select %eq3A_98, %sin3A_99, %cos3A_100 : vector<512x192xi1>, vector<512x192xf32>
    %get3A_102 = arith.constant 0 : index
    %get3A_103 = arith.constant 0 : index
    %get3A_104 = vector.load %arg6[%get3A_102, %get3A_103] : memref<192x128xf32, #tpu.memory_space<vmem>>, vector<192x128xf32>
    %dot_general3A_105 = arith.constant dense<0.000000e+00> : vector<512x128xf32>
    %dot_general3A_106 = tpu.matmul %select_n3A_101, %get3A_104, %dot_general3A_105 {dimension_numbers = #tpu.dot_dimension_numbers<[1], [0], [0], [1], [0, 0, 1, 1], [], []>, transpose_lhs_hint = false} : vector<512x192xf32>, vector<192x128xf32>, vector<512x128xf32> -> vector<512x128xf32>
    %get3A_107 = arith.constant 0 : index
    %get3A_108 = arith.constant 0 : index
    %get3A_109 = vector.load %arg7[%get3A_107, %get3A_108] : memref<1x128xf32, #tpu.memory_space<vmem>>, vector<1x128xf32>
    %add3A_110 = vector.broadcast %get3A_109 : vector<1x128xf32> to vector<512x128xf32>
    %add3A_111 = arith.addf %dot_general3A_106, %add3A_110 : vector<512x128xf32>
    %swap3A_112 = arith.constant 0 : index
    %swap3A_113 = arith.constant 0 : index
    %swap3A_114 = vector.load %arg8[%swap3A_112, %swap3A_113] : memref<512x128xf32, #tpu.memory_space<vmem>>, vector<512x128xf32>
    tpu.vector_store %arg8[%swap3A_112, %swap3A_113], %add3A_111 {strides = array<i32>} : memref<512x128xf32, #tpu.memory_space<vmem>>, vector<512x128xf32>,
    %get3A_115 = arith.constant 0 : index
    %get3A_116 = arith.constant 0 : index
    %get3A_117 = vector.load %arg3[%get3A_115, %get3A_116] : memref<512x10240xi8, #tpu.memory_space<vmem>>, vector<512x10240xi8>
    %ne3A_118 = arith.constant 0 : i8
    %ne3A_119 = vector.broadcast %ne3A_118 : i8 to vector<512x10240xi8>
    %ne3A_120 = arith.cmpi ne, %get3A_117, %ne3A_119 : vector<512x10240xi8>
    %convert_element_type3A = arith.extui %ne3A_120 : vector<512x10240xi1> to vector<512x10240xi32>
    %convert_element_type3A_121 = arith.sitofp %convert_element_type3A : vector<512x10240xi32> to vector<512x10240xf32>
    %broadcast_in_dim3A = arith.constant 0.000000e+00 : f32
    %broadcast_in_dim3A_122 = vector.broadcast %broadcast_in_dim3A : f32 to vector<512x640xf32>
    %slice3A_123 = vector.extract_strided_slice %convert_element_type3A_121 {offsets = [0, 0], sizes = [512, 640], strides = [1, 1]} : vector<512x10240xf32> to vector<512x640xf32>
    %mul3A_124 = arith.constant 1.000000e+00 : f32
    %mul3A_125 = vector.broadcast %mul3A_124 : f32 to vector<512x640xf32>
    %mul3A_126 = arith.mulf %slice3A_123, %mul3A_125 : vector<512x640xf32>
    %add3A_127 = arith.addf %broadcast_in_dim3A_122, %mul3A_126 : vector<512x640xf32>
    %slice3A_128 = vector.extract_strided_slice %convert_element_type3A_121 {offsets = [0, 640], sizes = [512, 640], strides = [1, 1]} : vector<512x10240xf32> to vector<512x640xf32>
    %mul3A_129 = arith.constant 2.000000e+00 : f32
    %mul3A_130 = vector.broadcast %mul3A_129 : f32 to vector<512x640xf32>
    %mul3A_131 = arith.mulf %slice3A_128, %mul3A_130 : vector<512x640xf32>
    %add3A_132 = arith.addf %add3A_127, %mul3A_131 : vector<512x640xf32>
    %slice3A_133 = vector.extract_strided_slice %convert_element_type3A_121 {offsets = [0, 1280], sizes = [512, 640], strides = [1, 1]} : vector<512x10240xf32> to vector<512x640xf32>
    %mul3A_134 = arith.constant 4.000000e+00 : f32
    %mul3A_135 = vector.broadcast %mul3A_134 : f32 to vector<512x640xf32>
    %mul3A_136 = arith.mulf %slice3A_133, %mul3A_135 : vector<512x640xf32>
    %add3A_137 = arith.addf %add3A_132, %mul3A_136 : vector<512x640xf32>
    %slice3A_138 = vector.extract_strided_slice %convert_element_type3A_121 {offsets = [0, 1920], sizes = [512, 640], strides = [1, 1]} : vector<512x10240xf32> to vector<512x640xf32>
    %mul3A_139 = arith.constant 8.000000e+00 : f32
    %mul3A_140 = vector.broadcast %mul3A_139 : f32 to vector<512x640xf32>
    %mul3A_141 = arith.mulf %slice3A_138, %mul3A_140 : vector<512x640xf32>
    %add3A_142 = arith.addf %add3A_137, %mul3A_141 : vector<512x640xf32>
    %slice3A_143 = vector.extract_strided_slice %convert_element_type3A_121 {offsets = [0, 2560], sizes = [512, 640], strides = [1, 1]} : vector<512x10240xf32> to vector<512x640xf32>
    %mul3A_144 = arith.constant 1.600000e+01 : f32
    %mul3A_145 = vector.broadcast %mul3A_144 : f32 to vector<512x640xf32>
    %mul3A_146 = arith.mulf %slice3A_143, %mul3A_145 : vector<512x640xf32>
    %add3A_147 = arith.addf %add3A_142, %mul3A_146 : vector<512x640xf32>
    %slice3A_148 = vector.extract_strided_slice %convert_element_type3A_121 {offsets = [0, 3200], sizes = [512, 640], strides = [1, 1]} : vector<512x10240xf32> to vector<512x640xf32>
    %mul3A_149 = arith.constant 3.200000e+01 : f32
    %mul3A_150 = vector.broadcast %mul3A_149 : f32 to vector<512x640xf32>
    %mul3A_151 = arith.mulf %slice3A_148, %mul3A_150 : vector<512x640xf32>
    %add3A_152 = arith.addf %add3A_147, %mul3A_151 : vector<512x640xf32>
    %slice3A_153 = vector.extract_strided_slice %convert_element_type3A_121 {offsets = [0, 3840], sizes = [512, 640], strides = [1, 1]} : vector<512x10240xf32> to vector<512x640xf32>
    %mul3A_154 = arith.constant 6.400000e+01 : f32
    %mul3A_155 = vector.broadcast %mul3A_154 : f32 to vector<512x640xf32>
    %mul3A_156 = arith.mulf %slice3A_153, %mul3A_155 : vector<512x640xf32>
    %add3A_157 = arith.addf %add3A_152, %mul3A_156 : vector<512x640xf32>
    %slice3A_158 = vector.extract_strided_slice %convert_element_type3A_121 {offsets = [0, 4480], sizes = [512, 640], strides = [1, 1]} : vector<512x10240xf32> to vector<512x640xf32>
    %mul3A_159 = arith.constant 1.280000e+02 : f32
    %mul3A_160 = vector.broadcast %mul3A_159 : f32 to vector<512x640xf32>
    %mul3A_161 = arith.mulf %slice3A_158, %mul3A_160 : vector<512x640xf32>
    %add3A_162 = arith.addf %add3A_157, %mul3A_161 : vector<512x640xf32>
    %slice3A_163 = vector.extract_strided_slice %convert_element_type3A_121 {offsets = [0, 5120], sizes = [512, 640], strides = [1, 1]} : vector<512x10240xf32> to vector<512x640xf32>
    %mul3A_164 = arith.constant 2.560000e+02 : f32
    %mul3A_165 = vector.broadcast %mul3A_164 : f32 to vector<512x640xf32>
    %mul3A_166 = arith.mulf %slice3A_163, %mul3A_165 : vector<512x640xf32>
    %add3A_167 = arith.addf %add3A_162, %mul3A_166 : vector<512x640xf32>
    %slice3A_168 = vector.extract_strided_slice %convert_element_type3A_121 {offsets = [0, 5760], sizes = [512, 640], strides = [1, 1]} : vector<512x10240xf32> to vector<512x640xf32>
    %mul3A_169 = arith.constant 5.120000e+02 : f32
    %mul3A_170 = vector.broadcast %mul3A_169 : f32 to vector<512x640xf32>
    %mul3A_171 = arith.mulf %slice3A_168, %mul3A_170 : vector<512x640xf32>
    %add3A_172 = arith.addf %add3A_167, %mul3A_171 : vector<512x640xf32>
    %slice3A_173 = vector.extract_strided_slice %convert_element_type3A_121 {offsets = [0, 6400], sizes = [512, 640], strides = [1, 1]} : vector<512x10240xf32> to vector<512x640xf32>
    %mul3A_174 = arith.constant 1.024000e+03 : f32
    %mul3A_175 = vector.broadcast %mul3A_174 : f32 to vector<512x640xf32>
    %mul3A_176 = arith.mulf %slice3A_173, %mul3A_175 : vector<512x640xf32>
    %add3A_177 = arith.addf %add3A_172, %mul3A_176 : vector<512x640xf32>
    %slice3A_178 = vector.extract_strided_slice %convert_element_type3A_121 {offsets = [0, 7040], sizes = [512, 640], strides = [1, 1]} : vector<512x10240xf32> to vector<512x640xf32>
    %mul3A_179 = arith.constant 2.048000e+03 : f32
    %mul3A_180 = vector.broadcast %mul3A_179 : f32 to vector<512x640xf32>
    %mul3A_181 = arith.mulf %slice3A_178, %mul3A_180 : vector<512x640xf32>
    %add3A_182 = arith.addf %add3A_177, %mul3A_181 : vector<512x640xf32>
    %slice3A_183 = vector.extract_strided_slice %convert_element_type3A_121 {offsets = [0, 7680], sizes = [512, 640], strides = [1, 1]} : vector<512x10240xf32> to vector<512x640xf32>
    %mul3A_184 = arith.constant 4.096000e+03 : f32
    %mul3A_185 = vector.broadcast %mul3A_184 : f32 to vector<512x640xf32>
    %mul3A_186 = arith.mulf %slice3A_183, %mul3A_185 : vector<512x640xf32>
    %add3A_187 = arith.addf %add3A_182, %mul3A_186 : vector<512x640xf32>
    %slice3A_188 = vector.extract_strided_slice %convert_element_type3A_121 {offsets = [0, 8320], sizes = [512, 640], strides = [1, 1]} : vector<512x10240xf32> to vector<512x640xf32>
    %mul3A_189 = arith.constant 8.192000e+03 : f32
    %mul3A_190 = vector.broadcast %mul3A_189 : f32 to vector<512x640xf32>
    %mul3A_191 = arith.mulf %slice3A_188, %mul3A_190 : vector<512x640xf32>
    %add3A_192 = arith.addf %add3A_187, %mul3A_191 : vector<512x640xf32>
    %slice3A_193 = vector.extract_strided_slice %convert_element_type3A_121 {offsets = [0, 8960], sizes = [512, 640], strides = [1, 1]} : vector<512x10240xf32> to vector<512x640xf32>
    %mul3A_194 = arith.constant 1.638400e+04 : f32
    %mul3A_195 = vector.broadcast %mul3A_194 : f32 to vector<512x640xf32>
    %mul3A_196 = arith.mulf %slice3A_193, %mul3A_195 : vector<512x640xf32>
    %add3A_197 = arith.addf %add3A_192, %mul3A_196 : vector<512x640xf32>
    %slice3A_198 = vector.extract_strided_slice %convert_element_type3A_121 {offsets = [0, 9600], sizes = [512, 640], strides = [1, 1]} : vector<512x10240xf32> to vector<512x640xf32>
    %mul3A_199 = arith.constant 3.276800e+04 : f32
    %mul3A_200 = vector.broadcast %mul3A_199 : f32 to vector<512x640xf32>
    %mul3A_201 = arith.mulf %slice3A_198, %mul3A_200 : vector<512x640xf32>
    %add3A_202 = arith.addf %add3A_197, %mul3A_201 : vector<512x640xf32>
    %convert_element_type3A_203 = arith.fptosi %add3A_202 : vector<512x640xf32> to vector<512x640xi32>
    %swap3A_204 = arith.constant 0 : index
    %swap3A_205 = arith.constant 0 : index
    %swap3A_206 = vector.load %arg10[%swap3A_204, %swap3A_205] : memref<512x640xi32, #tpu.memory_space<vmem>>, vector<512x640xi32>
    tpu.vector_store %arg10[%swap3A_204, %swap3A_205], %convert_element_type3A_203 {strides = array<i32>} : memref<512x640xi32, #tpu.memory_space<vmem>>, vector<512x640xi32>,
    %gt3A = arith.constant 0.000000e+00 : f32
    %gt3A_207 = vector.broadcast %gt3A : f32 to vector<512x640xf32>
    %gt3A_208 = arith.cmpf ogt, %add3A_202, %gt3A_207 : vector<512x640xf32>
    %jit3A_209 = arith.constant 1.000000e+00 : f32
    %jit3A_210 = arith.constant 0.000000e+00 : f32
    %broadcast_in_dim3A_211 = vector.broadcast %jit3A_209 : f32 to vector<512x640xf32>
    %broadcast_in_dim3A_212 = vector.broadcast %jit3A_210 : f32 to vector<512x640xf32>
    %select_n3A_213 = arith.select %gt3A_208, %broadcast_in_dim3A_211, %broadcast_in_dim3A_212 : vector<512x640xi1>, vector<512x640xf32>
    %broadcast_in_dim3A_214 = arith.constant 0.000000e+00 : f32
    %broadcast_in_dim3A_215 = vector.broadcast %broadcast_in_dim3A_214 : f32 to vector<512x128xf32>
    %concatenate3A = tpu.concatenate %select_n3A_213, %broadcast_in_dim3A_215 in 1 : vector<512x640xf32>, vector<512x128xf32> -> vector<512x768xf32>
    %broadcast_in_dim3A_216 = arith.constant 0.000000e+00 : f32
    %broadcast_in_dim3A_217 = vector.broadcast %broadcast_in_dim3A_216 : f32 to vector<512x48xf32>
    %slice3A_218 = vector.extract_strided_slice %concatenate3A {offsets = [0, 0], sizes = [512, 48], strides = [1, 1]} : vector<512x768xf32> to vector<512x48xf32>
    %mul3A_219 = arith.constant 1.000000e+00 : f32
    %mul3A_220 = vector.broadcast %mul3A_219 : f32 to vector<512x48xf32>
    %mul3A_221 = arith.mulf %slice3A_218, %mul3A_220 : vector<512x48xf32>
    %add3A_222 = arith.addf %broadcast_in_dim3A_217, %mul3A_221 : vector<512x48xf32>
    %slice3A_223 = vector.extract_strided_slice %concatenate3A {offsets = [0, 48], sizes = [512, 48], strides = [1, 1]} : vector<512x768xf32> to vector<512x48xf32>
    %mul3A_224 = arith.constant 2.000000e+00 : f32
    %mul3A_225 = vector.broadcast %mul3A_224 : f32 to vector<512x48xf32>
    %mul3A_226 = arith.mulf %slice3A_223, %mul3A_225 : vector<512x48xf32>
    %add3A_227 = arith.addf %add3A_222, %mul3A_226 : vector<512x48xf32>
    %slice3A_228 = vector.extract_strided_slice %concatenate3A {offsets = [0, 96], sizes = [512, 48], strides = [1, 1]} : vector<512x768xf32> to vector<512x48xf32>
    %mul3A_229 = arith.constant 4.000000e+00 : f32
    %mul3A_230 = vector.broadcast %mul3A_229 : f32 to vector<512x48xf32>
    %mul3A_231 = arith.mulf %slice3A_228, %mul3A_230 : vector<512x48xf32>
    %add3A_232 = arith.addf %add3A_227, %mul3A_231 : vector<512x48xf32>
    %slice3A_233 = vector.extract_strided_slice %concatenate3A {offsets = [0, 144], sizes = [512, 48], strides = [1, 1]} : vector<512x768xf32> to vector<512x48xf32>
    %mul3A_234 = arith.constant 8.000000e+00 : f32
    %mul3A_235 = vector.broadcast %mul3A_234 : f32 to vector<512x48xf32>
    %mul3A_236 = arith.mulf %slice3A_233, %mul3A_235 : vector<512x48xf32>
    %add3A_237 = arith.addf %add3A_232, %mul3A_236 : vector<512x48xf32>
    %slice3A_238 = vector.extract_strided_slice %concatenate3A {offsets = [0, 192], sizes = [512, 48], strides = [1, 1]} : vector<512x768xf32> to vector<512x48xf32>
    %mul3A_239 = arith.constant 1.600000e+01 : f32
    %mul3A_240 = vector.broadcast %mul3A_239 : f32 to vector<512x48xf32>
    %mul3A_241 = arith.mulf %slice3A_238, %mul3A_240 : vector<512x48xf32>
    %add3A_242 = arith.addf %add3A_237, %mul3A_241 : vector<512x48xf32>
    %slice3A_243 = vector.extract_strided_slice %concatenate3A {offsets = [0, 240], sizes = [512, 48], strides = [1, 1]} : vector<512x768xf32> to vector<512x48xf32>
    %mul3A_244 = arith.constant 3.200000e+01 : f32
    %mul3A_245 = vector.broadcast %mul3A_244 : f32 to vector<512x48xf32>
    %mul3A_246 = arith.mulf %slice3A_243, %mul3A_245 : vector<512x48xf32>
    %add3A_247 = arith.addf %add3A_242, %mul3A_246 : vector<512x48xf32>
    %slice3A_248 = vector.extract_strided_slice %concatenate3A {offsets = [0, 288], sizes = [512, 48], strides = [1, 1]} : vector<512x768xf32> to vector<512x48xf32>
    %mul3A_249 = arith.constant 6.400000e+01 : f32
    %mul3A_250 = vector.broadcast %mul3A_249 : f32 to vector<512x48xf32>
    %mul3A_251 = arith.mulf %slice3A_248, %mul3A_250 : vector<512x48xf32>
    %add3A_252 = arith.addf %add3A_247, %mul3A_251 : vector<512x48xf32>
    %slice3A_253 = vector.extract_strided_slice %concatenate3A {offsets = [0, 336], sizes = [512, 48], strides = [1, 1]} : vector<512x768xf32> to vector<512x48xf32>
    %mul3A_254 = arith.constant 1.280000e+02 : f32
    %mul3A_255 = vector.broadcast %mul3A_254 : f32 to vector<512x48xf32>
    %mul3A_256 = arith.mulf %slice3A_253, %mul3A_255 : vector<512x48xf32>
    %add3A_257 = arith.addf %add3A_252, %mul3A_256 : vector<512x48xf32>
    %slice3A_258 = vector.extract_strided_slice %concatenate3A {offsets = [0, 384], sizes = [512, 48], strides = [1, 1]} : vector<512x768xf32> to vector<512x48xf32>
    %mul3A_259 = arith.constant 2.560000e+02 : f32
    %mul3A_260 = vector.broadcast %mul3A_259 : f32 to vector<512x48xf32>
    %mul3A_261 = arith.mulf %slice3A_258, %mul3A_260 : vector<512x48xf32>
    %add3A_262 = arith.addf %add3A_257, %mul3A_261 : vector<512x48xf32>
    %slice3A_263 = vector.extract_strided_slice %concatenate3A {offsets = [0, 432], sizes = [512, 48], strides = [1, 1]} : vector<512x768xf32> to vector<512x48xf32>
    %mul3A_264 = arith.constant 5.120000e+02 : f32
    %mul3A_265 = vector.broadcast %mul3A_264 : f32 to vector<512x48xf32>
    %mul3A_266 = arith.mulf %slice3A_263, %mul3A_265 : vector<512x48xf32>
    %add3A_267 = arith.addf %add3A_262, %mul3A_266 : vector<512x48xf32>
    %slice3A_268 = vector.extract_strided_slice %concatenate3A {offsets = [0, 480], sizes = [512, 48], strides = [1, 1]} : vector<512x768xf32> to vector<512x48xf32>
    %mul3A_269 = arith.constant 1.024000e+03 : f32
    %mul3A_270 = vector.broadcast %mul3A_269 : f32 to vector<512x48xf32>
    %mul3A_271 = arith.mulf %slice3A_268, %mul3A_270 : vector<512x48xf32>
    %add3A_272 = arith.addf %add3A_267, %mul3A_271 : vector<512x48xf32>
    %slice3A_273 = vector.extract_strided_slice %concatenate3A {offsets = [0, 528], sizes = [512, 48], strides = [1, 1]} : vector<512x768xf32> to vector<512x48xf32>
    %mul3A_274 = arith.constant 2.048000e+03 : f32
    %mul3A_275 = vector.broadcast %mul3A_274 : f32 to vector<512x48xf32>
    %mul3A_276 = arith.mulf %slice3A_273, %mul3A_275 : vector<512x48xf32>
    %add3A_277 = arith.addf %add3A_272, %mul3A_276 : vector<512x48xf32>
    %slice3A_278 = vector.extract_strided_slice %concatenate3A {offsets = [0, 576], sizes = [512, 48], strides = [1, 1]} : vector<512x768xf32> to vector<512x48xf32>
    %mul3A_279 = arith.constant 4.096000e+03 : f32
    %mul3A_280 = vector.broadcast %mul3A_279 : f32 to vector<512x48xf32>
    %mul3A_281 = arith.mulf %slice3A_278, %mul3A_280 : vector<512x48xf32>
    %add3A_282 = arith.addf %add3A_277, %mul3A_281 : vector<512x48xf32>
    %slice3A_283 = vector.extract_strided_slice %concatenate3A {offsets = [0, 624], sizes = [512, 48], strides = [1, 1]} : vector<512x768xf32> to vector<512x48xf32>
    %mul3A_284 = arith.constant 8.192000e+03 : f32
    %mul3A_285 = vector.broadcast %mul3A_284 : f32 to vector<512x48xf32>
    %mul3A_286 = arith.mulf %slice3A_283, %mul3A_285 : vector<512x48xf32>
    %add3A_287 = arith.addf %add3A_282, %mul3A_286 : vector<512x48xf32>
    %slice3A_288 = vector.extract_strided_slice %concatenate3A {offsets = [0, 672], sizes = [512, 48], strides = [1, 1]} : vector<512x768xf32> to vector<512x48xf32>
    %mul3A_289 = arith.constant 1.638400e+04 : f32
    %mul3A_290 = vector.broadcast %mul3A_289 : f32 to vector<512x48xf32>
    %mul3A_291 = arith.mulf %slice3A_288, %mul3A_290 : vector<512x48xf32>
    %add3A_292 = arith.addf %add3A_287, %mul3A_291 : vector<512x48xf32>
    %slice3A_293 = vector.extract_strided_slice %concatenate3A {offsets = [0, 720], sizes = [512, 48], strides = [1, 1]} : vector<512x768xf32> to vector<512x48xf32>
    %mul3A_294 = arith.constant 3.276800e+04 : f32
    %mul3A_295 = vector.broadcast %mul3A_294 : f32 to vector<512x48xf32>
    %mul3A_296 = arith.mulf %slice3A_293, %mul3A_295 : vector<512x48xf32>
    %add3A_297 = arith.addf %add3A_292, %mul3A_296 : vector<512x48xf32>
    %convert_element_type3A_298 = arith.fptosi %add3A_297 : vector<512x48xf32> to vector<512x48xi32>
    %swap3A_299 = arith.constant 0 : index
    %swap3A_300 = arith.constant 0 : index
    %swap3A_301 = vector.load %arg11[%swap3A_299, %swap3A_300] : memref<512x48xi32, #tpu.memory_space<vmem>>, vector<512x48xi32>
    tpu.vector_store %arg11[%swap3A_299, %swap3A_300], %convert_element_type3A_298 {strides = array<i32>} : memref<512x48xi32, #tpu.memory_space<vmem>>, vector<512x48xi32>,
    return
  }
  func.func @transform_0(%arg0: i32) -> (i32, i32) {
    %c0_i32 = arith.constant 0 : i32
    %c0_i32_0 = arith.constant 0 : i32
    return %arg0, %c0_i32 : i32, i32
  }
  func.func @transform_1(%arg0: i32) -> (i32, i32) {
    %c0_i32 = arith.constant 0 : i32
    %c0_i32_0 = arith.constant 0 : i32
    return %arg0, %c0_i32 : i32, i32
  }
  func.func @transform_2(%arg0: i32) -> (i32, i32) {
    %c0_i32 = arith.constant 0 : i32
    %c0_i32_0 = arith.constant 0 : i32
    return %arg0, %c0_i32 : i32, i32
  }
  func.func @transform_3(%arg0: i32) -> (i32, i32) {
    %c0_i32 = arith.constant 0 : i32
    %c0_i32_0 = arith.constant 0 : i32
    %c0_i32_1 = arith.constant 0 : i32
    return %c0_i32, %c0_i32_0 : i32, i32
  }
  func.func @transform_4(%arg0: i32) -> (i32, i32) {
    %c0_i32 = arith.constant 0 : i32
    %c0_i32_0 = arith.constant 0 : i32
    %c0_i32_1 = arith.constant 0 : i32
    return %c0_i32, %c0_i32_0 : i32, i32
  }
  func.func @transform_5(%arg0: i32) -> (i32, i32) {
    %c0_i32 = arith.constant 0 : i32
    %c0_i32_0 = arith.constant 0 : i32
    %c0_i32_1 = arith.constant 0 : i32
    return %c0_i32, %c0_i32_0 : i32, i32
  }
  func.func @transform_6(%arg0: i32) -> (i32, i32) {
    %c0_i32 = arith.constant 0 : i32
    %c0_i32_0 = arith.constant 0 : i32
    %c0_i32_1 = arith.constant 0 : i32
    return %c0_i32, %c0_i32_0 : i32, i32
  }
  func.func @transform_7(%arg0: i32) -> (i32, i32) {
    %c0_i32 = arith.constant 0 : i32
    %c0_i32_0 = arith.constant 0 : i32
    return %arg0, %c0_i32 : i32, i32
  }
  func.func @transform_8(%arg0: i32) -> (i32, i32) {
    %c0_i32 = arith.constant 0 : i32
    %c0_i32_0 = arith.constant 0 : i32
    return %arg0, %c0_i32 : i32, i32
  }
  func.func @transform_9(%arg0: i32) -> (i32, i32) {
    %c0_i32 = arith.constant 0 : i32
    %c0_i32_0 = arith.constant 0 : i32
    return %arg0, %c0_i32 : i32, i32
  }
  func.func @transform_10(%arg0: i32) -> (i32, i32) {
    %c0_i32 = arith.constant 0 : i32
    %c0_i32_0 = arith.constant 0 : i32
    return %arg0, %c0_i32 : i32, i32
  }
}

module attributes {stable_mosaic.version = 14 : i64} {
  func.func @_mlp_body(%arg0: i32, %arg1: i32, %arg2: memref<32xi32, #tpu.memory_space<smem>>, %arg3: memref<1024x128xf32, #tpu.memory_space<vmem>>, %arg4: memref<1024x128xf32, #tpu.memory_space<vmem>>, %arg5: memref<1x1x1024xi32, #tpu.memory_space<vmem>>, %arg6: memref<128x128xf32, #tpu.memory_space<vmem>>, %arg7: memref<128x256xf32, #tpu.memory_space<vmem>>, %arg8: memref<1x256xf32, #tpu.memory_space<vmem>>, %arg9: memref<256x128xf32, #tpu.memory_space<vmem>>, %arg10: memref<1x128xf32, #tpu.memory_space<vmem>>, %arg11: memref<128x128xf32, #tpu.memory_space<vmem>>, %arg12: memref<1x128xf32, #tpu.memory_space<vmem>>, %arg13: memref<128x128xf32, #tpu.memory_space<vmem>>) attributes {dimension_semantics = [#tpu.dimension_semantics<parallel>, #tpu.dimension_semantics<arbitrary>], iteration_bounds = array<i64: 32, 4>, scalar_prefetch = 1 : i64, scratch_operands = 0 : i64, tpu.core_type = #tpu.core_type<tc>, window_params = [{transform_indices = @transform_0, window_bounds = array<i64: 1024, 128>}, {transform_indices = @transform_1, window_bounds = array<i64: 1024, 128>}, {transform_indices = @transform_2, window_bounds = array<i64: 1, 1, 1024>}, {transform_indices = @transform_3, window_bounds = array<i64: 128, 128>}, {pipeline_mode = #tpu.pipeline_mode<synchronous>, transform_indices = @transform_4, window_bounds = array<i64: 128, 256>}, {pipeline_mode = #tpu.pipeline_mode<synchronous>, transform_indices = @transform_5, window_bounds = array<i64: 1, 256>}, {pipeline_mode = #tpu.pipeline_mode<synchronous>, transform_indices = @transform_6, window_bounds = array<i64: 256, 128>}, {pipeline_mode = #tpu.pipeline_mode<synchronous>, transform_indices = @transform_7, window_bounds = array<i64: 1, 128>}, {pipeline_mode = #tpu.pipeline_mode<synchronous>, transform_indices = @transform_8, window_bounds = array<i64: 128, 128>}, {pipeline_mode = #tpu.pipeline_mode<synchronous>, transform_indices = @transform_9, window_bounds = array<i64: 1, 128>}, {transform_indices = @transform_10, window_bounds = array<i64: 128, 128>}]} {
    %get3A = arith.index_cast %arg0 : i32 to index
    %get3A_0 = memref.load %arg2[%get3A] : memref<32xi32, #tpu.memory_space<smem>>
    %eq3A = arith.constant 0 : i32
    %eq3A_1 = arith.cmpi eq, %arg1, %eq3A : i32
    %convert_element_type3A = arith.extui %eq3A_1 : i1 to i32
    %cond3A = arith.constant 0 : i32
    %cond3A_2 = arith.cmpi ne, %convert_element_type3A, %cond3A : i32
    scf.if %cond3A_2 {
      %broadcast_in_dim3A = arith.constant 0.000000e+00 : f32
      %broadcast_in_dim3A_7 = vector.broadcast %broadcast_in_dim3A : f32 to vector<128x128xf32>
      %swap3A = arith.constant 0 : index
      %swap3A_8 = arith.constant 0 : index
      %swap3A_9 = vector.load %arg13[%swap3A, %swap3A_8] : memref<128x128xf32, #tpu.memory_space<vmem>>, vector<128x128xf32>
      tpu.vector_store %arg13[%swap3A, %swap3A_8], %broadcast_in_dim3A_7 {strides = array<i32>} : memref<128x128xf32, #tpu.memory_space<vmem>>, vector<128x128xf32>,
    } else {
    }
    %mul3A = arith.constant 1024 : i32
    %mul3A_3 = arith.muli %arg1, %mul3A : i32
    %lt3A = arith.cmpi slt, %mul3A_3, %get3A_0 : i32
    %convert_element_type3A_4 = arith.extui %lt3A : i1 to i32
    %cond3A_5 = arith.constant 0 : i32
    %cond3A_6 = arith.cmpi ne, %convert_element_type3A_4, %cond3A_5 : i32
    scf.if %cond3A_6 {
      %get3A_7 = arith.constant 0 : index
      %get3A_8 = arith.constant 0 : index
      %get3A_9 = arith.constant 0 : index
      %get3A_10 = vector.load %arg5[%get3A_7, %get3A_8, %get3A_9] : memref<1x1x1024xi32, #tpu.memory_space<vmem>>, vector<1x1x1024xi32>
      %reshape3A = vector.shape_cast %get3A_10 : vector<1x1x1024xi32> to vector<1x1024xi32>
      %iota3A = tpu.iota {dimensions = array<i32: 1>} : vector<1x1024xi32>
      %mul3A_11 = arith.constant 1024 : i32
      %mul3A_12 = arith.muli %arg1, %mul3A_11 : i32
      %add3A = vector.broadcast %mul3A_12 : i32 to vector<1x1024xi32>
      %add3A_13 = arith.addi %iota3A, %add3A : vector<1x1024xi32>
      %lt3A_14 = vector.broadcast %get3A_0 : i32 to vector<1x1024xi32>
      %lt3A_15 = arith.cmpi slt, %add3A_13, %lt3A_14 : vector<1x1024xi32>
      %jit3A = arith.constant -1 : i32
      %broadcast_in_dim3A = vector.broadcast %jit3A : i32 to vector<1x1024xi32>
      %select_n3A = arith.select %lt3A_15, %reshape3A, %broadcast_in_dim3A : vector<1x1024xi1>, vector<1x1024xi32>
      %iota3A_16 = tpu.iota {dimensions = array<i32: 0>} : vector<128x1024xi32>
      %eq3A_17 = vector.broadcast %select_n3A : vector<1x1024xi32> to vector<128x1024xi32>
      %eq3A_18 = arith.cmpi eq, %iota3A_16, %eq3A_17 : vector<128x1024xi32>
      %convert_element_type3A_19 = arith.extui %eq3A_18 : vector<128x1024xi1> to vector<128x1024xi32>
      %convert_element_type3A_20 = arith.sitofp %convert_element_type3A_19 : vector<128x1024xi32> to vector<128x1024xf32>
      %get3A_21 = arith.constant 0 : index
      %get3A_22 = arith.constant 0 : index
      %get3A_23 = vector.load %arg6[%get3A_21, %get3A_22] : memref<128x128xf32, #tpu.memory_space<vmem>>, vector<128x128xf32>
      %dot_general3A = arith.constant dense<0.000000e+00> : vector<1024x128xf32>
      %dot_general3A_24 = tpu.matmul %convert_element_type3A_20, %get3A_23, %dot_general3A {dimension_numbers = #tpu.dot_dimension_numbers<[0], [0], [1], [1], [0, 1, 1, 1], [], []>, transpose_lhs_hint = false} : vector<128x1024xf32>, vector<128x128xf32>, vector<1024x128xf32> -> vector<1024x128xf32>
      %get3A_25 = arith.constant 0 : index
      %get3A_26 = arith.constant 0 : index
      %get3A_27 = vector.load %arg3[%get3A_25, %get3A_26] : memref<1024x128xf32, #tpu.memory_space<vmem>>, vector<1024x128xf32>
      %add3A_28 = arith.addf %get3A_27, %dot_general3A_24 : vector<1024x128xf32>
      %mul3A_29 = arith.constant 5.000000e-01 : f32
      %mul3A_30 = vector.broadcast %mul3A_29 : f32 to vector<1024x128xf32>
      %mul3A_31 = arith.mulf %mul3A_30, %add3A_28 : vector<1024x128xf32>
      %mul3A_32 = arith.constant 0.707106769 : f32
      %mul3A_33 = vector.broadcast %mul3A_32 : f32 to vector<1024x128xf32>
      %mul3A_34 = arith.mulf %add3A_28, %mul3A_33 : vector<1024x128xf32>
      %erf3A = math.erf %mul3A_34 : vector<1024x128xf32>
      %add3A_35 = arith.constant 1.000000e+00 : f32
      %add3A_36 = vector.broadcast %add3A_35 : f32 to vector<1024x128xf32>
      %add3A_37 = arith.addf %add3A_36, %erf3A : vector<1024x128xf32>
      %mul3A_38 = arith.mulf %mul3A_31, %add3A_37 : vector<1024x128xf32>
      %get3A_39 = arith.constant 0 : index
      %get3A_40 = arith.constant 0 : index
      %get3A_41 = vector.load %arg7[%get3A_39, %get3A_40] : memref<128x256xf32, #tpu.memory_space<vmem>>, vector<128x256xf32>
      %dot_general3A_42 = arith.constant dense<0.000000e+00> : vector<1024x256xf32>
      %dot_general3A_43 = tpu.matmul %mul3A_38, %get3A_41, %dot_general3A_42 {dimension_numbers = #tpu.dot_dimension_numbers<[1], [0], [0], [1], [0, 0, 1, 1], [], []>, transpose_lhs_hint = false} : vector<1024x128xf32>, vector<128x256xf32>, vector<1024x256xf32> -> vector<1024x256xf32>
      %get3A_44 = arith.constant 0 : index
      %get3A_45 = arith.constant 0 : index
      %get3A_46 = vector.load %arg8[%get3A_44, %get3A_45] : memref<1x256xf32, #tpu.memory_space<vmem>>, vector<1x256xf32>
      %add3A_47 = vector.broadcast %get3A_46 : vector<1x256xf32> to vector<1024x256xf32>
      %add3A_48 = arith.addf %dot_general3A_43, %add3A_47 : vector<1024x256xf32>
      %mul3A_49 = arith.constant 5.000000e-01 : f32
      %mul3A_50 = vector.broadcast %mul3A_49 : f32 to vector<1024x256xf32>
      %mul3A_51 = arith.mulf %mul3A_50, %add3A_48 : vector<1024x256xf32>
      %mul3A_52 = arith.constant 0.707106769 : f32
      %mul3A_53 = vector.broadcast %mul3A_52 : f32 to vector<1024x256xf32>
      %mul3A_54 = arith.mulf %add3A_48, %mul3A_53 : vector<1024x256xf32>
      %erf3A_55 = math.erf %mul3A_54 : vector<1024x256xf32>
      %add3A_56 = arith.constant 1.000000e+00 : f32
      %add3A_57 = vector.broadcast %add3A_56 : f32 to vector<1024x256xf32>
      %add3A_58 = arith.addf %add3A_57, %erf3A_55 : vector<1024x256xf32>
      %mul3A_59 = arith.mulf %mul3A_51, %add3A_58 : vector<1024x256xf32>
      %get3A_60 = arith.constant 0 : index
      %get3A_61 = arith.constant 0 : index
      %get3A_62 = vector.load %arg9[%get3A_60, %get3A_61] : memref<256x128xf32, #tpu.memory_space<vmem>>, vector<256x128xf32>
      %dot_general3A_63 = arith.constant dense<0.000000e+00> : vector<1024x128xf32>
      %dot_general3A_64 = tpu.matmul %mul3A_59, %get3A_62, %dot_general3A_63 {dimension_numbers = #tpu.dot_dimension_numbers<[1], [0], [0], [1], [0, 0, 1, 1], [], []>, transpose_lhs_hint = false} : vector<1024x256xf32>, vector<256x128xf32>, vector<1024x128xf32> -> vector<1024x128xf32>
      %get3A_65 = arith.constant 0 : index
      %get3A_66 = arith.constant 0 : index
      %get3A_67 = vector.load %arg10[%get3A_65, %get3A_66] : memref<1x128xf32, #tpu.memory_space<vmem>>, vector<1x128xf32>
      %add3A_68 = vector.broadcast %get3A_67 : vector<1x128xf32> to vector<1024x128xf32>
      %add3A_69 = arith.addf %dot_general3A_64, %add3A_68 : vector<1024x128xf32>
      %mul3A_70 = arith.constant 5.000000e-01 : f32
      %mul3A_71 = vector.broadcast %mul3A_70 : f32 to vector<1024x128xf32>
      %mul3A_72 = arith.mulf %mul3A_71, %add3A_69 : vector<1024x128xf32>
      %mul3A_73 = arith.constant 0.707106769 : f32
      %mul3A_74 = vector.broadcast %mul3A_73 : f32 to vector<1024x128xf32>
      %mul3A_75 = arith.mulf %add3A_69, %mul3A_74 : vector<1024x128xf32>
      %erf3A_76 = math.erf %mul3A_75 : vector<1024x128xf32>
      %add3A_77 = arith.constant 1.000000e+00 : f32
      %add3A_78 = vector.broadcast %add3A_77 : f32 to vector<1024x128xf32>
      %add3A_79 = arith.addf %add3A_78, %erf3A_76 : vector<1024x128xf32>
      %mul3A_80 = arith.mulf %mul3A_72, %add3A_79 : vector<1024x128xf32>
      %get3A_81 = arith.constant 0 : index
      %get3A_82 = arith.constant 0 : index
      %get3A_83 = vector.load %arg11[%get3A_81, %get3A_82] : memref<128x128xf32, #tpu.memory_space<vmem>>, vector<128x128xf32>
      %dot_general3A_84 = arith.constant dense<0.000000e+00> : vector<1024x128xf32>
      %dot_general3A_85 = tpu.matmul %mul3A_80, %get3A_83, %dot_general3A_84 {dimension_numbers = #tpu.dot_dimension_numbers<[1], [0], [0], [1], [0, 0, 1, 1], [], []>, transpose_lhs_hint = false} : vector<1024x128xf32>, vector<128x128xf32>, vector<1024x128xf32> -> vector<1024x128xf32>
      %get3A_86 = arith.constant 0 : index
      %get3A_87 = arith.constant 0 : index
      %get3A_88 = vector.load %arg12[%get3A_86, %get3A_87] : memref<1x128xf32, #tpu.memory_space<vmem>>, vector<1x128xf32>
      %add3A_89 = vector.broadcast %get3A_88 : vector<1x128xf32> to vector<1024x128xf32>
      %add3A_90 = arith.addf %dot_general3A_85, %add3A_89 : vector<1024x128xf32>
      %get3A_91 = arith.constant 0 : index
      %get3A_92 = arith.constant 0 : index
      %get3A_93 = vector.load %arg4[%get3A_91, %get3A_92] : memref<1024x128xf32, #tpu.memory_space<vmem>>, vector<1024x128xf32>
      %mul3A_94 = arith.mulf %add3A_90, %get3A_93 : vector<1024x128xf32>
      %iota3A_95 = tpu.iota {dimensions = array<i32: 0>} : vector<1024x1xi32>
      %mul3A_96 = arith.constant 1024 : i32
      %mul3A_97 = arith.muli %arg1, %mul3A_96 : i32
      %add3A_98 = vector.broadcast %mul3A_97 : i32 to vector<1024x1xi32>
      %add3A_99 = arith.addi %iota3A_95, %add3A_98 : vector<1024x1xi32>
      %lt3A_100 = vector.broadcast %get3A_0 : i32 to vector<1024x1xi32>
      %lt3A_101 = arith.cmpi slt, %add3A_99, %lt3A_100 : vector<1024x1xi32>
      %jit3A_102 = arith.constant 0.000000e+00 : f32
      %broadcast_in_dim3A_103 = vector.shape_cast %lt3A_101 : vector<1024x1xi1> to vector<1024x1xi1>
      %broadcast_in_dim3A_104 = vector.broadcast %broadcast_in_dim3A_103 : vector<1024x1xi1> to vector<1024x128xi1>
      %broadcast_in_dim3A_105 = vector.broadcast %jit3A_102 : f32 to vector<1024x128xf32>
      %select_n3A_106 = arith.select %broadcast_in_dim3A_104, %mul3A_94, %broadcast_in_dim3A_105 : vector<1024x128xi1>, vector<1024x128xf32>
      %get3A_107 = arith.constant 0 : index
      %get3A_108 = arith.constant 0 : index
      %get3A_109 = vector.load %arg13[%get3A_107, %get3A_108] : memref<128x128xf32, #tpu.memory_space<vmem>>, vector<128x128xf32>
      %dot_general3A_110 = arith.constant dense<0.000000e+00> : vector<128x128xf32>
      %dot_general3A_111 = tpu.matmul %convert_element_type3A_20, %select_n3A_106, %dot_general3A_110 {dimension_numbers = #tpu.dot_dimension_numbers<[1], [0], [0], [1], [0, 0, 1, 1], [], []>, transpose_lhs_hint = false} : vector<128x1024xf32>, vector<1024x128xf32>, vector<128x128xf32> -> vector<128x128xf32>
      %add3A_112 = arith.addf %get3A_109, %dot_general3A_111 : vector<128x128xf32>
      %swap3A = arith.constant 0 : index
      %swap3A_113 = arith.constant 0 : index
      %swap3A_114 = vector.load %arg13[%swap3A, %swap3A_113] : memref<128x128xf32, #tpu.memory_space<vmem>>, vector<128x128xf32>
      tpu.vector_store %arg13[%swap3A, %swap3A_113], %add3A_112 {strides = array<i32>} : memref<128x128xf32, #tpu.memory_space<vmem>>, vector<128x128xf32>,
    } else {
    }
    return
  }
  func.func @transform_0(%arg0: i32, %arg1: i32, %arg2: memref<32xi32, #tpu.memory_space<smem>>) -> (i32, i32) {
    %mul3A = arith.constant 4 : i32
    %mul3A_0 = arith.muli %arg0, %mul3A : i32
    %add3A = arith.addi %mul3A_0, %arg1 : i32
    %c0_i32 = arith.constant 0 : i32
    %c0_i32_1 = arith.constant 0 : i32
    return %add3A, %c0_i32 : i32, i32
  }
  func.func @transform_1(%arg0: i32, %arg1: i32, %arg2: memref<32xi32, #tpu.memory_space<smem>>) -> (i32, i32) {
    %mul3A = arith.constant 4 : i32
    %mul3A_0 = arith.muli %arg0, %mul3A : i32
    %add3A = arith.addi %mul3A_0, %arg1 : i32
    %c0_i32 = arith.constant 0 : i32
    %c0_i32_1 = arith.constant 0 : i32
    return %add3A, %c0_i32 : i32, i32
  }
  func.func @transform_2(%arg0: i32, %arg1: i32, %arg2: memref<32xi32, #tpu.memory_space<smem>>) -> (i32, i32, i32) {
    %mul3A = arith.constant 4 : i32
    %mul3A_0 = arith.muli %arg0, %mul3A : i32
    %add3A = arith.addi %mul3A_0, %arg1 : i32
    %c0_i32 = arith.constant 0 : i32
    %c0_i32_1 = arith.constant 0 : i32
    %c0_i32_2 = arith.constant 0 : i32
    return %add3A, %c0_i32, %c0_i32_1 : i32, i32, i32
  }
  func.func @transform_3(%arg0: i32, %arg1: i32, %arg2: memref<32xi32, #tpu.memory_space<smem>>) -> (i32, i32) {
    %c0_i32 = arith.constant 0 : i32
    %c0_i32_0 = arith.constant 0 : i32
    return %arg0, %c0_i32 : i32, i32
  }
  func.func @transform_4(%arg0: i32, %arg1: i32, %arg2: memref<32xi32, #tpu.memory_space<smem>>) -> (i32, i32) {
    %c0_i32 = arith.constant 0 : i32
    %c0_i32_0 = arith.constant 0 : i32
    %c0_i32_1 = arith.constant 0 : i32
    return %c0_i32, %c0_i32_0 : i32, i32
  }
  func.func @transform_5(%arg0: i32, %arg1: i32, %arg2: memref<32xi32, #tpu.memory_space<smem>>) -> (i32, i32) {
    %c0_i32 = arith.constant 0 : i32
    %c0_i32_0 = arith.constant 0 : i32
    %c0_i32_1 = arith.constant 0 : i32
    return %c0_i32, %c0_i32_0 : i32, i32
  }
  func.func @transform_6(%arg0: i32, %arg1: i32, %arg2: memref<32xi32, #tpu.memory_space<smem>>) -> (i32, i32) {
    %c0_i32 = arith.constant 0 : i32
    %c0_i32_0 = arith.constant 0 : i32
    %c0_i32_1 = arith.constant 0 : i32
    return %c0_i32, %c0_i32_0 : i32, i32
  }
  func.func @transform_7(%arg0: i32, %arg1: i32, %arg2: memref<32xi32, #tpu.memory_space<smem>>) -> (i32, i32) {
    %c0_i32 = arith.constant 0 : i32
    %c0_i32_0 = arith.constant 0 : i32
    %c0_i32_1 = arith.constant 0 : i32
    return %c0_i32, %c0_i32_0 : i32, i32
  }
  func.func @transform_8(%arg0: i32, %arg1: i32, %arg2: memref<32xi32, #tpu.memory_space<smem>>) -> (i32, i32) {
    %c0_i32 = arith.constant 0 : i32
    %c0_i32_0 = arith.constant 0 : i32
    %c0_i32_1 = arith.constant 0 : i32
    return %c0_i32, %c0_i32_0 : i32, i32
  }
  func.func @transform_9(%arg0: i32, %arg1: i32, %arg2: memref<32xi32, #tpu.memory_space<smem>>) -> (i32, i32) {
    %c0_i32 = arith.constant 0 : i32
    %c0_i32_0 = arith.constant 0 : i32
    %c0_i32_1 = arith.constant 0 : i32
    return %c0_i32, %c0_i32_0 : i32, i32
  }
  func.func @transform_10(%arg0: i32, %arg1: i32, %arg2: memref<32xi32, #tpu.memory_space<smem>>) -> (i32, i32) {
    %c0_i32 = arith.constant 0 : i32
    %c0_i32_0 = arith.constant 0 : i32
    return %arg0, %c0_i32 : i32, i32
  }
}

</mosaic_0001>

<sc_bundles>
// kernel: kernel.5.cloned.1.call-start
scs
__scs_entry_jumppad:
0x0: {  	(pc) =	sbr.rel $0x88, $3  }
0x1: {  	(tag) =	ssettag $0x0;
	lr =	simm.s32 $0x1  }
0x2: {  	[smem:$0x3F96] =	sst lr;
	_ =	strace $0xD0000000  }
0x3: {  	_ = 	snop  }
0x4: {  	_ = 	snop  }
0x5: {  	_ = 	snop  }
0x6: {  	_ = 	snop  }
0x7: {  	_ = 	snop  }
__scs_overlays_trampoline_lowered:
0x8: {  	[smem:$0x3FA5] =	sst s0  }
0x9: {  	[smem:$0x3FA6] =	sst s1  }
0xa: {  	[smem:$0x3FA7] =	sst s2  }
0xb: {  	[smem:$0x3FA8] =	sst s3  }
0xc: {  	[smem:$0x3FA9] =	sst s4  }
0xd: {  	[smem:$0x3FAA] =	sst s5  }
0xe: {  	[smem:$0x3FAB] =	sst s6  }
0xf: {  	[smem:$0x3FAC] =	sst s7  }
0x10: {  	[smem:$0x3FAD] =	sst s8  }
0x11: {  	[smem:$0x3FAE] =	sst s9;
	s0 =	simm.s32 @!p0 $0x0  }
0x12: {  	s1 =	sld [smem:$0x3F94];
	s0 =	simm.s32 @p0 $0x1  }
0x13: {  	[smem:$0x3FAF] =	sst s0;
	s0 =	simm.s32 @!p1 $0x0  }
0x14: {  	s2 =	sld [smem:$0x3F93];
	s0 =	simm.s32 @p1 $0x1  }
0x15: {  	[smem:$0x3FB0] =	sst s0;
	s0 =	simm.s32 @!p2 $0x0  }
0x16: {  	s3 =	sld [smem:$0x3FDB];
	s0 =	simm.s32 @p2 $0x1  }
0x17: {  	s4 =	simm.s32 $0x1BF5;
	[smem:$0x3FB2] =	sst s0  }
0x18: {  	s0 =	sld [smem:$0x3F95];
	_ =	swait.ge [sflag:s4], $0x0  }
0x19: {  	s7 =	sld [smem:$0x3F96]  }
0x1a: {  	s8 =	sadd.s32 $0xFFFFE003, lr  }
0x1b: {  	s9 =	sadd.s32 $0xFFFFFEF7, lr;
	s5 =	simm.s32 $0xFFFFFFFF;
	p2 =	slt.u32 s8, $0xFFFFF086  }
0x1c: {  	p1 =	slt.u32 s9, $0xF7A;
	s5 =	simm.s32 @!p2 $0x0  }
0x1d: {  	s5 =	simm.s32 @p1 $0x1;
	p0 =	seq.s32 s7, s2  }
0x1e: {  	s7 =	smul.u32 @!p0 $0xF7A, s2;
	p2 =	seq.s32 @!p0 s5, $0x0  }
0x1f: {  	s9 =	smul.u32 $0xF7A, s1;
	s8 =	simm.s32 @!p0 $0x1BF5;
	p2 =	por !p2, p0  }
0x20: {  	[sflag:s8] =	ssyncset.s32 @!p0 $0xFFFFF086;
	s6 =	sadd.s32 @!p0 s3, s7;
	s7 =	simm.s32 @!p0 $0x108  }
0x21: {  	s3 =	sadd.s32 s3, s9;
	s6 =	sadd.s32 @!p0 $0x88, s6;
	s7 =	simm.s32 @p2 $0x1082  }
0x22: {  	[simem:s7], [sflag:s8] =	dma.local @!p0 [hbm:s6], $0xF7A  }
0x23: {  	s9 =	sor.u32 $0xD0000000, s2;
	s6 =	simm.s32 $0x108;
	_ =	swait.ge @!p0 [sflag:s8], $0x0  }
0x24: {  	s3 =	sadd.s32 $0x88, s3;
	s6 =	simm.s32 @!p1 $0x1082;
	[sflag:s4] =	ssyncset.s32 $0xFFFFF086  }
0x25: {  	[simem:s6], [sflag:s4] =	dma.local [hbm:s3], $0xF7A  }
0x26: {  	[smem:$0x3F96] =	sst s1;
	(tag) =	ssettag s2;
	_ =	strace s9  }
0x27: {  	s1 =	sld [smem:$0x3FA6]  }
0x28: {  	s2 =	sld [smem:$0x3FA7]  }
0x29: {  	s4 =	sld [smem:$0x3FA9]  }
0x2a: {  	p0 =	seq.s32 s5, $0x0;
	s5 =	sld [smem:$0x3FAA]  }
0x2b: {  	s6 =	sld [smem:$0x3FAB]  }
0x2c: {  	s7 =	sld [smem:$0x3FAC]  }
0x2d: {  	s3 =	simm.s32 $0x108;
	s8 =	sld [smem:$0x3FAD]  }
0x2e: {  	s3 =	simm.s32 @!p0 $0x1082;
	s9 =	sld [smem:$0x3FAE]  }
0x2f: {  	lr =	sadd.s32 s0, s3;
	s0 =	sld [smem:$0x3FA5]  }
0x30: {  	s3 =	sld [smem:$0x3FA8]  }
0x31: {  	[smem:$0x3FB1] =	sst s10  }
0x32: {  	s10 =	sld [smem:$0x3FAF];
	_ =	sdelay $0x3  }
0x33: {  	p0 =	seq.s32 s10, $0x1;
	s10 =	sld [smem:$0x3FB1];
	_ =	sdelay $0x3  }
0x34: {  	[smem:$0x3FB1] =	sst s10  }
0x35: {  	s10 =	sld [smem:$0x3FB0];
	_ =	sdelay $0x3  }
0x36: {  	p1 =	seq.s32 s10, $0x1;
	s10 =	sld [smem:$0x3FB1];
	_ =	sdelay $0x3  }
0x37: {  	[smem:$0x3FB1] =	sst s10  }
0x38: {  	s10 =	sld [smem:$0x3FB2]  }
0x39: {  	_ = 	snop;
	(pc) =	sbr.ind lr, $3  }
0x3a: {  	_ = 	snop  }
0x3b: {  	_ = 	snop  }
0x3c: {  	p2 =	seq.s32 s10, $0x1;
	s10 =	sld [smem:$0x3FB1]  }
0x3d: {  	_ =	shalt  }
0x3e: {  	_ =	shalt  }
0x3f: {  	_ =	shalt  }
0x40: {  	_ =	shalt  }
0x41: {  	_ =	shalt  }
0x42: {  	_ =	shalt  }
0x43: {  	_ =	shalt  }
0x44: {  	_ =	shalt  }
0x45: {  	_ =	shalt  }
0x46: {  	_ =	shalt  }
0x47: {  	_ =	shalt  }
0x48: {  	_ =	shalt  }
0x49: {  	_ =	shalt  }
0x4a: {  	_ =	shalt  }
0x4b: {  	_ =	shalt  }
0x4c: {  	_ =	shalt  }
0x4d: {  	_ =	shalt  }
0x4e: {  	_ =	shalt  }
0x4f: {  	_ =	shalt  }
0x50: {  	_ =	shalt  }
0x51: {  	_ =	shalt  }
0x52: {  	_ =	shalt  }
0x53: {  	_ =	shalt  }
0x54: {  	_ =	shalt  }
0x55: {  	_ =	shalt  }
0x56: {  	_ =	shalt  }
0x57: {  	_ =	shalt  }
0x58: {  	_ =	shalt  }
0x59: {  	_ =	shalt  }
0x5a: {  	_ =	shalt  }
0x5b: {  	_ =	shalt  }
0x5c: {  	_ =	shalt  }
0x5d: {  	_ =	shalt  }
0x5e: {  	_ =	shalt  }
0x5f: {  	_ =	shalt  }
0x60: {  	_ =	shalt  }
0x61: {  	_ =	shalt  }
0x62: {  	_ =	shalt  }
0x63: {  	_ =	shalt  }
0x64: {  	_ =	shalt  }
0x65: {  	_ =	shalt  }
0x66: {  	_ =	shalt  }
0x67: {  	_ =	shalt  }
0x68: {  	_ =	shalt  }
0x69: {  	_ =	shalt  }
0x6a: {  	_ =	shalt  }
0x6b: {  	_ =	shalt  }
0x6c: {  	_ =	shalt  }
0x6d: {  	_ =	shalt  }
0x6e: {  	_ =	shalt  }
0x6f: {  	_ =	shalt  }
0x70: {  	_ =	shalt  }
0x71: {  	_ =	shalt  }
0x72: {  	_ =	shalt  }
0x73: {  	_ =	shalt  }
0x74: {  	_ =	shalt  }
0x75: {  	_ =	shalt  }
0x76: {  	_ =	shalt  }
0x77: {  	_ =	shalt  }
0x78: {  	_ =	shalt  }
0x79: {  	_ =	shalt  }
0x7a: {  	_ =	shalt  }
0x7b: {  	_ =	shalt  }
0x7c: {  	_ =	shalt  }
0x7d: {  	_ =	shalt  }
0x7e: {  	_ =	shalt  }
0x7f: {  	_ =	shalt  }
0x80: {  	_ =	shalt  }
0x81: {  	_ =	shalt  }
0x82: {  	_ =	shalt  }
0x83: {  	_ =	shalt  }
0x84: {  	_ =	shalt  }
0x85: {  	_ =	shalt  }
0x86: {  	_ =	shalt  }
0x87: {  	_ =	shalt  }
.Lfunc_end0:
.L_simem_size_0:
called_computation_lowered:
.L_overlay_start_0:
0x88: {  	s2 =	sld [smem:$0x3FD9]  }
0x89: {  	s3 =	sld [smem:$0x3FFE];
	_ =	sdelay $0x1  }
0x8a: {  	s1 =	srdreg.scid  }
0x8b: {  	s0 =	sand.u32 $0x1, s1  }
0x8c: {  	s17 =	sshll.u32 s0, $0xA;
	s2 =	sadd.s32 s3, s2  }
0x8d: {  	s2 =	sadd.s32 s2, s17  }
0x8e: {  	[smem:$0x3FBD] =	sst s2  }
0x8f: {  	_ = 	snop  }
0x90: {  	s2 =	sld [smem:$0x3FC7]  }
0x91: {  	s18 =	sld [smem:$0x3FD0];
	(tm) =	ssettm $0x1  }
0x92: {  	s4 =	sld [smem:$0x3FFB];
	_ =	sdelay $0x3  }
0x93: {  	_ =	strace s4  }
0x94: {  	s4 =	sld [smem:$0x3FFC];
	_ =	sdelay $0x3  }
0x95: {  	_ =	strace s4  }
0x96: {  	s4 =	sld [smem:$0x3FFD];
	_ =	sdelay $0x3  }
0x97: {  	_ =	strace s4  }
0x98: {  	_ =	strace $0x8FFFFFFF  }
0x99: {  	s19 =	sld [smem:$0x3FDB];
	_ =	sdelay $0x1  }
0x9a: {  	s5 =	simm.s32 $_scs_section_size  }
0x9b: {  	s6 =	simm.s32 $_size__tile_overlayer_lowered;
	s7 =	simm.s32 $_tile_overlayer_lowered  }
0x9c: {  	s22 =	simm.s32 $0x1BFF;
	s21 =	sshll.u32 s7, $0x1;
	s4 =	sadd.s32 s5, s19  }
0x9d: {  	s8 =	simm.s32 $0x0;
	s20 =	sshll.u32 s6, $0x1;
	s6 =	sadd.s32 s21, s4  }
0x9e: {  	[timem:s8], [sflag:s22] =	dma.local [hbm:s6], s20  }
0x9f: {  	_ =	swait.ge [sflag:s22], s20  }
0xa0: {  	s5 =	ssub.s32 $0x0, s20;
	[sflag:s22] =	ssyncset.done $0x0  }
0xa1: {  	[sflag:s22] =	ssyncadd.s32 s5;
	_ =	sdelay $0x1  }
0xa2: {  	s23 =	simm.s32 $0x1B8B  }
0xa3: {  	_ =	swait.ge [sflag:s23], $0x1  }
0xa4: {  	[sflag:s23] =	ssyncset.done $0x0  }
0xa5: {  	s25 =	simm.s32 $0x1B8E;
	s24 =	sld [smem:$0x3FFE];
	[sflag:s23] =	ssyncadd.s32 $0xFFFFFFFF  }
0xa6: {  	s26 =	simm.s32 $execute0_lowered;
	[smem:$0x3FD2] =	sst s25  }
0xa7: {  	s6 =	sshll.u32 s26, $0x1;
	_ =	strace $0x80000046;
	[dreg:$0x1] =	wrdreg $0xFFFFFFFF  }
0xa8: {  	s28 =	simm.s32 $_size_execute0_lowered;
	s4 =	sadd.s32 s4, s6;
	[dreg:$0x0] =	wrdreg $0x0  }
0xa9: {  	s6 =	sshll.u32 s28, $0x1;
	[dreg:$0x2] =	wrdreg s4  }
0xaa: {  	[dreg:$0x3] =	wrdreg s6  }
0xab: {  	[dreg:$0x4] =	wrdreg $0xC0  }
0xac: {  	_ =	task [dreg:s8], $0x5FFFF  }
0xad: {  	[dreg:$0x1] =	wrdreg $0xFFFFFFFF  }
0xae: {  	[dreg:$0x0] =	wrdreg $0x60  }
0xaf: {  	[dreg:$0x2] =	wrdreg s24  }
0xb0: {  	[dreg:$0x3] =	wrdreg s18  }
0xb1: {  	[dreg:$0x4] =	wrdreg s2  }
0xb2: {  	[dreg:$0x5] =	wrdreg $0x9  }
0xb3: {  	_ =	task.clear_ibuf [dreg:s8], $0x6FFFF;
	_ =	strace $0x90000046  }
0xb4: {  	s29 =	simm.s32 $0x9;
	_ =	strace $0x80000048  }
0xb5: {  	_ =	swait.ge [sflag:s29], $0x1  }
0xb6: {  	[sflag:s29] =	ssyncadd.s32 $0xFFFFFFFF  }
0xb7: {  	_ =	strace $0x90000048  }
0xb8: {  	_ =	sfence  }
0xb9: {  	s30 =	sld [smem:$0x0];
	_ =	sdelay $0x2  }
0xba: {  	s31 =	sshll.u32 s1, $0xD;
	s1 =	sshrl.u32 s1, $0x2  }
0xbb: {  	s3 =	sand.u32 $0x4000, s31;
	s1 =	sadd.s32 s1, s30  }
0xbc: {  	s0 =	sor.u32 s3, s0;
	s1 =	sshll.u32 s1, $0x11  }
0xbd: {  	s0 =	sor.u32 s1, s0  }
0xbe: {  	s0 =	sadd.s32 $0x8F2B, s0  }
0xbf: {  	[sflag:s0] =	ssyncadd.remote.s32 $0x1  }
0xc0: {  	_ =	sfence.sel $0xFFFF  }
0xc1: {  	[dreg:$0x0] =	wrdreg $0xFFFFFFFF;
	(pc) =	sbr.abs _section_cstart, $3  }
0xc2: {  	[dreg:$0x1] =	wrdreg $0xFFFFFFFF  }
0xc3: {  	_ =	task.clear_ibuf [dreg:s8], $0x2FFFF;
	_ =	strace $0x9FFFFFFF  }
0xc4: {  	(tm) =	ssettm $0x7FFFFFFF  }
0xc5: {  	_ =	shalt  }
tec
execute0_lowered:
.L_overlay_start_1:
0x0: {  	(tag) =	ssettag $0x1  }
0x1: {  	s8 =	rddreg [dreg:$0x0]  }
0x2: {  	s1 =	rddreg [dreg:$0x1]  }
0x3: {  	s2 =	rddreg [dreg:$0x2]  }
0x4: {  	s3 =	simm.s32 $0x0;
	s7 =	srdreg.scid;
	s0 =	stileid.u32  }
0x5: {  	v0 =	vimm.s32 $0x8040201;
	v1 =	vimm.s32 $0x80402010;
	s15 =	simm.s32 $0x1;
	s16 =	simm.s32 $0x100;
	s17 =	simm.s32 $0x7800  }
0x6: {  	s18 =	simm.s32 $0xF800;
	s19 =	simm.s32 $0x2;
	s20 =	simm.s32 $0x17800;
	v0 =	vunpack.c.0.s8.s32 v0;
	v1 =	vunpack.c.0.s8.s32 v1  }
0x7: {  	vm0 =	vcmask $0xF00;
	s21 =	simm.s32 $0x0;
	[smem:$0x7FF] =	sst s3;
	s4 =	sadd.s32 $0x78000, s8  }
0x8: {  	vm8 =	vcmask $0x1F10;
	s6 =	sadd.s32 $0x50000, s8;
	s9 =	sand.u32 $0x1, s7;
	s25 =	sshll.u32 s0, $0x11;
	v0 =	vnsel vm0, $0x8000, v0;
	v1 =	vand.u32 $0xFF, v1  }
0x9: {  	vm9 =	vcmask $0x2320;
	s10 =	sshll.u32 s0, $0xD;
	s13 =	sshll.u32 s0, $0x1;
	_ =	strace $0x80000047;
	v0 =	vsel vm8, v1, v0  }
0xa: {  	vm10 =	vcmask $0x2724;
	s11 =	sshll.u32 s9, $0xC;
	s12 =	sadd.s32 s25, s8;
	s28 =	ssub.s32 $0x2, s9;
	v0 =	vsel vm9, $0x100, v0  }
0xb: {  	vm11 =	vcmask $0x2B28;
	s30 =	sor.u32 s9, s13;
	s31 =	sshll.u32 s9, $0x10;
	s13 =	simm.s32 $0x3;
	v0 =	vsel vm10, $0x200, v0  }
.Ltmp0:
0xc: {  	vm12 =	vcmask $0x2F2C;
	s26 =	sor.u32 s11, s10;
	s29 =	sshrl.u32 s28, $0x1;
	v0 =	vsel vm11, $0x400, v0;
	(pc) =	sbr.rel .LBB2_1-.Ltmp0, $4  }
0xd: {  	vm13 =	vcmask $0x3330;
	s11 =	sshll.u32 s30, $0x4;
	s12 =	sadd.s32 s31, s12;
	s7 =	sshrl.u32 s26, $0x3;
	v0 =	vsel vm12, $0x800, v0  }
0xe: {  	vm14 =	vcmask $0x3734;
	s10 =	ssub.s32 s28, s29;
	s14 =	sadd.s32 s7, s8;
	s7 =	sshll.u32 s30, $0x7;
	v0 =	vsel vm13, $0x1000, v0  }
0xf: {  	vm15 =	vcmask $0x3B38;
	v2 =	vlaneseq.u32;
	s8 =	sadd.s32 s8, s11;
	s9 =	smax.u32 s10, $0x1;
	s11 =	sadd.s32 $0xC8000, s12;
	v1 =	vsel vm14, $0x2000, v0  }
0x10: {  	v2 =	vmul.u32 $0x280, v2;
	s12 =	sadd.s32 $0x2C8000, s12;
	s10 =	sadd.s32 $0x200, s14;
	s14 =	simm.s32 $0x5080;
	v0 =	vimm.s32 $0x0;
	v1 =	vsel vm15, $0x4000, v1  }
.LBB2_106:
0x11: {  	[sflag:s13] =	ssyncadd.s32 $0xFFFFFF00  }
.LBB2_107:
0x12: {  	s21 =	sadd.s32 $0x1, s21  }
0x13: {  	v3 =	vmov s22;
	p0 =	sne.s32 s21, s9  }
.Ltmp1:
0x14: {  	[tilespmem:$0x17800] =	vst v3;
	(pc) =	sbr.rel @!p0 .LBB2_108-.Ltmp1, $4  }
0x15: {  	[hbm4b:s8+s3] =	stream.linear.scatter [tilespmem:s20], [sflag:$0x3], $0x80, $0x38;
	[tilespmem:$0x17880] =	vst v63  }
0x16: {  	_ =	swait.ge [sflag:s13], $0x80  }
0x17: {  	[sflag:s13] =	ssyncset.done $0x0  }
0x18: {  	[sflag:s13] =	ssyncadd.s32 $0xFFFFFF80  }
.LBB2_1:
0x19: {  	s22 =	simm.s32 $0x40;
	s24 =	simm.s32 $0x0  }
.LBB2_2:
0x1a: {  	p0 =	sne.s32 s22, $0x41C0;
	[tilespmem:s24+$0x5700] =	vst v0;
	s23 =	smov.u32 s22;
	s22 =	sadd.s32 $0x40, s22  }
.Ltmp2:
0x1b: {  	[tilespmem:s24+$0x6780] =	vst v0;
	(pc) =	sbr.rel @p0 .LBB2_2-.Ltmp2, $2  }
0x1c: {  	_ =	sdelay $0x2  }
0x1d: {  	s24 =	sshra.s32 s23, $0x2  }
.Ltmp3:
0x1e: {  	(pc) =	sbr.rel .LBB2_4-.Ltmp3, $3  }
0x1f: {  	_ =	sdelay $0x1  }
0x20: {  	[tilespmem:s24+$0x5700] =	vst v0  }
0x21: {  	s23 =	simm.s32 $0x0;
	[tilespmem:s24+$0x6780] =	vst v0;
	s22 =	simm.s32 $0x0;
	s24 =	simm.s32 $0x0  }
.LBB2_102:
0x22: {  	s24 =	sadd.s32 $0x1, s24  }
0x23: {  	p0 =	sne.s32 s24, $0x4  }
.Ltmp4:
0x24: {  	_ = 	snop;
	(pc) =	sbr.rel @!p0 .LBB2_103-.Ltmp4, $1  }
0x25: {  	_ =	sdelay $0x3  }
.LBB2_4:
0x26: {  	s25 =	sshll.u32 s24, $0x5  }
0x27: {  	s26 =	sadd.s32 s7, s25  }
0x28: {  	s28 =	smul.u32 $0x50, s26;
	_ =	sdelay $0x1  }
0x29: {  	s28 =	sadd.s32 s4, s28  }
0x2a: {  	[tilespmem:s23], [sflag:$0x3] =	stream.linear.gather [hbm4b:s28+s23], $0x5000, $0x38;
	[tilespmem:$0x17880] =	vst v63  }
0x2b: {  	s26 =	smul.u32 $0x6, s26;
	_ =	swait.ge [sflag:s13], $0x5000  }
0x2c: {  	[sflag:s13] =	ssyncset.done $0x0  }
.Ltmp5:
0x2d: {  	s26 =	sadd.s32 s1, s26;
	[sflag:s13] =	ssyncadd.s32 $0xFFFFB000;
	(pc) =	sbr.rel .LBB2_5-.Ltmp5, $4  }
0x2e: {  	[tilespmem:s14], [sflag:$0x3] =	stream.linear.gather [hbm4b:s26+s23], $0x600, $0x38;
	[tilespmem:$0x17880] =	vst v63  }
0x2f: {  	_ =	swait.ge [sflag:s13], $0x600  }
0x30: {  	[sflag:s13] =	ssyncset.done $0x0  }
0x31: {  	s26 =	simm.s32 $0x0;
	[sflag:s13] =	ssyncadd.s32 $0xFFFFFA00  }
.LBB2_101:
0x32: {  	s26 =	sadd.s32 $0x1, s26  }
0x33: {  	p0 =	sne.s32 s26, $0x20  }
.Ltmp6:
0x34: {  	_ = 	snop;
	(pc) =	sbr.rel @!p0 .LBB2_102-.Ltmp6, $1  }
0x35: {  	_ =	sdelay $0x3  }
.LBB2_5:
0x36: {  	s28 =	smul.u32 $0xC0, s26;
	_ =	sdelay $0x1  }
0x37: {  	s29 =	sshra.s32 s28, $0x2  }
0x38: {  	v4 =	vld [tilespmem:s29+$0x5080];
	_ =	sdelay $0x4  }
0x39: {  	(v2sf) =	vpush v4, $0x0;
	_ =	sdelay $0xe  }
0x3a: {  	s30 =	spop (v2sf)  }
0x3b: {  	p0 =	seq.s32 s30, $0x0  }
.Ltmp7:
0x3c: {  	_ = 	snop;
	(pc) =	sbr.rel @p0 .LBB2_7-.Ltmp7, $3  }
0x3d: {  	_ =	sdelay $0x1  }
0x3e: {  	s31 =	sor.u32 s25, s26  }
0x3f: {  	v3 =	vmov s31;
	s28 =	smul.u32 $0x280, s26  }
.LBB2_6:
0x40: {  	s31 =	ssub.s32 $0x0, s30  }
0x41: {  	s31 =	sand.u32 s31, s30  }
0x42: {  	s31 =	scvt.s32.f32 s31;
	_ =	sdelay $0x1  }
0x43: {  	s31 =	sshra.s32 s31, $0x17  }
0x44: {  	s31 =	smul.u32 $0x30, s31;
	_ =	sdelay $0x1  }
0x45: {  	s31 =	sadd.s32 $0xFFFFE830, s31  }
0x46: {  	s0 =	sadd.s32 s28, s31  }
0x47: {  	s5 =	sand.u32 $0x70, s31;
	s0 =	sand.u32 $0xFFFFFF80, s0  }
0x48: {  	s0 =	sor.u32 s5, s0  }
0x49: {  	v5 =	vld.msk [tilespmem:s0+$0x0 ss:$0x0], $0xffff;
	_ =	sdelay $0x4  }
0x4a: {  	v5 =	vand.u32 v1, v5  }
0x4b: {  	vm0 =	vne.s32 v5, $0x0  }
0x4c: {  	v5 =	vmpcnt.ones.xlane vm0;
	_ =	sdelay $0x1  }
0x4d: {  	(v2sf) =	vpush v5, $0x0;
	_ =	sdelay $0x8  }
0x4e: {  	s5 =	sadd.s32 $0xFFFFFFFF, s30  }
0x4f: {  	p0 =	slt.s32 s22, $0x1000;
	s0 =	smov.u32 s22;
	s30 =	sand.u32 s30, s5  }
0x50: {  	s0 =	simm.s32 @!p0 $0x1000;
	p0 =	sne.s32 s30, $0x0  }
.Ltmp8:
0x51: {  	_ = 	snop;
	(pc) =	sbr.rel @p0 .LBB2_6-.Ltmp8, $4  }
0x52: {  	_ = 	snop  }
0x53: {  	v5 =	vadd.s32 s31, v2  }
0x54: {  	[tilespmem:s0+$0x5700] =	vst.msk vm0, v5;
	s31 =	spop (v2sf)  }
0x55: {  	[tilespmem:s0+$0x6780] =	vst.msk vm0, v3;
	s22 =	sadd.s32 s22, s31  }
.LBB2_7:
0x56: {  	(v2sf) =	vpush v4, $0x1;
	_ =	sdelay $0xe  }
0x57: {  	s30 =	spop (v2sf)  }
0x58: {  	p0 =	seq.s32 s30, $0x0  }
.Ltmp9:
0x59: {  	_ = 	snop;
	(pc) =	sbr.rel @p0 .LBB2_9-.Ltmp9, $1  }
0x5a: {  	_ =	sdelay $0x3  }
.LBB2_8:
0x5b: {  	s0 =	ssub.s32 $0x0, s30  }
0x5c: {  	s0 =	sand.u32 s0, s30  }
0x5d: {  	s0 =	scvt.s32.f32 s0;
	_ =	sdelay $0x1  }
0x5e: {  	s0 =	sshra.s32 s0, $0x17  }
0x5f: {  	s0 =	smul.u32 $0x30, s0;
	_ =	sdelay $0x1  }
0x60: {  	s0 =	sadd.s32 $0xFFFFE831, s0  }
0x61: {  	s5 =	sadd.s32 s28, s0  }
0x62: {  	s31 =	sand.u32 $0x71, s0;
	s5 =	sand.u32 $0xFFFFFF80, s5  }
0x63: {  	s5 =	sor.u32 s31, s5  }
0x64: {  	v5 =	vld.msk [tilespmem:s5+$0x0 ss:$0x0], $0xffff;
	_ =	sdelay $0x4  }
0x65: {  	v5 =	vand.u32 v1, v5  }
0x66: {  	vm0 =	vne.s32 v5, $0x0  }
0x67: {  	v5 =	vmpcnt.ones.xlane vm0;
	_ =	sdelay $0x1  }
0x68: {  	(v2sf) =	vpush v5, $0x0;
	_ =	sdelay $0x8  }
0x69: {  	s31 =	sadd.s32 $0xFFFFFFFF, s30  }
0x6a: {  	p0 =	slt.s32 s22, $0x1000;
	s5 =	smov.u32 s22;
	s30 =	sand.u32 s30, s31  }
0x6b: {  	s5 =	simm.s32 @!p0 $0x1000;
	p0 =	sne.s32 s30, $0x0  }
.Ltmp10:
0x6c: {  	_ = 	snop;
	(pc) =	sbr.rel @p0 .LBB2_8-.Ltmp10, $4  }
0x6d: {  	_ = 	snop  }
0x6e: {  	v5 =	vadd.s32 s0, v2  }
0x6f: {  	[tilespmem:s5+$0x5700] =	vst.msk vm0, v5;
	s31 =	spop (v2sf)  }
0x70: {  	[tilespmem:s5+$0x6780] =	vst.msk vm0, v3;
	s22 =	sadd.s32 s22, s31  }
.LBB2_9:
0x71: {  	(v2sf) =	vpush v4, $0x2;
	_ =	sdelay $0xe  }
0x72: {  	s30 =	spop (v2sf)  }
0x73: {  	p0 =	seq.s32 s30, $0x0  }
.Ltmp11:
0x74: {  	_ = 	snop;
	(pc) =	sbr.rel @p0 .LBB2_11-.Ltmp11, $1  }
0x75: {  	_ =	sdelay $0x3  }
.LBB2_10:
0x76: {  	s0 =	ssub.s32 $0x0, s30  }
0x77: {  	s0 =	sand.u32 s0, s30  }
0x78: {  	s0 =	scvt.s32.f32 s0;
	_ =	sdelay $0x1  }
0x79: {  	s0 =	sshra.s32 s0, $0x17  }
0x7a: {  	s0 =	smul.u32 $0x30, s0;
	_ =	sdelay $0x1  }
0x7b: {  	s0 =	sadd.s32 $0xFFFFE832, s0  }
0x7c: {  	s5 =	sadd.s32 s28, s0  }
0x7d: {  	s31 =	sand.u32 $0x72, s0;
	s5 =	sand.u32 $0xFFFFFF80, s5  }
0x7e: {  	s5 =	sor.u32 s31, s5  }
0x7f: {  	v5 =	vld.msk [tilespmem:s5+$0x0 ss:$0x0], $0xffff;
	_ =	sdelay $0x4  }
0x80: {  	v5 =	vand.u32 v1, v5  }
0x81: {  	vm0 =	vne.s32 v5, $0x0  }
0x82: {  	v5 =	vmpcnt.ones.xlane vm0;
	_ =	sdelay $0x1  }
0x83: {  	(v2sf) =	vpush v5, $0x0;
	_ =	sdelay $0x8  }
0x84: {  	s31 =	sadd.s32 $0xFFFFFFFF, s30  }
0x85: {  	p0 =	slt.s32 s22, $0x1000;
	s5 =	smov.u32 s22;
	s30 =	sand.u32 s30, s31  }
0x86: {  	s5 =	simm.s32 @!p0 $0x1000;
	p0 =	sne.s32 s30, $0x0  }
.Ltmp12:
0x87: {  	_ = 	snop;
	(pc) =	sbr.rel @p0 .LBB2_10-.Ltmp12, $4  }
0x88: {  	_ = 	snop  }
0x89: {  	v5 =	vadd.s32 s0, v2  }
0x8a: {  	[tilespmem:s5+$0x5700] =	vst.msk vm0, v5;
	s31 =	spop (v2sf)  }
0x8b: {  	[tilespmem:s5+$0x6780] =	vst.msk vm0, v3;
	s22 =	sadd.s32 s22, s31  }
.LBB2_11:
0x8c: {  	(v2sf) =	vpush v4, $0x3;
	_ =	sdelay $0xe  }
0x8d: {  	s30 =	spop (v2sf)  }
0x8e: {  	p0 =	seq.s32 s30, $0x0  }
.Ltmp13:
0x8f: {  	_ = 	snop;
	(pc) =	sbr.rel @p0 .LBB2_13-.Ltmp13, $1  }
0x90: {  	_ =	sdelay $0x3  }
.LBB2_12:
0x91: {  	s0 =	ssub.s32 $0x0, s30  }
0x92: {  	s0 =	sand.u32 s0, s30  }
0x93: {  	s0 =	scvt.s32.f32 s0;
	_ =	sdelay $0x1  }
0x94: {  	s0 =	sshra.s32 s0, $0x17  }
0x95: {  	s0 =	smul.u32 $0x30, s0;
	_ =	sdelay $0x1  }
0x96: {  	s0 =	sadd.s32 $0xFFFFE833, s0  }
0x97: {  	s5 =	sadd.s32 s28, s0  }
0x98: {  	s31 =	sand.u32 $0x73, s0;
	s5 =	sand.u32 $0xFFFFFF80, s5  }
0x99: {  	s5 =	sor.u32 s31, s5  }
0x9a: {  	v5 =	vld.msk [tilespmem:s5+$0x0 ss:$0x0], $0xffff;
	_ =	sdelay $0x4  }
0x9b: {  	v5 =	vand.u32 v1, v5  }
0x9c: {  	vm0 =	vne.s32 v5, $0x0  }
0x9d: {  	v5 =	vmpcnt.ones.xlane vm0;
	_ =	sdelay $0x1  }
0x9e: {  	(v2sf) =	vpush v5, $0x0;
	_ =	sdelay $0x8  }
0x9f: {  	s31 =	sadd.s32 $0xFFFFFFFF, s30  }
0xa0: {  	p0 =	slt.s32 s22, $0x1000;
	s5 =	smov.u32 s22;
	s30 =	sand.u32 s30, s31  }
0xa1: {  	s5 =	simm.s32 @!p0 $0x1000;
	p0 =	sne.s32 s30, $0x0  }
.Ltmp14:
0xa2: {  	_ = 	snop;
	(pc) =	sbr.rel @p0 .LBB2_12-.Ltmp14, $4  }
0xa3: {  	_ = 	snop  }
0xa4: {  	v5 =	vadd.s32 s0, v2  }
0xa5: {  	[tilespmem:s5+$0x5700] =	vst.msk vm0, v5;
	s31 =	spop (v2sf)  }
0xa6: {  	[tilespmem:s5+$0x6780] =	vst.msk vm0, v3;
	s22 =	sadd.s32 s22, s31  }
.LBB2_13:
0xa7: {  	(v2sf) =	vpush v4, $0x4;
	_ =	sdelay $0xe  }
0xa8: {  	s30 =	spop (v2sf)  }
0xa9: {  	p0 =	seq.s32 s30, $0x0  }
.Ltmp15:
0xaa: {  	_ = 	snop;
	(pc) =	sbr.rel @p0 .LBB2_15-.Ltmp15, $1  }
0xab: {  	_ =	sdelay $0x3  }
.LBB2_14:
0xac: {  	s0 =	ssub.s32 $0x0, s30  }
0xad: {  	s0 =	sand.u32 s0, s30  }
0xae: {  	s0 =	scvt.s32.f32 s0;
	_ =	sdelay $0x1  }
0xaf: {  	s0 =	sshra.s32 s0, $0x17  }
0xb0: {  	s0 =	smul.u32 $0x30, s0;
	_ =	sdelay $0x1  }
0xb1: {  	s0 =	sadd.s32 $0xFFFFE834, s0  }
0xb2: {  	s5 =	sadd.s32 s28, s0  }
0xb3: {  	s31 =	sand.u32 $0x74, s0;
	s5 =	sand.u32 $0xFFFFFF80, s5  }
0xb4: {  	s5 =	sor.u32 s31, s5  }
0xb5: {  	v5 =	vld.msk [tilespmem:s5+$0x0 ss:$0x0], $0xffff;
	_ =	sdelay $0x4  }
0xb6: {  	v5 =	vand.u32 v1, v5  }
0xb7: {  	vm0 =	vne.s32 v5, $0x0  }
0xb8: {  	v5 =	vmpcnt.ones.xlane vm0;
	_ =	sdelay $0x1  }
0xb9: {  	(v2sf) =	vpush v5, $0x0;
	_ =	sdelay $0x8  }
0xba: {  	s31 =	sadd.s32 $0xFFFFFFFF, s30  }
0xbb: {  	p0 =	slt.s32 s22, $0x1000;
	s5 =	smov.u32 s22;
	s30 =	sand.u32 s30, s31  }
0xbc: {  	s5 =	simm.s32 @!p0 $0x1000;
	p0 =	sne.s32 s30, $0x0  }
.Ltmp16:
0xbd: {  	_ = 	snop;
	(pc) =	sbr.rel @p0 .LBB2_14-.Ltmp16, $4  }
0xbe: {  	_ = 	snop  }
0xbf: {  	v5 =	vadd.s32 s0, v2  }
0xc0: {  	[tilespmem:s5+$0x5700] =	vst.msk vm0, v5;
	s31 =	spop (v2sf)  }
0xc1: {  	[tilespmem:s5+$0x6780] =	vst.msk vm0, v3;
	s22 =	sadd.s32 s22, s31  }
.LBB2_15:
0xc2: {  	(v2sf) =	vpush v4, $0x5;
	_ =	sdelay $0xe  }
0xc3: {  	s30 =	spop (v2sf)  }
0xc4: {  	p0 =	seq.s32 s30, $0x0  }
.Ltmp17:
0xc5: {  	_ = 	snop;
	(pc) =	sbr.rel @p0 .LBB2_17-.Ltmp17, $1  }
0xc6: {  	_ =	sdelay $0x3  }
.LBB2_16:
0xc7: {  	s0 =	ssub.s32 $0x0, s30  }
0xc8: {  	s0 =	sand.u32 s0, s30  }
0xc9: {  	s0 =	scvt.s32.f32 s0;
	_ =	sdelay $0x1  }
0xca: {  	s0 =	sshra.s32 s0, $0x17  }
0xcb: {  	s0 =	smul.u32 $0x30, s0;
	_ =	sdelay $0x1  }
0xcc: {  	s0 =	sadd.s32 $0xFFFFE835, s0  }
0xcd: {  	s5 =	sadd.s32 s28, s0  }
0xce: {  	s31 =	sand.u32 $0x75, s0;
	s5 =	sand.u32 $0xFFFFFF80, s5  }
0xcf: {  	s5 =	sor.u32 s31, s5  }
0xd0: {  	v5 =	vld.msk [tilespmem:s5+$0x0 ss:$0x0], $0xffff;
	_ =	sdelay $0x4  }
0xd1: {  	v5 =	vand.u32 v1, v5  }
0xd2: {  	vm0 =	vne.s32 v5, $0x0  }
0xd3: {  	v5 =	vmpcnt.ones.xlane vm0;
	_ =	sdelay $0x1  }
0xd4: {  	(v2sf) =	vpush v5, $0x0;
	_ =	sdelay $0x8  }
0xd5: {  	s31 =	sadd.s32 $0xFFFFFFFF, s30  }
0xd6: {  	p0 =	slt.s32 s22, $0x1000;
	s5 =	smov.u32 s22;
	s30 =	sand.u32 s30, s31  }
0xd7: {  	s5 =	simm.s32 @!p0 $0x1000;
	p0 =	sne.s32 s30, $0x0  }
.Ltmp18:
0xd8: {  	_ = 	snop;
	(pc) =	sbr.rel @p0 .LBB2_16-.Ltmp18, $4  }
0xd9: {  	_ = 	snop  }
0xda: {  	v5 =	vadd.s32 s0, v2  }
0xdb: {  	[tilespmem:s5+$0x5700] =	vst.msk vm0, v5;
	s31 =	spop (v2sf)  }
0xdc: {  	[tilespmem:s5+$0x6780] =	vst.msk vm0, v3;
	s22 =	sadd.s32 s22, s31  }
.LBB2_17:
0xdd: {  	(v2sf) =	vpush v4, $0x6;
	_ =	sdelay $0xe  }
0xde: {  	s30 =	spop (v2sf)  }
0xdf: {  	p0 =	seq.s32 s30, $0x0  }
.Ltmp19:
0xe0: {  	_ = 	snop;
	(pc) =	sbr.rel @p0 .LBB2_19-.Ltmp19, $1  }
0xe1: {  	_ =	sdelay $0x3  }
.LBB2_18:
0xe2: {  	s0 =	ssub.s32 $0x0, s30  }
0xe3: {  	s0 =	sand.u32 s0, s30  }
0xe4: {  	s0 =	scvt.s32.f32 s0;
	_ =	sdelay $0x1  }
0xe5: {  	s0 =	sshra.s32 s0, $0x17  }
0xe6: {  	s0 =	smul.u32 $0x30, s0;
	_ =	sdelay $0x1  }
0xe7: {  	s0 =	sadd.s32 $0xFFFFE836, s0  }
0xe8: {  	s5 =	sadd.s32 s28, s0  }
0xe9: {  	s31 =	sand.u32 $0x76, s0;
	s5 =	sand.u32 $0xFFFFFF80, s5  }
0xea: {  	s5 =	sor.u32 s31, s5  }
0xeb: {  	v5 =	vld.msk [tilespmem:s5+$0x0 ss:$0x0], $0xffff;
	_ =	sdelay $0x4  }
0xec: {  	v5 =	vand.u32 v1, v5  }
0xed: {  	vm0 =	vne.s32 v5, $0x0  }
0xee: {  	v5 =	vmpcnt.ones.xlane vm0;
	_ =	sdelay $0x1  }
0xef: {  	(v2sf) =	vpush v5, $0x0;
	_ =	sdelay $0x8  }
0xf0: {  	s31 =	sadd.s32 $0xFFFFFFFF, s30  }
0xf1: {  	p0 =	slt.s32 s22, $0x1000;
	s5 =	smov.u32 s22;
	s30 =	sand.u32 s30, s31  }
0xf2: {  	s5 =	simm.s32 @!p0 $0x1000;
	p0 =	sne.s32 s30, $0x0  }
.Ltmp20:
0xf3: {  	_ = 	snop;
	(pc) =	sbr.rel @p0 .LBB2_18-.Ltmp20, $4  }
0xf4: {  	_ = 	snop  }
0xf5: {  	v5 =	vadd.s32 s0, v2  }
0xf6: {  	[tilespmem:s5+$0x5700] =	vst.msk vm0, v5;
	s31 =	spop (v2sf)  }
0xf7: {  	[tilespmem:s5+$0x6780] =	vst.msk vm0, v3;
	s22 =	sadd.s32 s22, s31  }
.LBB2_19:
0xf8: {  	(v2sf) =	vpush v4, $0x7;
	_ =	sdelay $0xe  }
0xf9: {  	s30 =	spop (v2sf)  }
0xfa: {  	p0 =	seq.s32 s30, $0x0  }
.Ltmp21:
0xfb: {  	_ = 	snop;
	(pc) =	sbr.rel @p0 .LBB2_21-.Ltmp21, $1  }
0xfc: {  	_ =	sdelay $0x3  }
.LBB2_20:
0xfd: {  	s0 =	ssub.s32 $0x0, s30  }
0xfe: {  	s0 =	sand.u32 s0, s30  }
0xff: {  	s0 =	scvt.s32.f32 s0;
	_ =	sdelay $0x1  }
0x100: {  	s0 =	sshra.s32 s0, $0x17  }
0x101: {  	s0 =	smul.u32 $0x30, s0;
	_ =	sdelay $0x1  }
0x102: {  	s0 =	sadd.s32 $0xFFFFE837, s0  }
0x103: {  	s5 =	sadd.s32 s28, s0  }
0x104: {  	s31 =	sand.u32 $0x77, s0;
	s5 =	sand.u32 $0xFFFFFF80, s5  }
0x105: {  	s5 =	sor.u32 s31, s5  }
0x106: {  	v5 =	vld.msk [tilespmem:s5+$0x0 ss:$0x0], $0xffff;
	_ =	sdelay $0x4  }
0x107: {  	v5 =	vand.u32 v1, v5  }
0x108: {  	vm0 =	vne.s32 v5, $0x0  }
0x109: {  	v5 =	vmpcnt.ones.xlane vm0;
	_ =	sdelay $0x1  }
0x10a: {  	(v2sf) =	vpush v5, $0x0;
	_ =	sdelay $0x8  }
0x10b: {  	s31 =	sadd.s32 $0xFFFFFFFF, s30  }
0x10c: {  	p0 =	slt.s32 s22, $0x1000;
	s5 =	smov.u32 s22;
	s30 =	sand.u32 s30, s31  }
0x10d: {  	s5 =	simm.s32 @!p0 $0x1000;
	p0 =	sne.s32 s30, $0x0  }
.Ltmp22:
0x10e: {  	_ = 	snop;
	(pc) =	sbr.rel @p0 .LBB2_20-.Ltmp22, $4  }
0x10f: {  	_ = 	snop  }
0x110: {  	v5 =	vadd.s32 s0, v2  }
0x111: {  	[tilespmem:s5+$0x5700] =	vst.msk vm0, v5;
	s31 =	spop (v2sf)  }
0x112: {  	[tilespmem:s5+$0x6780] =	vst.msk vm0, v3;
	s22 =	sadd.s32 s22, s31  }
.LBB2_21:
0x113: {  	(v2sf) =	vpush v4, $0x8;
	_ =	sdelay $0xe  }
0x114: {  	s30 =	spop (v2sf)  }
0x115: {  	p0 =	seq.s32 s30, $0x0  }
.Ltmp23:
0x116: {  	_ = 	snop;
	(pc) =	sbr.rel @p0 .LBB2_23-.Ltmp23, $1  }
0x117: {  	_ =	sdelay $0x3  }
.LBB2_22:
0x118: {  	s0 =	ssub.s32 $0x0, s30  }
0x119: {  	s0 =	sand.u32 s0, s30  }
0x11a: {  	s0 =	scvt.s32.f32 s0;
	_ =	sdelay $0x1  }
0x11b: {  	s0 =	sshra.s32 s0, $0x17  }
0x11c: {  	s0 =	smul.u32 $0x30, s0;
	_ =	sdelay $0x1  }
0x11d: {  	s0 =	sadd.s32 $0xFFFFE838, s0  }
0x11e: {  	s5 =	sadd.s32 s28, s0  }
0x11f: {  	s31 =	sand.u32 $0x78, s0;
	s5 =	sand.u32 $0xFFFFFF80, s5  }
0x120: {  	s5 =	sor.u32 s31, s5  }
0x121: {  	v5 =	vld.msk [tilespmem:s5+$0x0 ss:$0x0], $0xffff;
	_ =	sdelay $0x4  }
0x122: {  	v5 =	vand.u32 v1, v5  }
0x123: {  	vm0 =	vne.s32 v5, $0x0  }
0x124: {  	v5 =	vmpcnt.ones.xlane vm0;
	_ =	sdelay $0x1  }
0x125: {  	(v2sf) =	vpush v5, $0x0;
	_ =	sdelay $0x8  }
0x126: {  	s31 =	sadd.s32 $0xFFFFFFFF, s30  }
0x127: {  	p0 =	slt.s32 s22, $0x1000;
	s5 =	smov.u32 s22;
	s30 =	sand.u32 s30, s31  }
0x128: {  	s5 =	simm.s32 @!p0 $0x1000;
	p0 =	sne.s32 s30, $0x0  }
.Ltmp24:
0x129: {  	_ = 	snop;
	(pc) =	sbr.rel @p0 .LBB2_22-.Ltmp24, $4  }
0x12a: {  	_ = 	snop  }
0x12b: {  	v5 =	vadd.s32 s0, v2  }
0x12c: {  	[tilespmem:s5+$0x5700] =	vst.msk vm0, v5;
	s31 =	spop (v2sf)  }
0x12d: {  	[tilespmem:s5+$0x6780] =	vst.msk vm0, v3;
	s22 =	sadd.s32 s22, s31  }
.LBB2_23:
0x12e: {  	(v2sf) =	vpush v4, $0x9;
	_ =	sdelay $0xe  }
0x12f: {  	s30 =	spop (v2sf)  }
0x130: {  	p0 =	seq.s32 s30, $0x0  }
.Ltmp25:
0x131: {  	_ = 	snop;
	(pc) =	sbr.rel @p0 .LBB2_25-.Ltmp25, $1  }
0x132: {  	_ =	sdelay $0x3  }
.LBB2_24:
0x133: {  	s0 =	ssub.s32 $0x0, s30  }
0x134: {  	s0 =	sand.u32 s0, s30  }
0x135: {  	s0 =	scvt.s32.f32 s0;
	_ =	sdelay $0x1  }
0x136: {  	s0 =	sshra.s32 s0, $0x17  }
0x137: {  	s0 =	smul.u32 $0x30, s0;
	_ =	sdelay $0x1  }
0x138: {  	s0 =	sadd.s32 $0xFFFFE839, s0  }
0x139: {  	s5 =	sadd.s32 s28, s0  }
0x13a: {  	s31 =	sand.u32 $0x79, s0;
	s5 =	sand.u32 $0xFFFFFF80, s5  }
0x13b: {  	s5 =	sor.u32 s31, s5  }
0x13c: {  	v5 =	vld.msk [tilespmem:s5+$0x0 ss:$0x0], $0xffff;
	_ =	sdelay $0x4  }
0x13d: {  	v5 =	vand.u32 v1, v5  }
0x13e: {  	vm0 =	vne.s32 v5, $0x0  }
0x13f: {  	v5 =	vmpcnt.ones.xlane vm0;
	_ =	sdelay $0x1  }
0x140: {  	(v2sf) =	vpush v5, $0x0;
	_ =	sdelay $0x8  }
0x141: {  	s31 =	sadd.s32 $0xFFFFFFFF, s30  }
0x142: {  	p0 =	slt.s32 s22, $0x1000;
	s5 =	smov.u32 s22;
	s30 =	sand.u32 s30, s31  }
0x143: {  	s5 =	simm.s32 @!p0 $0x1000;
	p0 =	sne.s32 s30, $0x0  }
.Ltmp26:
0x144: {  	_ = 	snop;
	(pc) =	sbr.rel @p0 .LBB2_24-.Ltmp26, $4  }
0x145: {  	_ = 	snop  }
0x146: {  	v5 =	vadd.s32 s0, v2  }
0x147: {  	[tilespmem:s5+$0x5700] =	vst.msk vm0, v5;
	s31 =	spop (v2sf)  }
0x148: {  	[tilespmem:s5+$0x6780] =	vst.msk vm0, v3;
	s22 =	sadd.s32 s22, s31  }
.LBB2_25:
0x149: {  	(v2sf) =	vpush v4, $0xA;
	_ =	sdelay $0xe  }
0x14a: {  	s30 =	spop (v2sf)  }
0x14b: {  	p0 =	seq.s32 s30, $0x0  }
.Ltmp27:
0x14c: {  	_ = 	snop;
	(pc) =	sbr.rel @p0 .LBB2_27-.Ltmp27, $1  }
0x14d: {  	_ =	sdelay $0x3  }
.LBB2_26:
0x14e: {  	s0 =	ssub.s32 $0x0, s30  }
0x14f: {  	s0 =	sand.u32 s0, s30  }
0x150: {  	s0 =	scvt.s32.f32 s0;
	_ =	sdelay $0x1  }
0x151: {  	s0 =	sshra.s32 s0, $0x17  }
0x152: {  	s0 =	smul.u32 $0x30, s0;
	_ =	sdelay $0x1  }
0x153: {  	s0 =	sadd.s32 $0xFFFFE83A, s0  }
0x154: {  	s5 =	sadd.s32 s28, s0  }
0x155: {  	s31 =	sand.u32 $0x7A, s0;
	s5 =	sand.u32 $0xFFFFFF80, s5  }
0x156: {  	s5 =	sor.u32 s31, s5  }
0x157: {  	v5 =	vld.msk [tilespmem:s5+$0x0 ss:$0x0], $0xffff;
	_ =	sdelay $0x4  }
0x158: {  	v5 =	vand.u32 v1, v5  }
0x159: {  	vm0 =	vne.s32 v5, $0x0  }
0x15a: {  	v5 =	vmpcnt.ones.xlane vm0;
	_ =	sdelay $0x1  }
0x15b: {  	(v2sf) =	vpush v5, $0x0;
	_ =	sdelay $0x8  }
0x15c: {  	s31 =	sadd.s32 $0xFFFFFFFF, s30  }
0x15d: {  	p0 =	slt.s32 s22, $0x1000;
	s5 =	smov.u32 s22;
	s30 =	sand.u32 s30, s31  }
0x15e: {  	s5 =	simm.s32 @!p0 $0x1000;
	p0 =	sne.s32 s30, $0x0  }
.Ltmp28:
0x15f: {  	_ = 	snop;
	(pc) =	sbr.rel @p0 .LBB2_26-.Ltmp28, $4  }
0x160: {  	_ = 	snop  }
0x161: {  	v5 =	vadd.s32 s0, v2  }
0x162: {  	[tilespmem:s5+$0x5700] =	vst.msk vm0, v5;
	s31 =	spop (v2sf)  }
0x163: {  	[tilespmem:s5+$0x6780] =	vst.msk vm0, v3;
	s22 =	sadd.s32 s22, s31  }
.LBB2_27:
0x164: {  	(v2sf) =	vpush v4, $0xB;
	_ =	sdelay $0xe  }
0x165: {  	s30 =	spop (v2sf)  }
0x166: {  	p0 =	seq.s32 s30, $0x0  }
.Ltmp29:
0x167: {  	_ = 	snop;
	(pc) =	sbr.rel @p0 .LBB2_29-.Ltmp29, $1  }
0x168: {  	_ =	sdelay $0x3  }
.LBB2_28:
0x169: {  	s0 =	ssub.s32 $0x0, s30  }
0x16a: {  	s0 =	sand.u32 s0, s30  }
0x16b: {  	s0 =	scvt.s32.f32 s0;
	_ =	sdelay $0x1  }
0x16c: {  	s0 =	sshra.s32 s0, $0x17  }
0x16d: {  	s0 =	smul.u32 $0x30, s0;
	_ =	sdelay $0x1  }
0x16e: {  	s0 =	sadd.s32 $0xFFFFE83B, s0  }
0x16f: {  	s5 =	sadd.s32 s28, s0  }
0x170: {  	s31 =	sand.u32 $0x7B, s0;
	s5 =	sand.u32 $0xFFFFFF80, s5  }
0x171: {  	s5 =	sor.u32 s31, s5  }
0x172: {  	v5 =	vld.msk [tilespmem:s5+$0x0 ss:$0x0], $0xffff;
	_ =	sdelay $0x4  }
0x173: {  	v5 =	vand.u32 v1, v5  }
0x174: {  	vm0 =	vne.s32 v5, $0x0  }
0x175: {  	v5 =	vmpcnt.ones.xlane vm0;
	_ =	sdelay $0x1  }
0x176: {  	(v2sf) =	vpush v5, $0x0;
	_ =	sdelay $0x8  }
0x177: {  	s31 =	sadd.s32 $0xFFFFFFFF, s30  }
0x178: {  	p0 =	slt.s32 s22, $0x1000;
	s5 =	smov.u32 s22;
	s30 =	sand.u32 s30, s31  }
0x179: {  	s5 =	simm.s32 @!p0 $0x1000;
	p0 =	sne.s32 s30, $0x0  }
.Ltmp30:
0x17a: {  	_ = 	snop;
	(pc) =	sbr.rel @p0 .LBB2_28-.Ltmp30, $4  }
0x17b: {  	_ = 	snop  }
0x17c: {  	v5 =	vadd.s32 s0, v2  }
0x17d: {  	[tilespmem:s5+$0x5700] =	vst.msk vm0, v5;
	s31 =	spop (v2sf)  }
0x17e: {  	[tilespmem:s5+$0x6780] =	vst.msk vm0, v3;
	s22 =	sadd.s32 s22, s31  }
.LBB2_29:
0x17f: {  	(v2sf) =	vpush v4, $0xC;
	_ =	sdelay $0xe  }
0x180: {  	s30 =	spop (v2sf)  }
0x181: {  	p0 =	seq.s32 s30, $0x0  }
.Ltmp31:
0x182: {  	_ = 	snop;
	(pc) =	sbr.rel @p0 .LBB2_31-.Ltmp31, $1  }
0x183: {  	_ =	sdelay $0x3  }
.LBB2_30:
0x184: {  	s0 =	ssub.s32 $0x0, s30  }
0x185: {  	s0 =	sand.u32 s0, s30  }
0x186: {  	s0 =	scvt.s32.f32 s0;
	_ =	sdelay $0x1  }
0x187: {  	s0 =	sshra.s32 s0, $0x17  }
0x188: {  	s0 =	smul.u32 $0x30, s0;
	_ =	sdelay $0x1  }
0x189: {  	s0 =	sadd.s32 $0xFFFFE83C, s0  }
0x18a: {  	s5 =	sadd.s32 s28, s0  }
0x18b: {  	s31 =	sand.u32 $0x7C, s0;
	s5 =	sand.u32 $0xFFFFFF80, s5  }
0x18c: {  	s5 =	sor.u32 s31, s5  }
0x18d: {  	v5 =	vld.msk [tilespmem:s5+$0x0 ss:$0x0], $0xffff;
	_ =	sdelay $0x4  }
0x18e: {  	v5 =	vand.u32 v1, v5  }
0x18f: {  	vm0 =	vne.s32 v5, $0x0  }
0x190: {  	v5 =	vmpcnt.ones.xlane vm0;
	_ =	sdelay $0x1  }
0x191: {  	(v2sf) =	vpush v5, $0x0;
	_ =	sdelay $0x8  }
0x192: {  	s31 =	sadd.s32 $0xFFFFFFFF, s30  }
0x193: {  	p0 =	slt.s32 s22, $0x1000;
	s5 =	smov.u32 s22;
	s30 =	sand.u32 s30, s31  }
0x194: {  	s5 =	simm.s32 @!p0 $0x1000;
	p0 =	sne.s32 s30, $0x0  }
.Ltmp32:
0x195: {  	_ = 	snop;
	(pc) =	sbr.rel @p0 .LBB2_30-.Ltmp32, $4  }
0x196: {  	_ = 	snop  }
0x197: {  	v5 =	vadd.s32 s0, v2  }
0x198: {  	[tilespmem:s5+$0x5700] =	vst.msk vm0, v5;
	s31 =	spop (v2sf)  }
0x199: {  	[tilespmem:s5+$0x6780] =	vst.msk vm0, v3;
	s22 =	sadd.s32 s22, s31  }
.LBB2_31:
0x19a: {  	(v2sf) =	vpush v4, $0xD;
	_ =	sdelay $0xe  }
0x19b: {  	s30 =	spop (v2sf)  }
0x19c: {  	p0 =	seq.s32 s30, $0x0  }
.Ltmp33:
0x19d: {  	_ = 	snop;
	(pc) =	sbr.rel @p0 .LBB2_33-.Ltmp33, $1  }
0x19e: {  	_ =	sdelay $0x3  }
.LBB2_32:
0x19f: {  	s0 =	ssub.s32 $0x0, s30  }
0x1a0: {  	s0 =	sand.u32 s0, s30  }
0x1a1: {  	s0 =	scvt.s32.f32 s0;
	_ =	sdelay $0x1  }
0x1a2: {  	s0 =	sshra.s32 s0, $0x17  }
0x1a3: {  	s0 =	smul.u32 $0x30, s0;
	_ =	sdelay $0x1  }
0x1a4: {  	s0 =	sadd.s32 $0xFFFFE83D, s0  }
0x1a5: {  	s5 =	sadd.s32 s28, s0  }
0x1a6: {  	s31 =	sand.u32 $0x7D, s0;
	s5 =	sand.u32 $0xFFFFFF80, s5  }
0x1a7: {  	s5 =	sor.u32 s31, s5  }
0x1a8: {  	v5 =	vld.msk [tilespmem:s5+$0x0 ss:$0x0], $0xffff;
	_ =	sdelay $0x4  }
0x1a9: {  	v5 =	vand.u32 v1, v5  }
0x1aa: {  	vm0 =	vne.s32 v5, $0x0  }
0x1ab: {  	v5 =	vmpcnt.ones.xlane vm0;
	_ =	sdelay $0x1  }
0x1ac: {  	(v2sf) =	vpush v5, $0x0;
	_ =	sdelay $0x8  }
0x1ad: {  	s31 =	sadd.s32 $0xFFFFFFFF, s30  }
0x1ae: {  	p0 =	slt.s32 s22, $0x1000;
	s5 =	smov.u32 s22;
	s30 =	sand.u32 s30, s31  }
0x1af: {  	s5 =	simm.s32 @!p0 $0x1000;
	p0 =	sne.s32 s30, $0x0  }
.Ltmp34:
0x1b0: {  	_ = 	snop;
	(pc) =	sbr.rel @p0 .LBB2_32-.Ltmp34, $4  }
0x1b1: {  	_ = 	snop  }
0x1b2: {  	v5 =	vadd.s32 s0, v2  }
0x1b3: {  	[tilespmem:s5+$0x5700] =	vst.msk vm0, v5;
	s31 =	spop (v2sf)  }
0x1b4: {  	[tilespmem:s5+$0x6780] =	vst.msk vm0, v3;
	s22 =	sadd.s32 s22, s31  }
.LBB2_33:
0x1b5: {  	(v2sf) =	vpush v4, $0xE;
	_ =	sdelay $0xe  }
0x1b6: {  	s30 =	spop (v2sf)  }
0x1b7: {  	p0 =	seq.s32 s30, $0x0  }
.Ltmp35:
0x1b8: {  	_ = 	snop;
	(pc) =	sbr.rel @p0 .LBB2_35-.Ltmp35, $1  }
0x1b9: {  	_ =	sdelay $0x3  }
.LBB2_34:
0x1ba: {  	s0 =	ssub.s32 $0x0, s30  }
0x1bb: {  	s0 =	sand.u32 s0, s30  }
0x1bc: {  	s0 =	scvt.s32.f32 s0;
	_ =	sdelay $0x1  }
0x1bd: {  	s0 =	sshra.s32 s0, $0x17  }
0x1be: {  	s0 =	smul.u32 $0x30, s0;
	_ =	sdelay $0x1  }
0x1bf: {  	s0 =	sadd.s32 $0xFFFFE83E, s0  }
0x1c0: {  	s5 =	sadd.s32 s28, s0  }
0x1c1: {  	s31 =	sand.u32 $0x7E, s0;
	s5 =	sand.u32 $0xFFFFFF80, s5  }
0x1c2: {  	s5 =	sor.u32 s31, s5  }
0x1c3: {  	v5 =	vld.msk [tilespmem:s5+$0x0 ss:$0x0], $0xffff;
	_ =	sdelay $0x4  }
0x1c4: {  	v5 =	vand.u32 v1, v5  }
0x1c5: {  	vm0 =	vne.s32 v5, $0x0  }
0x1c6: {  	v5 =	vmpcnt.ones.xlane vm0;
	_ =	sdelay $0x1  }
0x1c7: {  	(v2sf) =	vpush v5, $0x0;
	_ =	sdelay $0x8  }
0x1c8: {  	s31 =	sadd.s32 $0xFFFFFFFF, s30  }
0x1c9: {  	p0 =	slt.s32 s22, $0x1000;
	s5 =	smov.u32 s22;
	s30 =	sand.u32 s30, s31  }
0x1ca: {  	s5 =	simm.s32 @!p0 $0x1000;
	p0 =	sne.s32 s30, $0x0  }
.Ltmp36:
0x1cb: {  	_ = 	snop;
	(pc) =	sbr.rel @p0 .LBB2_34-.Ltmp36, $4  }
0x1cc: {  	_ = 	snop  }
0x1cd: {  	v5 =	vadd.s32 s0, v2  }
0x1ce: {  	[tilespmem:s5+$0x5700] =	vst.msk vm0, v5;
	s31 =	spop (v2sf)  }
0x1cf: {  	[tilespmem:s5+$0x6780] =	vst.msk vm0, v3;
	s22 =	sadd.s32 s22, s31  }
.LBB2_35:
0x1d0: {  	(v2sf) =	vpush v4, $0xF;
	_ =	sdelay $0xe  }
0x1d1: {  	s30 =	spop (v2sf)  }
0x1d2: {  	p0 =	seq.s32 s30, $0x0  }
.Ltmp37:
0x1d3: {  	_ = 	snop;
	(pc) =	sbr.rel @p0 .LBB2_37-.Ltmp37, $1  }
0x1d4: {  	_ =	sdelay $0x3  }
.LBB2_36:
0x1d5: {  	s0 =	ssub.s32 $0x0, s30  }
0x1d6: {  	s0 =	sand.u32 s0, s30  }
0x1d7: {  	s0 =	scvt.s32.f32 s0;
	_ =	sdelay $0x1  }
0x1d8: {  	s0 =	sshra.s32 s0, $0x17  }
0x1d9: {  	s0 =	smul.u32 $0x30, s0;
	_ =	sdelay $0x1  }
0x1da: {  	s0 =	sadd.s32 $0xFFFFE83F, s0  }
0x1db: {  	s5 =	sadd.s32 s0, s28  }
0x1dc: {  	v4 =	vld.msk [tilespmem:s5+$0x0 ss:$0x0], $0xffff;
	_ =	sdelay $0x4  }
0x1dd: {  	v4 =	vand.u32 v1, v4  }
0x1de: {  	vm0 =	vne.s32 v4, $0x0  }
0x1df: {  	v4 =	vmpcnt.ones.xlane vm0;
	_ =	sdelay $0x1  }
0x1e0: {  	(v2sf) =	vpush v4, $0x0;
	_ =	sdelay $0x8  }
0x1e1: {  	s31 =	sadd.s32 $0xFFFFFFFF, s30  }
0x1e2: {  	p0 =	slt.s32 s22, $0x1000;
	s30 =	sand.u32 s30, s31;
	s5 =	smov.u32 s22  }
0x1e3: {  	s5 =	simm.s32 @!p0 $0x1000;
	p0 =	sne.s32 s30, $0x0  }
.Ltmp38:
0x1e4: {  	_ = 	snop;
	(pc) =	sbr.rel @p0 .LBB2_36-.Ltmp38, $4  }
0x1e5: {  	_ = 	snop  }
0x1e6: {  	v4 =	vadd.s32 s0, v2  }
0x1e7: {  	[tilespmem:s5+$0x5700] =	vst.msk vm0, v4;
	s31 =	spop (v2sf)  }
0x1e8: {  	[tilespmem:s5+$0x6780] =	vst.msk vm0, v3;
	s22 =	sadd.s32 s22, s31  }
.LBB2_37:
0x1e9: {  	v4 =	vld [tilespmem:s29+$0x5090];
	_ =	sdelay $0x4  }
0x1ea: {  	(v2sf) =	vpush v4, $0x0;
	_ =	sdelay $0xe  }
0x1eb: {  	s30 =	spop (v2sf)  }
0x1ec: {  	p0 =	seq.s32 s30, $0x0  }
.Ltmp39:
0x1ed: {  	_ = 	snop;
	(pc) =	sbr.rel @p0 .LBB2_39-.Ltmp39, $1  }
0x1ee: {  	_ =	sdelay $0x3  }
.LBB2_38:
0x1ef: {  	s0 =	ssub.s32 $0x0, s30  }
0x1f0: {  	s0 =	sand.u32 s0, s30  }
0x1f1: {  	s0 =	scvt.s32.f32 s0;
	_ =	sdelay $0x1  }
0x1f2: {  	s0 =	sshra.s32 s0, $0x17  }
0x1f3: {  	s0 =	smul.u32 $0x30, s0;
	_ =	sdelay $0x1  }
0x1f4: {  	s0 =	sadd.s32 $0xFFFFE840, s0  }
0x1f5: {  	s5 =	sadd.s32 s28, s0  }
0x1f6: {  	s31 =	sand.u32 $0x70, s0;
	s5 =	sand.u32 $0xFFFFFF80, s5  }
0x1f7: {  	s5 =	sor.u32 s31, s5  }
0x1f8: {  	v5 =	vld.msk [tilespmem:s5+$0x0 ss:$0x0], $0xffff;
	_ =	sdelay $0x4  }
0x1f9: {  	v5 =	vand.u32 v1, v5  }
0x1fa: {  	vm0 =	vne.s32 v5, $0x0  }
0x1fb: {  	v5 =	vmpcnt.ones.xlane vm0;
	_ =	sdelay $0x1  }
0x1fc: {  	(v2sf) =	vpush v5, $0x0;
	_ =	sdelay $0x8  }
0x1fd: {  	s31 =	sadd.s32 $0xFFFFFFFF, s30  }
0x1fe: {  	p0 =	slt.s32 s22, $0x1000;
	s5 =	smov.u32 s22;
	s30 =	sand.u32 s30, s31  }
0x1ff: {  	s5 =	simm.s32 @!p0 $0x1000;
	p0 =	sne.s32 s30, $0x0  }
.Ltmp40:
0x200: {  	_ = 	snop;
	(pc) =	sbr.rel @p0 .LBB2_38-.Ltmp40, $4  }
0x201: {  	_ = 	snop  }
0x202: {  	v5 =	vadd.s32 s0, v2  }
0x203: {  	[tilespmem:s5+$0x5700] =	vst.msk vm0, v5;
	s31 =	spop (v2sf)  }
0x204: {  	[tilespmem:s5+$0x6780] =	vst.msk vm0, v3;
	s22 =	sadd.s32 s22, s31  }
.LBB2_39:
0x205: {  	(v2sf) =	vpush v4, $0x1;
	_ =	sdelay $0xe  }
0x206: {  	s30 =	spop (v2sf)  }
0x207: {  	p0 =	seq.s32 s30, $0x0  }
.Ltmp41:
0x208: {  	_ = 	snop;
	(pc) =	sbr.rel @p0 .LBB2_41-.Ltmp41, $1  }
0x209: {  	_ =	sdelay $0x3  }
.LBB2_40:
0x20a: {  	s0 =	ssub.s32 $0x0, s30  }
0x20b: {  	s0 =	sand.u32 s0, s30  }
0x20c: {  	s0 =	scvt.s32.f32 s0;
	_ =	sdelay $0x1  }
0x20d: {  	s0 =	sshra.s32 s0, $0x17  }
0x20e: {  	s0 =	smul.u32 $0x30, s0;
	_ =	sdelay $0x1  }
0x20f: {  	s0 =	sadd.s32 $0xFFFFE841, s0  }
0x210: {  	s5 =	sadd.s32 s28, s0  }
0x211: {  	s31 =	sand.u32 $0x71, s0;
	s5 =	sand.u32 $0xFFFFFF80, s5  }
0x212: {  	s5 =	sor.u32 s31, s5  }
0x213: {  	v5 =	vld.msk [tilespmem:s5+$0x0 ss:$0x0], $0xffff;
	_ =	sdelay $0x4  }
0x214: {  	v5 =	vand.u32 v1, v5  }
0x215: {  	vm0 =	vne.s32 v5, $0x0  }
0x216: {  	v5 =	vmpcnt.ones.xlane vm0;
	_ =	sdelay $0x1  }
0x217: {  	(v2sf) =	vpush v5, $0x0;
	_ =	sdelay $0x8  }
0x218: {  	s31 =	sadd.s32 $0xFFFFFFFF, s30  }
0x219: {  	p0 =	slt.s32 s22, $0x1000;
	s5 =	smov.u32 s22;
	s30 =	sand.u32 s30, s31  }
0x21a: {  	s5 =	simm.s32 @!p0 $0x1000;
	p0 =	sne.s32 s30, $0x0  }
.Ltmp42:
0x21b: {  	_ = 	snop;
	(pc) =	sbr.rel @p0 .LBB2_40-.Ltmp42, $4  }
0x21c: {  	_ = 	snop  }
0x21d: {  	v5 =	vadd.s32 s0, v2  }
0x21e: {  	[tilespmem:s5+$0x5700] =	vst.msk vm0, v5;
	s31 =	spop (v2sf)  }
0x21f: {  	[tilespmem:s5+$0x6780] =	vst.msk vm0, v3;
	s22 =	sadd.s32 s22, s31  }
.LBB2_41:
0x220: {  	(v2sf) =	vpush v4, $0x2;
	_ =	sdelay $0xe  }
0x221: {  	s30 =	spop (v2sf)  }
0x222: {  	p0 =	seq.s32 s30, $0x0  }
.Ltmp43:
0x223: {  	_ = 	snop;
	(pc) =	sbr.rel @p0 .LBB2_43-.Ltmp43, $1  }
0x224: {  	_ =	sdelay $0x3  }
.LBB2_42:
0x225: {  	s0 =	ssub.s32 $0x0, s30  }
0x226: {  	s0 =	sand.u32 s0, s30  }
0x227: {  	s0 =	scvt.s32.f32 s0;
	_ =	sdelay $0x1  }
0x228: {  	s0 =	sshra.s32 s0, $0x17  }
0x229: {  	s0 =	smul.u32 $0x30, s0;
	_ =	sdelay $0x1  }
0x22a: {  	s0 =	sadd.s32 $0xFFFFE842, s0  }
0x22b: {  	s5 =	sadd.s32 s28, s0  }
0x22c: {  	s31 =	sand.u32 $0x72, s0;
	s5 =	sand.u32 $0xFFFFFF80, s5  }
0x22d: {  	s5 =	sor.u32 s31, s5  }
0x22e: {  	v5 =	vld.msk [tilespmem:s5+$0x0 ss:$0x0], $0xffff;
	_ =	sdelay $0x4  }
0x22f: {  	v5 =	vand.u32 v1, v5  }
0x230: {  	vm0 =	vne.s32 v5, $0x0  }
0x231: {  	v5 =	vmpcnt.ones.xlane vm0;
	_ =	sdelay $0x1  }
0x232: {  	(v2sf) =	vpush v5, $0x0;
	_ =	sdelay $0x8  }
0x233: {  	s31 =	sadd.s32 $0xFFFFFFFF, s30  }
0x234: {  	p0 =	slt.s32 s22, $0x1000;
	s5 =	smov.u32 s22;
	s30 =	sand.u32 s30, s31  }
0x235: {  	s5 =	simm.s32 @!p0 $0x1000;
	p0 =	sne.s32 s30, $0x0  }
.Ltmp44:
0x236: {  	_ = 	snop;
	(pc) =	sbr.rel @p0 .LBB2_42-.Ltmp44, $4  }
0x237: {  	_ = 	snop  }
0x238: {  	v5 =	vadd.s32 s0, v2  }
0x239: {  	[tilespmem:s5+$0x5700] =	vst.msk vm0, v5;
	s31 =	spop (v2sf)  }
0x23a: {  	[tilespmem:s5+$0x6780] =	vst.msk vm0, v3;
	s22 =	sadd.s32 s22, s31  }
.LBB2_43:
0x23b: {  	(v2sf) =	vpush v4, $0x3;
	_ =	sdelay $0xe  }
0x23c: {  	s30 =	spop (v2sf)  }
0x23d: {  	p0 =	seq.s32 s30, $0x0  }
.Ltmp45:
0x23e: {  	_ = 	snop;
	(pc) =	sbr.rel @p0 .LBB2_45-.Ltmp45, $1  }
0x23f: {  	_ =	sdelay $0x3  }
.LBB2_44:
0x240: {  	s0 =	ssub.s32 $0x0, s30  }
0x241: {  	s0 =	sand.u32 s0, s30  }
0x242: {  	s0 =	scvt.s32.f32 s0;
	_ =	sdelay $0x1  }
0x243: {  	s0 =	sshra.s32 s0, $0x17  }
0x244: {  	s0 =	smul.u32 $0x30, s0;
	_ =	sdelay $0x1  }
0x245: {  	s0 =	sadd.s32 $0xFFFFE843, s0  }
0x246: {  	s5 =	sadd.s32 s28, s0  }
0x247: {  	s31 =	sand.u32 $0x73, s0;
	s5 =	sand.u32 $0xFFFFFF80, s5  }
0x248: {  	s5 =	sor.u32 s31, s5  }
0x249: {  	v5 =	vld.msk [tilespmem:s5+$0x0 ss:$0x0], $0xffff;
	_ =	sdelay $0x4  }
0x24a: {  	v5 =	vand.u32 v1, v5  }
0x24b: {  	vm0 =	vne.s32 v5, $0x0  }
0x24c: {  	v5 =	vmpcnt.ones.xlane vm0;
	_ =	sdelay $0x1  }
0x24d: {  	(v2sf) =	vpush v5, $0x0;
	_ =	sdelay $0x8  }
0x24e: {  	s31 =	sadd.s32 $0xFFFFFFFF, s30  }
0x24f: {  	p0 =	slt.s32 s22, $0x1000;
	s5 =	smov.u32 s22;
	s30 =	sand.u32 s30, s31  }
0x250: {  	s5 =	simm.s32 @!p0 $0x1000;
	p0 =	sne.s32 s30, $0x0  }
.Ltmp46:
0x251: {  	_ = 	snop;
	(pc) =	sbr.rel @p0 .LBB2_44-.Ltmp46, $4  }
0x252: {  	_ = 	snop  }
0x253: {  	v5 =	vadd.s32 s0, v2  }
0x254: {  	[tilespmem:s5+$0x5700] =	vst.msk vm0, v5;
	s31 =	spop (v2sf)  }
0x255: {  	[tilespmem:s5+$0x6780] =	vst.msk vm0, v3;
	s22 =	sadd.s32 s22, s31  }
.LBB2_45:
0x256: {  	(v2sf) =	vpush v4, $0x4;
	_ =	sdelay $0xe  }
0x257: {  	s30 =	spop (v2sf)  }
0x258: {  	p0 =	seq.s32 s30, $0x0  }
.Ltmp47:
0x259: {  	_ = 	snop;
	(pc) =	sbr.rel @p0 .LBB2_47-.Ltmp47, $1  }
0x25a: {  	_ =	sdelay $0x3  }
.LBB2_46:
0x25b: {  	s0 =	ssub.s32 $0x0, s30  }
0x25c: {  	s0 =	sand.u32 s0, s30  }
0x25d: {  	s0 =	scvt.s32.f32 s0;
	_ =	sdelay $0x1  }
0x25e: {  	s0 =	sshra.s32 s0, $0x17  }
0x25f: {  	s0 =	smul.u32 $0x30, s0;
	_ =	sdelay $0x1  }
0x260: {  	s0 =	sadd.s32 $0xFFFFE844, s0  }
0x261: {  	s5 =	sadd.s32 s28, s0  }
0x262: {  	s31 =	sand.u32 $0x74, s0;
	s5 =	sand.u32 $0xFFFFFF80, s5  }
0x263: {  	s5 =	sor.u32 s31, s5  }
0x264: {  	v5 =	vld.msk [tilespmem:s5+$0x0 ss:$0x0], $0xffff;
	_ =	sdelay $0x4  }
0x265: {  	v5 =	vand.u32 v1, v5  }
0x266: {  	vm0 =	vne.s32 v5, $0x0  }
0x267: {  	v5 =	vmpcnt.ones.xlane vm0;
	_ =	sdelay $0x1  }
0x268: {  	(v2sf) =	vpush v5, $0x0;
	_ =	sdelay $0x8  }
0x269: {  	s31 =	sadd.s32 $0xFFFFFFFF, s30  }
0x26a: {  	p0 =	slt.s32 s22, $0x1000;
	s5 =	smov.u32 s22;
	s30 =	sand.u32 s30, s31  }
0x26b: {  	s5 =	simm.s32 @!p0 $0x1000;
	p0 =	sne.s32 s30, $0x0  }
.Ltmp48:
0x26c: {  	_ = 	snop;
	(pc) =	sbr.rel @p0 .LBB2_46-.Ltmp48, $4  }
0x26d: {  	_ = 	snop  }
0x26e: {  	v5 =	vadd.s32 s0, v2  }
0x26f: {  	[tilespmem:s5+$0x5700] =	vst.msk vm0, v5;
	s31 =	spop (v2sf)  }
0x270: {  	[tilespmem:s5+$0x6780] =	vst.msk vm0, v3;
	s22 =	sadd.s32 s22, s31  }
.LBB2_47:
0x271: {  	(v2sf) =	vpush v4, $0x5;
	_ =	sdelay $0xe  }
0x272: {  	s30 =	spop (v2sf)  }
0x273: {  	p0 =	seq.s32 s30, $0x0  }
.Ltmp49:
0x274: {  	_ = 	snop;
	(pc) =	sbr.rel @p0 .LBB2_49-.Ltmp49, $1  }
0x275: {  	_ =	sdelay $0x3  }
.LBB2_48:
0x276: {  	s0 =	ssub.s32 $0x0, s30  }
0x277: {  	s0 =	sand.u32 s0, s30  }
0x278: {  	s0 =	scvt.s32.f32 s0;
	_ =	sdelay $0x1  }
0x279: {  	s0 =	sshra.s32 s0, $0x17  }
0x27a: {  	s0 =	smul.u32 $0x30, s0;
	_ =	sdelay $0x1  }
0x27b: {  	s0 =	sadd.s32 $0xFFFFE845, s0  }
0x27c: {  	s5 =	sadd.s32 s28, s0  }
0x27d: {  	s31 =	sand.u32 $0x75, s0;
	s5 =	sand.u32 $0xFFFFFF80, s5  }
0x27e: {  	s5 =	sor.u32 s31, s5  }
0x27f: {  	v5 =	vld.msk [tilespmem:s5+$0x0 ss:$0x0], $0xffff;
	_ =	sdelay $0x4  }
0x280: {  	v5 =	vand.u32 v1, v5  }
0x281: {  	vm0 =	vne.s32 v5, $0x0  }
0x282: {  	v5 =	vmpcnt.ones.xlane vm0;
	_ =	sdelay $0x1  }
0x283: {  	(v2sf) =	vpush v5, $0x0;
	_ =	sdelay $0x8  }
0x284: {  	s31 =	sadd.s32 $0xFFFFFFFF, s30  }
0x285: {  	p0 =	slt.s32 s22, $0x1000;
	s5 =	smov.u32 s22;
	s30 =	sand.u32 s30, s31  }
0x286: {  	s5 =	simm.s32 @!p0 $0x1000;
	p0 =	sne.s32 s30, $0x0  }
.Ltmp50:
0x287: {  	_ = 	snop;
	(pc) =	sbr.rel @p0 .LBB2_48-.Ltmp50, $4  }
0x288: {  	_ = 	snop  }
0x289: {  	v5 =	vadd.s32 s0, v2  }
0x28a: {  	[tilespmem:s5+$0x5700] =	vst.msk vm0, v5;
	s31 =	spop (v2sf)  }
0x28b: {  	[tilespmem:s5+$0x6780] =	vst.msk vm0, v3;
	s22 =	sadd.s32 s22, s31  }
.LBB2_49:
0x28c: {  	(v2sf) =	vpush v4, $0x6;
	_ =	sdelay $0xe  }
0x28d: {  	s30 =	spop (v2sf)  }
0x28e: {  	p0 =	seq.s32 s30, $0x0  }
.Ltmp51:
0x28f: {  	_ = 	snop;
	(pc) =	sbr.rel @p0 .LBB2_51-.Ltmp51, $1  }
0x290: {  	_ =	sdelay $0x3  }
.LBB2_50:
0x291: {  	s0 =	ssub.s32 $0x0, s30  }
0x292: {  	s0 =	sand.u32 s0, s30  }
0x293: {  	s0 =	scvt.s32.f32 s0;
	_ =	sdelay $0x1  }
0x294: {  	s0 =	sshra.s32 s0, $0x17  }
0x295: {  	s0 =	smul.u32 $0x30, s0;
	_ =	sdelay $0x1  }
0x296: {  	s0 =	sadd.s32 $0xFFFFE846, s0  }
0x297: {  	s5 =	sadd.s32 s28, s0  }
0x298: {  	s31 =	sand.u32 $0x76, s0;
	s5 =	sand.u32 $0xFFFFFF80, s5  }
0x299: {  	s5 =	sor.u32 s31, s5  }
0x29a: {  	v5 =	vld.msk [tilespmem:s5+$0x0 ss:$0x0], $0xffff;
	_ =	sdelay $0x4  }
0x29b: {  	v5 =	vand.u32 v1, v5  }
0x29c: {  	vm0 =	vne.s32 v5, $0x0  }
0x29d: {  	v5 =	vmpcnt.ones.xlane vm0;
	_ =	sdelay $0x1  }
0x29e: {  	(v2sf) =	vpush v5, $0x0;
	_ =	sdelay $0x8  }
0x29f: {  	s31 =	sadd.s32 $0xFFFFFFFF, s30  }
0x2a0: {  	p0 =	slt.s32 s22, $0x1000;
	s5 =	smov.u32 s22;
	s30 =	sand.u32 s30, s31  }
0x2a1: {  	s5 =	simm.s32 @!p0 $0x1000;
	p0 =	sne.s32 s30, $0x0  }
.Ltmp52:
0x2a2: {  	_ = 	snop;
	(pc) =	sbr.rel @p0 .LBB2_50-.Ltmp52, $4  }
0x2a3: {  	_ = 	snop  }
0x2a4: {  	v5 =	vadd.s32 s0, v2  }
0x2a5: {  	[tilespmem:s5+$0x5700] =	vst.msk vm0, v5;
	s31 =	spop (v2sf)  }
0x2a6: {  	[tilespmem:s5+$0x6780] =	vst.msk vm0, v3;
	s22 =	sadd.s32 s22, s31  }
.LBB2_51:
0x2a7: {  	(v2sf) =	vpush v4, $0x7;
	_ =	sdelay $0xe  }
0x2a8: {  	s30 =	spop (v2sf)  }
0x2a9: {  	p0 =	seq.s32 s30, $0x0  }
.Ltmp53:
0x2aa: {  	_ = 	snop;
	(pc) =	sbr.rel @p0 .LBB2_53-.Ltmp53, $1  }
0x2ab: {  	_ =	sdelay $0x3  }
.LBB2_52:
0x2ac: {  	s0 =	ssub.s32 $0x0, s30  }
0x2ad: {  	s0 =	sand.u32 s0, s30  }
0x2ae: {  	s0 =	scvt.s32.f32 s0;
	_ =	sdelay $0x1  }
0x2af: {  	s0 =	sshra.s32 s0, $0x17  }
0x2b0: {  	s0 =	smul.u32 $0x30, s0;
	_ =	sdelay $0x1  }
0x2b1: {  	s0 =	sadd.s32 $0xFFFFE847, s0  }
0x2b2: {  	s5 =	sadd.s32 s28, s0  }
0x2b3: {  	s31 =	sand.u32 $0x77, s0;
	s5 =	sand.u32 $0xFFFFFF80, s5  }
0x2b4: {  	s5 =	sor.u32 s31, s5  }
0x2b5: {  	v5 =	vld.msk [tilespmem:s5+$0x0 ss:$0x0], $0xffff;
	_ =	sdelay $0x4  }
0x2b6: {  	v5 =	vand.u32 v1, v5  }
0x2b7: {  	vm0 =	vne.s32 v5, $0x0  }
0x2b8: {  	v5 =	vmpcnt.ones.xlane vm0;
	_ =	sdelay $0x1  }
0x2b9: {  	(v2sf) =	vpush v5, $0x0;
	_ =	sdelay $0x8  }
0x2ba: {  	s31 =	sadd.s32 $0xFFFFFFFF, s30  }
0x2bb: {  	p0 =	slt.s32 s22, $0x1000;
	s5 =	smov.u32 s22;
	s30 =	sand.u32 s30, s31  }
0x2bc: {  	s5 =	simm.s32 @!p0 $0x1000;
	p0 =	sne.s32 s30, $0x0  }
.Ltmp54:
0x2bd: {  	_ = 	snop;
	(pc) =	sbr.rel @p0 .LBB2_52-.Ltmp54, $4  }
0x2be: {  	_ = 	snop  }
0x2bf: {  	v5 =	vadd.s32 s0, v2  }
0x2c0: {  	[tilespmem:s5+$0x5700] =	vst.msk vm0, v5;
	s31 =	spop (v2sf)  }
0x2c1: {  	[tilespmem:s5+$0x6780] =	vst.msk vm0, v3;
	s22 =	sadd.s32 s22, s31  }
.LBB2_53:
0x2c2: {  	(v2sf) =	vpush v4, $0x8;
	_ =	sdelay $0xe  }
0x2c3: {  	s30 =	spop (v2sf)  }
0x2c4: {  	p0 =	seq.s32 s30, $0x0  }
.Ltmp55:
0x2c5: {  	_ = 	snop;
	(pc) =	sbr.rel @p0 .LBB2_55-.Ltmp55, $1  }
0x2c6: {  	_ =	sdelay $0x3  }
.LBB2_54:
0x2c7: {  	s0 =	ssub.s32 $0x0, s30  }
0x2c8: {  	s0 =	sand.u32 s0, s30  }
0x2c9: {  	s0 =	scvt.s32.f32 s0;
	_ =	sdelay $0x1  }
0x2ca: {  	s0 =	sshra.s32 s0, $0x17  }
0x2cb: {  	s0 =	smul.u32 $0x30, s0;
	_ =	sdelay $0x1  }
0x2cc: {  	s0 =	sadd.s32 $0xFFFFE848, s0  }
0x2cd: {  	s5 =	sadd.s32 s28, s0  }
0x2ce: {  	s31 =	sand.u32 $0x78, s0;
	s5 =	sand.u32 $0xFFFFFF80, s5  }
0x2cf: {  	s5 =	sor.u32 s31, s5  }
0x2d0: {  	v5 =	vld.msk [tilespmem:s5+$0x0 ss:$0x0], $0xffff;
	_ =	sdelay $0x4  }
0x2d1: {  	v5 =	vand.u32 v1, v5  }
0x2d2: {  	vm0 =	vne.s32 v5, $0x0  }
0x2d3: {  	v5 =	vmpcnt.ones.xlane vm0;
	_ =	sdelay $0x1  }
0x2d4: {  	(v2sf) =	vpush v5, $0x0;
	_ =	sdelay $0x8  }
0x2d5: {  	s31 =	sadd.s32 $0xFFFFFFFF, s30  }
0x2d6: {  	p0 =	slt.s32 s22, $0x1000;
	s5 =	smov.u32 s22;
	s30 =	sand.u32 s30, s31  }
0x2d7: {  	s5 =	simm.s32 @!p0 $0x1000;
	p0 =	sne.s32 s30, $0x0  }
.Ltmp56:
0x2d8: {  	_ = 	snop;
	(pc) =	sbr.rel @p0 .LBB2_54-.Ltmp56, $4  }
0x2d9: {  	_ = 	snop  }
0x2da: {  	v5 =	vadd.s32 s0, v2  }
0x2db: {  	[tilespmem:s5+$0x5700] =	vst.msk vm0, v5;
	s31 =	spop (v2sf)  }
0x2dc: {  	[tilespmem:s5+$0x6780] =	vst.msk vm0, v3;
	s22 =	sadd.s32 s22, s31  }
.LBB2_55:
0x2dd: {  	(v2sf) =	vpush v4, $0x9;
	_ =	sdelay $0xe  }
0x2de: {  	s30 =	spop (v2sf)  }
0x2df: {  	p0 =	seq.s32 s30, $0x0  }
.Ltmp57:
0x2e0: {  	_ = 	snop;
	(pc) =	sbr.rel @p0 .LBB2_57-.Ltmp57, $1  }
0x2e1: {  	_ =	sdelay $0x3  }
.LBB2_56:
0x2e2: {  	s0 =	ssub.s32 $0x0, s30  }
0x2e3: {  	s0 =	sand.u32 s0, s30  }
0x2e4: {  	s0 =	scvt.s32.f32 s0;
	_ =	sdelay $0x1  }
0x2e5: {  	s0 =	sshra.s32 s0, $0x17  }
0x2e6: {  	s0 =	smul.u32 $0x30, s0;
	_ =	sdelay $0x1  }
0x2e7: {  	s0 =	sadd.s32 $0xFFFFE849, s0  }
0x2e8: {  	s5 =	sadd.s32 s28, s0  }
0x2e9: {  	s31 =	sand.u32 $0x79, s0;
	s5 =	sand.u32 $0xFFFFFF80, s5  }
0x2ea: {  	s5 =	sor.u32 s31, s5  }
0x2eb: {  	v5 =	vld.msk [tilespmem:s5+$0x0 ss:$0x0], $0xffff;
	_ =	sdelay $0x4  }
0x2ec: {  	v5 =	vand.u32 v1, v5  }
0x2ed: {  	vm0 =	vne.s32 v5, $0x0  }
0x2ee: {  	v5 =	vmpcnt.ones.xlane vm0;
	_ =	sdelay $0x1  }
0x2ef: {  	(v2sf) =	vpush v5, $0x0;
	_ =	sdelay $0x8  }
0x2f0: {  	s31 =	sadd.s32 $0xFFFFFFFF, s30  }
0x2f1: {  	p0 =	slt.s32 s22, $0x1000;
	s5 =	smov.u32 s22;
	s30 =	sand.u32 s30, s31  }
0x2f2: {  	s5 =	simm.s32 @!p0 $0x1000;
	p0 =	sne.s32 s30, $0x0  }
.Ltmp58:
0x2f3: {  	_ = 	snop;
	(pc) =	sbr.rel @p0 .LBB2_56-.Ltmp58, $4  }
0x2f4: {  	_ = 	snop  }
0x2f5: {  	v5 =	vadd.s32 s0, v2  }
0x2f6: {  	[tilespmem:s5+$0x5700] =	vst.msk vm0, v5;
	s31 =	spop (v2sf)  }
0x2f7: {  	[tilespmem:s5+$0x6780] =	vst.msk vm0, v3;
	s22 =	sadd.s32 s22, s31  }
.LBB2_57:
0x2f8: {  	(v2sf) =	vpush v4, $0xA;
	_ =	sdelay $0xe  }
0x2f9: {  	s30 =	spop (v2sf)  }
0x2fa: {  	p0 =	seq.s32 s30, $0x0  }
.Ltmp59:
0x2fb: {  	_ = 	snop;
	(pc) =	sbr.rel @p0 .LBB2_59-.Ltmp59, $1  }
0x2fc: {  	_ =	sdelay $0x3  }
.LBB2_58:
0x2fd: {  	s0 =	ssub.s32 $0x0, s30  }
0x2fe: {  	s0 =	sand.u32 s0, s30  }
0x2ff: {  	s0 =	scvt.s32.f32 s0;
	_ =	sdelay $0x1  }
0x300: {  	s0 =	sshra.s32 s0, $0x17  }
0x301: {  	s0 =	smul.u32 $0x30, s0;
	_ =	sdelay $0x1  }
0x302: {  	s0 =	sadd.s32 $0xFFFFE84A, s0  }
0x303: {  	s5 =	sadd.s32 s28, s0  }
0x304: {  	s31 =	sand.u32 $0x7A, s0;
	s5 =	sand.u32 $0xFFFFFF80, s5  }
0x305: {  	s5 =	sor.u32 s31, s5  }
0x306: {  	v5 =	vld.msk [tilespmem:s5+$0x0 ss:$0x0], $0xffff;
	_ =	sdelay $0x4  }
0x307: {  	v5 =	vand.u32 v1, v5  }
0x308: {  	vm0 =	vne.s32 v5, $0x0  }
0x309: {  	v5 =	vmpcnt.ones.xlane vm0;
	_ =	sdelay $0x1  }
0x30a: {  	(v2sf) =	vpush v5, $0x0;
	_ =	sdelay $0x8  }
0x30b: {  	s31 =	sadd.s32 $0xFFFFFFFF, s30  }
0x30c: {  	p0 =	slt.s32 s22, $0x1000;
	s5 =	smov.u32 s22;
	s30 =	sand.u32 s30, s31  }
0x30d: {  	s5 =	simm.s32 @!p0 $0x1000;
	p0 =	sne.s32 s30, $0x0  }
.Ltmp60:
0x30e: {  	_ = 	snop;
	(pc) =	sbr.rel @p0 .LBB2_58-.Ltmp60, $4  }
0x30f: {  	_ = 	snop  }
0x310: {  	v5 =	vadd.s32 s0, v2  }
0x311: {  	[tilespmem:s5+$0x5700] =	vst.msk vm0, v5;
	s31 =	spop (v2sf)  }
0x312: {  	[tilespmem:s5+$0x6780] =	vst.msk vm0, v3;
	s22 =	sadd.s32 s22, s31  }
.LBB2_59:
0x313: {  	(v2sf) =	vpush v4, $0xB;
	_ =	sdelay $0xe  }
0x314: {  	s30 =	spop (v2sf)  }
0x315: {  	p0 =	seq.s32 s30, $0x0  }
.Ltmp61:
0x316: {  	_ = 	snop;
	(pc) =	sbr.rel @p0 .LBB2_61-.Ltmp61, $1  }
0x317: {  	_ =	sdelay $0x3  }
.LBB2_60:
0x318: {  	s0 =	ssub.s32 $0x0, s30  }
0x319: {  	s0 =	sand.u32 s0, s30  }
0x31a: {  	s0 =	scvt.s32.f32 s0;
	_ =	sdelay $0x1  }
0x31b: {  	s0 =	sshra.s32 s0, $0x17  }
0x31c: {  	s0 =	smul.u32 $0x30, s0;
	_ =	sdelay $0x1  }
0x31d: {  	s0 =	sadd.s32 $0xFFFFE84B, s0  }
0x31e: {  	s5 =	sadd.s32 s28, s0  }
0x31f: {  	s31 =	sand.u32 $0x7B, s0;
	s5 =	sand.u32 $0xFFFFFF80, s5  }
0x320: {  	s5 =	sor.u32 s31, s5  }
0x321: {  	v5 =	vld.msk [tilespmem:s5+$0x0 ss:$0x0], $0xffff;
	_ =	sdelay $0x4  }
0x322: {  	v5 =	vand.u32 v1, v5  }
0x323: {  	vm0 =	vne.s32 v5, $0x0  }
0x324: {  	v5 =	vmpcnt.ones.xlane vm0;
	_ =	sdelay $0x1  }
0x325: {  	(v2sf) =	vpush v5, $0x0;
	_ =	sdelay $0x8  }
0x326: {  	s31 =	sadd.s32 $0xFFFFFFFF, s30  }
0x327: {  	p0 =	slt.s32 s22, $0x1000;
	s5 =	smov.u32 s22;
	s30 =	sand.u32 s30, s31  }
0x328: {  	s5 =	simm.s32 @!p0 $0x1000;
	p0 =	sne.s32 s30, $0x0  }
.Ltmp62:
0x329: {  	_ = 	snop;
	(pc) =	sbr.rel @p0 .LBB2_60-.Ltmp62, $4  }
0x32a: {  	_ = 	snop  }
0x32b: {  	v5 =	vadd.s32 s0, v2  }
0x32c: {  	[tilespmem:s5+$0x5700] =	vst.msk vm0, v5;
	s31 =	spop (v2sf)  }
0x32d: {  	[tilespmem:s5+$0x6780] =	vst.msk vm0, v3;
	s22 =	sadd.s32 s22, s31  }
.LBB2_61:
0x32e: {  	(v2sf) =	vpush v4, $0xC;
	_ =	sdelay $0xe  }
0x32f: {  	s30 =	spop (v2sf)  }
0x330: {  	p0 =	seq.s32 s30, $0x0  }
.Ltmp63:
0x331: {  	_ = 	snop;
	(pc) =	sbr.rel @p0 .LBB2_63-.Ltmp63, $1  }
0x332: {  	_ =	sdelay $0x3  }
.LBB2_62:
0x333: {  	s0 =	ssub.s32 $0x0, s30  }
0x334: {  	s0 =	sand.u32 s0, s30  }
0x335: {  	s0 =	scvt.s32.f32 s0;
	_ =	sdelay $0x1  }
0x336: {  	s0 =	sshra.s32 s0, $0x17  }
0x337: {  	s0 =	smul.u32 $0x30, s0;
	_ =	sdelay $0x1  }
0x338: {  	s0 =	sadd.s32 $0xFFFFE84C, s0  }
0x339: {  	s5 =	sadd.s32 s28, s0  }
0x33a: {  	s31 =	sand.u32 $0x7C, s0;
	s5 =	sand.u32 $0xFFFFFF80, s5  }
0x33b: {  	s5 =	sor.u32 s31, s5  }
0x33c: {  	v5 =	vld.msk [tilespmem:s5+$0x0 ss:$0x0], $0xffff;
	_ =	sdelay $0x4  }
0x33d: {  	v5 =	vand.u32 v1, v5  }
0x33e: {  	vm0 =	vne.s32 v5, $0x0  }
0x33f: {  	v5 =	vmpcnt.ones.xlane vm0;
	_ =	sdelay $0x1  }
0x340: {  	(v2sf) =	vpush v5, $0x0;
	_ =	sdelay $0x8  }
0x341: {  	s31 =	sadd.s32 $0xFFFFFFFF, s30  }
0x342: {  	p0 =	slt.s32 s22, $0x1000;
	s5 =	smov.u32 s22;
	s30 =	sand.u32 s30, s31  }
0x343: {  	s5 =	simm.s32 @!p0 $0x1000;
	p0 =	sne.s32 s30, $0x0  }
.Ltmp64:
0x344: {  	_ = 	snop;
	(pc) =	sbr.rel @p0 .LBB2_62-.Ltmp64, $4  }
0x345: {  	_ = 	snop  }
0x346: {  	v5 =	vadd.s32 s0, v2  }
0x347: {  	[tilespmem:s5+$0x5700] =	vst.msk vm0, v5;
	s31 =	spop (v2sf)  }
0x348: {  	[tilespmem:s5+$0x6780] =	vst.msk vm0, v3;
	s22 =	sadd.s32 s22, s31  }
.LBB2_63:
0x349: {  	(v2sf) =	vpush v4, $0xD;
	_ =	sdelay $0xe  }
0x34a: {  	s30 =	spop (v2sf)  }
0x34b: {  	p0 =	seq.s32 s30, $0x0  }
.Ltmp65:
0x34c: {  	_ = 	snop;
	(pc) =	sbr.rel @p0 .LBB2_65-.Ltmp65, $1  }
0x34d: {  	_ =	sdelay $0x3  }
.LBB2_64:
0x34e: {  	s0 =	ssub.s32 $0x0, s30  }
0x34f: {  	s0 =	sand.u32 s0, s30  }
0x350: {  	s0 =	scvt.s32.f32 s0;
	_ =	sdelay $0x1  }
0x351: {  	s0 =	sshra.s32 s0, $0x17  }
0x352: {  	s0 =	smul.u32 $0x30, s0;
	_ =	sdelay $0x1  }
0x353: {  	s0 =	sadd.s32 $0xFFFFE84D, s0  }
0x354: {  	s5 =	sadd.s32 s28, s0  }
0x355: {  	s31 =	sand.u32 $0x7D, s0;
	s5 =	sand.u32 $0xFFFFFF80, s5  }
0x356: {  	s5 =	sor.u32 s31, s5  }
0x357: {  	v5 =	vld.msk [tilespmem:s5+$0x0 ss:$0x0], $0xffff;
	_ =	sdelay $0x4  }
0x358: {  	v5 =	vand.u32 v1, v5  }
0x359: {  	vm0 =	vne.s32 v5, $0x0  }
0x35a: {  	v5 =	vmpcnt.ones.xlane vm0;
	_ =	sdelay $0x1  }
0x35b: {  	(v2sf) =	vpush v5, $0x0;
	_ =	sdelay $0x8  }
0x35c: {  	s31 =	sadd.s32 $0xFFFFFFFF, s30  }
0x35d: {  	p0 =	slt.s32 s22, $0x1000;
	s5 =	smov.u32 s22;
	s30 =	sand.u32 s30, s31  }
0x35e: {  	s5 =	simm.s32 @!p0 $0x1000;
	p0 =	sne.s32 s30, $0x0  }
.Ltmp66:
0x35f: {  	_ = 	snop;
	(pc) =	sbr.rel @p0 .LBB2_64-.Ltmp66, $4  }
0x360: {  	_ = 	snop  }
0x361: {  	v5 =	vadd.s32 s0, v2  }
0x362: {  	[tilespmem:s5+$0x5700] =	vst.msk vm0, v5;
	s31 =	spop (v2sf)  }
0x363: {  	[tilespmem:s5+$0x6780] =	vst.msk vm0, v3;
	s22 =	sadd.s32 s22, s31  }
.LBB2_65:
0x364: {  	(v2sf) =	vpush v4, $0xE;
	_ =	sdelay $0xe  }
0x365: {  	s30 =	spop (v2sf)  }
0x366: {  	p0 =	seq.s32 s30, $0x0  }
.Ltmp67:
0x367: {  	_ = 	snop;
	(pc) =	sbr.rel @p0 .LBB2_67-.Ltmp67, $1  }
0x368: {  	_ =	sdelay $0x3  }
.LBB2_66:
0x369: {  	s0 =	ssub.s32 $0x0, s30  }
0x36a: {  	s0 =	sand.u32 s0, s30  }
0x36b: {  	s0 =	scvt.s32.f32 s0;
	_ =	sdelay $0x1  }
0x36c: {  	s0 =	sshra.s32 s0, $0x17  }
0x36d: {  	s0 =	smul.u32 $0x30, s0;
	_ =	sdelay $0x1  }
0x36e: {  	s0 =	sadd.s32 $0xFFFFE84E, s0  }
0x36f: {  	s5 =	sadd.s32 s28, s0  }
0x370: {  	s31 =	sand.u32 $0x7E, s0;
	s5 =	sand.u32 $0xFFFFFF80, s5  }
0x371: {  	s5 =	sor.u32 s31, s5  }
0x372: {  	v5 =	vld.msk [tilespmem:s5+$0x0 ss:$0x0], $0xffff;
	_ =	sdelay $0x4  }
0x373: {  	v5 =	vand.u32 v1, v5  }
0x374: {  	vm0 =	vne.s32 v5, $0x0  }
0x375: {  	v5 =	vmpcnt.ones.xlane vm0;
	_ =	sdelay $0x1  }
0x376: {  	(v2sf) =	vpush v5, $0x0;
	_ =	sdelay $0x8  }
0x377: {  	s31 =	sadd.s32 $0xFFFFFFFF, s30  }
0x378: {  	p0 =	slt.s32 s22, $0x1000;
	s5 =	smov.u32 s22;
	s30 =	sand.u32 s30, s31  }
0x379: {  	s5 =	simm.s32 @!p0 $0x1000;
	p0 =	sne.s32 s30, $0x0  }
.Ltmp68:
0x37a: {  	_ = 	snop;
	(pc) =	sbr.rel @p0 .LBB2_66-.Ltmp68, $4  }
0x37b: {  	_ = 	snop  }
0x37c: {  	v5 =	vadd.s32 s0, v2  }
0x37d: {  	[tilespmem:s5+$0x5700] =	vst.msk vm0, v5;
	s31 =	spop (v2sf)  }
0x37e: {  	[tilespmem:s5+$0x6780] =	vst.msk vm0, v3;
	s22 =	sadd.s32 s22, s31  }
.LBB2_67:
0x37f: {  	(v2sf) =	vpush v4, $0xF;
	_ =	sdelay $0xe  }
0x380: {  	s30 =	spop (v2sf)  }
0x381: {  	p0 =	seq.s32 s30, $0x0  }
.Ltmp69:
0x382: {  	_ = 	snop;
	(pc) =	sbr.rel @p0 .LBB2_69-.Ltmp69, $1  }
0x383: {  	_ =	sdelay $0x3  }
.LBB2_68:
0x384: {  	s0 =	ssub.s32 $0x0, s30  }
0x385: {  	s0 =	sand.u32 s0, s30  }
0x386: {  	s0 =	scvt.s32.f32 s0;
	_ =	sdelay $0x1  }
0x387: {  	s0 =	sshra.s32 s0, $0x17  }
0x388: {  	s0 =	smul.u32 $0x30, s0;
	_ =	sdelay $0x1  }
0x389: {  	s0 =	sadd.s32 $0xFFFFE84F, s0  }
0x38a: {  	s5 =	sadd.s32 s0, s28  }
0x38b: {  	v4 =	vld.msk [tilespmem:s5+$0x0 ss:$0x0], $0xffff;
	_ =	sdelay $0x4  }
0x38c: {  	v4 =	vand.u32 v1, v4  }
0x38d: {  	vm0 =	vne.s32 v4, $0x0  }
0x38e: {  	v4 =	vmpcnt.ones.xlane vm0;
	_ =	sdelay $0x1  }
0x38f: {  	(v2sf) =	vpush v4, $0x0;
	_ =	sdelay $0x8  }
0x390: {  	s31 =	sadd.s32 $0xFFFFFFFF, s30  }
0x391: {  	p0 =	slt.s32 s22, $0x1000;
	s30 =	sand.u32 s30, s31;
	s5 =	smov.u32 s22  }
0x392: {  	s5 =	simm.s32 @!p0 $0x1000;
	p0 =	sne.s32 s30, $0x0  }
.Ltmp70:
0x393: {  	_ = 	snop;
	(pc) =	sbr.rel @p0 .LBB2_68-.Ltmp70, $4  }
0x394: {  	_ = 	snop  }
0x395: {  	v4 =	vadd.s32 s0, v2  }
0x396: {  	[tilespmem:s5+$0x5700] =	vst.msk vm0, v4;
	s31 =	spop (v2sf)  }
0x397: {  	[tilespmem:s5+$0x6780] =	vst.msk vm0, v3;
	s22 =	sadd.s32 s22, s31  }
.LBB2_69:
0x398: {  	v4 =	vld [tilespmem:s29+$0x50A0];
	_ =	sdelay $0x4  }
0x399: {  	(v2sf) =	vpush v4, $0x0;
	_ =	sdelay $0xe  }
0x39a: {  	s29 =	spop (v2sf)  }
0x39b: {  	p0 =	seq.s32 s29, $0x0  }
.Ltmp71:
0x39c: {  	_ = 	snop;
	(pc) =	sbr.rel @p0 .LBB2_71-.Ltmp71, $1  }
0x39d: {  	_ =	sdelay $0x3  }
.LBB2_70:
0x39e: {  	s0 =	ssub.s32 $0x0, s29  }
0x39f: {  	s0 =	sand.u32 s0, s29  }
0x3a0: {  	s0 =	scvt.s32.f32 s0;
	_ =	sdelay $0x1  }
0x3a1: {  	s0 =	sshra.s32 s0, $0x17  }
0x3a2: {  	s0 =	smul.u32 $0x30, s0;
	_ =	sdelay $0x1  }
0x3a3: {  	s0 =	sadd.s32 $0xFFFFE850, s0  }
0x3a4: {  	s5 =	sadd.s32 s28, s0  }
0x3a5: {  	s30 =	sand.u32 $0x70, s0;
	s5 =	sand.u32 $0xFFFFFF80, s5  }
0x3a6: {  	s5 =	sor.u32 s30, s5  }
0x3a7: {  	v5 =	vld.msk [tilespmem:s5+$0x0 ss:$0x0], $0xffff;
	_ =	sdelay $0x4  }
0x3a8: {  	v5 =	vand.u32 v1, v5  }
0x3a9: {  	vm0 =	vne.s32 v5, $0x0  }
0x3aa: {  	v5 =	vmpcnt.ones.xlane vm0;
	_ =	sdelay $0x1  }
0x3ab: {  	(v2sf) =	vpush v5, $0x0;
	_ =	sdelay $0x8  }
0x3ac: {  	s31 =	sadd.s32 $0xFFFFFFFF, s29  }
0x3ad: {  	p0 =	slt.s32 s22, $0x1000;
	s29 =	sand.u32 s29, s31;
	s5 =	smov.u32 s22  }
0x3ae: {  	s5 =	simm.s32 @!p0 $0x1000;
	p0 =	sne.s32 s29, $0x0  }
.Ltmp72:
0x3af: {  	_ = 	snop;
	(pc) =	sbr.rel @p0 .LBB2_70-.Ltmp72, $4  }
0x3b0: {  	_ = 	snop  }
0x3b1: {  	v5 =	vadd.s32 s0, v2  }
0x3b2: {  	[tilespmem:s5+$0x5700] =	vst.msk vm0, v5;
	s31 =	spop (v2sf)  }
0x3b3: {  	[tilespmem:s5+$0x6780] =	vst.msk vm0, v3;
	s22 =	sadd.s32 s22, s31  }
.LBB2_71:
0x3b4: {  	(v2sf) =	vpush v4, $0x1;
	_ =	sdelay $0xe  }
0x3b5: {  	s29 =	spop (v2sf)  }
0x3b6: {  	p0 =	seq.s32 s29, $0x0  }
.Ltmp73:
0x3b7: {  	_ = 	snop;
	(pc) =	sbr.rel @p0 .LBB2_73-.Ltmp73, $1  }
0x3b8: {  	_ =	sdelay $0x3  }
.LBB2_72:
0x3b9: {  	s0 =	ssub.s32 $0x0, s29  }
0x3ba: {  	s0 =	sand.u32 s0, s29  }
0x3bb: {  	s0 =	scvt.s32.f32 s0;
	_ =	sdelay $0x1  }
0x3bc: {  	s0 =	sshra.s32 s0, $0x17  }
0x3bd: {  	s0 =	smul.u32 $0x30, s0;
	_ =	sdelay $0x1  }
0x3be: {  	s0 =	sadd.s32 $0xFFFFE851, s0  }
0x3bf: {  	s5 =	sadd.s32 s28, s0  }
0x3c0: {  	s30 =	sand.u32 $0x71, s0;
	s5 =	sand.u32 $0xFFFFFF80, s5  }
0x3c1: {  	s5 =	sor.u32 s30, s5  }
0x3c2: {  	v5 =	vld.msk [tilespmem:s5+$0x0 ss:$0x0], $0xffff;
	_ =	sdelay $0x4  }
0x3c3: {  	v5 =	vand.u32 v1, v5  }
0x3c4: {  	vm0 =	vne.s32 v5, $0x0  }
0x3c5: {  	v5 =	vmpcnt.ones.xlane vm0;
	_ =	sdelay $0x1  }
0x3c6: {  	(v2sf) =	vpush v5, $0x0;
	_ =	sdelay $0x8  }
0x3c7: {  	s31 =	sadd.s32 $0xFFFFFFFF, s29  }
0x3c8: {  	p0 =	slt.s32 s22, $0x1000;
	s29 =	sand.u32 s29, s31;
	s5 =	smov.u32 s22  }
0x3c9: {  	s5 =	simm.s32 @!p0 $0x1000;
	p0 =	sne.s32 s29, $0x0  }
.Ltmp74:
0x3ca: {  	_ = 	snop;
	(pc) =	sbr.rel @p0 .LBB2_72-.Ltmp74, $4  }
0x3cb: {  	_ = 	snop  }
0x3cc: {  	v5 =	vadd.s32 s0, v2  }
0x3cd: {  	[tilespmem:s5+$0x5700] =	vst.msk vm0, v5;
	s31 =	spop (v2sf)  }
0x3ce: {  	[tilespmem:s5+$0x6780] =	vst.msk vm0, v3;
	s22 =	sadd.s32 s22, s31  }
.LBB2_73:
0x3cf: {  	(v2sf) =	vpush v4, $0x2;
	_ =	sdelay $0xe  }
0x3d0: {  	s29 =	spop (v2sf)  }
0x3d1: {  	p0 =	seq.s32 s29, $0x0  }
.Ltmp75:
0x3d2: {  	_ = 	snop;
	(pc) =	sbr.rel @p0 .LBB2_75-.Ltmp75, $1  }
0x3d3: {  	_ =	sdelay $0x3  }
.LBB2_74:
0x3d4: {  	s0 =	ssub.s32 $0x0, s29  }
0x3d5: {  	s0 =	sand.u32 s0, s29  }
0x3d6: {  	s0 =	scvt.s32.f32 s0;
	_ =	sdelay $0x1  }
0x3d7: {  	s0 =	sshra.s32 s0, $0x17  }
0x3d8: {  	s0 =	smul.u32 $0x30, s0;
	_ =	sdelay $0x1  }
0x3d9: {  	s0 =	sadd.s32 $0xFFFFE852, s0  }
0x3da: {  	s5 =	sadd.s32 s28, s0  }
0x3db: {  	s30 =	sand.u32 $0x72, s0;
	s5 =	sand.u32 $0xFFFFFF80, s5  }
0x3dc: {  	s5 =	sor.u32 s30, s5  }
0x3dd: {  	v5 =	vld.msk [tilespmem:s5+$0x0 ss:$0x0], $0xffff;
	_ =	sdelay $0x4  }
0x3de: {  	v5 =	vand.u32 v1, v5  }
0x3df: {  	vm0 =	vne.s32 v5, $0x0  }
0x3e0: {  	v5 =	vmpcnt.ones.xlane vm0;
	_ =	sdelay $0x1  }
0x3e1: {  	(v2sf) =	vpush v5, $0x0;
	_ =	sdelay $0x8  }
0x3e2: {  	s31 =	sadd.s32 $0xFFFFFFFF, s29  }
0x3e3: {  	p0 =	slt.s32 s22, $0x1000;
	s29 =	sand.u32 s29, s31;
	s5 =	smov.u32 s22  }
0x3e4: {  	s5 =	simm.s32 @!p0 $0x1000;
	p0 =	sne.s32 s29, $0x0  }
.Ltmp76:
0x3e5: {  	_ = 	snop;
	(pc) =	sbr.rel @p0 .LBB2_74-.Ltmp76, $4  }
0x3e6: {  	_ = 	snop  }
0x3e7: {  	v5 =	vadd.s32 s0, v2  }
0x3e8: {  	[tilespmem:s5+$0x5700] =	vst.msk vm0, v5;
	s31 =	spop (v2sf)  }
0x3e9: {  	[tilespmem:s5+$0x6780] =	vst.msk vm0, v3;
	s22 =	sadd.s32 s22, s31  }
.LBB2_75:
0x3ea: {  	(v2sf) =	vpush v4, $0x3;
	_ =	sdelay $0xe  }
0x3eb: {  	s29 =	spop (v2sf)  }
0x3ec: {  	p0 =	seq.s32 s29, $0x0  }
.Ltmp77:
0x3ed: {  	_ = 	snop;
	(pc) =	sbr.rel @p0 .LBB2_77-.Ltmp77, $1  }
0x3ee: {  	_ =	sdelay $0x3  }
.LBB2_76:
0x3ef: {  	s0 =	ssub.s32 $0x0, s29  }
0x3f0: {  	s0 =	sand.u32 s0, s29  }
0x3f1: {  	s0 =	scvt.s32.f32 s0;
	_ =	sdelay $0x1  }
0x3f2: {  	s0 =	sshra.s32 s0, $0x17  }
0x3f3: {  	s0 =	smul.u32 $0x30, s0;
	_ =	sdelay $0x1  }
0x3f4: {  	s0 =	sadd.s32 $0xFFFFE853, s0  }
0x3f5: {  	s5 =	sadd.s32 s28, s0  }
0x3f6: {  	s30 =	sand.u32 $0x73, s0;
	s5 =	sand.u32 $0xFFFFFF80, s5  }
0x3f7: {  	s5 =	sor.u32 s30, s5  }
0x3f8: {  	v5 =	vld.msk [tilespmem:s5+$0x0 ss:$0x0], $0xffff;
	_ =	sdelay $0x4  }
0x3f9: {  	v5 =	vand.u32 v1, v5  }
0x3fa: {  	vm0 =	vne.s32 v5, $0x0  }
0x3fb: {  	v5 =	vmpcnt.ones.xlane vm0;
	_ =	sdelay $0x1  }
0x3fc: {  	(v2sf) =	vpush v5, $0x0;
	_ =	sdelay $0x8  }
0x3fd: {  	s31 =	sadd.s32 $0xFFFFFFFF, s29  }
0x3fe: {  	p0 =	slt.s32 s22, $0x1000;
	s29 =	sand.u32 s29, s31;
	s5 =	smov.u32 s22  }
0x3ff: {  	s5 =	simm.s32 @!p0 $0x1000;
	p0 =	sne.s32 s29, $0x0  }
.Ltmp78:
0x400: {  	_ = 	snop;
	(pc) =	sbr.rel @p0 .LBB2_76-.Ltmp78, $4  }
0x401: {  	_ = 	snop  }
0x402: {  	v5 =	vadd.s32 s0, v2  }
0x403: {  	[tilespmem:s5+$0x5700] =	vst.msk vm0, v5;
	s31 =	spop (v2sf)  }
0x404: {  	[tilespmem:s5+$0x6780] =	vst.msk vm0, v3;
	s22 =	sadd.s32 s22, s31  }
.LBB2_77:
0x405: {  	(v2sf) =	vpush v4, $0x4;
	_ =	sdelay $0xe  }
0x406: {  	s29 =	spop (v2sf)  }
0x407: {  	p0 =	seq.s32 s29, $0x0  }
.Ltmp79:
0x408: {  	_ = 	snop;
	(pc) =	sbr.rel @p0 .LBB2_79-.Ltmp79, $1  }
0x409: {  	_ =	sdelay $0x3  }
.LBB2_78:
0x40a: {  	s0 =	ssub.s32 $0x0, s29  }
0x40b: {  	s0 =	sand.u32 s0, s29  }
0x40c: {  	s0 =	scvt.s32.f32 s0;
	_ =	sdelay $0x1  }
0x40d: {  	s0 =	sshra.s32 s0, $0x17  }
0x40e: {  	s0 =	smul.u32 $0x30, s0;
	_ =	sdelay $0x1  }
0x40f: {  	s0 =	sadd.s32 $0xFFFFE854, s0  }
0x410: {  	s5 =	sadd.s32 s28, s0  }
0x411: {  	s30 =	sand.u32 $0x74, s0;
	s5 =	sand.u32 $0xFFFFFF80, s5  }
0x412: {  	s5 =	sor.u32 s30, s5  }
0x413: {  	v5 =	vld.msk [tilespmem:s5+$0x0 ss:$0x0], $0xffff;
	_ =	sdelay $0x4  }
0x414: {  	v5 =	vand.u32 v1, v5  }
0x415: {  	vm0 =	vne.s32 v5, $0x0  }
0x416: {  	v5 =	vmpcnt.ones.xlane vm0;
	_ =	sdelay $0x1  }
0x417: {  	(v2sf) =	vpush v5, $0x0;
	_ =	sdelay $0x8  }
0x418: {  	s31 =	sadd.s32 $0xFFFFFFFF, s29  }
0x419: {  	p0 =	slt.s32 s22, $0x1000;
	s29 =	sand.u32 s29, s31;
	s5 =	smov.u32 s22  }
0x41a: {  	s5 =	simm.s32 @!p0 $0x1000;
	p0 =	sne.s32 s29, $0x0  }
.Ltmp80:
0x41b: {  	_ = 	snop;
	(pc) =	sbr.rel @p0 .LBB2_78-.Ltmp80, $4  }
0x41c: {  	_ = 	snop  }
0x41d: {  	v5 =	vadd.s32 s0, v2  }
0x41e: {  	[tilespmem:s5+$0x5700] =	vst.msk vm0, v5;
	s31 =	spop (v2sf)  }
0x41f: {  	[tilespmem:s5+$0x6780] =	vst.msk vm0, v3;
	s22 =	sadd.s32 s22, s31  }
.LBB2_79:
0x420: {  	(v2sf) =	vpush v4, $0x5;
	_ =	sdelay $0xe  }
0x421: {  	s29 =	spop (v2sf)  }
0x422: {  	p0 =	seq.s32 s29, $0x0  }
.Ltmp81:
0x423: {  	_ = 	snop;
	(pc) =	sbr.rel @p0 .LBB2_81-.Ltmp81, $1  }
0x424: {  	_ =	sdelay $0x3  }
.LBB2_80:
0x425: {  	s0 =	ssub.s32 $0x0, s29  }
0x426: {  	s0 =	sand.u32 s0, s29  }
0x427: {  	s0 =	scvt.s32.f32 s0;
	_ =	sdelay $0x1  }
0x428: {  	s0 =	sshra.s32 s0, $0x17  }
0x429: {  	s0 =	smul.u32 $0x30, s0;
	_ =	sdelay $0x1  }
0x42a: {  	s0 =	sadd.s32 $0xFFFFE855, s0  }
0x42b: {  	s5 =	sadd.s32 s28, s0  }
0x42c: {  	s30 =	sand.u32 $0x75, s0;
	s5 =	sand.u32 $0xFFFFFF80, s5  }
0x42d: {  	s5 =	sor.u32 s30, s5  }
0x42e: {  	v5 =	vld.msk [tilespmem:s5+$0x0 ss:$0x0], $0xffff;
	_ =	sdelay $0x4  }
0x42f: {  	v5 =	vand.u32 v1, v5  }
0x430: {  	vm0 =	vne.s32 v5, $0x0  }
0x431: {  	v5 =	vmpcnt.ones.xlane vm0;
	_ =	sdelay $0x1  }
0x432: {  	(v2sf) =	vpush v5, $0x0;
	_ =	sdelay $0x8  }
0x433: {  	s31 =	sadd.s32 $0xFFFFFFFF, s29  }
0x434: {  	p0 =	slt.s32 s22, $0x1000;
	s29 =	sand.u32 s29, s31;
	s5 =	smov.u32 s22  }
0x435: {  	s5 =	simm.s32 @!p0 $0x1000;
	p0 =	sne.s32 s29, $0x0  }
.Ltmp82:
0x436: {  	_ = 	snop;
	(pc) =	sbr.rel @p0 .LBB2_80-.Ltmp82, $4  }
0x437: {  	_ = 	snop  }
0x438: {  	v5 =	vadd.s32 s0, v2  }
0x439: {  	[tilespmem:s5+$0x5700] =	vst.msk vm0, v5;
	s31 =	spop (v2sf)  }
0x43a: {  	[tilespmem:s5+$0x6780] =	vst.msk vm0, v3;
	s22 =	sadd.s32 s22, s31  }
.LBB2_81:
0x43b: {  	(v2sf) =	vpush v4, $0x6;
	_ =	sdelay $0xe  }
0x43c: {  	s29 =	spop (v2sf)  }
0x43d: {  	p0 =	seq.s32 s29, $0x0  }
.Ltmp83:
0x43e: {  	_ = 	snop;
	(pc) =	sbr.rel @p0 .LBB2_83-.Ltmp83, $1  }
0x43f: {  	_ =	sdelay $0x3  }
.LBB2_82:
0x440: {  	s0 =	ssub.s32 $0x0, s29  }
0x441: {  	s0 =	sand.u32 s0, s29  }
0x442: {  	s0 =	scvt.s32.f32 s0;
	_ =	sdelay $0x1  }
0x443: {  	s0 =	sshra.s32 s0, $0x17  }
0x444: {  	s0 =	smul.u32 $0x30, s0;
	_ =	sdelay $0x1  }
0x445: {  	s0 =	sadd.s32 $0xFFFFE856, s0  }
0x446: {  	s5 =	sadd.s32 s28, s0  }
0x447: {  	s30 =	sand.u32 $0x76, s0;
	s5 =	sand.u32 $0xFFFFFF80, s5  }
0x448: {  	s5 =	sor.u32 s30, s5  }
0x449: {  	v5 =	vld.msk [tilespmem:s5+$0x0 ss:$0x0], $0xffff;
	_ =	sdelay $0x4  }
0x44a: {  	v5 =	vand.u32 v1, v5  }
0x44b: {  	vm0 =	vne.s32 v5, $0x0  }
0x44c: {  	v5 =	vmpcnt.ones.xlane vm0;
	_ =	sdelay $0x1  }
0x44d: {  	(v2sf) =	vpush v5, $0x0;
	_ =	sdelay $0x8  }
0x44e: {  	s31 =	sadd.s32 $0xFFFFFFFF, s29  }
0x44f: {  	p0 =	slt.s32 s22, $0x1000;
	s29 =	sand.u32 s29, s31;
	s5 =	smov.u32 s22  }
0x450: {  	s5 =	simm.s32 @!p0 $0x1000;
	p0 =	sne.s32 s29, $0x0  }
.Ltmp84:
0x451: {  	_ = 	snop;
	(pc) =	sbr.rel @p0 .LBB2_82-.Ltmp84, $4  }
0x452: {  	_ = 	snop  }
0x453: {  	v5 =	vadd.s32 s0, v2  }
0x454: {  	[tilespmem:s5+$0x5700] =	vst.msk vm0, v5;
	s31 =	spop (v2sf)  }
0x455: {  	[tilespmem:s5+$0x6780] =	vst.msk vm0, v3;
	s22 =	sadd.s32 s22, s31  }
.LBB2_83:
0x456: {  	(v2sf) =	vpush v4, $0x7;
	_ =	sdelay $0xe  }
0x457: {  	s29 =	spop (v2sf)  }
0x458: {  	p0 =	seq.s32 s29, $0x0  }
.Ltmp85:
0x459: {  	_ = 	snop;
	(pc) =	sbr.rel @p0 .LBB2_85-.Ltmp85, $1  }
0x45a: {  	_ =	sdelay $0x3  }
.LBB2_84:
0x45b: {  	s0 =	ssub.s32 $0x0, s29  }
0x45c: {  	s0 =	sand.u32 s0, s29  }
0x45d: {  	s0 =	scvt.s32.f32 s0;
	_ =	sdelay $0x1  }
0x45e: {  	s0 =	sshra.s32 s0, $0x17  }
0x45f: {  	s0 =	smul.u32 $0x30, s0;
	_ =	sdelay $0x1  }
0x460: {  	s0 =	sadd.s32 $0xFFFFE857, s0  }
0x461: {  	s5 =	sadd.s32 s28, s0  }
0x462: {  	s30 =	sand.u32 $0x77, s0;
	s5 =	sand.u32 $0xFFFFFF80, s5  }
0x463: {  	s5 =	sor.u32 s30, s5  }
0x464: {  	v5 =	vld.msk [tilespmem:s5+$0x0 ss:$0x0], $0xffff;
	_ =	sdelay $0x4  }
0x465: {  	v5 =	vand.u32 v1, v5  }
0x466: {  	vm0 =	vne.s32 v5, $0x0  }
0x467: {  	v5 =	vmpcnt.ones.xlane vm0;
	_ =	sdelay $0x1  }
0x468: {  	(v2sf) =	vpush v5, $0x0;
	_ =	sdelay $0x8  }
0x469: {  	s31 =	sadd.s32 $0xFFFFFFFF, s29  }
0x46a: {  	p0 =	slt.s32 s22, $0x1000;
	s29 =	sand.u32 s29, s31;
	s5 =	smov.u32 s22  }
0x46b: {  	s5 =	simm.s32 @!p0 $0x1000;
	p0 =	sne.s32 s29, $0x0  }
.Ltmp86:
0x46c: {  	_ = 	snop;
	(pc) =	sbr.rel @p0 .LBB2_84-.Ltmp86, $4  }
0x46d: {  	_ = 	snop  }
0x46e: {  	v5 =	vadd.s32 s0, v2  }
0x46f: {  	[tilespmem:s5+$0x5700] =	vst.msk vm0, v5;
	s31 =	spop (v2sf)  }
0x470: {  	[tilespmem:s5+$0x6780] =	vst.msk vm0, v3;
	s22 =	sadd.s32 s22, s31  }
.LBB2_85:
0x471: {  	(v2sf) =	vpush v4, $0x8;
	_ =	sdelay $0xe  }
0x472: {  	s29 =	spop (v2sf)  }
0x473: {  	p0 =	seq.s32 s29, $0x0  }
.Ltmp87:
0x474: {  	_ = 	snop;
	(pc) =	sbr.rel @p0 .LBB2_87-.Ltmp87, $1  }
0x475: {  	_ =	sdelay $0x3  }
.LBB2_86:
0x476: {  	s0 =	ssub.s32 $0x0, s29  }
0x477: {  	s0 =	sand.u32 s0, s29  }
0x478: {  	s0 =	scvt.s32.f32 s0;
	_ =	sdelay $0x1  }
0x479: {  	s0 =	sshra.s32 s0, $0x17  }
0x47a: {  	s0 =	smul.u32 $0x30, s0;
	_ =	sdelay $0x1  }
0x47b: {  	s0 =	sadd.s32 $0xFFFFE858, s0  }
0x47c: {  	s5 =	sadd.s32 s28, s0  }
0x47d: {  	s30 =	sand.u32 $0x78, s0;
	s5 =	sand.u32 $0xFFFFFF80, s5  }
0x47e: {  	s5 =	sor.u32 s30, s5  }
0x47f: {  	v5 =	vld.msk [tilespmem:s5+$0x0 ss:$0x0], $0xffff;
	_ =	sdelay $0x4  }
0x480: {  	v5 =	vand.u32 v1, v5  }
0x481: {  	vm0 =	vne.s32 v5, $0x0  }
0x482: {  	v5 =	vmpcnt.ones.xlane vm0;
	_ =	sdelay $0x1  }
0x483: {  	(v2sf) =	vpush v5, $0x0;
	_ =	sdelay $0x8  }
0x484: {  	s31 =	sadd.s32 $0xFFFFFFFF, s29  }
0x485: {  	p0 =	slt.s32 s22, $0x1000;
	s29 =	sand.u32 s29, s31;
	s5 =	smov.u32 s22  }
0x486: {  	s5 =	simm.s32 @!p0 $0x1000;
	p0 =	sne.s32 s29, $0x0  }
.Ltmp88:
0x487: {  	_ = 	snop;
	(pc) =	sbr.rel @p0 .LBB2_86-.Ltmp88, $4  }
0x488: {  	_ = 	snop  }
0x489: {  	v5 =	vadd.s32 s0, v2  }
0x48a: {  	[tilespmem:s5+$0x5700] =	vst.msk vm0, v5;
	s31 =	spop (v2sf)  }
0x48b: {  	[tilespmem:s5+$0x6780] =	vst.msk vm0, v3;
	s22 =	sadd.s32 s22, s31  }
.LBB2_87:
0x48c: {  	(v2sf) =	vpush v4, $0x9;
	_ =	sdelay $0xe  }
0x48d: {  	s29 =	spop (v2sf)  }
0x48e: {  	p0 =	seq.s32 s29, $0x0  }
.Ltmp89:
0x48f: {  	_ = 	snop;
	(pc) =	sbr.rel @p0 .LBB2_89-.Ltmp89, $1  }
0x490: {  	_ =	sdelay $0x3  }
.LBB2_88:
0x491: {  	s0 =	ssub.s32 $0x0, s29  }
0x492: {  	s0 =	sand.u32 s0, s29  }
0x493: {  	s0 =	scvt.s32.f32 s0;
	_ =	sdelay $0x1  }
0x494: {  	s0 =	sshra.s32 s0, $0x17  }
0x495: {  	s0 =	smul.u32 $0x30, s0;
	_ =	sdelay $0x1  }
0x496: {  	s0 =	sadd.s32 $0xFFFFE859, s0  }
0x497: {  	s5 =	sadd.s32 s28, s0  }
0x498: {  	s30 =	sand.u32 $0x79, s0;
	s5 =	sand.u32 $0xFFFFFF80, s5  }
0x499: {  	s5 =	sor.u32 s30, s5  }
0x49a: {  	v5 =	vld.msk [tilespmem:s5+$0x0 ss:$0x0], $0xffff;
	_ =	sdelay $0x4  }
0x49b: {  	v5 =	vand.u32 v1, v5  }
0x49c: {  	vm0 =	vne.s32 v5, $0x0  }
0x49d: {  	v5 =	vmpcnt.ones.xlane vm0;
	_ =	sdelay $0x1  }
0x49e: {  	(v2sf) =	vpush v5, $0x0;
	_ =	sdelay $0x8  }
0x49f: {  	s31 =	sadd.s32 $0xFFFFFFFF, s29  }
0x4a0: {  	p0 =	slt.s32 s22, $0x1000;
	s29 =	sand.u32 s29, s31;
	s5 =	smov.u32 s22  }
0x4a1: {  	s5 =	simm.s32 @!p0 $0x1000;
	p0 =	sne.s32 s29, $0x0  }
.Ltmp90:
0x4a2: {  	_ = 	snop;
	(pc) =	sbr.rel @p0 .LBB2_88-.Ltmp90, $4  }
0x4a3: {  	_ = 	snop  }
0x4a4: {  	v5 =	vadd.s32 s0, v2  }
0x4a5: {  	[tilespmem:s5+$0x5700] =	vst.msk vm0, v5;
	s31 =	spop (v2sf)  }
0x4a6: {  	[tilespmem:s5+$0x6780] =	vst.msk vm0, v3;
	s22 =	sadd.s32 s22, s31  }
.LBB2_89:
0x4a7: {  	(v2sf) =	vpush v4, $0xA;
	_ =	sdelay $0xe  }
0x4a8: {  	s29 =	spop (v2sf)  }
0x4a9: {  	p0 =	seq.s32 s29, $0x0  }
.Ltmp91:
0x4aa: {  	_ = 	snop;
	(pc) =	sbr.rel @p0 .LBB2_91-.Ltmp91, $1  }
0x4ab: {  	_ =	sdelay $0x3  }
.LBB2_90:
0x4ac: {  	s0 =	ssub.s32 $0x0, s29  }
0x4ad: {  	s0 =	sand.u32 s0, s29  }
0x4ae: {  	s0 =	scvt.s32.f32 s0;
	_ =	sdelay $0x1  }
0x4af: {  	s0 =	sshra.s32 s0, $0x17  }
0x4b0: {  	s0 =	smul.u32 $0x30, s0;
	_ =	sdelay $0x1  }
0x4b1: {  	s0 =	sadd.s32 $0xFFFFE85A, s0  }
0x4b2: {  	s5 =	sadd.s32 s28, s0  }
0x4b3: {  	s30 =	sand.u32 $0x7A, s0;
	s5 =	sand.u32 $0xFFFFFF80, s5  }
0x4b4: {  	s5 =	sor.u32 s30, s5  }
0x4b5: {  	v5 =	vld.msk [tilespmem:s5+$0x0 ss:$0x0], $0xffff;
	_ =	sdelay $0x4  }
0x4b6: {  	v5 =	vand.u32 v1, v5  }
0x4b7: {  	vm0 =	vne.s32 v5, $0x0  }
0x4b8: {  	v5 =	vmpcnt.ones.xlane vm0;
	_ =	sdelay $0x1  }
0x4b9: {  	(v2sf) =	vpush v5, $0x0;
	_ =	sdelay $0x8  }
0x4ba: {  	s31 =	sadd.s32 $0xFFFFFFFF, s29  }
0x4bb: {  	p0 =	slt.s32 s22, $0x1000;
	s29 =	sand.u32 s29, s31;
	s5 =	smov.u32 s22  }
0x4bc: {  	s5 =	simm.s32 @!p0 $0x1000;
	p0 =	sne.s32 s29, $0x0  }
.Ltmp92:
0x4bd: {  	_ = 	snop;
	(pc) =	sbr.rel @p0 .LBB2_90-.Ltmp92, $4  }
0x4be: {  	_ = 	snop  }
0x4bf: {  	v5 =	vadd.s32 s0, v2  }
0x4c0: {  	[tilespmem:s5+$0x5700] =	vst.msk vm0, v5;
	s31 =	spop (v2sf)  }
0x4c1: {  	[tilespmem:s5+$0x6780] =	vst.msk vm0, v3;
	s22 =	sadd.s32 s22, s31  }
.LBB2_91:
0x4c2: {  	(v2sf) =	vpush v4, $0xB;
	_ =	sdelay $0xe  }
0x4c3: {  	s29 =	spop (v2sf)  }
0x4c4: {  	p0 =	seq.s32 s29, $0x0  }
.Ltmp93:
0x4c5: {  	_ = 	snop;
	(pc) =	sbr.rel @p0 .LBB2_93-.Ltmp93, $1  }
0x4c6: {  	_ =	sdelay $0x3  }
.LBB2_92:
0x4c7: {  	s0 =	ssub.s32 $0x0, s29  }
0x4c8: {  	s0 =	sand.u32 s0, s29  }
0x4c9: {  	s0 =	scvt.s32.f32 s0;
	_ =	sdelay $0x1  }
0x4ca: {  	s0 =	sshra.s32 s0, $0x17  }
0x4cb: {  	s0 =	smul.u32 $0x30, s0;
	_ =	sdelay $0x1  }
0x4cc: {  	s0 =	sadd.s32 $0xFFFFE85B, s0  }
0x4cd: {  	s5 =	sadd.s32 s28, s0  }
0x4ce: {  	s30 =	sand.u32 $0x7B, s0;
	s5 =	sand.u32 $0xFFFFFF80, s5  }
0x4cf: {  	s5 =	sor.u32 s30, s5  }
0x4d0: {  	v5 =	vld.msk [tilespmem:s5+$0x0 ss:$0x0], $0xffff;
	_ =	sdelay $0x4  }
0x4d1: {  	v5 =	vand.u32 v1, v5  }
0x4d2: {  	vm0 =	vne.s32 v5, $0x0  }
0x4d3: {  	v5 =	vmpcnt.ones.xlane vm0;
	_ =	sdelay $0x1  }
0x4d4: {  	(v2sf) =	vpush v5, $0x0;
	_ =	sdelay $0x8  }
0x4d5: {  	s31 =	sadd.s32 $0xFFFFFFFF, s29  }
0x4d6: {  	p0 =	slt.s32 s22, $0x1000;
	s29 =	sand.u32 s29, s31;
	s5 =	smov.u32 s22  }
0x4d7: {  	s5 =	simm.s32 @!p0 $0x1000;
	p0 =	sne.s32 s29, $0x0  }
.Ltmp94:
0x4d8: {  	_ = 	snop;
	(pc) =	sbr.rel @p0 .LBB2_92-.Ltmp94, $4  }
0x4d9: {  	_ = 	snop  }
0x4da: {  	v5 =	vadd.s32 s0, v2  }
0x4db: {  	[tilespmem:s5+$0x5700] =	vst.msk vm0, v5;
	s31 =	spop (v2sf)  }
0x4dc: {  	[tilespmem:s5+$0x6780] =	vst.msk vm0, v3;
	s22 =	sadd.s32 s22, s31  }
.LBB2_93:
0x4dd: {  	(v2sf) =	vpush v4, $0xC;
	_ =	sdelay $0xe  }
0x4de: {  	s29 =	spop (v2sf)  }
0x4df: {  	p0 =	seq.s32 s29, $0x0  }
.Ltmp95:
0x4e0: {  	_ = 	snop;
	(pc) =	sbr.rel @p0 .LBB2_95-.Ltmp95, $1  }
0x4e1: {  	_ =	sdelay $0x3  }
.LBB2_94:
0x4e2: {  	s0 =	ssub.s32 $0x0, s29  }
0x4e3: {  	s0 =	sand.u32 s0, s29  }
0x4e4: {  	s0 =	scvt.s32.f32 s0;
	_ =	sdelay $0x1  }
0x4e5: {  	s0 =	sshra.s32 s0, $0x17  }
0x4e6: {  	s0 =	smul.u32 $0x30, s0;
	_ =	sdelay $0x1  }
0x4e7: {  	s0 =	sadd.s32 $0xFFFFE85C, s0  }
0x4e8: {  	s5 =	sadd.s32 s28, s0  }
0x4e9: {  	s30 =	sand.u32 $0x7C, s0;
	s5 =	sand.u32 $0xFFFFFF80, s5  }
0x4ea: {  	s5 =	sor.u32 s30, s5  }
0x4eb: {  	v5 =	vld.msk [tilespmem:s5+$0x0 ss:$0x0], $0xffff;
	_ =	sdelay $0x4  }
0x4ec: {  	v5 =	vand.u32 v1, v5  }
0x4ed: {  	vm0 =	vne.s32 v5, $0x0  }
0x4ee: {  	v5 =	vmpcnt.ones.xlane vm0;
	_ =	sdelay $0x1  }
0x4ef: {  	(v2sf) =	vpush v5, $0x0;
	_ =	sdelay $0x8  }
0x4f0: {  	s31 =	sadd.s32 $0xFFFFFFFF, s29  }
0x4f1: {  	p0 =	slt.s32 s22, $0x1000;
	s29 =	sand.u32 s29, s31;
	s5 =	smov.u32 s22  }
0x4f2: {  	s5 =	simm.s32 @!p0 $0x1000;
	p0 =	sne.s32 s29, $0x0  }
.Ltmp96:
0x4f3: {  	_ = 	snop;
	(pc) =	sbr.rel @p0 .LBB2_94-.Ltmp96, $4  }
0x4f4: {  	_ = 	snop  }
0x4f5: {  	v5 =	vadd.s32 s0, v2  }
0x4f6: {  	[tilespmem:s5+$0x5700] =	vst.msk vm0, v5;
	s31 =	spop (v2sf)  }
0x4f7: {  	[tilespmem:s5+$0x6780] =	vst.msk vm0, v3;
	s22 =	sadd.s32 s22, s31  }
.LBB2_95:
0x4f8: {  	(v2sf) =	vpush v4, $0xD;
	_ =	sdelay $0xe  }
0x4f9: {  	s29 =	spop (v2sf)  }
0x4fa: {  	p0 =	seq.s32 s29, $0x0  }
.Ltmp97:
0x4fb: {  	_ = 	snop;
	(pc) =	sbr.rel @p0 .LBB2_97-.Ltmp97, $1  }
0x4fc: {  	_ =	sdelay $0x3  }
.LBB2_96:
0x4fd: {  	s0 =	ssub.s32 $0x0, s29  }
0x4fe: {  	s0 =	sand.u32 s0, s29  }
0x4ff: {  	s0 =	scvt.s32.f32 s0;
	_ =	sdelay $0x1  }
0x500: {  	s0 =	sshra.s32 s0, $0x17  }
0x501: {  	s0 =	smul.u32 $0x30, s0;
	_ =	sdelay $0x1  }
0x502: {  	s0 =	sadd.s32 $0xFFFFE85D, s0  }
0x503: {  	s5 =	sadd.s32 s28, s0  }
0x504: {  	s30 =	sand.u32 $0x7D, s0;
	s5 =	sand.u32 $0xFFFFFF80, s5  }
0x505: {  	s5 =	sor.u32 s30, s5  }
0x506: {  	v5 =	vld.msk [tilespmem:s5+$0x0 ss:$0x0], $0xffff;
	_ =	sdelay $0x4  }
0x507: {  	v5 =	vand.u32 v1, v5  }
0x508: {  	vm0 =	vne.s32 v5, $0x0  }
0x509: {  	v5 =	vmpcnt.ones.xlane vm0;
	_ =	sdelay $0x1  }
0x50a: {  	(v2sf) =	vpush v5, $0x0;
	_ =	sdelay $0x8  }
0x50b: {  	s31 =	sadd.s32 $0xFFFFFFFF, s29  }
0x50c: {  	p0 =	slt.s32 s22, $0x1000;
	s29 =	sand.u32 s29, s31;
	s5 =	smov.u32 s22  }
0x50d: {  	s5 =	simm.s32 @!p0 $0x1000;
	p0 =	sne.s32 s29, $0x0  }
.Ltmp98:
0x50e: {  	_ = 	snop;
	(pc) =	sbr.rel @p0 .LBB2_96-.Ltmp98, $4  }
0x50f: {  	_ = 	snop  }
0x510: {  	v5 =	vadd.s32 s0, v2  }
0x511: {  	[tilespmem:s5+$0x5700] =	vst.msk vm0, v5;
	s31 =	spop (v2sf)  }
0x512: {  	[tilespmem:s5+$0x6780] =	vst.msk vm0, v3;
	s22 =	sadd.s32 s22, s31  }
.LBB2_97:
0x513: {  	(v2sf) =	vpush v4, $0xE;
	_ =	sdelay $0xe  }
0x514: {  	s29 =	spop (v2sf)  }
0x515: {  	p0 =	seq.s32 s29, $0x0  }
.Ltmp99:
0x516: {  	_ = 	snop;
	(pc) =	sbr.rel @p0 .LBB2_99-.Ltmp99, $1  }
0x517: {  	_ =	sdelay $0x3  }
.LBB2_98:
0x518: {  	s0 =	ssub.s32 $0x0, s29  }
0x519: {  	s0 =	sand.u32 s0, s29  }
0x51a: {  	s0 =	scvt.s32.f32 s0;
	_ =	sdelay $0x1  }
0x51b: {  	s0 =	sshra.s32 s0, $0x17  }
0x51c: {  	s0 =	smul.u32 $0x30, s0;
	_ =	sdelay $0x1  }
0x51d: {  	s0 =	sadd.s32 $0xFFFFE85E, s0  }
0x51e: {  	s5 =	sadd.s32 s28, s0  }
0x51f: {  	s30 =	sand.u32 $0x7E, s0;
	s5 =	sand.u32 $0xFFFFFF80, s5  }
0x520: {  	s5 =	sor.u32 s30, s5  }
0x521: {  	v5 =	vld.msk [tilespmem:s5+$0x0 ss:$0x0], $0xffff;
	_ =	sdelay $0x4  }
0x522: {  	v5 =	vand.u32 v1, v5  }
0x523: {  	vm0 =	vne.s32 v5, $0x0  }
0x524: {  	v5 =	vmpcnt.ones.xlane vm0;
	_ =	sdelay $0x1  }
0x525: {  	(v2sf) =	vpush v5, $0x0;
	_ =	sdelay $0x8  }
0x526: {  	s31 =	sadd.s32 $0xFFFFFFFF, s29  }
0x527: {  	p0 =	slt.s32 s22, $0x1000;
	s29 =	sand.u32 s29, s31;
	s5 =	smov.u32 s22  }
0x528: {  	s5 =	simm.s32 @!p0 $0x1000;
	p0 =	sne.s32 s29, $0x0  }
.Ltmp100:
0x529: {  	_ = 	snop;
	(pc) =	sbr.rel @p0 .LBB2_98-.Ltmp100, $4  }
0x52a: {  	_ = 	snop  }
0x52b: {  	v5 =	vadd.s32 s0, v2  }
0x52c: {  	[tilespmem:s5+$0x5700] =	vst.msk vm0, v5;
	s31 =	spop (v2sf)  }
0x52d: {  	[tilespmem:s5+$0x6780] =	vst.msk vm0, v3;
	s22 =	sadd.s32 s22, s31  }
.LBB2_99:
0x52e: {  	(v2sf) =	vpush v4, $0xF;
	_ =	sdelay $0xe  }
0x52f: {  	s29 =	spop (v2sf)  }
0x530: {  	p0 =	seq.s32 s29, $0x0  }
.Ltmp101:
0x531: {  	_ = 	snop;
	(pc) =	sbr.rel @p0 .LBB2_101-.Ltmp101, $1  }
0x532: {  	_ =	sdelay $0x3  }
.LBB2_100:
0x533: {  	s0 =	ssub.s32 $0x0, s29  }
0x534: {  	s0 =	sand.u32 s0, s29  }
0x535: {  	s0 =	scvt.s32.f32 s0;
	_ =	sdelay $0x1  }
0x536: {  	s0 =	sshra.s32 s0, $0x17  }
0x537: {  	s0 =	smul.u32 $0x30, s0;
	_ =	sdelay $0x1  }
0x538: {  	s0 =	sadd.s32 $0xFFFFE85F, s0  }
0x539: {  	s5 =	sadd.s32 s0, s28  }
0x53a: {  	v4 =	vld.msk [tilespmem:s5+$0x0 ss:$0x0], $0xffff;
	_ =	sdelay $0x4  }
0x53b: {  	v4 =	vand.u32 v1, v4  }
0x53c: {  	vm0 =	vne.s32 v4, $0x0  }
0x53d: {  	v4 =	vmpcnt.ones.xlane vm0;
	_ =	sdelay $0x1  }
0x53e: {  	(v2sf) =	vpush v4, $0x0;
	_ =	sdelay $0x8  }
0x53f: {  	s30 =	sadd.s32 $0xFFFFFFFF, s29  }
0x540: {  	p0 =	slt.s32 s22, $0x1000;
	s29 =	sand.u32 s29, s30;
	s5 =	smov.u32 s22  }
0x541: {  	s5 =	simm.s32 @!p0 $0x1000;
	p0 =	sne.s32 s29, $0x0  }
.Ltmp102:
0x542: {  	_ = 	snop;
	(pc) =	sbr.rel @p0 .LBB2_100-.Ltmp102, $4  }
0x543: {  	_ = 	snop  }
0x544: {  	v4 =	vadd.s32 s0, v2  }
0x545: {  	[tilespmem:s5+$0x5700] =	vst.msk vm0, v4;
	s31 =	spop (v2sf)  }
0x546: {  	[tilespmem:s5+$0x6780] =	vst.msk vm0, v3;
	s22 =	sadd.s32 s22, s31  }
.Ltmp103:
0x547: {  	_ = 	snop;
	(pc) =	sbr.rel .LBB2_101-.Ltmp103, $1  }
0x548: {  	_ =	sdelay $0x3  }
.LBB2_103:
0x549: {  	p0 =	slt.s32 s22, $0x1000  }
0x54a: {  	p1 =	slt.s32 s22, $0xFFFFFF02;
	s22 =	simm.s32 @!p0 $0x1000  }
0x54b: {  	s0 =	sadd.s32 $0xFF, s22  }
0x54c: {  	s5 =	sand.u32 $0xFF, s0  }
0x54d: {  	s31 =	sshra.s32 s0, $0x1F;
	p6 =	sne.s32 s5, $0x0  }
0x54e: {  	s5 =	sshrl.u32 s31, $0x18;
	p0 =	por !p1, !p6  }
0x54f: {  	s0 =	sadd.s32 s5, s0;
	s5 =	simm.s32 $0x1;
	p0 =	por !p0, !p0  }
0x550: {  	s0 =	sshra.s32 s0, $0x8;
	s5 =	simm.s32 @!p0 $0x0  }
0x551: {  	s25 =	ssub.s32 s0, s5  }
0x552: {  	p0 =	slt.s32 s25, $0x1  }
.Ltmp104:
0x553: {  	_ = 	snop;
	(pc) =	sbr.rel @p0 .LBB2_107-.Ltmp104, $1  }
0x554: {  	_ =	sdelay $0x3  }
0x555: {  	s23 =	simm.s32 $0x5700  }
0x556: {  	[tilespmem:s17], [sflag:$0x1] =	stream.indirect.gather [hbm4b:s6+s16], $0x80, s23, s16, $0xb8;
	[tilespmem:$0x17880] =	vst v63  }
0x557: {  	_ = 	snop  }
0x558: {  	[tilespmem:s18], [sflag:$0x2] =	stream.indirect.gather [hbm4b:s2+s16], $0x80, s23, s16, $0xb8;
	[tilespmem:$0x17880] =	vst v63  }
0x559: {  	_ =	swait.ge [sflag:s15], $0x8000  }
0x55a: {  	[sflag:s15] =	ssyncset.done $0x0  }
0x55b: {  	[sflag:s15] =	ssyncadd.s32 $0xFFFF8000  }
0x55c: {  	[hbm4b:s11+s3] =	stream.linear.scatter [tilespmem:s17], [sflag:$0x3], $0x8000, $0x38;
	[tilespmem:$0x17880] =	vst v63  }
0x55d: {  	_ =	swait.ge [sflag:s13], $0x8000  }
0x55e: {  	[sflag:s13] =	ssyncset.done $0x0  }
0x55f: {  	[sflag:s13] =	ssyncadd.s32 $0xFFFF8000  }
0x560: {  	_ =	swait.ge [sflag:s19], $0x8000  }
0x561: {  	[sflag:s19] =	ssyncset.done $0x0  }
0x562: {  	[sflag:s19] =	ssyncadd.s32 $0xFFFF8000  }
0x563: {  	[hbm4b:s12+s3] =	stream.linear.scatter [tilespmem:s18], [sflag:$0x3], $0x8000, $0x38;
	[tilespmem:$0x17880] =	vst v63  }
0x564: {  	p0 =	sne.s32 s25, $0x1;
	_ =	swait.ge [sflag:s13], $0x8000  }
.Ltmp105:
0x565: {  	[sflag:s13] =	ssyncset.done $0x0;
	(pc) =	sbr.rel @!p0 .LBB2_106-.Ltmp105, $4  }
0x566: {  	s24 =	simm.s32 $0x6780;
	[sflag:s13] =	ssyncadd.s32 $0xFFFF8000  }
0x567: {  	[hbm4b:s10+s3] =	stream.linear.scatter [tilespmem:s24], [sflag:$0x3], $0x100, $0x38;
	[tilespmem:$0x17880] =	vst v63  }
0x568: {  	s25 =	sadd.s32 $0xFFFFFFFF, s25;
	s26 =	sadd.s32 $0x1000, s12;
	_ =	swait.ge [sflag:s13], $0x100  }
0x569: {  	s28 =	sadd.s32 $0x20, s10;
	s29 =	sadd.s32 $0x1000, s11;
	[sflag:s13] =	ssyncset.done $0x0  }
.LBB2_105:
0x56a: {  	[sflag:s13] =	ssyncadd.s32 $0xFFFFFF00;
	s23 =	sadd.s32 $0x100, s23;
	s24 =	sadd.s32 $0x100, s24  }
0x56b: {  	[tilespmem:s17], [sflag:$0x1] =	stream.indirect.gather [hbm4b:s6+s16], $0x80, s23, s16, $0xb8;
	[tilespmem:$0x17880] =	vst v63  }
0x56c: {  	p0 =	sne.s32 s25, $0x1;
	s25 =	sadd.s32 $0xFFFFFFFF, s25  }
0x56d: {  	[tilespmem:s18], [sflag:$0x2] =	stream.indirect.gather [hbm4b:s2+s16], $0x80, s23, s16, $0xb8;
	[tilespmem:$0x17880] =	vst v63  }
0x56e: {  	_ =	swait.ge [sflag:s15], $0x8000  }
0x56f: {  	[sflag:s15] =	ssyncset.done $0x0  }
0x570: {  	[sflag:s15] =	ssyncadd.s32 $0xFFFF8000  }
0x571: {  	[hbm4b:s29+s3] =	stream.linear.scatter [tilespmem:s17], [sflag:$0x3], $0x8000, $0x38;
	[tilespmem:$0x17880] =	vst v63  }
0x572: {  	_ =	swait.ge [sflag:s13], $0x8000  }
0x573: {  	[sflag:s13] =	ssyncset.done $0x0  }
0x574: {  	[sflag:s13] =	ssyncadd.s32 $0xFFFF8000  }
0x575: {  	_ =	swait.ge [sflag:s19], $0x8000  }
0x576: {  	[sflag:s19] =	ssyncset.done $0x0  }
0x577: {  	[sflag:s19] =	ssyncadd.s32 $0xFFFF8000  }
0x578: {  	[hbm4b:s26+s3] =	stream.linear.scatter [tilespmem:s18], [sflag:$0x3], $0x8000, $0x38;
	[tilespmem:$0x17880] =	vst v63  }
0x579: {  	_ =	swait.ge [sflag:s13], $0x8000  }
.Ltmp106:
0x57a: {  	[sflag:s13] =	ssyncset.done $0x0;
	(pc) =	sbr.rel @p0 .LBB2_105-.Ltmp106, $4  }
0x57b: {  	[sflag:s13] =	ssyncadd.s32 $0xFFFF8000  }
0x57c: {  	[hbm4b:s28+s3] =	stream.linear.scatter [tilespmem:s24], [sflag:$0x3], $0x100, $0x38;
	[tilespmem:$0x17880] =	vst v63  }
0x57d: {  	s26 =	sadd.s32 $0x1000, s26;
	_ =	swait.ge [sflag:s13], $0x100  }
0x57e: {  	s29 =	sadd.s32 $0x1000, s29;
	s28 =	sadd.s32 $0x20, s28;
	[sflag:s13] =	ssyncset.done $0x0  }
.Ltmp107:
0x57f: {  	_ = 	snop;
	(pc) =	sbr.rel .LBB2_106-.Ltmp107, $1  }
0x580: {  	_ =	sdelay $0x3  }
.LBB2_108:
0x581: {  	_ =	sfence.sel $0x180000  }
0x582: {  	[bflag:$0x0] =	sbarrier.arrive $0xFFFF  }
0x583: {  	_ =	strace $0x90000047  }
0x584: {  	s0 =	stileid.u32;
	[bflag:$0x2] =	sbarrier.arrive $0xFFFF  }
0x585: {  	p0 =	sne.s32 s0, $0x0;
	s0 =	rddreg [dreg:$0x3]  }
0x586: {  	s0 =	sadd.s32 @!p0 $0x100000, s0  }
0x587: {  	[sflag:s0] =	ssyncadd.tile.s32 @!p0 $0x1;
	_ =	shalt  }
.Lfunc_end2:
_tile_overlayer_lowered:
.L_overlay_start_2:
0x588: {  	(tag) =	ssettag $0x2  }
0x589: {  	s0 =	rddreg [dreg:$0x0];
	s2 =	stileid.u32  }
0x58a: {  	s1 =	rddreg [dreg:$0x1];
	p0 =	sne.s32 s2, $0x0  }
0x58b: {  	s3 =	rddreg [dreg:$0x2];
	[bflag:$0x3] =	sbarrier.arrive $0xFFFF;
	s2 =	simm.s32 @!p0 $0x1C03  }
0x58c: {  	[timem:s3], [sflag:s2] =	dma.local @!p0 [hbm:s0], s1  }
0x58d: {  	s0 =	simm.s32 @!p0 $0x3  }
0x58e: {  	_ =	swait.ge @!p0 [sflag:s0], s1  }
0x58f: {  	s1 =	ssub.s32 @!p0 $0x0, s1;
	[sflag:s0] =	ssyncset.done @!p0 $0x0  }
0x590: {  	[sflag:s0] =	ssyncadd.s32 @!p0 s1  }
0x591: {  	[bflag:$0x3] =	sbarrier.arrive $0xFFFF  }
0x592: {  	_ =	shalt  }

</sc_bundles>
